<compile_context>
chip_gen: v7x
topology: tpu7x:2x2x1
jax: 0.10.2.dev20260603
libtpu: 0.0.44.dev20260713+nightly
codegen_flags: <defaults>
</compile_context>

<pallas_src>
import functools

import jax
import jax.numpy as jnp
from jax import lax
from jax.experimental import pallas as pl
from jax.experimental.pallas import tpu as pltpu
from jax.experimental.pallas import tpu_sc as plsc

N = 10000
E = 160000
D_IN = 256
H = 512
D_OUT = 128
G = 64

NCH = 4
CH = H // NCH
NSUB = 16
NCORE = 2
EPT = 10240
EB = 128
NBATCH = EPT // EB
E_PAD = EPT * NSUB
NACC = N + 16
RPT = 624
TAIL = N - RPT * NSUB
BN = 1000
NBLK = N // BN


_MESH = plsc.VectorSubcoreMesh(core_axis_name="c", subcore_axis_name="s")


NBUF = 2
HB = NBATCH // 2
NGRP_H = HB // NBUF


@functools.partial(
    pl.kernel,
    out_type=jax.ShapeDtypeStruct((NCH * N, CH), jnp.float32),
    mesh=_MESH,
    scratch_types=[
        pltpu.VMEM((HB, EB), jnp.int32),
        pltpu.VMEM((NBATCH, EB), jnp.int32),
        [pltpu.VMEM((EB, CH), jnp.float32) for _ in range(NBUF)],
        pltpu.VMEM_SHARED((NACC, CH), jnp.float32),
        [pltpu.SemaphoreType.DMA for _ in range(NBUF)],
    ],
)
def _sc_aggregate(h_hbm, src_hbm, dst_hbm, out_hbm, srcv, dstv, bufs, acc,
                  sems):
    core = lax.axis_index("c")
    sub = lax.axis_index("s")
    for j in range(NCH // NCORE):
        chunk = 2 * j + core
        row0 = chunk * N + sub * RPT
        pltpu.sync_copy(h_hbm.at[pl.ds(row0, RPT)], acc.at[pl.ds(sub * RPT, RPT)])

        @pl.when(sub == NSUB - 1)
        def _init_tail():
            pltpu.sync_copy(h_hbm.at[pl.ds(chunk * N + RPT * NSUB, TAIL)],
                            acc.at[pl.ds(RPT * NSUB, TAIL)])

        plsc.subcore_barrier()

        pltpu.sync_copy(dst_hbm.at[pl.ds(sub * NBATCH, NBATCH)], dstv)

        for half in range(2):
            irow = (chunk * NSUB + sub) * NBATCH + half * HB
            pltpu.sync_copy(src_hbm.at[pl.ds(irow, HB)], srcv)
            b0 = half * HB

            for i in range(NBUF):
                pltpu.async_copy(h_hbm.at[srcv.at[i]], bufs[i], sems[i])

            def _group(g, carry):
                for i in range(NBUF):
                    b = g * NBUF + i
                    pltpu.make_async_copy(
                        h_hbm.at[srcv.at[b]], bufs[i], sems[i]).wait()
                    pltpu.sync_copy(bufs[i], acc.at[dstv.at[b0 + b]], add=True)

                    @pl.when(g < NGRP_H - 1)
                    def _refill():
                        pltpu.async_copy(
                            h_hbm.at[srcv.at[b + NBUF]], bufs[i], sems[i])

                return carry

            lax.fori_loop(0, NGRP_H, _group, 0)

        plsc.subcore_barrier()
        pltpu.sync_copy(acc.at[pl.ds(sub * RPT, RPT)], out_hbm.at[pl.ds(row0, RPT)])

        @pl.when(sub == NSUB - 1)
        def _out_tail():
            pltpu.sync_copy(acc.at[pl.ds(RPT * NSUB, TAIL)],
                            out_hbm.at[pl.ds(chunk * N + RPT * NSUB, TAIL)])

        plsc.subcore_barrier()


def _dot(a, b):
    return jnp.dot(a, b, preferred_element_type=jnp.float32)


def _pre_body(x_ref, w_ref, b_ref, out_ref):
    y = _dot(x_ref[...], w_ref[...]) + b_ref[...]
    for c in range(NCH):
        out_ref[c] = y[:, c * CH:(c + 1) * CH]


def _pre_mp(x, w, b):
    return pl.pallas_call(
        _pre_body,
        grid=(NBLK,),
        in_specs=[
            pl.BlockSpec((BN, D_IN), lambda i: (i, 0)),
            pl.BlockSpec((D_IN, H), lambda i: (0, 0)),
            pl.BlockSpec((1, H), lambda i: (0, 0)),
        ],
        out_specs=pl.BlockSpec((NCH, BN, CH), lambda i: (0, i, 0)),
        out_shape=jax.ShapeDtypeStruct((NCH, N, CH), jnp.float32),
    )(x, w, b)


def _mlp_body(z_ref, w1_ref, b1_ref, w2_ref, b2_ref, out_ref):
    z = jnp.concatenate([z_ref[c] for c in range(NCH)], axis=1)
    y = jnp.maximum(_dot(z, w1_ref[...]) + b1_ref[...], 0.0)
    o = jnp.maximum(_dot(y, w2_ref[...]) + b2_ref[...], 0.0)
    for c in range(NCH):
        out_ref[c] = o[:, c * CH:(c + 1) * CH]


def _mlp(z, w1, b1, w2, b2):
    return pl.pallas_call(
        _mlp_body,
        grid=(NBLK,),
        in_specs=[
            pl.BlockSpec((NCH, BN, CH), lambda i: (0, i, 0)),
            pl.BlockSpec((H, H), lambda i: (0, 0)),
            pl.BlockSpec((1, H), lambda i: (0, 0)),
            pl.BlockSpec((H, H), lambda i: (0, 0)),
            pl.BlockSpec((1, H), lambda i: (0, 0)),
        ],
        out_specs=pl.BlockSpec((NCH, BN, CH), lambda i: (0, i, 0)),
        out_shape=jax.ShapeDtypeStruct((NCH, N, CH), jnp.float32),
    )(z, w1, b1, w2, b2)


def _final_body(h_ref, bid_ref, w1_ref, b1_ref, w2_ref, b2_ref, out_ref, acc_ref):
    i = pl.program_id(0)

    @pl.when(i == 0)
    def _init():
        acc_ref[...] = jnp.zeros_like(acc_ref)

    bv = bid_ref[0, 0, :]
    onehot = (bv[:, None] == lax.broadcasted_iota(jnp.int32, (BN, G), 1)).astype(
        jnp.float32)
    hblk = jnp.concatenate([h_ref[c] for c in range(NCH)], axis=1)
    acc_ref[...] += lax.dot_general(
        onehot, hblk, (((0,), (0,)), ((), ())),
        preferred_element_type=jnp.float32)

    @pl.when(i == NBLK - 1)
    def _post():
        pooled = acc_ref[...]
        y = jnp.maximum(_dot(pooled, w1_ref[...]) + b1_ref[...], 0.0)
        o = _dot(y, w2_ref[...]) + b2_ref[...]
        m = jnp.max(o, axis=1, keepdims=True)
        lse = m + jnp.log(jnp.sum(jnp.exp(o - m), axis=1, keepdims=True))
        out_ref[...] = o - lse


def _pool_post(h, bid3, w1, b1, w2, b2):
    return pl.pallas_call(
        _final_body,
        grid=(NBLK,),
        in_specs=[
            pl.BlockSpec((NCH, BN, CH), lambda i: (0, i, 0)),
            pl.BlockSpec((1, 1, BN), lambda i: (i, 0, 0)),
            pl.BlockSpec((H, H), lambda i: (0, 0)),
            pl.BlockSpec((1, H), lambda i: (0, 0)),
            pl.BlockSpec((H, D_OUT), lambda i: (0, 0)),
            pl.BlockSpec((1, D_OUT), lambda i: (0, 0)),
        ],
        out_specs=pl.BlockSpec((G, D_OUT), lambda i: (0, 0)),
        out_shape=jax.ShapeDtypeStruct((G, D_OUT), jnp.float32),
        scratch_shapes=[pltpu.VMEM((G, H), jnp.float32)],
    )(h, bid3, w1, b1, w2, b2)


def kernel(x, edge_index, batch, pre_W, pre_b,
           conv0_W1, conv0_b1, conv0_W2, conv0_b2,
           conv1_W1, conv1_b1, conv1_W2, conv1_b2,
           conv2_W1, conv2_b1, conv2_W2, conv2_b2,
           post_W1, post_b1, post_W2, post_b2):
    src = edge_index[0]
    dst = edge_index[1]
    src4 = src[None, :] + (jnp.arange(NCH, dtype=jnp.int32) * N)[:, None]
    src_flat = jnp.pad(src4, ((0, 0), (0, E_PAD - E))).reshape(
        NCH * NSUB * NBATCH, EB)
    dst_pad = jnp.pad(dst, (0, E_PAD - E), constant_values=N).reshape(
        NSUB * NBATCH, EB)
    bid3 = batch.reshape(NBLK, 1, BN)

    h = _pre_mp(x, pre_W, pre_b.reshape(1, H))
    convs = [
        (conv0_W1, conv0_b1, conv0_W2, conv0_b2),
        (conv1_W1, conv1_b1, conv1_W2, conv1_b2),
        (conv2_W1, conv2_b1, conv2_W2, conv2_b2),
    ]
    for w1, b1, w2, b2 in convs:
        z2d = _sc_aggregate(h.reshape(NCH * N, CH), src_flat, dst_pad)
        h = _mlp(z2d.reshape(NCH, N, CH), w1, b1.reshape(1, H),
                 w2, b2.reshape(1, H))
    return _pool_post(h, bid3, post_W1, post_b1.reshape(1, H),
                      post_W2, post_b2.reshape(1, D_OUT))

# --- scband reference (transcript-rebuilt; emitter-appended) ---
"""Pipeline reference for scband-gin-35708358099433 (READ-ONLY COPY).

The authoritative reference and input builder live on the scoring server;
editing this copy changes nothing except your own understanding.
"""

import jax, jax.numpy as jnp
import numpy as np

N = 10000
E = 160000
D_IN = 256
H = 512
D_OUT = 128
G = 64
NUM_LAYERS = 3


def _linear_params(key, fan_in, fan_out):
    kw, kb = jax.random.split(key)
    bound = 1.0 / np.sqrt(fan_in)
    W = jax.random.uniform(kw, (fan_in, fan_out), minval=-bound, maxval=bound, dtype=jnp.float32)
    b = jax.random.uniform(kb, (fan_out,), minval=-bound, maxval=bound, dtype=jnp.float32)
    return W, b


def setup_inputs(seed: int = 0) -> dict:
    key = jax.random.key(seed)
    ks = jax.random.split(key, 16)
    inp = {}
    inp["x"] = jax.random.normal(ks[0], (N, D_IN), dtype=jnp.float32)
    inp["edge_index"] = jax.random.randint(ks[1], (2, E), 0, N, dtype=jnp.int32)
    inp["batch"] = jnp.sort(jax.random.randint(ks[2], (N,), 0, G, dtype=jnp.int32))
    inp["pre_W"], inp["pre_b"] = _linear_params(ks[3], D_IN, H)
    for i in range(NUM_LAYERS):
        W1, b1 = _linear_params(ks[4 + 2 * i], H, H)
        W2, b2 = _linear_params(ks[5 + 2 * i], H, H)
        inp[f"conv{i}_W1"] = W1
        inp[f"conv{i}_b1"] = b1
        inp[f"conv{i}_W2"] = W2
        inp[f"conv{i}_b2"] = b2
    inp["post_W1"], inp["post_b1"] = _linear_params(ks[10], H, H)
    inp["post_W2"], inp["post_b2"] = _linear_params(ks[11], H, D_OUT)
    return inp


def reference(x, edge_index, batch, pre_W, pre_b,
              conv0_W1, conv0_b1, conv0_W2, conv0_b2,
              conv1_W1, conv1_b1, conv1_W2, conv1_b2,
              conv2_W1, conv2_b1, conv2_W2, conv2_b2,
              post_W1, post_b1, post_W2, post_b2):
    src = edge_index[0]
    dst = edge_index[1]
    # pre_mp
    h = x @ pre_W + pre_b
    convs = [
        (conv0_W1, conv0_b1, conv0_W2, conv0_b2),
        (conv1_W1, conv1_b1, conv1_W2, conv1_b2),
        (conv2_W1, conv2_b1, conv2_W2, conv2_b2),
    ]
    for (W1, b1, W2, b2) in convs:
        # GINConv with eps=0: h_i' = MLP((1+eps)*h_i + sum_{j->i} h_j)
        msg = jnp.take(h, src, axis=0)
        agg = jax.ops.segment_sum(msg, dst, num_segments=N)
        z = h + agg
        z = jax.nn.relu(z @ W1 + b1) @ W2 + b2
        h = jax.nn.relu(z)
    # global_add_pool over graph ids
    pooled = jax.ops.segment_sum(h, batch, num_segments=G)
    # post_mp
    o = jax.nn.relu(pooled @ post_W1 + post_b1) @ post_W2 + post_b2
    return jax.nn.log_softmax(o, axis=1)

if __name__ == "__main__":
    import jax
    _d = setup_inputs()
    print(jax.jit(kernel)(*tuple(_d.values())))

</pallas_src>

<mosaic_0001>
#map = affine_map<(d0, d1) -> (0, 0)>
module attributes {stable_mosaic.version = 14 : i64} {
  func.func @_sc_aggregate(%arg0: i32, %arg1: i32, %arg2: memref<40000x128xf32, #tpu.memory_space<hbm>>, %arg3: memref<5120x128xi32, #tpu.memory_space<hbm>>, %arg4: memref<1280x128xi32, #tpu.memory_space<hbm>>, %arg5: memref<40000x128xf32, #tpu.memory_space<hbm>>, %arg6: memref<40x128xi32, #tpu.memory_space<vmem>>, %arg7: memref<80x128xi32, #tpu.memory_space<vmem>>, %arg8: memref<128x128xf32, #tpu.memory_space<vmem>>, %arg9: memref<128x128xf32, #tpu.memory_space<vmem>>, %arg10: memref<10016x128xf32, #tpu.memory_space<vmem_shared>>, %arg11: memref<!tpu.dma_semaphore, #tpu.memory_space<semaphore_mem>>, %arg12: memref<!tpu.dma_semaphore, #tpu.memory_space<semaphore_mem>>) attributes {dimension_semantics = [#tpu.dimension_semantics<core_parallel>, #tpu.dimension_semantics<subcore_parallel>], iteration_bounds = array<i64: 2, 16>, scalar_prefetch = 0 : i64, scratch_operands = 7 : i64, tpu.core_type = #tpu.core_type<sc_vector_subcore>, window_params = [{transform_indices = #map}, {transform_indices = #map}, {transform_indices = #map}, {transform_indices = #map}]} {
    %add3A = arith.constant 0 : i32
    %add3A_0 = arith.addi %add3A, %arg0 : i32
    %mul3A = arith.constant 10000 : i32
    %mul3A_1 = arith.muli %add3A_0, %mul3A : i32
    %mul3A_2 = arith.constant 624 : i32
    %mul3A_3 = arith.muli %arg1, %mul3A_2 : i32
    %add3A_4 = arith.addi %mul3A_1, %mul3A_3 : i32
    %mul3A_5 = arith.constant 624 : i32
    %mul3A_6 = arith.muli %arg1, %mul3A_5 : i32
    "tpu.region"() ({
      %run_scoped3A = tpu.sem_alloc : memref<!tpu.dma_semaphore, #tpu.memory_space<semaphore_mem>>
      %dma_start3A_152 = arith.constant 0 : i32
      %dma_start3A_153 = tpu.memref_slice %arg10[%mul3A_6, %dma_start3A_152] : memref<10016x128xf32, #tpu.memory_space<vmem_shared>> -> memref<624x128xf32, #tpu.memory_space<vmem_shared>>
      %dma_start3A_154 = arith.constant 0 : i32
      %dma_start3A_155 = tpu.memref_slice %arg2[%add3A_4, %dma_start3A_154] : memref<40000x128xf32, #tpu.memory_space<hbm>> -> memref<624x128xf32, #tpu.memory_space<hbm>>
      tpu.enqueue_dma source(%dma_start3A_155 : memref<624x128xf32, #tpu.memory_space<hbm>>) target(%dma_start3A_153 : memref<624x128xf32, #tpu.memory_space<vmem_shared>>) target_semaphore(%run_scoped3A : memref<!tpu.dma_semaphore, #tpu.memory_space<semaphore_mem>>)
      %dma_wait3A = arith.constant 0 : i32
      %dma_wait3A_156 = tpu.memref_slice %arg10[%mul3A_6, %dma_wait3A] : memref<10016x128xf32, #tpu.memory_space<vmem_shared>> -> memref<624x128xf32, #tpu.memory_space<vmem_shared>>
      %dma_wait3A_157 = arith.constant 0 : i32
      %dma_wait3A_158 = tpu.memref_slice %arg2[%add3A_4, %dma_wait3A_157] : memref<40000x128xf32, #tpu.memory_space<hbm>> -> memref<624x128xf32, #tpu.memory_space<hbm>>
      tpu.wait_dma2 semaphore(%run_scoped3A : memref<!tpu.dma_semaphore, #tpu.memory_space<semaphore_mem>>) src(%dma_wait3A_158 : memref<624x128xf32, #tpu.memory_space<hbm>>) dst(%dma_wait3A_156 : memref<624x128xf32, #tpu.memory_space<vmem_shared>>)
      tpu.yield
    }) : () -> ()
    %eq3A = arith.constant 15 : i32
    %eq3A_7 = arith.cmpi eq, %arg1, %eq3A : i32
    %convert_element_type3A = arith.extui %eq3A_7 : i1 to i32
    %cond3A = arith.constant 0 : i32
    %cond3A_8 = arith.cmpi ne, %convert_element_type3A, %cond3A : i32
    scf.if %cond3A_8 {
      %mul3A_152 = arith.constant 10000 : i32
      %mul3A_153 = arith.muli %add3A_0, %mul3A_152 : i32
      %add3A_154 = arith.constant 9984 : i32
      %add3A_155 = arith.addi %mul3A_153, %add3A_154 : i32
      "tpu.region"() ({
        %run_scoped3A = tpu.sem_alloc : memref<!tpu.dma_semaphore, #tpu.memory_space<semaphore_mem>>
        %dma_start3A_156 = arith.constant 9984 : i32
        %dma_start3A_157 = arith.constant 0 : i32
        %dma_start3A_158 = tpu.memref_slice %arg10[%dma_start3A_156, %dma_start3A_157] : memref<10016x128xf32, #tpu.memory_space<vmem_shared>> -> memref<16x128xf32, #tpu.memory_space<vmem_shared>>
        %dma_start3A_159 = arith.constant 0 : i32
        %dma_start3A_160 = tpu.memref_slice %arg2[%add3A_155, %dma_start3A_159] : memref<40000x128xf32, #tpu.memory_space<hbm>> -> memref<16x128xf32, #tpu.memory_space<hbm>>
        tpu.enqueue_dma source(%dma_start3A_160 : memref<16x128xf32, #tpu.memory_space<hbm>>) target(%dma_start3A_158 : memref<16x128xf32, #tpu.memory_space<vmem_shared>>) target_semaphore(%run_scoped3A : memref<!tpu.dma_semaphore, #tpu.memory_space<semaphore_mem>>)
        %dma_wait3A = arith.constant 9984 : i32
        %dma_wait3A_161 = arith.constant 0 : i32
        %dma_wait3A_162 = tpu.memref_slice %arg10[%dma_wait3A, %dma_wait3A_161] : memref<10016x128xf32, #tpu.memory_space<vmem_shared>> -> memref<16x128xf32, #tpu.memory_space<vmem_shared>>
        %dma_wait3A_163 = arith.constant 0 : i32
        %dma_wait3A_164 = tpu.memref_slice %arg2[%add3A_155, %dma_wait3A_163] : memref<40000x128xf32, #tpu.memory_space<hbm>> -> memref<16x128xf32, #tpu.memory_space<hbm>>
        tpu.wait_dma2 semaphore(%run_scoped3A : memref<!tpu.dma_semaphore, #tpu.memory_space<semaphore_mem>>) src(%dma_wait3A_164 : memref<16x128xf32, #tpu.memory_space<hbm>>) dst(%dma_wait3A_162 : memref<16x128xf32, #tpu.memory_space<vmem_shared>>)
        tpu.yield
      }) : () -> ()
    } else {
    }
    %barrier3A = arith.constant 0 : index
    tpu.barrier barrier_id(%barrier3A)
    %mul3A_9 = arith.constant 80 : i32
    %mul3A_10 = arith.muli %arg1, %mul3A_9 : i32
    "tpu.region"() ({
      %run_scoped3A = tpu.sem_alloc : memref<!tpu.dma_semaphore, #tpu.memory_space<semaphore_mem>>
      %dma_start3A_152 = arith.constant 0 : i32
      %dma_start3A_153 = tpu.memref_slice %arg4[%mul3A_10, %dma_start3A_152] : memref<1280x128xi32, #tpu.memory_space<hbm>> -> memref<80x128xi32, #tpu.memory_space<hbm>>
      %dma_start3A_154 = arith.constant 0 : i32
      %dma_start3A_155 = tpu.memref_slice %arg4[%mul3A_10, %dma_start3A_154] : memref<1280x128xi32, #tpu.memory_space<hbm>> -> memref<80x128xi32, #tpu.memory_space<hbm>>
      tpu.enqueue_dma source(%dma_start3A_155 : memref<80x128xi32, #tpu.memory_space<hbm>>) target(%arg7 : memref<80x128xi32, #tpu.memory_space<vmem>>) target_semaphore(%run_scoped3A : memref<!tpu.dma_semaphore, #tpu.memory_space<semaphore_mem>>)
      %dma_wait3A = arith.constant 0 : i32
      %dma_wait3A_156 = tpu.memref_slice %arg4[%mul3A_10, %dma_wait3A] : memref<1280x128xi32, #tpu.memory_space<hbm>> -> memref<80x128xi32, #tpu.memory_space<hbm>>
      %dma_wait3A_157 = arith.constant 0 : i32
      %dma_wait3A_158 = tpu.memref_slice %arg4[%mul3A_10, %dma_wait3A_157] : memref<1280x128xi32, #tpu.memory_space<hbm>> -> memref<80x128xi32, #tpu.memory_space<hbm>>
      tpu.wait_dma2 semaphore(%run_scoped3A : memref<!tpu.dma_semaphore, #tpu.memory_space<semaphore_mem>>) src(%dma_wait3A_158 : memref<80x128xi32, #tpu.memory_space<hbm>>) dst(%arg7 : memref<80x128xi32, #tpu.memory_space<vmem>>)
      tpu.yield
    }) : () -> ()
    %mul3A_11 = arith.constant 16 : i32
    %mul3A_12 = arith.muli %add3A_0, %mul3A_11 : i32
    %add3A_13 = arith.addi %mul3A_12, %arg1 : i32
    %mul3A_14 = arith.constant 80 : i32
    %mul3A_15 = arith.muli %add3A_13, %mul3A_14 : i32
    %add3A_16 = arith.constant 0 : i32
    %add3A_17 = arith.addi %mul3A_15, %add3A_16 : i32
    "tpu.region"() ({
      %run_scoped3A = tpu.sem_alloc : memref<!tpu.dma_semaphore, #tpu.memory_space<semaphore_mem>>
      %dma_start3A_152 = arith.constant 0 : i32
      %dma_start3A_153 = tpu.memref_slice %arg3[%add3A_17, %dma_start3A_152] : memref<5120x128xi32, #tpu.memory_space<hbm>> -> memref<40x128xi32, #tpu.memory_space<hbm>>
      %dma_start3A_154 = arith.constant 0 : i32
      %dma_start3A_155 = tpu.memref_slice %arg3[%add3A_17, %dma_start3A_154] : memref<5120x128xi32, #tpu.memory_space<hbm>> -> memref<40x128xi32, #tpu.memory_space<hbm>>
      tpu.enqueue_dma source(%dma_start3A_155 : memref<40x128xi32, #tpu.memory_space<hbm>>) target(%arg6 : memref<40x128xi32, #tpu.memory_space<vmem>>) target_semaphore(%run_scoped3A : memref<!tpu.dma_semaphore, #tpu.memory_space<semaphore_mem>>)
      %dma_wait3A = arith.constant 0 : i32
      %dma_wait3A_156 = tpu.memref_slice %arg3[%add3A_17, %dma_wait3A] : memref<5120x128xi32, #tpu.memory_space<hbm>> -> memref<40x128xi32, #tpu.memory_space<hbm>>
      %dma_wait3A_157 = arith.constant 0 : i32
      %dma_wait3A_158 = tpu.memref_slice %arg3[%add3A_17, %dma_wait3A_157] : memref<5120x128xi32, #tpu.memory_space<hbm>> -> memref<40x128xi32, #tpu.memory_space<hbm>>
      tpu.wait_dma2 semaphore(%run_scoped3A : memref<!tpu.dma_semaphore, #tpu.memory_space<semaphore_mem>>) src(%dma_wait3A_158 : memref<40x128xi32, #tpu.memory_space<hbm>>) dst(%arg6 : memref<40x128xi32, #tpu.memory_space<vmem>>)
      tpu.yield
    }) : () -> ()
    %dma_start3A = arith.constant 0 : i32
    %dma_start3A_18 = arith.constant 0 : i32
    %dma_start3A_19 = tpu.memref_slice %arg6[%dma_start3A, %dma_start3A_18] : memref<40x128xi32, #tpu.memory_space<vmem>> -> memref<1x128xi32, #tpu.memory_space<vmem>>
    %dma_start3A_20 = tpu.memref_squeeze %dma_start3A_19 : memref<1x128xi32, #tpu.memory_space<vmem>> -> memref<128xi32, #tpu.memory_space<vmem>>
    %dma_start3A_21 = arith.constant 0 : i32
    %dma_start3A_22 = arith.constant 0 : i32
    %dma_start3A_23 = tpu.memref_slice %arg2[%dma_start3A_21, %dma_start3A_22] : memref<40000x128xf32, #tpu.memory_space<hbm>> -> memref<40000x128xf32, #tpu.memory_space<hbm>>
    tpu.enqueue_indirect_dma source(%dma_start3A_23 : memref<40000x128xf32, #tpu.memory_space<hbm>>) target(%arg8 : memref<128x128xf32, #tpu.memory_space<vmem>>) offsets(%dma_start3A_20 : memref<128xi32, #tpu.memory_space<vmem>>) semaphore(%arg11 : memref<!tpu.dma_semaphore, #tpu.memory_space<semaphore_mem>>)
    %dma_start3A_24 = arith.constant 1 : i32
    %dma_start3A_25 = arith.constant 0 : i32
    %dma_start3A_26 = tpu.memref_slice %arg6[%dma_start3A_24, %dma_start3A_25] : memref<40x128xi32, #tpu.memory_space<vmem>> -> memref<1x128xi32, #tpu.memory_space<vmem>>
    %dma_start3A_27 = tpu.memref_squeeze %dma_start3A_26 : memref<1x128xi32, #tpu.memory_space<vmem>> -> memref<128xi32, #tpu.memory_space<vmem>>
    %dma_start3A_28 = arith.constant 0 : i32
    %dma_start3A_29 = arith.constant 0 : i32
    %dma_start3A_30 = tpu.memref_slice %arg2[%dma_start3A_28, %dma_start3A_29] : memref<40000x128xf32, #tpu.memory_space<hbm>> -> memref<40000x128xf32, #tpu.memory_space<hbm>>
    tpu.enqueue_indirect_dma source(%dma_start3A_30 : memref<40000x128xf32, #tpu.memory_space<hbm>>) target(%arg9 : memref<128x128xf32, #tpu.memory_space<vmem>>) offsets(%dma_start3A_27 : memref<128xi32, #tpu.memory_space<vmem>>) semaphore(%arg12 : memref<!tpu.dma_semaphore, #tpu.memory_space<semaphore_mem>>)
    %scan3A = arith.constant 0 : i32
    %scan3A_31 = arith.constant 0 : i32
    %scan3A_32 = arith.constant 20 : i32
    %scan3A_33 = arith.addi %scan3A_31, %scan3A_32 : i32
    %scan3A_34 = arith.constant 1 : i32
    scf.for %scan3A_152 = %scan3A_31 to %scan3A_33 step %scan3A_34  : i32 {
      %mul3A_153 = arith.constant 2 : i32
      %mul3A_154 = arith.muli %scan3A_152, %mul3A_153 : i32
      %add3A_155 = arith.constant 0 : i32
      %add3A_156 = arith.addi %mul3A_154, %add3A_155 : i32
      %dma_wait3A = arith.constant 0 : i32
      %dma_wait3A_157 = tpu.memref_slice %arg6[%add3A_156, %dma_wait3A] : memref<40x128xi32, #tpu.memory_space<vmem>> -> memref<1x128xi32, #tpu.memory_space<vmem>>
      %dma_wait3A_158 = tpu.memref_squeeze %dma_wait3A_157 : memref<1x128xi32, #tpu.memory_space<vmem>> -> memref<128xi32, #tpu.memory_space<vmem>>
      %dma_wait3A_159 = arith.constant 0 : i32
      %dma_wait3A_160 = arith.constant 0 : i32
      %dma_wait3A_161 = tpu.memref_slice %arg2[%dma_wait3A_159, %dma_wait3A_160] : memref<40000x128xf32, #tpu.memory_space<hbm>> -> memref<40000x128xf32, #tpu.memory_space<hbm>>
      tpu.wait_indirect_dma semaphore(%arg11 : memref<!tpu.dma_semaphore, #tpu.memory_space<semaphore_mem>>) src(%dma_wait3A_161 : memref<40000x128xf32, #tpu.memory_space<hbm>>) dst(%arg8 : memref<128x128xf32, #tpu.memory_space<vmem>>)
      %add3A_162 = arith.constant 0 : i32
      %add3A_163 = arith.addi %add3A_162, %add3A_156 : i32
      "tpu.region"() ({
        %run_scoped3A = tpu.sem_alloc : memref<!tpu.dma_semaphore, #tpu.memory_space<semaphore_mem>>
        %dma_start3A_185 = arith.constant 0 : i32
        %dma_start3A_186 = tpu.memref_slice %arg7[%add3A_163, %dma_start3A_185] : memref<80x128xi32, #tpu.memory_space<vmem>> -> memref<1x128xi32, #tpu.memory_space<vmem>>
        %dma_start3A_187 = tpu.memref_squeeze %dma_start3A_186 : memref<1x128xi32, #tpu.memory_space<vmem>> -> memref<128xi32, #tpu.memory_space<vmem>>
        %dma_start3A_188 = arith.constant 0 : i32
        %dma_start3A_189 = arith.constant 0 : i32
        %dma_start3A_190 = tpu.memref_slice %arg10[%dma_start3A_188, %dma_start3A_189] : memref<10016x128xf32, #tpu.memory_space<vmem_shared>> -> memref<10016x128xf32, #tpu.memory_space<vmem_shared>>
        tpu.enqueue_indirect_dma source(%arg8 : memref<128x128xf32, #tpu.memory_space<vmem>>) target(%dma_start3A_190 : memref<10016x128xf32, #tpu.memory_space<vmem_shared>>) offsets(%dma_start3A_187 : memref<128xi32, #tpu.memory_space<vmem>>) semaphore(%run_scoped3A : memref<!tpu.dma_semaphore, #tpu.memory_space<semaphore_mem>>) {add = true}
        %dma_wait3A_191 = arith.constant 0 : i32
        %dma_wait3A_192 = tpu.memref_slice %arg7[%add3A_163, %dma_wait3A_191] : memref<80x128xi32, #tpu.memory_space<vmem>> -> memref<1x128xi32, #tpu.memory_space<vmem>>
        %dma_wait3A_193 = tpu.memref_squeeze %dma_wait3A_192 : memref<1x128xi32, #tpu.memory_space<vmem>> -> memref<128xi32, #tpu.memory_space<vmem>>
        %dma_wait3A_194 = arith.constant 0 : i32
        %dma_wait3A_195 = arith.constant 0 : i32
        %dma_wait3A_196 = tpu.memref_slice %arg10[%dma_wait3A_194, %dma_wait3A_195] : memref<10016x128xf32, #tpu.memory_space<vmem_shared>> -> memref<10016x128xf32, #tpu.memory_space<vmem_shared>>
        tpu.wait_indirect_dma semaphore(%run_scoped3A : memref<!tpu.dma_semaphore, #tpu.memory_space<semaphore_mem>>) src(%arg8 : memref<128x128xf32, #tpu.memory_space<vmem>>) dst(%dma_wait3A_196 : memref<10016x128xf32, #tpu.memory_space<vmem_shared>>)
        tpu.yield
      }) : () -> ()
      %lt3A = arith.constant 19 : i32
      %lt3A_164 = arith.cmpi slt, %scan3A_152, %lt3A : i32
      %convert_element_type3A_165 = arith.extui %lt3A_164 : i1 to i32
      %cond3A_166 = arith.constant 0 : i32
      %cond3A_167 = arith.cmpi ne, %convert_element_type3A_165, %cond3A_166 : i32
      scf.if %cond3A_167 {
        %add3A_185 = arith.constant 2 : i32
        %add3A_186 = arith.addi %add3A_156, %add3A_185 : i32
        %dma_start3A_187 = arith.constant 0 : i32
        %dma_start3A_188 = tpu.memref_slice %arg6[%add3A_186, %dma_start3A_187] : memref<40x128xi32, #tpu.memory_space<vmem>> -> memref<1x128xi32, #tpu.memory_space<vmem>>
        %dma_start3A_189 = tpu.memref_squeeze %dma_start3A_188 : memref<1x128xi32, #tpu.memory_space<vmem>> -> memref<128xi32, #tpu.memory_space<vmem>>
        %dma_start3A_190 = arith.constant 0 : i32
        %dma_start3A_191 = arith.constant 0 : i32
        %dma_start3A_192 = tpu.memref_slice %arg2[%dma_start3A_190, %dma_start3A_191] : memref<40000x128xf32, #tpu.memory_space<hbm>> -> memref<40000x128xf32, #tpu.memory_space<hbm>>
        tpu.enqueue_indirect_dma source(%dma_start3A_192 : memref<40000x128xf32, #tpu.memory_space<hbm>>) target(%arg8 : memref<128x128xf32, #tpu.memory_space<vmem>>) offsets(%dma_start3A_189 : memref<128xi32, #tpu.memory_space<vmem>>) semaphore(%arg11 : memref<!tpu.dma_semaphore, #tpu.memory_space<semaphore_mem>>)
      } else {
      }
      %mul3A_168 = arith.constant 2 : i32
      %mul3A_169 = arith.muli %scan3A_152, %mul3A_168 : i32
      %add3A_170 = arith.constant 1 : i32
      %add3A_171 = arith.addi %mul3A_169, %add3A_170 : i32
      %dma_wait3A_172 = arith.constant 0 : i32
      %dma_wait3A_173 = tpu.memref_slice %arg6[%add3A_171, %dma_wait3A_172] : memref<40x128xi32, #tpu.memory_space<vmem>> -> memref<1x128xi32, #tpu.memory_space<vmem>>
      %dma_wait3A_174 = tpu.memref_squeeze %dma_wait3A_173 : memref<1x128xi32, #tpu.memory_space<vmem>> -> memref<128xi32, #tpu.memory_space<vmem>>
      %dma_wait3A_175 = arith.constant 0 : i32
      %dma_wait3A_176 = arith.constant 0 : i32
      %dma_wait3A_177 = tpu.memref_slice %arg2[%dma_wait3A_175, %dma_wait3A_176] : memref<40000x128xf32, #tpu.memory_space<hbm>> -> memref<40000x128xf32, #tpu.memory_space<hbm>>
      tpu.wait_indirect_dma semaphore(%arg12 : memref<!tpu.dma_semaphore, #tpu.memory_space<semaphore_mem>>) src(%dma_wait3A_177 : memref<40000x128xf32, #tpu.memory_space<hbm>>) dst(%arg9 : memref<128x128xf32, #tpu.memory_space<vmem>>)
      %add3A_178 = arith.constant 0 : i32
      %add3A_179 = arith.addi %add3A_178, %add3A_171 : i32
      "tpu.region"() ({
        %run_scoped3A = tpu.sem_alloc : memref<!tpu.dma_semaphore, #tpu.memory_space<semaphore_mem>>
        %dma_start3A_185 = arith.constant 0 : i32
        %dma_start3A_186 = tpu.memref_slice %arg7[%add3A_179, %dma_start3A_185] : memref<80x128xi32, #tpu.memory_space<vmem>> -> memref<1x128xi32, #tpu.memory_space<vmem>>
        %dma_start3A_187 = tpu.memref_squeeze %dma_start3A_186 : memref<1x128xi32, #tpu.memory_space<vmem>> -> memref<128xi32, #tpu.memory_space<vmem>>
        %dma_start3A_188 = arith.constant 0 : i32
        %dma_start3A_189 = arith.constant 0 : i32
        %dma_start3A_190 = tpu.memref_slice %arg10[%dma_start3A_188, %dma_start3A_189] : memref<10016x128xf32, #tpu.memory_space<vmem_shared>> -> memref<10016x128xf32, #tpu.memory_space<vmem_shared>>
        tpu.enqueue_indirect_dma source(%arg9 : memref<128x128xf32, #tpu.memory_space<vmem>>) target(%dma_start3A_190 : memref<10016x128xf32, #tpu.memory_space<vmem_shared>>) offsets(%dma_start3A_187 : memref<128xi32, #tpu.memory_space<vmem>>) semaphore(%run_scoped3A : memref<!tpu.dma_semaphore, #tpu.memory_space<semaphore_mem>>) {add = true}
        %dma_wait3A_191 = arith.constant 0 : i32
        %dma_wait3A_192 = tpu.memref_slice %arg7[%add3A_179, %dma_wait3A_191] : memref<80x128xi32, #tpu.memory_space<vmem>> -> memref<1x128xi32, #tpu.memory_space<vmem>>
        %dma_wait3A_193 = tpu.memref_squeeze %dma_wait3A_192 : memref<1x128xi32, #tpu.memory_space<vmem>> -> memref<128xi32, #tpu.memory_space<vmem>>
        %dma_wait3A_194 = arith.constant 0 : i32
        %dma_wait3A_195 = arith.constant 0 : i32
        %dma_wait3A_196 = tpu.memref_slice %arg10[%dma_wait3A_194, %dma_wait3A_195] : memref<10016x128xf32, #tpu.memory_space<vmem_shared>> -> memref<10016x128xf32, #tpu.memory_space<vmem_shared>>
        tpu.wait_indirect_dma semaphore(%run_scoped3A : memref<!tpu.dma_semaphore, #tpu.memory_space<semaphore_mem>>) src(%arg9 : memref<128x128xf32, #tpu.memory_space<vmem>>) dst(%dma_wait3A_196 : memref<10016x128xf32, #tpu.memory_space<vmem_shared>>)
        tpu.yield
      }) : () -> ()
      %lt3A_180 = arith.constant 19 : i32
      %lt3A_181 = arith.cmpi slt, %scan3A_152, %lt3A_180 : i32
      %convert_element_type3A_182 = arith.extui %lt3A_181 : i1 to i32
      %cond3A_183 = arith.constant 0 : i32
      %cond3A_184 = arith.cmpi ne, %convert_element_type3A_182, %cond3A_183 : i32
      scf.if %cond3A_184 {
        %add3A_185 = arith.constant 2 : i32
        %add3A_186 = arith.addi %add3A_171, %add3A_185 : i32
        %dma_start3A_187 = arith.constant 0 : i32
        %dma_start3A_188 = tpu.memref_slice %arg6[%add3A_186, %dma_start3A_187] : memref<40x128xi32, #tpu.memory_space<vmem>> -> memref<1x128xi32, #tpu.memory_space<vmem>>
        %dma_start3A_189 = tpu.memref_squeeze %dma_start3A_188 : memref<1x128xi32, #tpu.memory_space<vmem>> -> memref<128xi32, #tpu.memory_space<vmem>>
        %dma_start3A_190 = arith.constant 0 : i32
        %dma_start3A_191 = arith.constant 0 : i32
        %dma_start3A_192 = tpu.memref_slice %arg2[%dma_start3A_190, %dma_start3A_191] : memref<40000x128xf32, #tpu.memory_space<hbm>> -> memref<40000x128xf32, #tpu.memory_space<hbm>>
        tpu.enqueue_indirect_dma source(%dma_start3A_192 : memref<40000x128xf32, #tpu.memory_space<hbm>>) target(%arg9 : memref<128x128xf32, #tpu.memory_space<vmem>>) offsets(%dma_start3A_189 : memref<128xi32, #tpu.memory_space<vmem>>) semaphore(%arg12 : memref<!tpu.dma_semaphore, #tpu.memory_space<semaphore_mem>>)
      } else {
      }
    }
    %scan3A_35 = arith.constant 20 : i32
    %mul3A_36 = arith.constant 16 : i32
    %mul3A_37 = arith.muli %add3A_0, %mul3A_36 : i32
    %add3A_38 = arith.addi %mul3A_37, %arg1 : i32
    %mul3A_39 = arith.constant 80 : i32
    %mul3A_40 = arith.muli %add3A_38, %mul3A_39 : i32
    %add3A_41 = arith.constant 40 : i32
    %add3A_42 = arith.addi %mul3A_40, %add3A_41 : i32
    "tpu.region"() ({
      %run_scoped3A = tpu.sem_alloc : memref<!tpu.dma_semaphore, #tpu.memory_space<semaphore_mem>>
      %dma_start3A_152 = arith.constant 0 : i32
      %dma_start3A_153 = tpu.memref_slice %arg3[%add3A_42, %dma_start3A_152] : memref<5120x128xi32, #tpu.memory_space<hbm>> -> memref<40x128xi32, #tpu.memory_space<hbm>>
      %dma_start3A_154 = arith.constant 0 : i32
      %dma_start3A_155 = tpu.memref_slice %arg3[%add3A_42, %dma_start3A_154] : memref<5120x128xi32, #tpu.memory_space<hbm>> -> memref<40x128xi32, #tpu.memory_space<hbm>>
      tpu.enqueue_dma source(%dma_start3A_155 : memref<40x128xi32, #tpu.memory_space<hbm>>) target(%arg6 : memref<40x128xi32, #tpu.memory_space<vmem>>) target_semaphore(%run_scoped3A : memref<!tpu.dma_semaphore, #tpu.memory_space<semaphore_mem>>)
      %dma_wait3A = arith.constant 0 : i32
      %dma_wait3A_156 = tpu.memref_slice %arg3[%add3A_42, %dma_wait3A] : memref<5120x128xi32, #tpu.memory_space<hbm>> -> memref<40x128xi32, #tpu.memory_space<hbm>>
      %dma_wait3A_157 = arith.constant 0 : i32
      %dma_wait3A_158 = tpu.memref_slice %arg3[%add3A_42, %dma_wait3A_157] : memref<5120x128xi32, #tpu.memory_space<hbm>> -> memref<40x128xi32, #tpu.memory_space<hbm>>
      tpu.wait_dma2 semaphore(%run_scoped3A : memref<!tpu.dma_semaphore, #tpu.memory_space<semaphore_mem>>) src(%dma_wait3A_158 : memref<40x128xi32, #tpu.memory_space<hbm>>) dst(%arg6 : memref<40x128xi32, #tpu.memory_space<vmem>>)
      tpu.yield
    }) : () -> ()
    %dma_start3A_43 = arith.constant 0 : i32
    %dma_start3A_44 = arith.constant 0 : i32
    %dma_start3A_45 = tpu.memref_slice %arg6[%dma_start3A_43, %dma_start3A_44] : memref<40x128xi32, #tpu.memory_space<vmem>> -> memref<1x128xi32, #tpu.memory_space<vmem>>
    %dma_start3A_46 = tpu.memref_squeeze %dma_start3A_45 : memref<1x128xi32, #tpu.memory_space<vmem>> -> memref<128xi32, #tpu.memory_space<vmem>>
    %dma_start3A_47 = arith.constant 0 : i32
    %dma_start3A_48 = arith.constant 0 : i32
    %dma_start3A_49 = tpu.memref_slice %arg2[%dma_start3A_47, %dma_start3A_48] : memref<40000x128xf32, #tpu.memory_space<hbm>> -> memref<40000x128xf32, #tpu.memory_space<hbm>>
    tpu.enqueue_indirect_dma source(%dma_start3A_49 : memref<40000x128xf32, #tpu.memory_space<hbm>>) target(%arg8 : memref<128x128xf32, #tpu.memory_space<vmem>>) offsets(%dma_start3A_46 : memref<128xi32, #tpu.memory_space<vmem>>) semaphore(%arg11 : memref<!tpu.dma_semaphore, #tpu.memory_space<semaphore_mem>>)
    %dma_start3A_50 = arith.constant 1 : i32
    %dma_start3A_51 = arith.constant 0 : i32
    %dma_start3A_52 = tpu.memref_slice %arg6[%dma_start3A_50, %dma_start3A_51] : memref<40x128xi32, #tpu.memory_space<vmem>> -> memref<1x128xi32, #tpu.memory_space<vmem>>
    %dma_start3A_53 = tpu.memref_squeeze %dma_start3A_52 : memref<1x128xi32, #tpu.memory_space<vmem>> -> memref<128xi32, #tpu.memory_space<vmem>>
    %dma_start3A_54 = arith.constant 0 : i32
    %dma_start3A_55 = arith.constant 0 : i32
    %dma_start3A_56 = tpu.memref_slice %arg2[%dma_start3A_54, %dma_start3A_55] : memref<40000x128xf32, #tpu.memory_space<hbm>> -> memref<40000x128xf32, #tpu.memory_space<hbm>>
    tpu.enqueue_indirect_dma source(%dma_start3A_56 : memref<40000x128xf32, #tpu.memory_space<hbm>>) target(%arg9 : memref<128x128xf32, #tpu.memory_space<vmem>>) offsets(%dma_start3A_53 : memref<128xi32, #tpu.memory_space<vmem>>) semaphore(%arg12 : memref<!tpu.dma_semaphore, #tpu.memory_space<semaphore_mem>>)
    %scan3A_57 = arith.constant 0 : i32
    %scan3A_58 = arith.constant 0 : i32
    %scan3A_59 = arith.constant 20 : i32
    %scan3A_60 = arith.addi %scan3A_58, %scan3A_59 : i32
    %scan3A_61 = arith.constant 1 : i32
    scf.for %scan3A_152 = %scan3A_58 to %scan3A_60 step %scan3A_61  : i32 {
      %mul3A_153 = arith.constant 2 : i32
      %mul3A_154 = arith.muli %scan3A_152, %mul3A_153 : i32
      %add3A_155 = arith.constant 0 : i32
      %add3A_156 = arith.addi %mul3A_154, %add3A_155 : i32
      %dma_wait3A = arith.constant 0 : i32
      %dma_wait3A_157 = tpu.memref_slice %arg6[%add3A_156, %dma_wait3A] : memref<40x128xi32, #tpu.memory_space<vmem>> -> memref<1x128xi32, #tpu.memory_space<vmem>>
      %dma_wait3A_158 = tpu.memref_squeeze %dma_wait3A_157 : memref<1x128xi32, #tpu.memory_space<vmem>> -> memref<128xi32, #tpu.memory_space<vmem>>
      %dma_wait3A_159 = arith.constant 0 : i32
      %dma_wait3A_160 = arith.constant 0 : i32
      %dma_wait3A_161 = tpu.memref_slice %arg2[%dma_wait3A_159, %dma_wait3A_160] : memref<40000x128xf32, #tpu.memory_space<hbm>> -> memref<40000x128xf32, #tpu.memory_space<hbm>>
      tpu.wait_indirect_dma semaphore(%arg11 : memref<!tpu.dma_semaphore, #tpu.memory_space<semaphore_mem>>) src(%dma_wait3A_161 : memref<40000x128xf32, #tpu.memory_space<hbm>>) dst(%arg8 : memref<128x128xf32, #tpu.memory_space<vmem>>)
      %add3A_162 = arith.constant 40 : i32
      %add3A_163 = arith.addi %add3A_162, %add3A_156 : i32
      "tpu.region"() ({
        %run_scoped3A = tpu.sem_alloc : memref<!tpu.dma_semaphore, #tpu.memory_space<semaphore_mem>>
        %dma_start3A_185 = arith.constant 0 : i32
        %dma_start3A_186 = tpu.memref_slice %arg7[%add3A_163, %dma_start3A_185] : memref<80x128xi32, #tpu.memory_space<vmem>> -> memref<1x128xi32, #tpu.memory_space<vmem>>
        %dma_start3A_187 = tpu.memref_squeeze %dma_start3A_186 : memref<1x128xi32, #tpu.memory_space<vmem>> -> memref<128xi32, #tpu.memory_space<vmem>>
        %dma_start3A_188 = arith.constant 0 : i32
        %dma_start3A_189 = arith.constant 0 : i32
        %dma_start3A_190 = tpu.memref_slice %arg10[%dma_start3A_188, %dma_start3A_189] : memref<10016x128xf32, #tpu.memory_space<vmem_shared>> -> memref<10016x128xf32, #tpu.memory_space<vmem_shared>>
        tpu.enqueue_indirect_dma source(%arg8 : memref<128x128xf32, #tpu.memory_space<vmem>>) target(%dma_start3A_190 : memref<10016x128xf32, #tpu.memory_space<vmem_shared>>) offsets(%dma_start3A_187 : memref<128xi32, #tpu.memory_space<vmem>>) semaphore(%run_scoped3A : memref<!tpu.dma_semaphore, #tpu.memory_space<semaphore_mem>>) {add = true}
        %dma_wait3A_191 = arith.constant 0 : i32
        %dma_wait3A_192 = tpu.memref_slice %arg7[%add3A_163, %dma_wait3A_191] : memref<80x128xi32, #tpu.memory_space<vmem>> -> memref<1x128xi32, #tpu.memory_space<vmem>>
        %dma_wait3A_193 = tpu.memref_squeeze %dma_wait3A_192 : memref<1x128xi32, #tpu.memory_space<vmem>> -> memref<128xi32, #tpu.memory_space<vmem>>
        %dma_wait3A_194 = arith.constant 0 : i32
        %dma_wait3A_195 = arith.constant 0 : i32
        %dma_wait3A_196 = tpu.memref_slice %arg10[%dma_wait3A_194, %dma_wait3A_195] : memref<10016x128xf32, #tpu.memory_space<vmem_shared>> -> memref<10016x128xf32, #tpu.memory_space<vmem_shared>>
        tpu.wait_indirect_dma semaphore(%run_scoped3A : memref<!tpu.dma_semaphore, #tpu.memory_space<semaphore_mem>>) src(%arg8 : memref<128x128xf32, #tpu.memory_space<vmem>>) dst(%dma_wait3A_196 : memref<10016x128xf32, #tpu.memory_space<vmem_shared>>)
        tpu.yield
      }) : () -> ()
      %lt3A = arith.constant 19 : i32
      %lt3A_164 = arith.cmpi slt, %scan3A_152, %lt3A : i32
      %convert_element_type3A_165 = arith.extui %lt3A_164 : i1 to i32
      %cond3A_166 = arith.constant 0 : i32
      %cond3A_167 = arith.cmpi ne, %convert_element_type3A_165, %cond3A_166 : i32
      scf.if %cond3A_167 {
        %add3A_185 = arith.constant 2 : i32
        %add3A_186 = arith.addi %add3A_156, %add3A_185 : i32
        %dma_start3A_187 = arith.constant 0 : i32
        %dma_start3A_188 = tpu.memref_slice %arg6[%add3A_186, %dma_start3A_187] : memref<40x128xi32, #tpu.memory_space<vmem>> -> memref<1x128xi32, #tpu.memory_space<vmem>>
        %dma_start3A_189 = tpu.memref_squeeze %dma_start3A_188 : memref<1x128xi32, #tpu.memory_space<vmem>> -> memref<128xi32, #tpu.memory_space<vmem>>
        %dma_start3A_190 = arith.constant 0 : i32
        %dma_start3A_191 = arith.constant 0 : i32
        %dma_start3A_192 = tpu.memref_slice %arg2[%dma_start3A_190, %dma_start3A_191] : memref<40000x128xf32, #tpu.memory_space<hbm>> -> memref<40000x128xf32, #tpu.memory_space<hbm>>
        tpu.enqueue_indirect_dma source(%dma_start3A_192 : memref<40000x128xf32, #tpu.memory_space<hbm>>) target(%arg8 : memref<128x128xf32, #tpu.memory_space<vmem>>) offsets(%dma_start3A_189 : memref<128xi32, #tpu.memory_space<vmem>>) semaphore(%arg11 : memref<!tpu.dma_semaphore, #tpu.memory_space<semaphore_mem>>)
      } else {
      }
      %mul3A_168 = arith.constant 2 : i32
      %mul3A_169 = arith.muli %scan3A_152, %mul3A_168 : i32
      %add3A_170 = arith.constant 1 : i32
      %add3A_171 = arith.addi %mul3A_169, %add3A_170 : i32
      %dma_wait3A_172 = arith.constant 0 : i32
      %dma_wait3A_173 = tpu.memref_slice %arg6[%add3A_171, %dma_wait3A_172] : memref<40x128xi32, #tpu.memory_space<vmem>> -> memref<1x128xi32, #tpu.memory_space<vmem>>
      %dma_wait3A_174 = tpu.memref_squeeze %dma_wait3A_173 : memref<1x128xi32, #tpu.memory_space<vmem>> -> memref<128xi32, #tpu.memory_space<vmem>>
      %dma_wait3A_175 = arith.constant 0 : i32
      %dma_wait3A_176 = arith.constant 0 : i32
      %dma_wait3A_177 = tpu.memref_slice %arg2[%dma_wait3A_175, %dma_wait3A_176] : memref<40000x128xf32, #tpu.memory_space<hbm>> -> memref<40000x128xf32, #tpu.memory_space<hbm>>
      tpu.wait_indirect_dma semaphore(%arg12 : memref<!tpu.dma_semaphore, #tpu.memory_space<semaphore_mem>>) src(%dma_wait3A_177 : memref<40000x128xf32, #tpu.memory_space<hbm>>) dst(%arg9 : memref<128x128xf32, #tpu.memory_space<vmem>>)
      %add3A_178 = arith.constant 40 : i32
      %add3A_179 = arith.addi %add3A_178, %add3A_171 : i32
      "tpu.region"() ({
        %run_scoped3A = tpu.sem_alloc : memref<!tpu.dma_semaphore, #tpu.memory_space<semaphore_mem>>
        %dma_start3A_185 = arith.constant 0 : i32
        %dma_start3A_186 = tpu.memref_slice %arg7[%add3A_179, %dma_start3A_185] : memref<80x128xi32, #tpu.memory_space<vmem>> -> memref<1x128xi32, #tpu.memory_space<vmem>>
        %dma_start3A_187 = tpu.memref_squeeze %dma_start3A_186 : memref<1x128xi32, #tpu.memory_space<vmem>> -> memref<128xi32, #tpu.memory_space<vmem>>
        %dma_start3A_188 = arith.constant 0 : i32
        %dma_start3A_189 = arith.constant 0 : i32
        %dma_start3A_190 = tpu.memref_slice %arg10[%dma_start3A_188, %dma_start3A_189] : memref<10016x128xf32, #tpu.memory_space<vmem_shared>> -> memref<10016x128xf32, #tpu.memory_space<vmem_shared>>
        tpu.enqueue_indirect_dma source(%arg9 : memref<128x128xf32, #tpu.memory_space<vmem>>) target(%dma_start3A_190 : memref<10016x128xf32, #tpu.memory_space<vmem_shared>>) offsets(%dma_start3A_187 : memref<128xi32, #tpu.memory_space<vmem>>) semaphore(%run_scoped3A : memref<!tpu.dma_semaphore, #tpu.memory_space<semaphore_mem>>) {add = true}
        %dma_wait3A_191 = arith.constant 0 : i32
        %dma_wait3A_192 = tpu.memref_slice %arg7[%add3A_179, %dma_wait3A_191] : memref<80x128xi32, #tpu.memory_space<vmem>> -> memref<1x128xi32, #tpu.memory_space<vmem>>
        %dma_wait3A_193 = tpu.memref_squeeze %dma_wait3A_192 : memref<1x128xi32, #tpu.memory_space<vmem>> -> memref<128xi32, #tpu.memory_space<vmem>>
        %dma_wait3A_194 = arith.constant 0 : i32
        %dma_wait3A_195 = arith.constant 0 : i32
        %dma_wait3A_196 = tpu.memref_slice %arg10[%dma_wait3A_194, %dma_wait3A_195] : memref<10016x128xf32, #tpu.memory_space<vmem_shared>> -> memref<10016x128xf32, #tpu.memory_space<vmem_shared>>
        tpu.wait_indirect_dma semaphore(%run_scoped3A : memref<!tpu.dma_semaphore, #tpu.memory_space<semaphore_mem>>) src(%arg9 : memref<128x128xf32, #tpu.memory_space<vmem>>) dst(%dma_wait3A_196 : memref<10016x128xf32, #tpu.memory_space<vmem_shared>>)
        tpu.yield
      }) : () -> ()
      %lt3A_180 = arith.constant 19 : i32
      %lt3A_181 = arith.cmpi slt, %scan3A_152, %lt3A_180 : i32
      %convert_element_type3A_182 = arith.extui %lt3A_181 : i1 to i32
      %cond3A_183 = arith.constant 0 : i32
      %cond3A_184 = arith.cmpi ne, %convert_element_type3A_182, %cond3A_183 : i32
      scf.if %cond3A_184 {
        %add3A_185 = arith.constant 2 : i32
        %add3A_186 = arith.addi %add3A_171, %add3A_185 : i32
        %dma_start3A_187 = arith.constant 0 : i32
        %dma_start3A_188 = tpu.memref_slice %arg6[%add3A_186, %dma_start3A_187] : memref<40x128xi32, #tpu.memory_space<vmem>> -> memref<1x128xi32, #tpu.memory_space<vmem>>
        %dma_start3A_189 = tpu.memref_squeeze %dma_start3A_188 : memref<1x128xi32, #tpu.memory_space<vmem>> -> memref<128xi32, #tpu.memory_space<vmem>>
        %dma_start3A_190 = arith.constant 0 : i32
        %dma_start3A_191 = arith.constant 0 : i32
        %dma_start3A_192 = tpu.memref_slice %arg2[%dma_start3A_190, %dma_start3A_191] : memref<40000x128xf32, #tpu.memory_space<hbm>> -> memref<40000x128xf32, #tpu.memory_space<hbm>>
        tpu.enqueue_indirect_dma source(%dma_start3A_192 : memref<40000x128xf32, #tpu.memory_space<hbm>>) target(%arg9 : memref<128x128xf32, #tpu.memory_space<vmem>>) offsets(%dma_start3A_189 : memref<128xi32, #tpu.memory_space<vmem>>) semaphore(%arg12 : memref<!tpu.dma_semaphore, #tpu.memory_space<semaphore_mem>>)
      } else {
      }
    }
    %scan3A_62 = arith.constant 20 : i32
    %barrier3A_63 = arith.constant 0 : index
    tpu.barrier barrier_id(%barrier3A_63)
    %mul3A_64 = arith.constant 624 : i32
    %mul3A_65 = arith.muli %arg1, %mul3A_64 : i32
    "tpu.region"() ({
      %run_scoped3A = tpu.sem_alloc : memref<!tpu.dma_semaphore, #tpu.memory_space<semaphore_mem>>
      %dma_start3A_152 = arith.constant 0 : i32
      %dma_start3A_153 = tpu.memref_slice %arg5[%add3A_4, %dma_start3A_152] : memref<40000x128xf32, #tpu.memory_space<hbm>> -> memref<624x128xf32, #tpu.memory_space<hbm>>
      %dma_start3A_154 = arith.constant 0 : i32
      %dma_start3A_155 = tpu.memref_slice %arg10[%mul3A_65, %dma_start3A_154] : memref<10016x128xf32, #tpu.memory_space<vmem_shared>> -> memref<624x128xf32, #tpu.memory_space<vmem_shared>>
      tpu.enqueue_dma source(%dma_start3A_155 : memref<624x128xf32, #tpu.memory_space<vmem_shared>>) target(%dma_start3A_153 : memref<624x128xf32, #tpu.memory_space<hbm>>) target_semaphore(%run_scoped3A : memref<!tpu.dma_semaphore, #tpu.memory_space<semaphore_mem>>)
      %dma_wait3A = arith.constant 0 : i32
      %dma_wait3A_156 = tpu.memref_slice %arg5[%add3A_4, %dma_wait3A] : memref<40000x128xf32, #tpu.memory_space<hbm>> -> memref<624x128xf32, #tpu.memory_space<hbm>>
      %dma_wait3A_157 = arith.constant 0 : i32
      %dma_wait3A_158 = tpu.memref_slice %arg10[%mul3A_65, %dma_wait3A_157] : memref<10016x128xf32, #tpu.memory_space<vmem_shared>> -> memref<624x128xf32, #tpu.memory_space<vmem_shared>>
      tpu.wait_dma2 semaphore(%run_scoped3A : memref<!tpu.dma_semaphore, #tpu.memory_space<semaphore_mem>>) src(%dma_wait3A_158 : memref<624x128xf32, #tpu.memory_space<vmem_shared>>) dst(%dma_wait3A_156 : memref<624x128xf32, #tpu.memory_space<hbm>>)
      tpu.yield
    }) : () -> ()
    %eq3A_66 = arith.constant 15 : i32
    %eq3A_67 = arith.cmpi eq, %arg1, %eq3A_66 : i32
    %convert_element_type3A_68 = arith.extui %eq3A_67 : i1 to i32
    %cond3A_69 = arith.constant 0 : i32
    %cond3A_70 = arith.cmpi ne, %convert_element_type3A_68, %cond3A_69 : i32
    scf.if %cond3A_70 {
      %mul3A_152 = arith.constant 10000 : i32
      %mul3A_153 = arith.muli %add3A_0, %mul3A_152 : i32
      %add3A_154 = arith.constant 9984 : i32
      %add3A_155 = arith.addi %mul3A_153, %add3A_154 : i32
      "tpu.region"() ({
        %run_scoped3A = tpu.sem_alloc : memref<!tpu.dma_semaphore, #tpu.memory_space<semaphore_mem>>
        %dma_start3A_156 = arith.constant 0 : i32
        %dma_start3A_157 = tpu.memref_slice %arg5[%add3A_155, %dma_start3A_156] : memref<40000x128xf32, #tpu.memory_space<hbm>> -> memref<16x128xf32, #tpu.memory_space<hbm>>
        %dma_start3A_158 = arith.constant 9984 : i32
        %dma_start3A_159 = arith.constant 0 : i32
        %dma_start3A_160 = tpu.memref_slice %arg10[%dma_start3A_158, %dma_start3A_159] : memref<10016x128xf32, #tpu.memory_space<vmem_shared>> -> memref<16x128xf32, #tpu.memory_space<vmem_shared>>
        tpu.enqueue_dma source(%dma_start3A_160 : memref<16x128xf32, #tpu.memory_space<vmem_shared>>) target(%dma_start3A_157 : memref<16x128xf32, #tpu.memory_space<hbm>>) target_semaphore(%run_scoped3A : memref<!tpu.dma_semaphore, #tpu.memory_space<semaphore_mem>>)
        %dma_wait3A = arith.constant 0 : i32
        %dma_wait3A_161 = tpu.memref_slice %arg5[%add3A_155, %dma_wait3A] : memref<40000x128xf32, #tpu.memory_space<hbm>> -> memref<16x128xf32, #tpu.memory_space<hbm>>
        %dma_wait3A_162 = arith.constant 9984 : i32
        %dma_wait3A_163 = arith.constant 0 : i32
        %dma_wait3A_164 = tpu.memref_slice %arg10[%dma_wait3A_162, %dma_wait3A_163] : memref<10016x128xf32, #tpu.memory_space<vmem_shared>> -> memref<16x128xf32, #tpu.memory_space<vmem_shared>>
        tpu.wait_dma2 semaphore(%run_scoped3A : memref<!tpu.dma_semaphore, #tpu.memory_space<semaphore_mem>>) src(%dma_wait3A_164 : memref<16x128xf32, #tpu.memory_space<vmem_shared>>) dst(%dma_wait3A_161 : memref<16x128xf32, #tpu.memory_space<hbm>>)
        tpu.yield
      }) : () -> ()
    } else {
    }
    %barrier3A_71 = arith.constant 0 : index
    tpu.barrier barrier_id(%barrier3A_71)
    %add3A_72 = arith.constant 2 : i32
    %add3A_73 = arith.addi %add3A_72, %arg0 : i32
    %mul3A_74 = arith.constant 10000 : i32
    %mul3A_75 = arith.muli %add3A_73, %mul3A_74 : i32
    %mul3A_76 = arith.constant 624 : i32
    %mul3A_77 = arith.muli %arg1, %mul3A_76 : i32
    %add3A_78 = arith.addi %mul3A_75, %mul3A_77 : i32
    %mul3A_79 = arith.constant 624 : i32
    %mul3A_80 = arith.muli %arg1, %mul3A_79 : i32
    "tpu.region"() ({
      %run_scoped3A = tpu.sem_alloc : memref<!tpu.dma_semaphore, #tpu.memory_space<semaphore_mem>>
      %dma_start3A_152 = arith.constant 0 : i32
      %dma_start3A_153 = tpu.memref_slice %arg10[%mul3A_80, %dma_start3A_152] : memref<10016x128xf32, #tpu.memory_space<vmem_shared>> -> memref<624x128xf32, #tpu.memory_space<vmem_shared>>
      %dma_start3A_154 = arith.constant 0 : i32
      %dma_start3A_155 = tpu.memref_slice %arg2[%add3A_78, %dma_start3A_154] : memref<40000x128xf32, #tpu.memory_space<hbm>> -> memref<624x128xf32, #tpu.memory_space<hbm>>
      tpu.enqueue_dma source(%dma_start3A_155 : memref<624x128xf32, #tpu.memory_space<hbm>>) target(%dma_start3A_153 : memref<624x128xf32, #tpu.memory_space<vmem_shared>>) target_semaphore(%run_scoped3A : memref<!tpu.dma_semaphore, #tpu.memory_space<semaphore_mem>>)
      %dma_wait3A = arith.constant 0 : i32
      %dma_wait3A_156 = tpu.memref_slice %arg10[%mul3A_80, %dma_wait3A] : memref<10016x128xf32, #tpu.memory_space<vmem_shared>> -> memref<624x128xf32, #tpu.memory_space<vmem_shared>>
      %dma_wait3A_157 = arith.constant 0 : i32
      %dma_wait3A_158 = tpu.memref_slice %arg2[%add3A_78, %dma_wait3A_157] : memref<40000x128xf32, #tpu.memory_space<hbm>> -> memref<624x128xf32, #tpu.memory_space<hbm>>
      tpu.wait_dma2 semaphore(%run_scoped3A : memref<!tpu.dma_semaphore, #tpu.memory_space<semaphore_mem>>) src(%dma_wait3A_158 : memref<624x128xf32, #tpu.memory_space<hbm>>) dst(%dma_wait3A_156 : memref<624x128xf32, #tpu.memory_space<vmem_shared>>)
      tpu.yield
    }) : () -> ()
    %eq3A_81 = arith.constant 15 : i32
    %eq3A_82 = arith.cmpi eq, %arg1, %eq3A_81 : i32
    %convert_element_type3A_83 = arith.extui %eq3A_82 : i1 to i32
    %cond3A_84 = arith.constant 0 : i32
    %cond3A_85 = arith.cmpi ne, %convert_element_type3A_83, %cond3A_84 : i32
    scf.if %cond3A_85 {
      %mul3A_152 = arith.constant 10000 : i32
      %mul3A_153 = arith.muli %add3A_73, %mul3A_152 : i32
      %add3A_154 = arith.constant 9984 : i32
      %add3A_155 = arith.addi %mul3A_153, %add3A_154 : i32
      "tpu.region"() ({
        %run_scoped3A = tpu.sem_alloc : memref<!tpu.dma_semaphore, #tpu.memory_space<semaphore_mem>>
        %dma_start3A_156 = arith.constant 9984 : i32
        %dma_start3A_157 = arith.constant 0 : i32
        %dma_start3A_158 = tpu.memref_slice %arg10[%dma_start3A_156, %dma_start3A_157] : memref<10016x128xf32, #tpu.memory_space<vmem_shared>> -> memref<16x128xf32, #tpu.memory_space<vmem_shared>>
        %dma_start3A_159 = arith.constant 0 : i32
        %dma_start3A_160 = tpu.memref_slice %arg2[%add3A_155, %dma_start3A_159] : memref<40000x128xf32, #tpu.memory_space<hbm>> -> memref<16x128xf32, #tpu.memory_space<hbm>>
        tpu.enqueue_dma source(%dma_start3A_160 : memref<16x128xf32, #tpu.memory_space<hbm>>) target(%dma_start3A_158 : memref<16x128xf32, #tpu.memory_space<vmem_shared>>) target_semaphore(%run_scoped3A : memref<!tpu.dma_semaphore, #tpu.memory_space<semaphore_mem>>)
        %dma_wait3A = arith.constant 9984 : i32
        %dma_wait3A_161 = arith.constant 0 : i32
        %dma_wait3A_162 = tpu.memref_slice %arg10[%dma_wait3A, %dma_wait3A_161] : memref<10016x128xf32, #tpu.memory_space<vmem_shared>> -> memref<16x128xf32, #tpu.memory_space<vmem_shared>>
        %dma_wait3A_163 = arith.constant 0 : i32
        %dma_wait3A_164 = tpu.memref_slice %arg2[%add3A_155, %dma_wait3A_163] : memref<40000x128xf32, #tpu.memory_space<hbm>> -> memref<16x128xf32, #tpu.memory_space<hbm>>
        tpu.wait_dma2 semaphore(%run_scoped3A : memref<!tpu.dma_semaphore, #tpu.memory_space<semaphore_mem>>) src(%dma_wait3A_164 : memref<16x128xf32, #tpu.memory_space<hbm>>) dst(%dma_wait3A_162 : memref<16x128xf32, #tpu.memory_space<vmem_shared>>)
        tpu.yield
      }) : () -> ()
    } else {
    }
    %barrier3A_86 = arith.constant 0 : index
    tpu.barrier barrier_id(%barrier3A_86)
    %mul3A_87 = arith.constant 80 : i32
    %mul3A_88 = arith.muli %arg1, %mul3A_87 : i32
    "tpu.region"() ({
      %run_scoped3A = tpu.sem_alloc : memref<!tpu.dma_semaphore, #tpu.memory_space<semaphore_mem>>
      %dma_start3A_152 = arith.constant 0 : i32
      %dma_start3A_153 = tpu.memref_slice %arg4[%mul3A_88, %dma_start3A_152] : memref<1280x128xi32, #tpu.memory_space<hbm>> -> memref<80x128xi32, #tpu.memory_space<hbm>>
      %dma_start3A_154 = arith.constant 0 : i32
      %dma_start3A_155 = tpu.memref_slice %arg4[%mul3A_88, %dma_start3A_154] : memref<1280x128xi32, #tpu.memory_space<hbm>> -> memref<80x128xi32, #tpu.memory_space<hbm>>
      tpu.enqueue_dma source(%dma_start3A_155 : memref<80x128xi32, #tpu.memory_space<hbm>>) target(%arg7 : memref<80x128xi32, #tpu.memory_space<vmem>>) target_semaphore(%run_scoped3A : memref<!tpu.dma_semaphore, #tpu.memory_space<semaphore_mem>>)
      %dma_wait3A = arith.constant 0 : i32
      %dma_wait3A_156 = tpu.memref_slice %arg4[%mul3A_88, %dma_wait3A] : memref<1280x128xi32, #tpu.memory_space<hbm>> -> memref<80x128xi32, #tpu.memory_space<hbm>>
      %dma_wait3A_157 = arith.constant 0 : i32
      %dma_wait3A_158 = tpu.memref_slice %arg4[%mul3A_88, %dma_wait3A_157] : memref<1280x128xi32, #tpu.memory_space<hbm>> -> memref<80x128xi32, #tpu.memory_space<hbm>>
      tpu.wait_dma2 semaphore(%run_scoped3A : memref<!tpu.dma_semaphore, #tpu.memory_space<semaphore_mem>>) src(%dma_wait3A_158 : memref<80x128xi32, #tpu.memory_space<hbm>>) dst(%arg7 : memref<80x128xi32, #tpu.memory_space<vmem>>)
      tpu.yield
    }) : () -> ()
    %mul3A_89 = arith.constant 16 : i32
    %mul3A_90 = arith.muli %add3A_73, %mul3A_89 : i32
    %add3A_91 = arith.addi %mul3A_90, %arg1 : i32
    %mul3A_92 = arith.constant 80 : i32
    %mul3A_93 = arith.muli %add3A_91, %mul3A_92 : i32
    %add3A_94 = arith.constant 0 : i32
    %add3A_95 = arith.addi %mul3A_93, %add3A_94 : i32
    "tpu.region"() ({
      %run_scoped3A = tpu.sem_alloc : memref<!tpu.dma_semaphore, #tpu.memory_space<semaphore_mem>>
      %dma_start3A_152 = arith.constant 0 : i32
      %dma_start3A_153 = tpu.memref_slice %arg3[%add3A_95, %dma_start3A_152] : memref<5120x128xi32, #tpu.memory_space<hbm>> -> memref<40x128xi32, #tpu.memory_space<hbm>>
      %dma_start3A_154 = arith.constant 0 : i32
      %dma_start3A_155 = tpu.memref_slice %arg3[%add3A_95, %dma_start3A_154] : memref<5120x128xi32, #tpu.memory_space<hbm>> -> memref<40x128xi32, #tpu.memory_space<hbm>>
      tpu.enqueue_dma source(%dma_start3A_155 : memref<40x128xi32, #tpu.memory_space<hbm>>) target(%arg6 : memref<40x128xi32, #tpu.memory_space<vmem>>) target_semaphore(%run_scoped3A : memref<!tpu.dma_semaphore, #tpu.memory_space<semaphore_mem>>)
      %dma_wait3A = arith.constant 0 : i32
      %dma_wait3A_156 = tpu.memref_slice %arg3[%add3A_95, %dma_wait3A] : memref<5120x128xi32, #tpu.memory_space<hbm>> -> memref<40x128xi32, #tpu.memory_space<hbm>>
      %dma_wait3A_157 = arith.constant 0 : i32
      %dma_wait3A_158 = tpu.memref_slice %arg3[%add3A_95, %dma_wait3A_157] : memref<5120x128xi32, #tpu.memory_space<hbm>> -> memref<40x128xi32, #tpu.memory_space<hbm>>
      tpu.wait_dma2 semaphore(%run_scoped3A : memref<!tpu.dma_semaphore, #tpu.memory_space<semaphore_mem>>) src(%dma_wait3A_158 : memref<40x128xi32, #tpu.memory_space<hbm>>) dst(%arg6 : memref<40x128xi32, #tpu.memory_space<vmem>>)
      tpu.yield
    }) : () -> ()
    %dma_start3A_96 = arith.constant 0 : i32
    %dma_start3A_97 = arith.constant 0 : i32
    %dma_start3A_98 = tpu.memref_slice %arg6[%dma_start3A_96, %dma_start3A_97] : memref<40x128xi32, #tpu.memory_space<vmem>> -> memref<1x128xi32, #tpu.memory_space<vmem>>
    %dma_start3A_99 = tpu.memref_squeeze %dma_start3A_98 : memref<1x128xi32, #tpu.memory_space<vmem>> -> memref<128xi32, #tpu.memory_space<vmem>>
    %dma_start3A_100 = arith.constant 0 : i32
    %dma_start3A_101 = arith.constant 0 : i32
    %dma_start3A_102 = tpu.memref_slice %arg2[%dma_start3A_100, %dma_start3A_101] : memref<40000x128xf32, #tpu.memory_space<hbm>> -> memref<40000x128xf32, #tpu.memory_space<hbm>>
    tpu.enqueue_indirect_dma source(%dma_start3A_102 : memref<40000x128xf32, #tpu.memory_space<hbm>>) target(%arg8 : memref<128x128xf32, #tpu.memory_space<vmem>>) offsets(%dma_start3A_99 : memref<128xi32, #tpu.memory_space<vmem>>) semaphore(%arg11 : memref<!tpu.dma_semaphore, #tpu.memory_space<semaphore_mem>>)
    %dma_start3A_103 = arith.constant 1 : i32
    %dma_start3A_104 = arith.constant 0 : i32
    %dma_start3A_105 = tpu.memref_slice %arg6[%dma_start3A_103, %dma_start3A_104] : memref<40x128xi32, #tpu.memory_space<vmem>> -> memref<1x128xi32, #tpu.memory_space<vmem>>
    %dma_start3A_106 = tpu.memref_squeeze %dma_start3A_105 : memref<1x128xi32, #tpu.memory_space<vmem>> -> memref<128xi32, #tpu.memory_space<vmem>>
    %dma_start3A_107 = arith.constant 0 : i32
    %dma_start3A_108 = arith.constant 0 : i32
    %dma_start3A_109 = tpu.memref_slice %arg2[%dma_start3A_107, %dma_start3A_108] : memref<40000x128xf32, #tpu.memory_space<hbm>> -> memref<40000x128xf32, #tpu.memory_space<hbm>>
    tpu.enqueue_indirect_dma source(%dma_start3A_109 : memref<40000x128xf32, #tpu.memory_space<hbm>>) target(%arg9 : memref<128x128xf32, #tpu.memory_space<vmem>>) offsets(%dma_start3A_106 : memref<128xi32, #tpu.memory_space<vmem>>) semaphore(%arg12 : memref<!tpu.dma_semaphore, #tpu.memory_space<semaphore_mem>>)
    %scan3A_110 = arith.constant 0 : i32
    %scan3A_111 = arith.constant 0 : i32
    %scan3A_112 = arith.constant 20 : i32
    %scan3A_113 = arith.addi %scan3A_111, %scan3A_112 : i32
    %scan3A_114 = arith.constant 1 : i32
    scf.for %scan3A_152 = %scan3A_111 to %scan3A_113 step %scan3A_114  : i32 {
      %mul3A_153 = arith.constant 2 : i32
      %mul3A_154 = arith.muli %scan3A_152, %mul3A_153 : i32
      %add3A_155 = arith.constant 0 : i32
      %add3A_156 = arith.addi %mul3A_154, %add3A_155 : i32
      %dma_wait3A = arith.constant 0 : i32
      %dma_wait3A_157 = tpu.memref_slice %arg6[%add3A_156, %dma_wait3A] : memref<40x128xi32, #tpu.memory_space<vmem>> -> memref<1x128xi32, #tpu.memory_space<vmem>>
      %dma_wait3A_158 = tpu.memref_squeeze %dma_wait3A_157 : memref<1x128xi32, #tpu.memory_space<vmem>> -> memref<128xi32, #tpu.memory_space<vmem>>
      %dma_wait3A_159 = arith.constant 0 : i32
      %dma_wait3A_160 = arith.constant 0 : i32
      %dma_wait3A_161 = tpu.memref_slice %arg2[%dma_wait3A_159, %dma_wait3A_160] : memref<40000x128xf32, #tpu.memory_space<hbm>> -> memref<40000x128xf32, #tpu.memory_space<hbm>>
      tpu.wait_indirect_dma semaphore(%arg11 : memref<!tpu.dma_semaphore, #tpu.memory_space<semaphore_mem>>) src(%dma_wait3A_161 : memref<40000x128xf32, #tpu.memory_space<hbm>>) dst(%arg8 : memref<128x128xf32, #tpu.memory_space<vmem>>)
      %add3A_162 = arith.constant 0 : i32
      %add3A_163 = arith.addi %add3A_162, %add3A_156 : i32
      "tpu.region"() ({
        %run_scoped3A = tpu.sem_alloc : memref<!tpu.dma_semaphore, #tpu.memory_space<semaphore_mem>>
        %dma_start3A_185 = arith.constant 0 : i32
        %dma_start3A_186 = tpu.memref_slice %arg7[%add3A_163, %dma_start3A_185] : memref<80x128xi32, #tpu.memory_space<vmem>> -> memref<1x128xi32, #tpu.memory_space<vmem>>
        %dma_start3A_187 = tpu.memref_squeeze %dma_start3A_186 : memref<1x128xi32, #tpu.memory_space<vmem>> -> memref<128xi32, #tpu.memory_space<vmem>>
        %dma_start3A_188 = arith.constant 0 : i32
        %dma_start3A_189 = arith.constant 0 : i32
        %dma_start3A_190 = tpu.memref_slice %arg10[%dma_start3A_188, %dma_start3A_189] : memref<10016x128xf32, #tpu.memory_space<vmem_shared>> -> memref<10016x128xf32, #tpu.memory_space<vmem_shared>>
        tpu.enqueue_indirect_dma source(%arg8 : memref<128x128xf32, #tpu.memory_space<vmem>>) target(%dma_start3A_190 : memref<10016x128xf32, #tpu.memory_space<vmem_shared>>) offsets(%dma_start3A_187 : memref<128xi32, #tpu.memory_space<vmem>>) semaphore(%run_scoped3A : memref<!tpu.dma_semaphore, #tpu.memory_space<semaphore_mem>>) {add = true}
        %dma_wait3A_191 = arith.constant 0 : i32
        %dma_wait3A_192 = tpu.memref_slice %arg7[%add3A_163, %dma_wait3A_191] : memref<80x128xi32, #tpu.memory_space<vmem>> -> memref<1x128xi32, #tpu.memory_space<vmem>>
        %dma_wait3A_193 = tpu.memref_squeeze %dma_wait3A_192 : memref<1x128xi32, #tpu.memory_space<vmem>> -> memref<128xi32, #tpu.memory_space<vmem>>
        %dma_wait3A_194 = arith.constant 0 : i32
        %dma_wait3A_195 = arith.constant 0 : i32
        %dma_wait3A_196 = tpu.memref_slice %arg10[%dma_wait3A_194, %dma_wait3A_195] : memref<10016x128xf32, #tpu.memory_space<vmem_shared>> -> memref<10016x128xf32, #tpu.memory_space<vmem_shared>>
        tpu.wait_indirect_dma semaphore(%run_scoped3A : memref<!tpu.dma_semaphore, #tpu.memory_space<semaphore_mem>>) src(%arg8 : memref<128x128xf32, #tpu.memory_space<vmem>>) dst(%dma_wait3A_196 : memref<10016x128xf32, #tpu.memory_space<vmem_shared>>)
        tpu.yield
      }) : () -> ()
      %lt3A = arith.constant 19 : i32
      %lt3A_164 = arith.cmpi slt, %scan3A_152, %lt3A : i32
      %convert_element_type3A_165 = arith.extui %lt3A_164 : i1 to i32
      %cond3A_166 = arith.constant 0 : i32
      %cond3A_167 = arith.cmpi ne, %convert_element_type3A_165, %cond3A_166 : i32
      scf.if %cond3A_167 {
        %add3A_185 = arith.constant 2 : i32
        %add3A_186 = arith.addi %add3A_156, %add3A_185 : i32
        %dma_start3A_187 = arith.constant 0 : i32
        %dma_start3A_188 = tpu.memref_slice %arg6[%add3A_186, %dma_start3A_187] : memref<40x128xi32, #tpu.memory_space<vmem>> -> memref<1x128xi32, #tpu.memory_space<vmem>>
        %dma_start3A_189 = tpu.memref_squeeze %dma_start3A_188 : memref<1x128xi32, #tpu.memory_space<vmem>> -> memref<128xi32, #tpu.memory_space<vmem>>
        %dma_start3A_190 = arith.constant 0 : i32
        %dma_start3A_191 = arith.constant 0 : i32
        %dma_start3A_192 = tpu.memref_slice %arg2[%dma_start3A_190, %dma_start3A_191] : memref<40000x128xf32, #tpu.memory_space<hbm>> -> memref<40000x128xf32, #tpu.memory_space<hbm>>
        tpu.enqueue_indirect_dma source(%dma_start3A_192 : memref<40000x128xf32, #tpu.memory_space<hbm>>) target(%arg8 : memref<128x128xf32, #tpu.memory_space<vmem>>) offsets(%dma_start3A_189 : memref<128xi32, #tpu.memory_space<vmem>>) semaphore(%arg11 : memref<!tpu.dma_semaphore, #tpu.memory_space<semaphore_mem>>)
      } else {
      }
      %mul3A_168 = arith.constant 2 : i32
      %mul3A_169 = arith.muli %scan3A_152, %mul3A_168 : i32
      %add3A_170 = arith.constant 1 : i32
      %add3A_171 = arith.addi %mul3A_169, %add3A_170 : i32
      %dma_wait3A_172 = arith.constant 0 : i32
      %dma_wait3A_173 = tpu.memref_slice %arg6[%add3A_171, %dma_wait3A_172] : memref<40x128xi32, #tpu.memory_space<vmem>> -> memref<1x128xi32, #tpu.memory_space<vmem>>
      %dma_wait3A_174 = tpu.memref_squeeze %dma_wait3A_173 : memref<1x128xi32, #tpu.memory_space<vmem>> -> memref<128xi32, #tpu.memory_space<vmem>>
      %dma_wait3A_175 = arith.constant 0 : i32
      %dma_wait3A_176 = arith.constant 0 : i32
      %dma_wait3A_177 = tpu.memref_slice %arg2[%dma_wait3A_175, %dma_wait3A_176] : memref<40000x128xf32, #tpu.memory_space<hbm>> -> memref<40000x128xf32, #tpu.memory_space<hbm>>
      tpu.wait_indirect_dma semaphore(%arg12 : memref<!tpu.dma_semaphore, #tpu.memory_space<semaphore_mem>>) src(%dma_wait3A_177 : memref<40000x128xf32, #tpu.memory_space<hbm>>) dst(%arg9 : memref<128x128xf32, #tpu.memory_space<vmem>>)
      %add3A_178 = arith.constant 0 : i32
      %add3A_179 = arith.addi %add3A_178, %add3A_171 : i32
      "tpu.region"() ({
        %run_scoped3A = tpu.sem_alloc : memref<!tpu.dma_semaphore, #tpu.memory_space<semaphore_mem>>
        %dma_start3A_185 = arith.constant 0 : i32
        %dma_start3A_186 = tpu.memref_slice %arg7[%add3A_179, %dma_start3A_185] : memref<80x128xi32, #tpu.memory_space<vmem>> -> memref<1x128xi32, #tpu.memory_space<vmem>>
        %dma_start3A_187 = tpu.memref_squeeze %dma_start3A_186 : memref<1x128xi32, #tpu.memory_space<vmem>> -> memref<128xi32, #tpu.memory_space<vmem>>
        %dma_start3A_188 = arith.constant 0 : i32
        %dma_start3A_189 = arith.constant 0 : i32
        %dma_start3A_190 = tpu.memref_slice %arg10[%dma_start3A_188, %dma_start3A_189] : memref<10016x128xf32, #tpu.memory_space<vmem_shared>> -> memref<10016x128xf32, #tpu.memory_space<vmem_shared>>
        tpu.enqueue_indirect_dma source(%arg9 : memref<128x128xf32, #tpu.memory_space<vmem>>) target(%dma_start3A_190 : memref<10016x128xf32, #tpu.memory_space<vmem_shared>>) offsets(%dma_start3A_187 : memref<128xi32, #tpu.memory_space<vmem>>) semaphore(%run_scoped3A : memref<!tpu.dma_semaphore, #tpu.memory_space<semaphore_mem>>) {add = true}
        %dma_wait3A_191 = arith.constant 0 : i32
        %dma_wait3A_192 = tpu.memref_slice %arg7[%add3A_179, %dma_wait3A_191] : memref<80x128xi32, #tpu.memory_space<vmem>> -> memref<1x128xi32, #tpu.memory_space<vmem>>
        %dma_wait3A_193 = tpu.memref_squeeze %dma_wait3A_192 : memref<1x128xi32, #tpu.memory_space<vmem>> -> memref<128xi32, #tpu.memory_space<vmem>>
        %dma_wait3A_194 = arith.constant 0 : i32
        %dma_wait3A_195 = arith.constant 0 : i32
        %dma_wait3A_196 = tpu.memref_slice %arg10[%dma_wait3A_194, %dma_wait3A_195] : memref<10016x128xf32, #tpu.memory_space<vmem_shared>> -> memref<10016x128xf32, #tpu.memory_space<vmem_shared>>
        tpu.wait_indirect_dma semaphore(%run_scoped3A : memref<!tpu.dma_semaphore, #tpu.memory_space<semaphore_mem>>) src(%arg9 : memref<128x128xf32, #tpu.memory_space<vmem>>) dst(%dma_wait3A_196 : memref<10016x128xf32, #tpu.memory_space<vmem_shared>>)
        tpu.yield
      }) : () -> ()
      %lt3A_180 = arith.constant 19 : i32
      %lt3A_181 = arith.cmpi slt, %scan3A_152, %lt3A_180 : i32
      %convert_element_type3A_182 = arith.extui %lt3A_181 : i1 to i32
      %cond3A_183 = arith.constant 0 : i32
      %cond3A_184 = arith.cmpi ne, %convert_element_type3A_182, %cond3A_183 : i32
      scf.if %cond3A_184 {
        %add3A_185 = arith.constant 2 : i32
        %add3A_186 = arith.addi %add3A_171, %add3A_185 : i32
        %dma_start3A_187 = arith.constant 0 : i32
        %dma_start3A_188 = tpu.memref_slice %arg6[%add3A_186, %dma_start3A_187] : memref<40x128xi32, #tpu.memory_space<vmem>> -> memref<1x128xi32, #tpu.memory_space<vmem>>
        %dma_start3A_189 = tpu.memref_squeeze %dma_start3A_188 : memref<1x128xi32, #tpu.memory_space<vmem>> -> memref<128xi32, #tpu.memory_space<vmem>>
        %dma_start3A_190 = arith.constant 0 : i32
        %dma_start3A_191 = arith.constant 0 : i32
        %dma_start3A_192 = tpu.memref_slice %arg2[%dma_start3A_190, %dma_start3A_191] : memref<40000x128xf32, #tpu.memory_space<hbm>> -> memref<40000x128xf32, #tpu.memory_space<hbm>>
        tpu.enqueue_indirect_dma source(%dma_start3A_192 : memref<40000x128xf32, #tpu.memory_space<hbm>>) target(%arg9 : memref<128x128xf32, #tpu.memory_space<vmem>>) offsets(%dma_start3A_189 : memref<128xi32, #tpu.memory_space<vmem>>) semaphore(%arg12 : memref<!tpu.dma_semaphore, #tpu.memory_space<semaphore_mem>>)
      } else {
      }
    }
    %scan3A_115 = arith.constant 20 : i32
    %mul3A_116 = arith.constant 16 : i32
    %mul3A_117 = arith.muli %add3A_73, %mul3A_116 : i32
    %add3A_118 = arith.addi %mul3A_117, %arg1 : i32
    %mul3A_119 = arith.constant 80 : i32
    %mul3A_120 = arith.muli %add3A_118, %mul3A_119 : i32
    %add3A_121 = arith.constant 40 : i32
    %add3A_122 = arith.addi %mul3A_120, %add3A_121 : i32
    "tpu.region"() ({
      %run_scoped3A = tpu.sem_alloc : memref<!tpu.dma_semaphore, #tpu.memory_space<semaphore_mem>>
      %dma_start3A_152 = arith.constant 0 : i32
      %dma_start3A_153 = tpu.memref_slice %arg3[%add3A_122, %dma_start3A_152] : memref<5120x128xi32, #tpu.memory_space<hbm>> -> memref<40x128xi32, #tpu.memory_space<hbm>>
      %dma_start3A_154 = arith.constant 0 : i32
      %dma_start3A_155 = tpu.memref_slice %arg3[%add3A_122, %dma_start3A_154] : memref<5120x128xi32, #tpu.memory_space<hbm>> -> memref<40x128xi32, #tpu.memory_space<hbm>>
      tpu.enqueue_dma source(%dma_start3A_155 : memref<40x128xi32, #tpu.memory_space<hbm>>) target(%arg6 : memref<40x128xi32, #tpu.memory_space<vmem>>) target_semaphore(%run_scoped3A : memref<!tpu.dma_semaphore, #tpu.memory_space<semaphore_mem>>)
      %dma_wait3A = arith.constant 0 : i32
      %dma_wait3A_156 = tpu.memref_slice %arg3[%add3A_122, %dma_wait3A] : memref<5120x128xi32, #tpu.memory_space<hbm>> -> memref<40x128xi32, #tpu.memory_space<hbm>>
      %dma_wait3A_157 = arith.constant 0 : i32
      %dma_wait3A_158 = tpu.memref_slice %arg3[%add3A_122, %dma_wait3A_157] : memref<5120x128xi32, #tpu.memory_space<hbm>> -> memref<40x128xi32, #tpu.memory_space<hbm>>
      tpu.wait_dma2 semaphore(%run_scoped3A : memref<!tpu.dma_semaphore, #tpu.memory_space<semaphore_mem>>) src(%dma_wait3A_158 : memref<40x128xi32, #tpu.memory_space<hbm>>) dst(%arg6 : memref<40x128xi32, #tpu.memory_space<vmem>>)
      tpu.yield
    }) : () -> ()
    %dma_start3A_123 = arith.constant 0 : i32
    %dma_start3A_124 = arith.constant 0 : i32
    %dma_start3A_125 = tpu.memref_slice %arg6[%dma_start3A_123, %dma_start3A_124] : memref<40x128xi32, #tpu.memory_space<vmem>> -> memref<1x128xi32, #tpu.memory_space<vmem>>
    %dma_start3A_126 = tpu.memref_squeeze %dma_start3A_125 : memref<1x128xi32, #tpu.memory_space<vmem>> -> memref<128xi32, #tpu.memory_space<vmem>>
    %dma_start3A_127 = arith.constant 0 : i32
    %dma_start3A_128 = arith.constant 0 : i32
    %dma_start3A_129 = tpu.memref_slice %arg2[%dma_start3A_127, %dma_start3A_128] : memref<40000x128xf32, #tpu.memory_space<hbm>> -> memref<40000x128xf32, #tpu.memory_space<hbm>>
    tpu.enqueue_indirect_dma source(%dma_start3A_129 : memref<40000x128xf32, #tpu.memory_space<hbm>>) target(%arg8 : memref<128x128xf32, #tpu.memory_space<vmem>>) offsets(%dma_start3A_126 : memref<128xi32, #tpu.memory_space<vmem>>) semaphore(%arg11 : memref<!tpu.dma_semaphore, #tpu.memory_space<semaphore_mem>>)
    %dma_start3A_130 = arith.constant 1 : i32
    %dma_start3A_131 = arith.constant 0 : i32
    %dma_start3A_132 = tpu.memref_slice %arg6[%dma_start3A_130, %dma_start3A_131] : memref<40x128xi32, #tpu.memory_space<vmem>> -> memref<1x128xi32, #tpu.memory_space<vmem>>
    %dma_start3A_133 = tpu.memref_squeeze %dma_start3A_132 : memref<1x128xi32, #tpu.memory_space<vmem>> -> memref<128xi32, #tpu.memory_space<vmem>>
    %dma_start3A_134 = arith.constant 0 : i32
    %dma_start3A_135 = arith.constant 0 : i32
    %dma_start3A_136 = tpu.memref_slice %arg2[%dma_start3A_134, %dma_start3A_135] : memref<40000x128xf32, #tpu.memory_space<hbm>> -> memref<40000x128xf32, #tpu.memory_space<hbm>>
    tpu.enqueue_indirect_dma source(%dma_start3A_136 : memref<40000x128xf32, #tpu.memory_space<hbm>>) target(%arg9 : memref<128x128xf32, #tpu.memory_space<vmem>>) offsets(%dma_start3A_133 : memref<128xi32, #tpu.memory_space<vmem>>) semaphore(%arg12 : memref<!tpu.dma_semaphore, #tpu.memory_space<semaphore_mem>>)
    %scan3A_137 = arith.constant 0 : i32
    %scan3A_138 = arith.constant 0 : i32
    %scan3A_139 = arith.constant 20 : i32
    %scan3A_140 = arith.addi %scan3A_138, %scan3A_139 : i32
    %scan3A_141 = arith.constant 1 : i32
    scf.for %scan3A_152 = %scan3A_138 to %scan3A_140 step %scan3A_141  : i32 {
      %mul3A_153 = arith.constant 2 : i32
      %mul3A_154 = arith.muli %scan3A_152, %mul3A_153 : i32
      %add3A_155 = arith.constant 0 : i32
      %add3A_156 = arith.addi %mul3A_154, %add3A_155 : i32
      %dma_wait3A = arith.constant 0 : i32
      %dma_wait3A_157 = tpu.memref_slice %arg6[%add3A_156, %dma_wait3A] : memref<40x128xi32, #tpu.memory_space<vmem>> -> memref<1x128xi32, #tpu.memory_space<vmem>>
      %dma_wait3A_158 = tpu.memref_squeeze %dma_wait3A_157 : memref<1x128xi32, #tpu.memory_space<vmem>> -> memref<128xi32, #tpu.memory_space<vmem>>
      %dma_wait3A_159 = arith.constant 0 : i32
      %dma_wait3A_160 = arith.constant 0 : i32
      %dma_wait3A_161 = tpu.memref_slice %arg2[%dma_wait3A_159, %dma_wait3A_160] : memref<40000x128xf32, #tpu.memory_space<hbm>> -> memref<40000x128xf32, #tpu.memory_space<hbm>>
      tpu.wait_indirect_dma semaphore(%arg11 : memref<!tpu.dma_semaphore, #tpu.memory_space<semaphore_mem>>) src(%dma_wait3A_161 : memref<40000x128xf32, #tpu.memory_space<hbm>>) dst(%arg8 : memref<128x128xf32, #tpu.memory_space<vmem>>)
      %add3A_162 = arith.constant 40 : i32
      %add3A_163 = arith.addi %add3A_162, %add3A_156 : i32
      "tpu.region"() ({
        %run_scoped3A = tpu.sem_alloc : memref<!tpu.dma_semaphore, #tpu.memory_space<semaphore_mem>>
        %dma_start3A_185 = arith.constant 0 : i32
        %dma_start3A_186 = tpu.memref_slice %arg7[%add3A_163, %dma_start3A_185] : memref<80x128xi32, #tpu.memory_space<vmem>> -> memref<1x128xi32, #tpu.memory_space<vmem>>
        %dma_start3A_187 = tpu.memref_squeeze %dma_start3A_186 : memref<1x128xi32, #tpu.memory_space<vmem>> -> memref<128xi32, #tpu.memory_space<vmem>>
        %dma_start3A_188 = arith.constant 0 : i32
        %dma_start3A_189 = arith.constant 0 : i32
        %dma_start3A_190 = tpu.memref_slice %arg10[%dma_start3A_188, %dma_start3A_189] : memref<10016x128xf32, #tpu.memory_space<vmem_shared>> -> memref<10016x128xf32, #tpu.memory_space<vmem_shared>>
        tpu.enqueue_indirect_dma source(%arg8 : memref<128x128xf32, #tpu.memory_space<vmem>>) target(%dma_start3A_190 : memref<10016x128xf32, #tpu.memory_space<vmem_shared>>) offsets(%dma_start3A_187 : memref<128xi32, #tpu.memory_space<vmem>>) semaphore(%run_scoped3A : memref<!tpu.dma_semaphore, #tpu.memory_space<semaphore_mem>>) {add = true}
        %dma_wait3A_191 = arith.constant 0 : i32
        %dma_wait3A_192 = tpu.memref_slice %arg7[%add3A_163, %dma_wait3A_191] : memref<80x128xi32, #tpu.memory_space<vmem>> -> memref<1x128xi32, #tpu.memory_space<vmem>>
        %dma_wait3A_193 = tpu.memref_squeeze %dma_wait3A_192 : memref<1x128xi32, #tpu.memory_space<vmem>> -> memref<128xi32, #tpu.memory_space<vmem>>
        %dma_wait3A_194 = arith.constant 0 : i32
        %dma_wait3A_195 = arith.constant 0 : i32
        %dma_wait3A_196 = tpu.memref_slice %arg10[%dma_wait3A_194, %dma_wait3A_195] : memref<10016x128xf32, #tpu.memory_space<vmem_shared>> -> memref<10016x128xf32, #tpu.memory_space<vmem_shared>>
        tpu.wait_indirect_dma semaphore(%run_scoped3A : memref<!tpu.dma_semaphore, #tpu.memory_space<semaphore_mem>>) src(%arg8 : memref<128x128xf32, #tpu.memory_space<vmem>>) dst(%dma_wait3A_196 : memref<10016x128xf32, #tpu.memory_space<vmem_shared>>)
        tpu.yield
      }) : () -> ()
      %lt3A = arith.constant 19 : i32
      %lt3A_164 = arith.cmpi slt, %scan3A_152, %lt3A : i32
      %convert_element_type3A_165 = arith.extui %lt3A_164 : i1 to i32
      %cond3A_166 = arith.constant 0 : i32
      %cond3A_167 = arith.cmpi ne, %convert_element_type3A_165, %cond3A_166 : i32
      scf.if %cond3A_167 {
        %add3A_185 = arith.constant 2 : i32
        %add3A_186 = arith.addi %add3A_156, %add3A_185 : i32
        %dma_start3A_187 = arith.constant 0 : i32
        %dma_start3A_188 = tpu.memref_slice %arg6[%add3A_186, %dma_start3A_187] : memref<40x128xi32, #tpu.memory_space<vmem>> -> memref<1x128xi32, #tpu.memory_space<vmem>>
        %dma_start3A_189 = tpu.memref_squeeze %dma_start3A_188 : memref<1x128xi32, #tpu.memory_space<vmem>> -> memref<128xi32, #tpu.memory_space<vmem>>
        %dma_start3A_190 = arith.constant 0 : i32
        %dma_start3A_191 = arith.constant 0 : i32
        %dma_start3A_192 = tpu.memref_slice %arg2[%dma_start3A_190, %dma_start3A_191] : memref<40000x128xf32, #tpu.memory_space<hbm>> -> memref<40000x128xf32, #tpu.memory_space<hbm>>
        tpu.enqueue_indirect_dma source(%dma_start3A_192 : memref<40000x128xf32, #tpu.memory_space<hbm>>) target(%arg8 : memref<128x128xf32, #tpu.memory_space<vmem>>) offsets(%dma_start3A_189 : memref<128xi32, #tpu.memory_space<vmem>>) semaphore(%arg11 : memref<!tpu.dma_semaphore, #tpu.memory_space<semaphore_mem>>)
      } else {
      }
      %mul3A_168 = arith.constant 2 : i32
      %mul3A_169 = arith.muli %scan3A_152, %mul3A_168 : i32
      %add3A_170 = arith.constant 1 : i32
      %add3A_171 = arith.addi %mul3A_169, %add3A_170 : i32
      %dma_wait3A_172 = arith.constant 0 : i32
      %dma_wait3A_173 = tpu.memref_slice %arg6[%add3A_171, %dma_wait3A_172] : memref<40x128xi32, #tpu.memory_space<vmem>> -> memref<1x128xi32, #tpu.memory_space<vmem>>
      %dma_wait3A_174 = tpu.memref_squeeze %dma_wait3A_173 : memref<1x128xi32, #tpu.memory_space<vmem>> -> memref<128xi32, #tpu.memory_space<vmem>>
      %dma_wait3A_175 = arith.constant 0 : i32
      %dma_wait3A_176 = arith.constant 0 : i32
      %dma_wait3A_177 = tpu.memref_slice %arg2[%dma_wait3A_175, %dma_wait3A_176] : memref<40000x128xf32, #tpu.memory_space<hbm>> -> memref<40000x128xf32, #tpu.memory_space<hbm>>
      tpu.wait_indirect_dma semaphore(%arg12 : memref<!tpu.dma_semaphore, #tpu.memory_space<semaphore_mem>>) src(%dma_wait3A_177 : memref<40000x128xf32, #tpu.memory_space<hbm>>) dst(%arg9 : memref<128x128xf32, #tpu.memory_space<vmem>>)
      %add3A_178 = arith.constant 40 : i32
      %add3A_179 = arith.addi %add3A_178, %add3A_171 : i32
      "tpu.region"() ({
        %run_scoped3A = tpu.sem_alloc : memref<!tpu.dma_semaphore, #tpu.memory_space<semaphore_mem>>
        %dma_start3A_185 = arith.constant 0 : i32
        %dma_start3A_186 = tpu.memref_slice %arg7[%add3A_179, %dma_start3A_185] : memref<80x128xi32, #tpu.memory_space<vmem>> -> memref<1x128xi32, #tpu.memory_space<vmem>>
        %dma_start3A_187 = tpu.memref_squeeze %dma_start3A_186 : memref<1x128xi32, #tpu.memory_space<vmem>> -> memref<128xi32, #tpu.memory_space<vmem>>
        %dma_start3A_188 = arith.constant 0 : i32
        %dma_start3A_189 = arith.constant 0 : i32
        %dma_start3A_190 = tpu.memref_slice %arg10[%dma_start3A_188, %dma_start3A_189] : memref<10016x128xf32, #tpu.memory_space<vmem_shared>> -> memref<10016x128xf32, #tpu.memory_space<vmem_shared>>
        tpu.enqueue_indirect_dma source(%arg9 : memref<128x128xf32, #tpu.memory_space<vmem>>) target(%dma_start3A_190 : memref<10016x128xf32, #tpu.memory_space<vmem_shared>>) offsets(%dma_start3A_187 : memref<128xi32, #tpu.memory_space<vmem>>) semaphore(%run_scoped3A : memref<!tpu.dma_semaphore, #tpu.memory_space<semaphore_mem>>) {add = true}
        %dma_wait3A_191 = arith.constant 0 : i32
        %dma_wait3A_192 = tpu.memref_slice %arg7[%add3A_179, %dma_wait3A_191] : memref<80x128xi32, #tpu.memory_space<vmem>> -> memref<1x128xi32, #tpu.memory_space<vmem>>
        %dma_wait3A_193 = tpu.memref_squeeze %dma_wait3A_192 : memref<1x128xi32, #tpu.memory_space<vmem>> -> memref<128xi32, #tpu.memory_space<vmem>>
        %dma_wait3A_194 = arith.constant 0 : i32
        %dma_wait3A_195 = arith.constant 0 : i32
        %dma_wait3A_196 = tpu.memref_slice %arg10[%dma_wait3A_194, %dma_wait3A_195] : memref<10016x128xf32, #tpu.memory_space<vmem_shared>> -> memref<10016x128xf32, #tpu.memory_space<vmem_shared>>
        tpu.wait_indirect_dma semaphore(%run_scoped3A : memref<!tpu.dma_semaphore, #tpu.memory_space<semaphore_mem>>) src(%arg9 : memref<128x128xf32, #tpu.memory_space<vmem>>) dst(%dma_wait3A_196 : memref<10016x128xf32, #tpu.memory_space<vmem_shared>>)
        tpu.yield
      }) : () -> ()
      %lt3A_180 = arith.constant 19 : i32
      %lt3A_181 = arith.cmpi slt, %scan3A_152, %lt3A_180 : i32
      %convert_element_type3A_182 = arith.extui %lt3A_181 : i1 to i32
      %cond3A_183 = arith.constant 0 : i32
      %cond3A_184 = arith.cmpi ne, %convert_element_type3A_182, %cond3A_183 : i32
      scf.if %cond3A_184 {
        %add3A_185 = arith.constant 2 : i32
        %add3A_186 = arith.addi %add3A_171, %add3A_185 : i32
        %dma_start3A_187 = arith.constant 0 : i32
        %dma_start3A_188 = tpu.memref_slice %arg6[%add3A_186, %dma_start3A_187] : memref<40x128xi32, #tpu.memory_space<vmem>> -> memref<1x128xi32, #tpu.memory_space<vmem>>
        %dma_start3A_189 = tpu.memref_squeeze %dma_start3A_188 : memref<1x128xi32, #tpu.memory_space<vmem>> -> memref<128xi32, #tpu.memory_space<vmem>>
        %dma_start3A_190 = arith.constant 0 : i32
        %dma_start3A_191 = arith.constant 0 : i32
        %dma_start3A_192 = tpu.memref_slice %arg2[%dma_start3A_190, %dma_start3A_191] : memref<40000x128xf32, #tpu.memory_space<hbm>> -> memref<40000x128xf32, #tpu.memory_space<hbm>>
        tpu.enqueue_indirect_dma source(%dma_start3A_192 : memref<40000x128xf32, #tpu.memory_space<hbm>>) target(%arg9 : memref<128x128xf32, #tpu.memory_space<vmem>>) offsets(%dma_start3A_189 : memref<128xi32, #tpu.memory_space<vmem>>) semaphore(%arg12 : memref<!tpu.dma_semaphore, #tpu.memory_space<semaphore_mem>>)
      } else {
      }
    }
    %scan3A_142 = arith.constant 20 : i32
    %barrier3A_143 = arith.constant 0 : index
    tpu.barrier barrier_id(%barrier3A_143)
    %mul3A_144 = arith.constant 624 : i32
    %mul3A_145 = arith.muli %arg1, %mul3A_144 : i32
    "tpu.region"() ({
      %run_scoped3A = tpu.sem_alloc : memref<!tpu.dma_semaphore, #tpu.memory_space<semaphore_mem>>
      %dma_start3A_152 = arith.constant 0 : i32
      %dma_start3A_153 = tpu.memref_slice %arg5[%add3A_78, %dma_start3A_152] : memref<40000x128xf32, #tpu.memory_space<hbm>> -> memref<624x128xf32, #tpu.memory_space<hbm>>
      %dma_start3A_154 = arith.constant 0 : i32
      %dma_start3A_155 = tpu.memref_slice %arg10[%mul3A_145, %dma_start3A_154] : memref<10016x128xf32, #tpu.memory_space<vmem_shared>> -> memref<624x128xf32, #tpu.memory_space<vmem_shared>>
      tpu.enqueue_dma source(%dma_start3A_155 : memref<624x128xf32, #tpu.memory_space<vmem_shared>>) target(%dma_start3A_153 : memref<624x128xf32, #tpu.memory_space<hbm>>) target_semaphore(%run_scoped3A : memref<!tpu.dma_semaphore, #tpu.memory_space<semaphore_mem>>)
      %dma_wait3A = arith.constant 0 : i32
      %dma_wait3A_156 = tpu.memref_slice %arg5[%add3A_78, %dma_wait3A] : memref<40000x128xf32, #tpu.memory_space<hbm>> -> memref<624x128xf32, #tpu.memory_space<hbm>>
      %dma_wait3A_157 = arith.constant 0 : i32
      %dma_wait3A_158 = tpu.memref_slice %arg10[%mul3A_145, %dma_wait3A_157] : memref<10016x128xf32, #tpu.memory_space<vmem_shared>> -> memref<624x128xf32, #tpu.memory_space<vmem_shared>>
      tpu.wait_dma2 semaphore(%run_scoped3A : memref<!tpu.dma_semaphore, #tpu.memory_space<semaphore_mem>>) src(%dma_wait3A_158 : memref<624x128xf32, #tpu.memory_space<vmem_shared>>) dst(%dma_wait3A_156 : memref<624x128xf32, #tpu.memory_space<hbm>>)
      tpu.yield
    }) : () -> ()
    %eq3A_146 = arith.constant 15 : i32
    %eq3A_147 = arith.cmpi eq, %arg1, %eq3A_146 : i32
    %convert_element_type3A_148 = arith.extui %eq3A_147 : i1 to i32
    %cond3A_149 = arith.constant 0 : i32
    %cond3A_150 = arith.cmpi ne, %convert_element_type3A_148, %cond3A_149 : i32
    scf.if %cond3A_150 {
      %mul3A_152 = arith.constant 10000 : i32
      %mul3A_153 = arith.muli %add3A_73, %mul3A_152 : i32
      %add3A_154 = arith.constant 9984 : i32
      %add3A_155 = arith.addi %mul3A_153, %add3A_154 : i32
      "tpu.region"() ({
        %run_scoped3A = tpu.sem_alloc : memref<!tpu.dma_semaphore, #tpu.memory_space<semaphore_mem>>
        %dma_start3A_156 = arith.constant 0 : i32
        %dma_start3A_157 = tpu.memref_slice %arg5[%add3A_155, %dma_start3A_156] : memref<40000x128xf32, #tpu.memory_space<hbm>> -> memref<16x128xf32, #tpu.memory_space<hbm>>
        %dma_start3A_158 = arith.constant 9984 : i32
        %dma_start3A_159 = arith.constant 0 : i32
        %dma_start3A_160 = tpu.memref_slice %arg10[%dma_start3A_158, %dma_start3A_159] : memref<10016x128xf32, #tpu.memory_space<vmem_shared>> -> memref<16x128xf32, #tpu.memory_space<vmem_shared>>
        tpu.enqueue_dma source(%dma_start3A_160 : memref<16x128xf32, #tpu.memory_space<vmem_shared>>) target(%dma_start3A_157 : memref<16x128xf32, #tpu.memory_space<hbm>>) target_semaphore(%run_scoped3A : memref<!tpu.dma_semaphore, #tpu.memory_space<semaphore_mem>>)
        %dma_wait3A = arith.constant 0 : i32
        %dma_wait3A_161 = tpu.memref_slice %arg5[%add3A_155, %dma_wait3A] : memref<40000x128xf32, #tpu.memory_space<hbm>> -> memref<16x128xf32, #tpu.memory_space<hbm>>
        %dma_wait3A_162 = arith.constant 9984 : i32
        %dma_wait3A_163 = arith.constant 0 : i32
        %dma_wait3A_164 = tpu.memref_slice %arg10[%dma_wait3A_162, %dma_wait3A_163] : memref<10016x128xf32, #tpu.memory_space<vmem_shared>> -> memref<16x128xf32, #tpu.memory_space<vmem_shared>>
        tpu.wait_dma2 semaphore(%run_scoped3A : memref<!tpu.dma_semaphore, #tpu.memory_space<semaphore_mem>>) src(%dma_wait3A_164 : memref<16x128xf32, #tpu.memory_space<vmem_shared>>) dst(%dma_wait3A_161 : memref<16x128xf32, #tpu.memory_space<hbm>>)
        tpu.yield
      }) : () -> ()
    } else {
    }
    %barrier3A_151 = arith.constant 0 : index
    tpu.barrier barrier_id(%barrier3A_151)
    return
  }
}

#map = affine_map<(d0, d1) -> (0, 0)>
module attributes {stable_mosaic.version = 14 : i64} {
  func.func @_sc_aggregate(%arg0: i32, %arg1: i32, %arg2: memref<40000x128xf32, #tpu.memory_space<hbm>>, %arg3: memref<5120x128xi32, #tpu.memory_space<hbm>>, %arg4: memref<1280x128xi32, #tpu.memory_space<hbm>>, %arg5: memref<40000x128xf32, #tpu.memory_space<hbm>>, %arg6: memref<40x128xi32, #tpu.memory_space<vmem>>, %arg7: memref<80x128xi32, #tpu.memory_space<vmem>>, %arg8: memref<128x128xf32, #tpu.memory_space<vmem>>, %arg9: memref<128x128xf32, #tpu.memory_space<vmem>>, %arg10: memref<10016x128xf32, #tpu.memory_space<vmem_shared>>, %arg11: memref<!tpu.dma_semaphore, #tpu.memory_space<semaphore_mem>>, %arg12: memref<!tpu.dma_semaphore, #tpu.memory_space<semaphore_mem>>) attributes {dimension_semantics = [#tpu.dimension_semantics<core_parallel>, #tpu.dimension_semantics<subcore_parallel>], iteration_bounds = array<i64: 2, 16>, scalar_prefetch = 0 : i64, scratch_operands = 7 : i64, tpu.core_type = #tpu.core_type<sc_vector_subcore>, window_params = [{transform_indices = #map}, {transform_indices = #map}, {transform_indices = #map}, {transform_indices = #map}]} {
    %add3A = arith.constant 0 : i32
    %add3A_0 = arith.addi %add3A, %arg0 : i32
    %mul3A = arith.constant 10000 : i32
    %mul3A_1 = arith.muli %add3A_0, %mul3A : i32
    %mul3A_2 = arith.constant 624 : i32
    %mul3A_3 = arith.muli %arg1, %mul3A_2 : i32
    %add3A_4 = arith.addi %mul3A_1, %mul3A_3 : i32
    %mul3A_5 = arith.constant 624 : i32
    %mul3A_6 = arith.muli %arg1, %mul3A_5 : i32
    "tpu.region"() ({
      %run_scoped3A = tpu.sem_alloc : memref<!tpu.dma_semaphore, #tpu.memory_space<semaphore_mem>>
      %dma_start3A_152 = arith.constant 0 : i32
      %dma_start3A_153 = tpu.memref_slice %arg10[%mul3A_6, %dma_start3A_152] : memref<10016x128xf32, #tpu.memory_space<vmem_shared>> -> memref<624x128xf32, #tpu.memory_space<vmem_shared>>
      %dma_start3A_154 = arith.constant 0 : i32
      %dma_start3A_155 = tpu.memref_slice %arg2[%add3A_4, %dma_start3A_154] : memref<40000x128xf32, #tpu.memory_space<hbm>> -> memref<624x128xf32, #tpu.memory_space<hbm>>
      tpu.enqueue_dma source(%dma_start3A_155 : memref<624x128xf32, #tpu.memory_space<hbm>>) target(%dma_start3A_153 : memref<624x128xf32, #tpu.memory_space<vmem_shared>>) target_semaphore(%run_scoped3A : memref<!tpu.dma_semaphore, #tpu.memory_space<semaphore_mem>>)
      %dma_wait3A = arith.constant 0 : i32
      %dma_wait3A_156 = tpu.memref_slice %arg10[%mul3A_6, %dma_wait3A] : memref<10016x128xf32, #tpu.memory_space<vmem_shared>> -> memref<624x128xf32, #tpu.memory_space<vmem_shared>>
      %dma_wait3A_157 = arith.constant 0 : i32
      %dma_wait3A_158 = tpu.memref_slice %arg2[%add3A_4, %dma_wait3A_157] : memref<40000x128xf32, #tpu.memory_space<hbm>> -> memref<624x128xf32, #tpu.memory_space<hbm>>
      tpu.wait_dma2 semaphore(%run_scoped3A : memref<!tpu.dma_semaphore, #tpu.memory_space<semaphore_mem>>) src(%dma_wait3A_158 : memref<624x128xf32, #tpu.memory_space<hbm>>) dst(%dma_wait3A_156 : memref<624x128xf32, #tpu.memory_space<vmem_shared>>)
      tpu.yield
    }) : () -> ()
    %eq3A = arith.constant 15 : i32
    %eq3A_7 = arith.cmpi eq, %arg1, %eq3A : i32
    %convert_element_type3A = arith.extui %eq3A_7 : i1 to i32
    %cond3A = arith.constant 0 : i32
    %cond3A_8 = arith.cmpi ne, %convert_element_type3A, %cond3A : i32
    scf.if %cond3A_8 {
      %mul3A_152 = arith.constant 10000 : i32
      %mul3A_153 = arith.muli %add3A_0, %mul3A_152 : i32
      %add3A_154 = arith.constant 9984 : i32
      %add3A_155 = arith.addi %mul3A_153, %add3A_154 : i32
      "tpu.region"() ({
        %run_scoped3A = tpu.sem_alloc : memref<!tpu.dma_semaphore, #tpu.memory_space<semaphore_mem>>
        %dma_start3A_156 = arith.constant 9984 : i32
        %dma_start3A_157 = arith.constant 0 : i32
        %dma_start3A_158 = tpu.memref_slice %arg10[%dma_start3A_156, %dma_start3A_157] : memref<10016x128xf32, #tpu.memory_space<vmem_shared>> -> memref<16x128xf32, #tpu.memory_space<vmem_shared>>
        %dma_start3A_159 = arith.constant 0 : i32
        %dma_start3A_160 = tpu.memref_slice %arg2[%add3A_155, %dma_start3A_159] : memref<40000x128xf32, #tpu.memory_space<hbm>> -> memref<16x128xf32, #tpu.memory_space<hbm>>
        tpu.enqueue_dma source(%dma_start3A_160 : memref<16x128xf32, #tpu.memory_space<hbm>>) target(%dma_start3A_158 : memref<16x128xf32, #tpu.memory_space<vmem_shared>>) target_semaphore(%run_scoped3A : memref<!tpu.dma_semaphore, #tpu.memory_space<semaphore_mem>>)
        %dma_wait3A = arith.constant 9984 : i32
        %dma_wait3A_161 = arith.constant 0 : i32
        %dma_wait3A_162 = tpu.memref_slice %arg10[%dma_wait3A, %dma_wait3A_161] : memref<10016x128xf32, #tpu.memory_space<vmem_shared>> -> memref<16x128xf32, #tpu.memory_space<vmem_shared>>
        %dma_wait3A_163 = arith.constant 0 : i32
        %dma_wait3A_164 = tpu.memref_slice %arg2[%add3A_155, %dma_wait3A_163] : memref<40000x128xf32, #tpu.memory_space<hbm>> -> memref<16x128xf32, #tpu.memory_space<hbm>>
        tpu.wait_dma2 semaphore(%run_scoped3A : memref<!tpu.dma_semaphore, #tpu.memory_space<semaphore_mem>>) src(%dma_wait3A_164 : memref<16x128xf32, #tpu.memory_space<hbm>>) dst(%dma_wait3A_162 : memref<16x128xf32, #tpu.memory_space<vmem_shared>>)
        tpu.yield
      }) : () -> ()
    } else {
    }
    %barrier3A = arith.constant 0 : index
    tpu.barrier barrier_id(%barrier3A)
    %mul3A_9 = arith.constant 80 : i32
    %mul3A_10 = arith.muli %arg1, %mul3A_9 : i32
    "tpu.region"() ({
      %run_scoped3A = tpu.sem_alloc : memref<!tpu.dma_semaphore, #tpu.memory_space<semaphore_mem>>
      %dma_start3A_152 = arith.constant 0 : i32
      %dma_start3A_153 = tpu.memref_slice %arg4[%mul3A_10, %dma_start3A_152] : memref<1280x128xi32, #tpu.memory_space<hbm>> -> memref<80x128xi32, #tpu.memory_space<hbm>>
      %dma_start3A_154 = arith.constant 0 : i32
      %dma_start3A_155 = tpu.memref_slice %arg4[%mul3A_10, %dma_start3A_154] : memref<1280x128xi32, #tpu.memory_space<hbm>> -> memref<80x128xi32, #tpu.memory_space<hbm>>
      tpu.enqueue_dma source(%dma_start3A_155 : memref<80x128xi32, #tpu.memory_space<hbm>>) target(%arg7 : memref<80x128xi32, #tpu.memory_space<vmem>>) target_semaphore(%run_scoped3A : memref<!tpu.dma_semaphore, #tpu.memory_space<semaphore_mem>>)
      %dma_wait3A = arith.constant 0 : i32
      %dma_wait3A_156 = tpu.memref_slice %arg4[%mul3A_10, %dma_wait3A] : memref<1280x128xi32, #tpu.memory_space<hbm>> -> memref<80x128xi32, #tpu.memory_space<hbm>>
      %dma_wait3A_157 = arith.constant 0 : i32
      %dma_wait3A_158 = tpu.memref_slice %arg4[%mul3A_10, %dma_wait3A_157] : memref<1280x128xi32, #tpu.memory_space<hbm>> -> memref<80x128xi32, #tpu.memory_space<hbm>>
      tpu.wait_dma2 semaphore(%run_scoped3A : memref<!tpu.dma_semaphore, #tpu.memory_space<semaphore_mem>>) src(%dma_wait3A_158 : memref<80x128xi32, #tpu.memory_space<hbm>>) dst(%arg7 : memref<80x128xi32, #tpu.memory_space<vmem>>)
      tpu.yield
    }) : () -> ()
    %mul3A_11 = arith.constant 16 : i32
    %mul3A_12 = arith.muli %add3A_0, %mul3A_11 : i32
    %add3A_13 = arith.addi %mul3A_12, %arg1 : i32
    %mul3A_14 = arith.constant 80 : i32
    %mul3A_15 = arith.muli %add3A_13, %mul3A_14 : i32
    %add3A_16 = arith.constant 0 : i32
    %add3A_17 = arith.addi %mul3A_15, %add3A_16 : i32
    "tpu.region"() ({
      %run_scoped3A = tpu.sem_alloc : memref<!tpu.dma_semaphore, #tpu.memory_space<semaphore_mem>>
      %dma_start3A_152 = arith.constant 0 : i32
      %dma_start3A_153 = tpu.memref_slice %arg3[%add3A_17, %dma_start3A_152] : memref<5120x128xi32, #tpu.memory_space<hbm>> -> memref<40x128xi32, #tpu.memory_space<hbm>>
      %dma_start3A_154 = arith.constant 0 : i32
      %dma_start3A_155 = tpu.memref_slice %arg3[%add3A_17, %dma_start3A_154] : memref<5120x128xi32, #tpu.memory_space<hbm>> -> memref<40x128xi32, #tpu.memory_space<hbm>>
      tpu.enqueue_dma source(%dma_start3A_155 : memref<40x128xi32, #tpu.memory_space<hbm>>) target(%arg6 : memref<40x128xi32, #tpu.memory_space<vmem>>) target_semaphore(%run_scoped3A : memref<!tpu.dma_semaphore, #tpu.memory_space<semaphore_mem>>)
      %dma_wait3A = arith.constant 0 : i32
      %dma_wait3A_156 = tpu.memref_slice %arg3[%add3A_17, %dma_wait3A] : memref<5120x128xi32, #tpu.memory_space<hbm>> -> memref<40x128xi32, #tpu.memory_space<hbm>>
      %dma_wait3A_157 = arith.constant 0 : i32
      %dma_wait3A_158 = tpu.memref_slice %arg3[%add3A_17, %dma_wait3A_157] : memref<5120x128xi32, #tpu.memory_space<hbm>> -> memref<40x128xi32, #tpu.memory_space<hbm>>
      tpu.wait_dma2 semaphore(%run_scoped3A : memref<!tpu.dma_semaphore, #tpu.memory_space<semaphore_mem>>) src(%dma_wait3A_158 : memref<40x128xi32, #tpu.memory_space<hbm>>) dst(%arg6 : memref<40x128xi32, #tpu.memory_space<vmem>>)
      tpu.yield
    }) : () -> ()
    %dma_start3A = arith.constant 0 : i32
    %dma_start3A_18 = arith.constant 0 : i32
    %dma_start3A_19 = tpu.memref_slice %arg6[%dma_start3A, %dma_start3A_18] : memref<40x128xi32, #tpu.memory_space<vmem>> -> memref<1x128xi32, #tpu.memory_space<vmem>>
    %dma_start3A_20 = tpu.memref_squeeze %dma_start3A_19 : memref<1x128xi32, #tpu.memory_space<vmem>> -> memref<128xi32, #tpu.memory_space<vmem>>
    %dma_start3A_21 = arith.constant 0 : i32
    %dma_start3A_22 = arith.constant 0 : i32
    %dma_start3A_23 = tpu.memref_slice %arg2[%dma_start3A_21, %dma_start3A_22] : memref<40000x128xf32, #tpu.memory_space<hbm>> -> memref<40000x128xf32, #tpu.memory_space<hbm>>
    tpu.enqueue_indirect_dma source(%dma_start3A_23 : memref<40000x128xf32, #tpu.memory_space<hbm>>) target(%arg8 : memref<128x128xf32, #tpu.memory_space<vmem>>) offsets(%dma_start3A_20 : memref<128xi32, #tpu.memory_space<vmem>>) semaphore(%arg11 : memref<!tpu.dma_semaphore, #tpu.memory_space<semaphore_mem>>)
    %dma_start3A_24 = arith.constant 1 : i32
    %dma_start3A_25 = arith.constant 0 : i32
    %dma_start3A_26 = tpu.memref_slice %arg6[%dma_start3A_24, %dma_start3A_25] : memref<40x128xi32, #tpu.memory_space<vmem>> -> memref<1x128xi32, #tpu.memory_space<vmem>>
    %dma_start3A_27 = tpu.memref_squeeze %dma_start3A_26 : memref<1x128xi32, #tpu.memory_space<vmem>> -> memref<128xi32, #tpu.memory_space<vmem>>
    %dma_start3A_28 = arith.constant 0 : i32
    %dma_start3A_29 = arith.constant 0 : i32
    %dma_start3A_30 = tpu.memref_slice %arg2[%dma_start3A_28, %dma_start3A_29] : memref<40000x128xf32, #tpu.memory_space<hbm>> -> memref<40000x128xf32, #tpu.memory_space<hbm>>
    tpu.enqueue_indirect_dma source(%dma_start3A_30 : memref<40000x128xf32, #tpu.memory_space<hbm>>) target(%arg9 : memref<128x128xf32, #tpu.memory_space<vmem>>) offsets(%dma_start3A_27 : memref<128xi32, #tpu.memory_space<vmem>>) semaphore(%arg12 : memref<!tpu.dma_semaphore, #tpu.memory_space<semaphore_mem>>)
    %scan3A = arith.constant 0 : i32
    %scan3A_31 = arith.constant 0 : i32
    %scan3A_32 = arith.constant 20 : i32
    %scan3A_33 = arith.addi %scan3A_31, %scan3A_32 : i32
    %scan3A_34 = arith.constant 1 : i32
    scf.for %scan3A_152 = %scan3A_31 to %scan3A_33 step %scan3A_34  : i32 {
      %mul3A_153 = arith.constant 2 : i32
      %mul3A_154 = arith.muli %scan3A_152, %mul3A_153 : i32
      %add3A_155 = arith.constant 0 : i32
      %add3A_156 = arith.addi %mul3A_154, %add3A_155 : i32
      %dma_wait3A = arith.constant 0 : i32
      %dma_wait3A_157 = tpu.memref_slice %arg6[%add3A_156, %dma_wait3A] : memref<40x128xi32, #tpu.memory_space<vmem>> -> memref<1x128xi32, #tpu.memory_space<vmem>>
      %dma_wait3A_158 = tpu.memref_squeeze %dma_wait3A_157 : memref<1x128xi32, #tpu.memory_space<vmem>> -> memref<128xi32, #tpu.memory_space<vmem>>
      %dma_wait3A_159 = arith.constant 0 : i32
      %dma_wait3A_160 = arith.constant 0 : i32
      %dma_wait3A_161 = tpu.memref_slice %arg2[%dma_wait3A_159, %dma_wait3A_160] : memref<40000x128xf32, #tpu.memory_space<hbm>> -> memref<40000x128xf32, #tpu.memory_space<hbm>>
      tpu.wait_indirect_dma semaphore(%arg11 : memref<!tpu.dma_semaphore, #tpu.memory_space<semaphore_mem>>) src(%dma_wait3A_161 : memref<40000x128xf32, #tpu.memory_space<hbm>>) dst(%arg8 : memref<128x128xf32, #tpu.memory_space<vmem>>)
      %add3A_162 = arith.constant 0 : i32
      %add3A_163 = arith.addi %add3A_162, %add3A_156 : i32
      "tpu.region"() ({
        %run_scoped3A = tpu.sem_alloc : memref<!tpu.dma_semaphore, #tpu.memory_space<semaphore_mem>>
        %dma_start3A_185 = arith.constant 0 : i32
        %dma_start3A_186 = tpu.memref_slice %arg7[%add3A_163, %dma_start3A_185] : memref<80x128xi32, #tpu.memory_space<vmem>> -> memref<1x128xi32, #tpu.memory_space<vmem>>
        %dma_start3A_187 = tpu.memref_squeeze %dma_start3A_186 : memref<1x128xi32, #tpu.memory_space<vmem>> -> memref<128xi32, #tpu.memory_space<vmem>>
        %dma_start3A_188 = arith.constant 0 : i32
        %dma_start3A_189 = arith.constant 0 : i32
        %dma_start3A_190 = tpu.memref_slice %arg10[%dma_start3A_188, %dma_start3A_189] : memref<10016x128xf32, #tpu.memory_space<vmem_shared>> -> memref<10016x128xf32, #tpu.memory_space<vmem_shared>>
        tpu.enqueue_indirect_dma source(%arg8 : memref<128x128xf32, #tpu.memory_space<vmem>>) target(%dma_start3A_190 : memref<10016x128xf32, #tpu.memory_space<vmem_shared>>) offsets(%dma_start3A_187 : memref<128xi32, #tpu.memory_space<vmem>>) semaphore(%run_scoped3A : memref<!tpu.dma_semaphore, #tpu.memory_space<semaphore_mem>>) {add = true}
        %dma_wait3A_191 = arith.constant 0 : i32
        %dma_wait3A_192 = tpu.memref_slice %arg7[%add3A_163, %dma_wait3A_191] : memref<80x128xi32, #tpu.memory_space<vmem>> -> memref<1x128xi32, #tpu.memory_space<vmem>>
        %dma_wait3A_193 = tpu.memref_squeeze %dma_wait3A_192 : memref<1x128xi32, #tpu.memory_space<vmem>> -> memref<128xi32, #tpu.memory_space<vmem>>
        %dma_wait3A_194 = arith.constant 0 : i32
        %dma_wait3A_195 = arith.constant 0 : i32
        %dma_wait3A_196 = tpu.memref_slice %arg10[%dma_wait3A_194, %dma_wait3A_195] : memref<10016x128xf32, #tpu.memory_space<vmem_shared>> -> memref<10016x128xf32, #tpu.memory_space<vmem_shared>>
        tpu.wait_indirect_dma semaphore(%run_scoped3A : memref<!tpu.dma_semaphore, #tpu.memory_space<semaphore_mem>>) src(%arg8 : memref<128x128xf32, #tpu.memory_space<vmem>>) dst(%dma_wait3A_196 : memref<10016x128xf32, #tpu.memory_space<vmem_shared>>)
        tpu.yield
      }) : () -> ()
      %lt3A = arith.constant 19 : i32
      %lt3A_164 = arith.cmpi slt, %scan3A_152, %lt3A : i32
      %convert_element_type3A_165 = arith.extui %lt3A_164 : i1 to i32
      %cond3A_166 = arith.constant 0 : i32
      %cond3A_167 = arith.cmpi ne, %convert_element_type3A_165, %cond3A_166 : i32
      scf.if %cond3A_167 {
        %add3A_185 = arith.constant 2 : i32
        %add3A_186 = arith.addi %add3A_156, %add3A_185 : i32
        %dma_start3A_187 = arith.constant 0 : i32
        %dma_start3A_188 = tpu.memref_slice %arg6[%add3A_186, %dma_start3A_187] : memref<40x128xi32, #tpu.memory_space<vmem>> -> memref<1x128xi32, #tpu.memory_space<vmem>>
        %dma_start3A_189 = tpu.memref_squeeze %dma_start3A_188 : memref<1x128xi32, #tpu.memory_space<vmem>> -> memref<128xi32, #tpu.memory_space<vmem>>
        %dma_start3A_190 = arith.constant 0 : i32
        %dma_start3A_191 = arith.constant 0 : i32
        %dma_start3A_192 = tpu.memref_slice %arg2[%dma_start3A_190, %dma_start3A_191] : memref<40000x128xf32, #tpu.memory_space<hbm>> -> memref<40000x128xf32, #tpu.memory_space<hbm>>
        tpu.enqueue_indirect_dma source(%dma_start3A_192 : memref<40000x128xf32, #tpu.memory_space<hbm>>) target(%arg8 : memref<128x128xf32, #tpu.memory_space<vmem>>) offsets(%dma_start3A_189 : memref<128xi32, #tpu.memory_space<vmem>>) semaphore(%arg11 : memref<!tpu.dma_semaphore, #tpu.memory_space<semaphore_mem>>)
      } else {
      }
      %mul3A_168 = arith.constant 2 : i32
      %mul3A_169 = arith.muli %scan3A_152, %mul3A_168 : i32
      %add3A_170 = arith.constant 1 : i32
      %add3A_171 = arith.addi %mul3A_169, %add3A_170 : i32
      %dma_wait3A_172 = arith.constant 0 : i32
      %dma_wait3A_173 = tpu.memref_slice %arg6[%add3A_171, %dma_wait3A_172] : memref<40x128xi32, #tpu.memory_space<vmem>> -> memref<1x128xi32, #tpu.memory_space<vmem>>
      %dma_wait3A_174 = tpu.memref_squeeze %dma_wait3A_173 : memref<1x128xi32, #tpu.memory_space<vmem>> -> memref<128xi32, #tpu.memory_space<vmem>>
      %dma_wait3A_175 = arith.constant 0 : i32
      %dma_wait3A_176 = arith.constant 0 : i32
      %dma_wait3A_177 = tpu.memref_slice %arg2[%dma_wait3A_175, %dma_wait3A_176] : memref<40000x128xf32, #tpu.memory_space<hbm>> -> memref<40000x128xf32, #tpu.memory_space<hbm>>
      tpu.wait_indirect_dma semaphore(%arg12 : memref<!tpu.dma_semaphore, #tpu.memory_space<semaphore_mem>>) src(%dma_wait3A_177 : memref<40000x128xf32, #tpu.memory_space<hbm>>) dst(%arg9 : memref<128x128xf32, #tpu.memory_space<vmem>>)
      %add3A_178 = arith.constant 0 : i32
      %add3A_179 = arith.addi %add3A_178, %add3A_171 : i32
      "tpu.region"() ({
        %run_scoped3A = tpu.sem_alloc : memref<!tpu.dma_semaphore, #tpu.memory_space<semaphore_mem>>
        %dma_start3A_185 = arith.constant 0 : i32
        %dma_start3A_186 = tpu.memref_slice %arg7[%add3A_179, %dma_start3A_185] : memref<80x128xi32, #tpu.memory_space<vmem>> -> memref<1x128xi32, #tpu.memory_space<vmem>>
        %dma_start3A_187 = tpu.memref_squeeze %dma_start3A_186 : memref<1x128xi32, #tpu.memory_space<vmem>> -> memref<128xi32, #tpu.memory_space<vmem>>
        %dma_start3A_188 = arith.constant 0 : i32
        %dma_start3A_189 = arith.constant 0 : i32
        %dma_start3A_190 = tpu.memref_slice %arg10[%dma_start3A_188, %dma_start3A_189] : memref<10016x128xf32, #tpu.memory_space<vmem_shared>> -> memref<10016x128xf32, #tpu.memory_space<vmem_shared>>
        tpu.enqueue_indirect_dma source(%arg9 : memref<128x128xf32, #tpu.memory_space<vmem>>) target(%dma_start3A_190 : memref<10016x128xf32, #tpu.memory_space<vmem_shared>>) offsets(%dma_start3A_187 : memref<128xi32, #tpu.memory_space<vmem>>) semaphore(%run_scoped3A : memref<!tpu.dma_semaphore, #tpu.memory_space<semaphore_mem>>) {add = true}
        %dma_wait3A_191 = arith.constant 0 : i32
        %dma_wait3A_192 = tpu.memref_slice %arg7[%add3A_179, %dma_wait3A_191] : memref<80x128xi32, #tpu.memory_space<vmem>> -> memref<1x128xi32, #tpu.memory_space<vmem>>
        %dma_wait3A_193 = tpu.memref_squeeze %dma_wait3A_192 : memref<1x128xi32, #tpu.memory_space<vmem>> -> memref<128xi32, #tpu.memory_space<vmem>>
        %dma_wait3A_194 = arith.constant 0 : i32
        %dma_wait3A_195 = arith.constant 0 : i32
        %dma_wait3A_196 = tpu.memref_slice %arg10[%dma_wait3A_194, %dma_wait3A_195] : memref<10016x128xf32, #tpu.memory_space<vmem_shared>> -> memref<10016x128xf32, #tpu.memory_space<vmem_shared>>
        tpu.wait_indirect_dma semaphore(%run_scoped3A : memref<!tpu.dma_semaphore, #tpu.memory_space<semaphore_mem>>) src(%arg9 : memref<128x128xf32, #tpu.memory_space<vmem>>) dst(%dma_wait3A_196 : memref<10016x128xf32, #tpu.memory_space<vmem_shared>>)
        tpu.yield
      }) : () -> ()
      %lt3A_180 = arith.constant 19 : i32
      %lt3A_181 = arith.cmpi slt, %scan3A_152, %lt3A_180 : i32
      %convert_element_type3A_182 = arith.extui %lt3A_181 : i1 to i32
      %cond3A_183 = arith.constant 0 : i32
      %cond3A_184 = arith.cmpi ne, %convert_element_type3A_182, %cond3A_183 : i32
      scf.if %cond3A_184 {
        %add3A_185 = arith.constant 2 : i32
        %add3A_186 = arith.addi %add3A_171, %add3A_185 : i32
        %dma_start3A_187 = arith.constant 0 : i32
        %dma_start3A_188 = tpu.memref_slice %arg6[%add3A_186, %dma_start3A_187] : memref<40x128xi32, #tpu.memory_space<vmem>> -> memref<1x128xi32, #tpu.memory_space<vmem>>
        %dma_start3A_189 = tpu.memref_squeeze %dma_start3A_188 : memref<1x128xi32, #tpu.memory_space<vmem>> -> memref<128xi32, #tpu.memory_space<vmem>>
        %dma_start3A_190 = arith.constant 0 : i32
        %dma_start3A_191 = arith.constant 0 : i32
        %dma_start3A_192 = tpu.memref_slice %arg2[%dma_start3A_190, %dma_start3A_191] : memref<40000x128xf32, #tpu.memory_space<hbm>> -> memref<40000x128xf32, #tpu.memory_space<hbm>>
        tpu.enqueue_indirect_dma source(%dma_start3A_192 : memref<40000x128xf32, #tpu.memory_space<hbm>>) target(%arg9 : memref<128x128xf32, #tpu.memory_space<vmem>>) offsets(%dma_start3A_189 : memref<128xi32, #tpu.memory_space<vmem>>) semaphore(%arg12 : memref<!tpu.dma_semaphore, #tpu.memory_space<semaphore_mem>>)
      } else {
      }
    }
    %scan3A_35 = arith.constant 20 : i32
    %mul3A_36 = arith.constant 16 : i32
    %mul3A_37 = arith.muli %add3A_0, %mul3A_36 : i32
    %add3A_38 = arith.addi %mul3A_37, %arg1 : i32
    %mul3A_39 = arith.constant 80 : i32
    %mul3A_40 = arith.muli %add3A_38, %mul3A_39 : i32
    %add3A_41 = arith.constant 40 : i32
    %add3A_42 = arith.addi %mul3A_40, %add3A_41 : i32
    "tpu.region"() ({
      %run_scoped3A = tpu.sem_alloc : memref<!tpu.dma_semaphore, #tpu.memory_space<semaphore_mem>>
      %dma_start3A_152 = arith.constant 0 : i32
      %dma_start3A_153 = tpu.memref_slice %arg3[%add3A_42, %dma_start3A_152] : memref<5120x128xi32, #tpu.memory_space<hbm>> -> memref<40x128xi32, #tpu.memory_space<hbm>>
      %dma_start3A_154 = arith.constant 0 : i32
      %dma_start3A_155 = tpu.memref_slice %arg3[%add3A_42, %dma_start3A_154] : memref<5120x128xi32, #tpu.memory_space<hbm>> -> memref<40x128xi32, #tpu.memory_space<hbm>>
      tpu.enqueue_dma source(%dma_start3A_155 : memref<40x128xi32, #tpu.memory_space<hbm>>) target(%arg6 : memref<40x128xi32, #tpu.memory_space<vmem>>) target_semaphore(%run_scoped3A : memref<!tpu.dma_semaphore, #tpu.memory_space<semaphore_mem>>)
      %dma_wait3A = arith.constant 0 : i32
      %dma_wait3A_156 = tpu.memref_slice %arg3[%add3A_42, %dma_wait3A] : memref<5120x128xi32, #tpu.memory_space<hbm>> -> memref<40x128xi32, #tpu.memory_space<hbm>>
      %dma_wait3A_157 = arith.constant 0 : i32
      %dma_wait3A_158 = tpu.memref_slice %arg3[%add3A_42, %dma_wait3A_157] : memref<5120x128xi32, #tpu.memory_space<hbm>> -> memref<40x128xi32, #tpu.memory_space<hbm>>
      tpu.wait_dma2 semaphore(%run_scoped3A : memref<!tpu.dma_semaphore, #tpu.memory_space<semaphore_mem>>) src(%dma_wait3A_158 : memref<40x128xi32, #tpu.memory_space<hbm>>) dst(%arg6 : memref<40x128xi32, #tpu.memory_space<vmem>>)
      tpu.yield
    }) : () -> ()
    %dma_start3A_43 = arith.constant 0 : i32
    %dma_start3A_44 = arith.constant 0 : i32
    %dma_start3A_45 = tpu.memref_slice %arg6[%dma_start3A_43, %dma_start3A_44] : memref<40x128xi32, #tpu.memory_space<vmem>> -> memref<1x128xi32, #tpu.memory_space<vmem>>
    %dma_start3A_46 = tpu.memref_squeeze %dma_start3A_45 : memref<1x128xi32, #tpu.memory_space<vmem>> -> memref<128xi32, #tpu.memory_space<vmem>>
    %dma_start3A_47 = arith.constant 0 : i32
    %dma_start3A_48 = arith.constant 0 : i32
    %dma_start3A_49 = tpu.memref_slice %arg2[%dma_start3A_47, %dma_start3A_48] : memref<40000x128xf32, #tpu.memory_space<hbm>> -> memref<40000x128xf32, #tpu.memory_space<hbm>>
    tpu.enqueue_indirect_dma source(%dma_start3A_49 : memref<40000x128xf32, #tpu.memory_space<hbm>>) target(%arg8 : memref<128x128xf32, #tpu.memory_space<vmem>>) offsets(%dma_start3A_46 : memref<128xi32, #tpu.memory_space<vmem>>) semaphore(%arg11 : memref<!tpu.dma_semaphore, #tpu.memory_space<semaphore_mem>>)
    %dma_start3A_50 = arith.constant 1 : i32
    %dma_start3A_51 = arith.constant 0 : i32
    %dma_start3A_52 = tpu.memref_slice %arg6[%dma_start3A_50, %dma_start3A_51] : memref<40x128xi32, #tpu.memory_space<vmem>> -> memref<1x128xi32, #tpu.memory_space<vmem>>
    %dma_start3A_53 = tpu.memref_squeeze %dma_start3A_52 : memref<1x128xi32, #tpu.memory_space<vmem>> -> memref<128xi32, #tpu.memory_space<vmem>>
    %dma_start3A_54 = arith.constant 0 : i32
    %dma_start3A_55 = arith.constant 0 : i32
    %dma_start3A_56 = tpu.memref_slice %arg2[%dma_start3A_54, %dma_start3A_55] : memref<40000x128xf32, #tpu.memory_space<hbm>> -> memref<40000x128xf32, #tpu.memory_space<hbm>>
    tpu.enqueue_indirect_dma source(%dma_start3A_56 : memref<40000x128xf32, #tpu.memory_space<hbm>>) target(%arg9 : memref<128x128xf32, #tpu.memory_space<vmem>>) offsets(%dma_start3A_53 : memref<128xi32, #tpu.memory_space<vmem>>) semaphore(%arg12 : memref<!tpu.dma_semaphore, #tpu.memory_space<semaphore_mem>>)
    %scan3A_57 = arith.constant 0 : i32
    %scan3A_58 = arith.constant 0 : i32
    %scan3A_59 = arith.constant 20 : i32
    %scan3A_60 = arith.addi %scan3A_58, %scan3A_59 : i32
    %scan3A_61 = arith.constant 1 : i32
    scf.for %scan3A_152 = %scan3A_58 to %scan3A_60 step %scan3A_61  : i32 {
      %mul3A_153 = arith.constant 2 : i32
      %mul3A_154 = arith.muli %scan3A_152, %mul3A_153 : i32
      %add3A_155 = arith.constant 0 : i32
      %add3A_156 = arith.addi %mul3A_154, %add3A_155 : i32
      %dma_wait3A = arith.constant 0 : i32
      %dma_wait3A_157 = tpu.memref_slice %arg6[%add3A_156, %dma_wait3A] : memref<40x128xi32, #tpu.memory_space<vmem>> -> memref<1x128xi32, #tpu.memory_space<vmem>>
      %dma_wait3A_158 = tpu.memref_squeeze %dma_wait3A_157 : memref<1x128xi32, #tpu.memory_space<vmem>> -> memref<128xi32, #tpu.memory_space<vmem>>
      %dma_wait3A_159 = arith.constant 0 : i32
      %dma_wait3A_160 = arith.constant 0 : i32
      %dma_wait3A_161 = tpu.memref_slice %arg2[%dma_wait3A_159, %dma_wait3A_160] : memref<40000x128xf32, #tpu.memory_space<hbm>> -> memref<40000x128xf32, #tpu.memory_space<hbm>>
      tpu.wait_indirect_dma semaphore(%arg11 : memref<!tpu.dma_semaphore, #tpu.memory_space<semaphore_mem>>) src(%dma_wait3A_161 : memref<40000x128xf32, #tpu.memory_space<hbm>>) dst(%arg8 : memref<128x128xf32, #tpu.memory_space<vmem>>)
      %add3A_162 = arith.constant 40 : i32
      %add3A_163 = arith.addi %add3A_162, %add3A_156 : i32
      "tpu.region"() ({
        %run_scoped3A = tpu.sem_alloc : memref<!tpu.dma_semaphore, #tpu.memory_space<semaphore_mem>>
        %dma_start3A_185 = arith.constant 0 : i32
        %dma_start3A_186 = tpu.memref_slice %arg7[%add3A_163, %dma_start3A_185] : memref<80x128xi32, #tpu.memory_space<vmem>> -> memref<1x128xi32, #tpu.memory_space<vmem>>
        %dma_start3A_187 = tpu.memref_squeeze %dma_start3A_186 : memref<1x128xi32, #tpu.memory_space<vmem>> -> memref<128xi32, #tpu.memory_space<vmem>>
        %dma_start3A_188 = arith.constant 0 : i32
        %dma_start3A_189 = arith.constant 0 : i32
        %dma_start3A_190 = tpu.memref_slice %arg10[%dma_start3A_188, %dma_start3A_189] : memref<10016x128xf32, #tpu.memory_space<vmem_shared>> -> memref<10016x128xf32, #tpu.memory_space<vmem_shared>>
        tpu.enqueue_indirect_dma source(%arg8 : memref<128x128xf32, #tpu.memory_space<vmem>>) target(%dma_start3A_190 : memref<10016x128xf32, #tpu.memory_space<vmem_shared>>) offsets(%dma_start3A_187 : memref<128xi32, #tpu.memory_space<vmem>>) semaphore(%run_scoped3A : memref<!tpu.dma_semaphore, #tpu.memory_space<semaphore_mem>>) {add = true}
        %dma_wait3A_191 = arith.constant 0 : i32
        %dma_wait3A_192 = tpu.memref_slice %arg7[%add3A_163, %dma_wait3A_191] : memref<80x128xi32, #tpu.memory_space<vmem>> -> memref<1x128xi32, #tpu.memory_space<vmem>>
        %dma_wait3A_193 = tpu.memref_squeeze %dma_wait3A_192 : memref<1x128xi32, #tpu.memory_space<vmem>> -> memref<128xi32, #tpu.memory_space<vmem>>
        %dma_wait3A_194 = arith.constant 0 : i32
        %dma_wait3A_195 = arith.constant 0 : i32
        %dma_wait3A_196 = tpu.memref_slice %arg10[%dma_wait3A_194, %dma_wait3A_195] : memref<10016x128xf32, #tpu.memory_space<vmem_shared>> -> memref<10016x128xf32, #tpu.memory_space<vmem_shared>>
        tpu.wait_indirect_dma semaphore(%run_scoped3A : memref<!tpu.dma_semaphore, #tpu.memory_space<semaphore_mem>>) src(%arg8 : memref<128x128xf32, #tpu.memory_space<vmem>>) dst(%dma_wait3A_196 : memref<10016x128xf32, #tpu.memory_space<vmem_shared>>)
        tpu.yield
      }) : () -> ()
      %lt3A = arith.constant 19 : i32
      %lt3A_164 = arith.cmpi slt, %scan3A_152, %lt3A : i32
      %convert_element_type3A_165 = arith.extui %lt3A_164 : i1 to i32
      %cond3A_166 = arith.constant 0 : i32
      %cond3A_167 = arith.cmpi ne, %convert_element_type3A_165, %cond3A_166 : i32
      scf.if %cond3A_167 {
        %add3A_185 = arith.constant 2 : i32
        %add3A_186 = arith.addi %add3A_156, %add3A_185 : i32
        %dma_start3A_187 = arith.constant 0 : i32
        %dma_start3A_188 = tpu.memref_slice %arg6[%add3A_186, %dma_start3A_187] : memref<40x128xi32, #tpu.memory_space<vmem>> -> memref<1x128xi32, #tpu.memory_space<vmem>>
        %dma_start3A_189 = tpu.memref_squeeze %dma_start3A_188 : memref<1x128xi32, #tpu.memory_space<vmem>> -> memref<128xi32, #tpu.memory_space<vmem>>
        %dma_start3A_190 = arith.constant 0 : i32
        %dma_start3A_191 = arith.constant 0 : i32
        %dma_start3A_192 = tpu.memref_slice %arg2[%dma_start3A_190, %dma_start3A_191] : memref<40000x128xf32, #tpu.memory_space<hbm>> -> memref<40000x128xf32, #tpu.memory_space<hbm>>
        tpu.enqueue_indirect_dma source(%dma_start3A_192 : memref<40000x128xf32, #tpu.memory_space<hbm>>) target(%arg8 : memref<128x128xf32, #tpu.memory_space<vmem>>) offsets(%dma_start3A_189 : memref<128xi32, #tpu.memory_space<vmem>>) semaphore(%arg11 : memref<!tpu.dma_semaphore, #tpu.memory_space<semaphore_mem>>)
      } else {
      }
      %mul3A_168 = arith.constant 2 : i32
      %mul3A_169 = arith.muli %scan3A_152, %mul3A_168 : i32
      %add3A_170 = arith.constant 1 : i32
      %add3A_171 = arith.addi %mul3A_169, %add3A_170 : i32
      %dma_wait3A_172 = arith.constant 0 : i32
      %dma_wait3A_173 = tpu.memref_slice %arg6[%add3A_171, %dma_wait3A_172] : memref<40x128xi32, #tpu.memory_space<vmem>> -> memref<1x128xi32, #tpu.memory_space<vmem>>
      %dma_wait3A_174 = tpu.memref_squeeze %dma_wait3A_173 : memref<1x128xi32, #tpu.memory_space<vmem>> -> memref<128xi32, #tpu.memory_space<vmem>>
      %dma_wait3A_175 = arith.constant 0 : i32
      %dma_wait3A_176 = arith.constant 0 : i32
      %dma_wait3A_177 = tpu.memref_slice %arg2[%dma_wait3A_175, %dma_wait3A_176] : memref<40000x128xf32, #tpu.memory_space<hbm>> -> memref<40000x128xf32, #tpu.memory_space<hbm>>
      tpu.wait_indirect_dma semaphore(%arg12 : memref<!tpu.dma_semaphore, #tpu.memory_space<semaphore_mem>>) src(%dma_wait3A_177 : memref<40000x128xf32, #tpu.memory_space<hbm>>) dst(%arg9 : memref<128x128xf32, #tpu.memory_space<vmem>>)
      %add3A_178 = arith.constant 40 : i32
      %add3A_179 = arith.addi %add3A_178, %add3A_171 : i32
      "tpu.region"() ({
        %run_scoped3A = tpu.sem_alloc : memref<!tpu.dma_semaphore, #tpu.memory_space<semaphore_mem>>
        %dma_start3A_185 = arith.constant 0 : i32
        %dma_start3A_186 = tpu.memref_slice %arg7[%add3A_179, %dma_start3A_185] : memref<80x128xi32, #tpu.memory_space<vmem>> -> memref<1x128xi32, #tpu.memory_space<vmem>>
        %dma_start3A_187 = tpu.memref_squeeze %dma_start3A_186 : memref<1x128xi32, #tpu.memory_space<vmem>> -> memref<128xi32, #tpu.memory_space<vmem>>
        %dma_start3A_188 = arith.constant 0 : i32
        %dma_start3A_189 = arith.constant 0 : i32
        %dma_start3A_190 = tpu.memref_slice %arg10[%dma_start3A_188, %dma_start3A_189] : memref<10016x128xf32, #tpu.memory_space<vmem_shared>> -> memref<10016x128xf32, #tpu.memory_space<vmem_shared>>
        tpu.enqueue_indirect_dma source(%arg9 : memref<128x128xf32, #tpu.memory_space<vmem>>) target(%dma_start3A_190 : memref<10016x128xf32, #tpu.memory_space<vmem_shared>>) offsets(%dma_start3A_187 : memref<128xi32, #tpu.memory_space<vmem>>) semaphore(%run_scoped3A : memref<!tpu.dma_semaphore, #tpu.memory_space<semaphore_mem>>) {add = true}
        %dma_wait3A_191 = arith.constant 0 : i32
        %dma_wait3A_192 = tpu.memref_slice %arg7[%add3A_179, %dma_wait3A_191] : memref<80x128xi32, #tpu.memory_space<vmem>> -> memref<1x128xi32, #tpu.memory_space<vmem>>
        %dma_wait3A_193 = tpu.memref_squeeze %dma_wait3A_192 : memref<1x128xi32, #tpu.memory_space<vmem>> -> memref<128xi32, #tpu.memory_space<vmem>>
        %dma_wait3A_194 = arith.constant 0 : i32
        %dma_wait3A_195 = arith.constant 0 : i32
        %dma_wait3A_196 = tpu.memref_slice %arg10[%dma_wait3A_194, %dma_wait3A_195] : memref<10016x128xf32, #tpu.memory_space<vmem_shared>> -> memref<10016x128xf32, #tpu.memory_space<vmem_shared>>
        tpu.wait_indirect_dma semaphore(%run_scoped3A : memref<!tpu.dma_semaphore, #tpu.memory_space<semaphore_mem>>) src(%arg9 : memref<128x128xf32, #tpu.memory_space<vmem>>) dst(%dma_wait3A_196 : memref<10016x128xf32, #tpu.memory_space<vmem_shared>>)
        tpu.yield
      }) : () -> ()
      %lt3A_180 = arith.constant 19 : i32
      %lt3A_181 = arith.cmpi slt, %scan3A_152, %lt3A_180 : i32
      %convert_element_type3A_182 = arith.extui %lt3A_181 : i1 to i32
      %cond3A_183 = arith.constant 0 : i32
      %cond3A_184 = arith.cmpi ne, %convert_element_type3A_182, %cond3A_183 : i32
      scf.if %cond3A_184 {
        %add3A_185 = arith.constant 2 : i32
        %add3A_186 = arith.addi %add3A_171, %add3A_185 : i32
        %dma_start3A_187 = arith.constant 0 : i32
        %dma_start3A_188 = tpu.memref_slice %arg6[%add3A_186, %dma_start3A_187] : memref<40x128xi32, #tpu.memory_space<vmem>> -> memref<1x128xi32, #tpu.memory_space<vmem>>
        %dma_start3A_189 = tpu.memref_squeeze %dma_start3A_188 : memref<1x128xi32, #tpu.memory_space<vmem>> -> memref<128xi32, #tpu.memory_space<vmem>>
        %dma_start3A_190 = arith.constant 0 : i32
        %dma_start3A_191 = arith.constant 0 : i32
        %dma_start3A_192 = tpu.memref_slice %arg2[%dma_start3A_190, %dma_start3A_191] : memref<40000x128xf32, #tpu.memory_space<hbm>> -> memref<40000x128xf32, #tpu.memory_space<hbm>>
        tpu.enqueue_indirect_dma source(%dma_start3A_192 : memref<40000x128xf32, #tpu.memory_space<hbm>>) target(%arg9 : memref<128x128xf32, #tpu.memory_space<vmem>>) offsets(%dma_start3A_189 : memref<128xi32, #tpu.memory_space<vmem>>) semaphore(%arg12 : memref<!tpu.dma_semaphore, #tpu.memory_space<semaphore_mem>>)
      } else {
      }
    }
    %scan3A_62 = arith.constant 20 : i32
    %barrier3A_63 = arith.constant 0 : index
    tpu.barrier barrier_id(%barrier3A_63)
    %mul3A_64 = arith.constant 624 : i32
    %mul3A_65 = arith.muli %arg1, %mul3A_64 : i32
    "tpu.region"() ({
      %run_scoped3A = tpu.sem_alloc : memref<!tpu.dma_semaphore, #tpu.memory_space<semaphore_mem>>
      %dma_start3A_152 = arith.constant 0 : i32
      %dma_start3A_153 = tpu.memref_slice %arg5[%add3A_4, %dma_start3A_152] : memref<40000x128xf32, #tpu.memory_space<hbm>> -> memref<624x128xf32, #tpu.memory_space<hbm>>
      %dma_start3A_154 = arith.constant 0 : i32
      %dma_start3A_155 = tpu.memref_slice %arg10[%mul3A_65, %dma_start3A_154] : memref<10016x128xf32, #tpu.memory_space<vmem_shared>> -> memref<624x128xf32, #tpu.memory_space<vmem_shared>>
      tpu.enqueue_dma source(%dma_start3A_155 : memref<624x128xf32, #tpu.memory_space<vmem_shared>>) target(%dma_start3A_153 : memref<624x128xf32, #tpu.memory_space<hbm>>) target_semaphore(%run_scoped3A : memref<!tpu.dma_semaphore, #tpu.memory_space<semaphore_mem>>)
      %dma_wait3A = arith.constant 0 : i32
      %dma_wait3A_156 = tpu.memref_slice %arg5[%add3A_4, %dma_wait3A] : memref<40000x128xf32, #tpu.memory_space<hbm>> -> memref<624x128xf32, #tpu.memory_space<hbm>>
      %dma_wait3A_157 = arith.constant 0 : i32
      %dma_wait3A_158 = tpu.memref_slice %arg10[%mul3A_65, %dma_wait3A_157] : memref<10016x128xf32, #tpu.memory_space<vmem_shared>> -> memref<624x128xf32, #tpu.memory_space<vmem_shared>>
      tpu.wait_dma2 semaphore(%run_scoped3A : memref<!tpu.dma_semaphore, #tpu.memory_space<semaphore_mem>>) src(%dma_wait3A_158 : memref<624x128xf32, #tpu.memory_space<vmem_shared>>) dst(%dma_wait3A_156 : memref<624x128xf32, #tpu.memory_space<hbm>>)
      tpu.yield
    }) : () -> ()
    %eq3A_66 = arith.constant 15 : i32
    %eq3A_67 = arith.cmpi eq, %arg1, %eq3A_66 : i32
    %convert_element_type3A_68 = arith.extui %eq3A_67 : i1 to i32
    %cond3A_69 = arith.constant 0 : i32
    %cond3A_70 = arith.cmpi ne, %convert_element_type3A_68, %cond3A_69 : i32
    scf.if %cond3A_70 {
      %mul3A_152 = arith.constant 10000 : i32
      %mul3A_153 = arith.muli %add3A_0, %mul3A_152 : i32
      %add3A_154 = arith.constant 9984 : i32
      %add3A_155 = arith.addi %mul3A_153, %add3A_154 : i32
      "tpu.region"() ({
        %run_scoped3A = tpu.sem_alloc : memref<!tpu.dma_semaphore, #tpu.memory_space<semaphore_mem>>
        %dma_start3A_156 = arith.constant 0 : i32
        %dma_start3A_157 = tpu.memref_slice %arg5[%add3A_155, %dma_start3A_156] : memref<40000x128xf32, #tpu.memory_space<hbm>> -> memref<16x128xf32, #tpu.memory_space<hbm>>
        %dma_start3A_158 = arith.constant 9984 : i32
        %dma_start3A_159 = arith.constant 0 : i32
        %dma_start3A_160 = tpu.memref_slice %arg10[%dma_start3A_158, %dma_start3A_159] : memref<10016x128xf32, #tpu.memory_space<vmem_shared>> -> memref<16x128xf32, #tpu.memory_space<vmem_shared>>
        tpu.enqueue_dma source(%dma_start3A_160 : memref<16x128xf32, #tpu.memory_space<vmem_shared>>) target(%dma_start3A_157 : memref<16x128xf32, #tpu.memory_space<hbm>>) target_semaphore(%run_scoped3A : memref<!tpu.dma_semaphore, #tpu.memory_space<semaphore_mem>>)
        %dma_wait3A = arith.constant 0 : i32
        %dma_wait3A_161 = tpu.memref_slice %arg5[%add3A_155, %dma_wait3A] : memref<40000x128xf32, #tpu.memory_space<hbm>> -> memref<16x128xf32, #tpu.memory_space<hbm>>
        %dma_wait3A_162 = arith.constant 9984 : i32
        %dma_wait3A_163 = arith.constant 0 : i32
        %dma_wait3A_164 = tpu.memref_slice %arg10[%dma_wait3A_162, %dma_wait3A_163] : memref<10016x128xf32, #tpu.memory_space<vmem_shared>> -> memref<16x128xf32, #tpu.memory_space<vmem_shared>>
        tpu.wait_dma2 semaphore(%run_scoped3A : memref<!tpu.dma_semaphore, #tpu.memory_space<semaphore_mem>>) src(%dma_wait3A_164 : memref<16x128xf32, #tpu.memory_space<vmem_shared>>) dst(%dma_wait3A_161 : memref<16x128xf32, #tpu.memory_space<hbm>>)
        tpu.yield
      }) : () -> ()
    } else {
    }
    %barrier3A_71 = arith.constant 0 : index
    tpu.barrier barrier_id(%barrier3A_71)
    %add3A_72 = arith.constant 2 : i32
    %add3A_73 = arith.addi %add3A_72, %arg0 : i32
    %mul3A_74 = arith.constant 10000 : i32
    %mul3A_75 = arith.muli %add3A_73, %mul3A_74 : i32
    %mul3A_76 = arith.constant 624 : i32
    %mul3A_77 = arith.muli %arg1, %mul3A_76 : i32
    %add3A_78 = arith.addi %mul3A_75, %mul3A_77 : i32
    %mul3A_79 = arith.constant 624 : i32
    %mul3A_80 = arith.muli %arg1, %mul3A_79 : i32
    "tpu.region"() ({
      %run_scoped3A = tpu.sem_alloc : memref<!tpu.dma_semaphore, #tpu.memory_space<semaphore_mem>>
      %dma_start3A_152 = arith.constant 0 : i32
      %dma_start3A_153 = tpu.memref_slice %arg10[%mul3A_80, %dma_start3A_152] : memref<10016x128xf32, #tpu.memory_space<vmem_shared>> -> memref<624x128xf32, #tpu.memory_space<vmem_shared>>
      %dma_start3A_154 = arith.constant 0 : i32
      %dma_start3A_155 = tpu.memref_slice %arg2[%add3A_78, %dma_start3A_154] : memref<40000x128xf32, #tpu.memory_space<hbm>> -> memref<624x128xf32, #tpu.memory_space<hbm>>
      tpu.enqueue_dma source(%dma_start3A_155 : memref<624x128xf32, #tpu.memory_space<hbm>>) target(%dma_start3A_153 : memref<624x128xf32, #tpu.memory_space<vmem_shared>>) target_semaphore(%run_scoped3A : memref<!tpu.dma_semaphore, #tpu.memory_space<semaphore_mem>>)
      %dma_wait3A = arith.constant 0 : i32
      %dma_wait3A_156 = tpu.memref_slice %arg10[%mul3A_80, %dma_wait3A] : memref<10016x128xf32, #tpu.memory_space<vmem_shared>> -> memref<624x128xf32, #tpu.memory_space<vmem_shared>>
      %dma_wait3A_157 = arith.constant 0 : i32
      %dma_wait3A_158 = tpu.memref_slice %arg2[%add3A_78, %dma_wait3A_157] : memref<40000x128xf32, #tpu.memory_space<hbm>> -> memref<624x128xf32, #tpu.memory_space<hbm>>
      tpu.wait_dma2 semaphore(%run_scoped3A : memref<!tpu.dma_semaphore, #tpu.memory_space<semaphore_mem>>) src(%dma_wait3A_158 : memref<624x128xf32, #tpu.memory_space<hbm>>) dst(%dma_wait3A_156 : memref<624x128xf32, #tpu.memory_space<vmem_shared>>)
      tpu.yield
    }) : () -> ()
    %eq3A_81 = arith.constant 15 : i32
    %eq3A_82 = arith.cmpi eq, %arg1, %eq3A_81 : i32
    %convert_element_type3A_83 = arith.extui %eq3A_82 : i1 to i32
    %cond3A_84 = arith.constant 0 : i32
    %cond3A_85 = arith.cmpi ne, %convert_element_type3A_83, %cond3A_84 : i32
    scf.if %cond3A_85 {
      %mul3A_152 = arith.constant 10000 : i32
      %mul3A_153 = arith.muli %add3A_73, %mul3A_152 : i32
      %add3A_154 = arith.constant 9984 : i32
      %add3A_155 = arith.addi %mul3A_153, %add3A_154 : i32
      "tpu.region"() ({
        %run_scoped3A = tpu.sem_alloc : memref<!tpu.dma_semaphore, #tpu.memory_space<semaphore_mem>>
        %dma_start3A_156 = arith.constant 9984 : i32
        %dma_start3A_157 = arith.constant 0 : i32
        %dma_start3A_158 = tpu.memref_slice %arg10[%dma_start3A_156, %dma_start3A_157] : memref<10016x128xf32, #tpu.memory_space<vmem_shared>> -> memref<16x128xf32, #tpu.memory_space<vmem_shared>>
        %dma_start3A_159 = arith.constant 0 : i32
        %dma_start3A_160 = tpu.memref_slice %arg2[%add3A_155, %dma_start3A_159] : memref<40000x128xf32, #tpu.memory_space<hbm>> -> memref<16x128xf32, #tpu.memory_space<hbm>>
        tpu.enqueue_dma source(%dma_start3A_160 : memref<16x128xf32, #tpu.memory_space<hbm>>) target(%dma_start3A_158 : memref<16x128xf32, #tpu.memory_space<vmem_shared>>) target_semaphore(%run_scoped3A : memref<!tpu.dma_semaphore, #tpu.memory_space<semaphore_mem>>)
        %dma_wait3A = arith.constant 9984 : i32
        %dma_wait3A_161 = arith.constant 0 : i32
        %dma_wait3A_162 = tpu.memref_slice %arg10[%dma_wait3A, %dma_wait3A_161] : memref<10016x128xf32, #tpu.memory_space<vmem_shared>> -> memref<16x128xf32, #tpu.memory_space<vmem_shared>>
        %dma_wait3A_163 = arith.constant 0 : i32
        %dma_wait3A_164 = tpu.memref_slice %arg2[%add3A_155, %dma_wait3A_163] : memref<40000x128xf32, #tpu.memory_space<hbm>> -> memref<16x128xf32, #tpu.memory_space<hbm>>
        tpu.wait_dma2 semaphore(%run_scoped3A : memref<!tpu.dma_semaphore, #tpu.memory_space<semaphore_mem>>) src(%dma_wait3A_164 : memref<16x128xf32, #tpu.memory_space<hbm>>) dst(%dma_wait3A_162 : memref<16x128xf32, #tpu.memory_space<vmem_shared>>)
        tpu.yield
      }) : () -> ()
    } else {
    }
    %barrier3A_86 = arith.constant 0 : index
    tpu.barrier barrier_id(%barrier3A_86)
    %mul3A_87 = arith.constant 80 : i32
    %mul3A_88 = arith.muli %arg1, %mul3A_87 : i32
    "tpu.region"() ({
      %run_scoped3A = tpu.sem_alloc : memref<!tpu.dma_semaphore, #tpu.memory_space<semaphore_mem>>
      %dma_start3A_152 = arith.constant 0 : i32
      %dma_start3A_153 = tpu.memref_slice %arg4[%mul3A_88, %dma_start3A_152] : memref<1280x128xi32, #tpu.memory_space<hbm>> -> memref<80x128xi32, #tpu.memory_space<hbm>>
      %dma_start3A_154 = arith.constant 0 : i32
      %dma_start3A_155 = tpu.memref_slice %arg4[%mul3A_88, %dma_start3A_154] : memref<1280x128xi32, #tpu.memory_space<hbm>> -> memref<80x128xi32, #tpu.memory_space<hbm>>
      tpu.enqueue_dma source(%dma_start3A_155 : memref<80x128xi32, #tpu.memory_space<hbm>>) target(%arg7 : memref<80x128xi32, #tpu.memory_space<vmem>>) target_semaphore(%run_scoped3A : memref<!tpu.dma_semaphore, #tpu.memory_space<semaphore_mem>>)
      %dma_wait3A = arith.constant 0 : i32
      %dma_wait3A_156 = tpu.memref_slice %arg4[%mul3A_88, %dma_wait3A] : memref<1280x128xi32, #tpu.memory_space<hbm>> -> memref<80x128xi32, #tpu.memory_space<hbm>>
      %dma_wait3A_157 = arith.constant 0 : i32
      %dma_wait3A_158 = tpu.memref_slice %arg4[%mul3A_88, %dma_wait3A_157] : memref<1280x128xi32, #tpu.memory_space<hbm>> -> memref<80x128xi32, #tpu.memory_space<hbm>>
      tpu.wait_dma2 semaphore(%run_scoped3A : memref<!tpu.dma_semaphore, #tpu.memory_space<semaphore_mem>>) src(%dma_wait3A_158 : memref<80x128xi32, #tpu.memory_space<hbm>>) dst(%arg7 : memref<80x128xi32, #tpu.memory_space<vmem>>)
      tpu.yield
    }) : () -> ()
    %mul3A_89 = arith.constant 16 : i32
    %mul3A_90 = arith.muli %add3A_73, %mul3A_89 : i32
    %add3A_91 = arith.addi %mul3A_90, %arg1 : i32
    %mul3A_92 = arith.constant 80 : i32
    %mul3A_93 = arith.muli %add3A_91, %mul3A_92 : i32
    %add3A_94 = arith.constant 0 : i32
    %add3A_95 = arith.addi %mul3A_93, %add3A_94 : i32
    "tpu.region"() ({
      %run_scoped3A = tpu.sem_alloc : memref<!tpu.dma_semaphore, #tpu.memory_space<semaphore_mem>>
      %dma_start3A_152 = arith.constant 0 : i32
      %dma_start3A_153 = tpu.memref_slice %arg3[%add3A_95, %dma_start3A_152] : memref<5120x128xi32, #tpu.memory_space<hbm>> -> memref<40x128xi32, #tpu.memory_space<hbm>>
      %dma_start3A_154 = arith.constant 0 : i32
      %dma_start3A_155 = tpu.memref_slice %arg3[%add3A_95, %dma_start3A_154] : memref<5120x128xi32, #tpu.memory_space<hbm>> -> memref<40x128xi32, #tpu.memory_space<hbm>>
      tpu.enqueue_dma source(%dma_start3A_155 : memref<40x128xi32, #tpu.memory_space<hbm>>) target(%arg6 : memref<40x128xi32, #tpu.memory_space<vmem>>) target_semaphore(%run_scoped3A : memref<!tpu.dma_semaphore, #tpu.memory_space<semaphore_mem>>)
      %dma_wait3A = arith.constant 0 : i32
      %dma_wait3A_156 = tpu.memref_slice %arg3[%add3A_95, %dma_wait3A] : memref<5120x128xi32, #tpu.memory_space<hbm>> -> memref<40x128xi32, #tpu.memory_space<hbm>>
      %dma_wait3A_157 = arith.constant 0 : i32
      %dma_wait3A_158 = tpu.memref_slice %arg3[%add3A_95, %dma_wait3A_157] : memref<5120x128xi32, #tpu.memory_space<hbm>> -> memref<40x128xi32, #tpu.memory_space<hbm>>
      tpu.wait_dma2 semaphore(%run_scoped3A : memref<!tpu.dma_semaphore, #tpu.memory_space<semaphore_mem>>) src(%dma_wait3A_158 : memref<40x128xi32, #tpu.memory_space<hbm>>) dst(%arg6 : memref<40x128xi32, #tpu.memory_space<vmem>>)
      tpu.yield
    }) : () -> ()
    %dma_start3A_96 = arith.constant 0 : i32
    %dma_start3A_97 = arith.constant 0 : i32
    %dma_start3A_98 = tpu.memref_slice %arg6[%dma_start3A_96, %dma_start3A_97] : memref<40x128xi32, #tpu.memory_space<vmem>> -> memref<1x128xi32, #tpu.memory_space<vmem>>
    %dma_start3A_99 = tpu.memref_squeeze %dma_start3A_98 : memref<1x128xi32, #tpu.memory_space<vmem>> -> memref<128xi32, #tpu.memory_space<vmem>>
    %dma_start3A_100 = arith.constant 0 : i32
    %dma_start3A_101 = arith.constant 0 : i32
    %dma_start3A_102 = tpu.memref_slice %arg2[%dma_start3A_100, %dma_start3A_101] : memref<40000x128xf32, #tpu.memory_space<hbm>> -> memref<40000x128xf32, #tpu.memory_space<hbm>>
    tpu.enqueue_indirect_dma source(%dma_start3A_102 : memref<40000x128xf32, #tpu.memory_space<hbm>>) target(%arg8 : memref<128x128xf32, #tpu.memory_space<vmem>>) offsets(%dma_start3A_99 : memref<128xi32, #tpu.memory_space<vmem>>) semaphore(%arg11 : memref<!tpu.dma_semaphore, #tpu.memory_space<semaphore_mem>>)
    %dma_start3A_103 = arith.constant 1 : i32
    %dma_start3A_104 = arith.constant 0 : i32
    %dma_start3A_105 = tpu.memref_slice %arg6[%dma_start3A_103, %dma_start3A_104] : memref<40x128xi32, #tpu.memory_space<vmem>> -> memref<1x128xi32, #tpu.memory_space<vmem>>
    %dma_start3A_106 = tpu.memref_squeeze %dma_start3A_105 : memref<1x128xi32, #tpu.memory_space<vmem>> -> memref<128xi32, #tpu.memory_space<vmem>>
    %dma_start3A_107 = arith.constant 0 : i32
    %dma_start3A_108 = arith.constant 0 : i32
    %dma_start3A_109 = tpu.memref_slice %arg2[%dma_start3A_107, %dma_start3A_108] : memref<40000x128xf32, #tpu.memory_space<hbm>> -> memref<40000x128xf32, #tpu.memory_space<hbm>>
    tpu.enqueue_indirect_dma source(%dma_start3A_109 : memref<40000x128xf32, #tpu.memory_space<hbm>>) target(%arg9 : memref<128x128xf32, #tpu.memory_space<vmem>>) offsets(%dma_start3A_106 : memref<128xi32, #tpu.memory_space<vmem>>) semaphore(%arg12 : memref<!tpu.dma_semaphore, #tpu.memory_space<semaphore_mem>>)
    %scan3A_110 = arith.constant 0 : i32
    %scan3A_111 = arith.constant 0 : i32
    %scan3A_112 = arith.constant 20 : i32
    %scan3A_113 = arith.addi %scan3A_111, %scan3A_112 : i32
    %scan3A_114 = arith.constant 1 : i32
    scf.for %scan3A_152 = %scan3A_111 to %scan3A_113 step %scan3A_114  : i32 {
      %mul3A_153 = arith.constant 2 : i32
      %mul3A_154 = arith.muli %scan3A_152, %mul3A_153 : i32
      %add3A_155 = arith.constant 0 : i32
      %add3A_156 = arith.addi %mul3A_154, %add3A_155 : i32
      %dma_wait3A = arith.constant 0 : i32
      %dma_wait3A_157 = tpu.memref_slice %arg6[%add3A_156, %dma_wait3A] : memref<40x128xi32, #tpu.memory_space<vmem>> -> memref<1x128xi32, #tpu.memory_space<vmem>>
      %dma_wait3A_158 = tpu.memref_squeeze %dma_wait3A_157 : memref<1x128xi32, #tpu.memory_space<vmem>> -> memref<128xi32, #tpu.memory_space<vmem>>
      %dma_wait3A_159 = arith.constant 0 : i32
      %dma_wait3A_160 = arith.constant 0 : i32
      %dma_wait3A_161 = tpu.memref_slice %arg2[%dma_wait3A_159, %dma_wait3A_160] : memref<40000x128xf32, #tpu.memory_space<hbm>> -> memref<40000x128xf32, #tpu.memory_space<hbm>>
      tpu.wait_indirect_dma semaphore(%arg11 : memref<!tpu.dma_semaphore, #tpu.memory_space<semaphore_mem>>) src(%dma_wait3A_161 : memref<40000x128xf32, #tpu.memory_space<hbm>>) dst(%arg8 : memref<128x128xf32, #tpu.memory_space<vmem>>)
      %add3A_162 = arith.constant 0 : i32
      %add3A_163 = arith.addi %add3A_162, %add3A_156 : i32
      "tpu.region"() ({
        %run_scoped3A = tpu.sem_alloc : memref<!tpu.dma_semaphore, #tpu.memory_space<semaphore_mem>>
        %dma_start3A_185 = arith.constant 0 : i32
        %dma_start3A_186 = tpu.memref_slice %arg7[%add3A_163, %dma_start3A_185] : memref<80x128xi32, #tpu.memory_space<vmem>> -> memref<1x128xi32, #tpu.memory_space<vmem>>
        %dma_start3A_187 = tpu.memref_squeeze %dma_start3A_186 : memref<1x128xi32, #tpu.memory_space<vmem>> -> memref<128xi32, #tpu.memory_space<vmem>>
        %dma_start3A_188 = arith.constant 0 : i32
        %dma_start3A_189 = arith.constant 0 : i32
        %dma_start3A_190 = tpu.memref_slice %arg10[%dma_start3A_188, %dma_start3A_189] : memref<10016x128xf32, #tpu.memory_space<vmem_shared>> -> memref<10016x128xf32, #tpu.memory_space<vmem_shared>>
        tpu.enqueue_indirect_dma source(%arg8 : memref<128x128xf32, #tpu.memory_space<vmem>>) target(%dma_start3A_190 : memref<10016x128xf32, #tpu.memory_space<vmem_shared>>) offsets(%dma_start3A_187 : memref<128xi32, #tpu.memory_space<vmem>>) semaphore(%run_scoped3A : memref<!tpu.dma_semaphore, #tpu.memory_space<semaphore_mem>>) {add = true}
        %dma_wait3A_191 = arith.constant 0 : i32
        %dma_wait3A_192 = tpu.memref_slice %arg7[%add3A_163, %dma_wait3A_191] : memref<80x128xi32, #tpu.memory_space<vmem>> -> memref<1x128xi32, #tpu.memory_space<vmem>>
        %dma_wait3A_193 = tpu.memref_squeeze %dma_wait3A_192 : memref<1x128xi32, #tpu.memory_space<vmem>> -> memref<128xi32, #tpu.memory_space<vmem>>
        %dma_wait3A_194 = arith.constant 0 : i32
        %dma_wait3A_195 = arith.constant 0 : i32
        %dma_wait3A_196 = tpu.memref_slice %arg10[%dma_wait3A_194, %dma_wait3A_195] : memref<10016x128xf32, #tpu.memory_space<vmem_shared>> -> memref<10016x128xf32, #tpu.memory_space<vmem_shared>>
        tpu.wait_indirect_dma semaphore(%run_scoped3A : memref<!tpu.dma_semaphore, #tpu.memory_space<semaphore_mem>>) src(%arg8 : memref<128x128xf32, #tpu.memory_space<vmem>>) dst(%dma_wait3A_196 : memref<10016x128xf32, #tpu.memory_space<vmem_shared>>)
        tpu.yield
      }) : () -> ()
      %lt3A = arith.constant 19 : i32
      %lt3A_164 = arith.cmpi slt, %scan3A_152, %lt3A : i32
      %convert_element_type3A_165 = arith.extui %lt3A_164 : i1 to i32
      %cond3A_166 = arith.constant 0 : i32
      %cond3A_167 = arith.cmpi ne, %convert_element_type3A_165, %cond3A_166 : i32
      scf.if %cond3A_167 {
        %add3A_185 = arith.constant 2 : i32
        %add3A_186 = arith.addi %add3A_156, %add3A_185 : i32
        %dma_start3A_187 = arith.constant 0 : i32
        %dma_start3A_188 = tpu.memref_slice %arg6[%add3A_186, %dma_start3A_187] : memref<40x128xi32, #tpu.memory_space<vmem>> -> memref<1x128xi32, #tpu.memory_space<vmem>>
        %dma_start3A_189 = tpu.memref_squeeze %dma_start3A_188 : memref<1x128xi32, #tpu.memory_space<vmem>> -> memref<128xi32, #tpu.memory_space<vmem>>
        %dma_start3A_190 = arith.constant 0 : i32
        %dma_start3A_191 = arith.constant 0 : i32
        %dma_start3A_192 = tpu.memref_slice %arg2[%dma_start3A_190, %dma_start3A_191] : memref<40000x128xf32, #tpu.memory_space<hbm>> -> memref<40000x128xf32, #tpu.memory_space<hbm>>
        tpu.enqueue_indirect_dma source(%dma_start3A_192 : memref<40000x128xf32, #tpu.memory_space<hbm>>) target(%arg8 : memref<128x128xf32, #tpu.memory_space<vmem>>) offsets(%dma_start3A_189 : memref<128xi32, #tpu.memory_space<vmem>>) semaphore(%arg11 : memref<!tpu.dma_semaphore, #tpu.memory_space<semaphore_mem>>)
      } else {
      }
      %mul3A_168 = arith.constant 2 : i32
      %mul3A_169 = arith.muli %scan3A_152, %mul3A_168 : i32
      %add3A_170 = arith.constant 1 : i32
      %add3A_171 = arith.addi %mul3A_169, %add3A_170 : i32
      %dma_wait3A_172 = arith.constant 0 : i32
      %dma_wait3A_173 = tpu.memref_slice %arg6[%add3A_171, %dma_wait3A_172] : memref<40x128xi32, #tpu.memory_space<vmem>> -> memref<1x128xi32, #tpu.memory_space<vmem>>
      %dma_wait3A_174 = tpu.memref_squeeze %dma_wait3A_173 : memref<1x128xi32, #tpu.memory_space<vmem>> -> memref<128xi32, #tpu.memory_space<vmem>>
      %dma_wait3A_175 = arith.constant 0 : i32
      %dma_wait3A_176 = arith.constant 0 : i32
      %dma_wait3A_177 = tpu.memref_slice %arg2[%dma_wait3A_175, %dma_wait3A_176] : memref<40000x128xf32, #tpu.memory_space<hbm>> -> memref<40000x128xf32, #tpu.memory_space<hbm>>
      tpu.wait_indirect_dma semaphore(%arg12 : memref<!tpu.dma_semaphore, #tpu.memory_space<semaphore_mem>>) src(%dma_wait3A_177 : memref<40000x128xf32, #tpu.memory_space<hbm>>) dst(%arg9 : memref<128x128xf32, #tpu.memory_space<vmem>>)
      %add3A_178 = arith.constant 0 : i32
      %add3A_179 = arith.addi %add3A_178, %add3A_171 : i32
      "tpu.region"() ({
        %run_scoped3A = tpu.sem_alloc : memref<!tpu.dma_semaphore, #tpu.memory_space<semaphore_mem>>
        %dma_start3A_185 = arith.constant 0 : i32
        %dma_start3A_186 = tpu.memref_slice %arg7[%add3A_179, %dma_start3A_185] : memref<80x128xi32, #tpu.memory_space<vmem>> -> memref<1x128xi32, #tpu.memory_space<vmem>>
        %dma_start3A_187 = tpu.memref_squeeze %dma_start3A_186 : memref<1x128xi32, #tpu.memory_space<vmem>> -> memref<128xi32, #tpu.memory_space<vmem>>
        %dma_start3A_188 = arith.constant 0 : i32
        %dma_start3A_189 = arith.constant 0 : i32
        %dma_start3A_190 = tpu.memref_slice %arg10[%dma_start3A_188, %dma_start3A_189] : memref<10016x128xf32, #tpu.memory_space<vmem_shared>> -> memref<10016x128xf32, #tpu.memory_space<vmem_shared>>
        tpu.enqueue_indirect_dma source(%arg9 : memref<128x128xf32, #tpu.memory_space<vmem>>) target(%dma_start3A_190 : memref<10016x128xf32, #tpu.memory_space<vmem_shared>>) offsets(%dma_start3A_187 : memref<128xi32, #tpu.memory_space<vmem>>) semaphore(%run_scoped3A : memref<!tpu.dma_semaphore, #tpu.memory_space<semaphore_mem>>) {add = true}
        %dma_wait3A_191 = arith.constant 0 : i32
        %dma_wait3A_192 = tpu.memref_slice %arg7[%add3A_179, %dma_wait3A_191] : memref<80x128xi32, #tpu.memory_space<vmem>> -> memref<1x128xi32, #tpu.memory_space<vmem>>
        %dma_wait3A_193 = tpu.memref_squeeze %dma_wait3A_192 : memref<1x128xi32, #tpu.memory_space<vmem>> -> memref<128xi32, #tpu.memory_space<vmem>>
        %dma_wait3A_194 = arith.constant 0 : i32
        %dma_wait3A_195 = arith.constant 0 : i32
        %dma_wait3A_196 = tpu.memref_slice %arg10[%dma_wait3A_194, %dma_wait3A_195] : memref<10016x128xf32, #tpu.memory_space<vmem_shared>> -> memref<10016x128xf32, #tpu.memory_space<vmem_shared>>
        tpu.wait_indirect_dma semaphore(%run_scoped3A : memref<!tpu.dma_semaphore, #tpu.memory_space<semaphore_mem>>) src(%arg9 : memref<128x128xf32, #tpu.memory_space<vmem>>) dst(%dma_wait3A_196 : memref<10016x128xf32, #tpu.memory_space<vmem_shared>>)
        tpu.yield
      }) : () -> ()
      %lt3A_180 = arith.constant 19 : i32
      %lt3A_181 = arith.cmpi slt, %scan3A_152, %lt3A_180 : i32
      %convert_element_type3A_182 = arith.extui %lt3A_181 : i1 to i32
      %cond3A_183 = arith.constant 0 : i32
      %cond3A_184 = arith.cmpi ne, %convert_element_type3A_182, %cond3A_183 : i32
      scf.if %cond3A_184 {
        %add3A_185 = arith.constant 2 : i32
        %add3A_186 = arith.addi %add3A_171, %add3A_185 : i32
        %dma_start3A_187 = arith.constant 0 : i32
        %dma_start3A_188 = tpu.memref_slice %arg6[%add3A_186, %dma_start3A_187] : memref<40x128xi32, #tpu.memory_space<vmem>> -> memref<1x128xi32, #tpu.memory_space<vmem>>
        %dma_start3A_189 = tpu.memref_squeeze %dma_start3A_188 : memref<1x128xi32, #tpu.memory_space<vmem>> -> memref<128xi32, #tpu.memory_space<vmem>>
        %dma_start3A_190 = arith.constant 0 : i32
        %dma_start3A_191 = arith.constant 0 : i32
        %dma_start3A_192 = tpu.memref_slice %arg2[%dma_start3A_190, %dma_start3A_191] : memref<40000x128xf32, #tpu.memory_space<hbm>> -> memref<40000x128xf32, #tpu.memory_space<hbm>>
        tpu.enqueue_indirect_dma source(%dma_start3A_192 : memref<40000x128xf32, #tpu.memory_space<hbm>>) target(%arg9 : memref<128x128xf32, #tpu.memory_space<vmem>>) offsets(%dma_start3A_189 : memref<128xi32, #tpu.memory_space<vmem>>) semaphore(%arg12 : memref<!tpu.dma_semaphore, #tpu.memory_space<semaphore_mem>>)
      } else {
      }
    }
    %scan3A_115 = arith.constant 20 : i32
    %mul3A_116 = arith.constant 16 : i32
    %mul3A_117 = arith.muli %add3A_73, %mul3A_116 : i32
    %add3A_118 = arith.addi %mul3A_117, %arg1 : i32
    %mul3A_119 = arith.constant 80 : i32
    %mul3A_120 = arith.muli %add3A_118, %mul3A_119 : i32
    %add3A_121 = arith.constant 40 : i32
    %add3A_122 = arith.addi %mul3A_120, %add3A_121 : i32
    "tpu.region"() ({
      %run_scoped3A = tpu.sem_alloc : memref<!tpu.dma_semaphore, #tpu.memory_space<semaphore_mem>>
      %dma_start3A_152 = arith.constant 0 : i32
      %dma_start3A_153 = tpu.memref_slice %arg3[%add3A_122, %dma_start3A_152] : memref<5120x128xi32, #tpu.memory_space<hbm>> -> memref<40x128xi32, #tpu.memory_space<hbm>>
      %dma_start3A_154 = arith.constant 0 : i32
      %dma_start3A_155 = tpu.memref_slice %arg3[%add3A_122, %dma_start3A_154] : memref<5120x128xi32, #tpu.memory_space<hbm>> -> memref<40x128xi32, #tpu.memory_space<hbm>>
      tpu.enqueue_dma source(%dma_start3A_155 : memref<40x128xi32, #tpu.memory_space<hbm>>) target(%arg6 : memref<40x128xi32, #tpu.memory_space<vmem>>) target_semaphore(%run_scoped3A : memref<!tpu.dma_semaphore, #tpu.memory_space<semaphore_mem>>)
      %dma_wait3A = arith.constant 0 : i32
      %dma_wait3A_156 = tpu.memref_slice %arg3[%add3A_122, %dma_wait3A] : memref<5120x128xi32, #tpu.memory_space<hbm>> -> memref<40x128xi32, #tpu.memory_space<hbm>>
      %dma_wait3A_157 = arith.constant 0 : i32
      %dma_wait3A_158 = tpu.memref_slice %arg3[%add3A_122, %dma_wait3A_157] : memref<5120x128xi32, #tpu.memory_space<hbm>> -> memref<40x128xi32, #tpu.memory_space<hbm>>
      tpu.wait_dma2 semaphore(%run_scoped3A : memref<!tpu.dma_semaphore, #tpu.memory_space<semaphore_mem>>) src(%dma_wait3A_158 : memref<40x128xi32, #tpu.memory_space<hbm>>) dst(%arg6 : memref<40x128xi32, #tpu.memory_space<vmem>>)
      tpu.yield
    }) : () -> ()
    %dma_start3A_123 = arith.constant 0 : i32
    %dma_start3A_124 = arith.constant 0 : i32
    %dma_start3A_125 = tpu.memref_slice %arg6[%dma_start3A_123, %dma_start3A_124] : memref<40x128xi32, #tpu.memory_space<vmem>> -> memref<1x128xi32, #tpu.memory_space<vmem>>
    %dma_start3A_126 = tpu.memref_squeeze %dma_start3A_125 : memref<1x128xi32, #tpu.memory_space<vmem>> -> memref<128xi32, #tpu.memory_space<vmem>>
    %dma_start3A_127 = arith.constant 0 : i32
    %dma_start3A_128 = arith.constant 0 : i32
    %dma_start3A_129 = tpu.memref_slice %arg2[%dma_start3A_127, %dma_start3A_128] : memref<40000x128xf32, #tpu.memory_space<hbm>> -> memref<40000x128xf32, #tpu.memory_space<hbm>>
    tpu.enqueue_indirect_dma source(%dma_start3A_129 : memref<40000x128xf32, #tpu.memory_space<hbm>>) target(%arg8 : memref<128x128xf32, #tpu.memory_space<vmem>>) offsets(%dma_start3A_126 : memref<128xi32, #tpu.memory_space<vmem>>) semaphore(%arg11 : memref<!tpu.dma_semaphore, #tpu.memory_space<semaphore_mem>>)
    %dma_start3A_130 = arith.constant 1 : i32
    %dma_start3A_131 = arith.constant 0 : i32
    %dma_start3A_132 = tpu.memref_slice %arg6[%dma_start3A_130, %dma_start3A_131] : memref<40x128xi32, #tpu.memory_space<vmem>> -> memref<1x128xi32, #tpu.memory_space<vmem>>
    %dma_start3A_133 = tpu.memref_squeeze %dma_start3A_132 : memref<1x128xi32, #tpu.memory_space<vmem>> -> memref<128xi32, #tpu.memory_space<vmem>>
    %dma_start3A_134 = arith.constant 0 : i32
    %dma_start3A_135 = arith.constant 0 : i32
    %dma_start3A_136 = tpu.memref_slice %arg2[%dma_start3A_134, %dma_start3A_135] : memref<40000x128xf32, #tpu.memory_space<hbm>> -> memref<40000x128xf32, #tpu.memory_space<hbm>>
    tpu.enqueue_indirect_dma source(%dma_start3A_136 : memref<40000x128xf32, #tpu.memory_space<hbm>>) target(%arg9 : memref<128x128xf32, #tpu.memory_space<vmem>>) offsets(%dma_start3A_133 : memref<128xi32, #tpu.memory_space<vmem>>) semaphore(%arg12 : memref<!tpu.dma_semaphore, #tpu.memory_space<semaphore_mem>>)
    %scan3A_137 = arith.constant 0 : i32
    %scan3A_138 = arith.constant 0 : i32
    %scan3A_139 = arith.constant 20 : i32
    %scan3A_140 = arith.addi %scan3A_138, %scan3A_139 : i32
    %scan3A_141 = arith.constant 1 : i32
    scf.for %scan3A_152 = %scan3A_138 to %scan3A_140 step %scan3A_141  : i32 {
      %mul3A_153 = arith.constant 2 : i32
      %mul3A_154 = arith.muli %scan3A_152, %mul3A_153 : i32
      %add3A_155 = arith.constant 0 : i32
      %add3A_156 = arith.addi %mul3A_154, %add3A_155 : i32
      %dma_wait3A = arith.constant 0 : i32
      %dma_wait3A_157 = tpu.memref_slice %arg6[%add3A_156, %dma_wait3A] : memref<40x128xi32, #tpu.memory_space<vmem>> -> memref<1x128xi32, #tpu.memory_space<vmem>>
      %dma_wait3A_158 = tpu.memref_squeeze %dma_wait3A_157 : memref<1x128xi32, #tpu.memory_space<vmem>> -> memref<128xi32, #tpu.memory_space<vmem>>
      %dma_wait3A_159 = arith.constant 0 : i32
      %dma_wait3A_160 = arith.constant 0 : i32
      %dma_wait3A_161 = tpu.memref_slice %arg2[%dma_wait3A_159, %dma_wait3A_160] : memref<40000x128xf32, #tpu.memory_space<hbm>> -> memref<40000x128xf32, #tpu.memory_space<hbm>>
      tpu.wait_indirect_dma semaphore(%arg11 : memref<!tpu.dma_semaphore, #tpu.memory_space<semaphore_mem>>) src(%dma_wait3A_161 : memref<40000x128xf32, #tpu.memory_space<hbm>>) dst(%arg8 : memref<128x128xf32, #tpu.memory_space<vmem>>)
      %add3A_162 = arith.constant 40 : i32
      %add3A_163 = arith.addi %add3A_162, %add3A_156 : i32
      "tpu.region"() ({
        %run_scoped3A = tpu.sem_alloc : memref<!tpu.dma_semaphore, #tpu.memory_space<semaphore_mem>>
        %dma_start3A_185 = arith.constant 0 : i32
        %dma_start3A_186 = tpu.memref_slice %arg7[%add3A_163, %dma_start3A_185] : memref<80x128xi32, #tpu.memory_space<vmem>> -> memref<1x128xi32, #tpu.memory_space<vmem>>
        %dma_start3A_187 = tpu.memref_squeeze %dma_start3A_186 : memref<1x128xi32, #tpu.memory_space<vmem>> -> memref<128xi32, #tpu.memory_space<vmem>>
        %dma_start3A_188 = arith.constant 0 : i32
        %dma_start3A_189 = arith.constant 0 : i32
        %dma_start3A_190 = tpu.memref_slice %arg10[%dma_start3A_188, %dma_start3A_189] : memref<10016x128xf32, #tpu.memory_space<vmem_shared>> -> memref<10016x128xf32, #tpu.memory_space<vmem_shared>>
        tpu.enqueue_indirect_dma source(%arg8 : memref<128x128xf32, #tpu.memory_space<vmem>>) target(%dma_start3A_190 : memref<10016x128xf32, #tpu.memory_space<vmem_shared>>) offsets(%dma_start3A_187 : memref<128xi32, #tpu.memory_space<vmem>>) semaphore(%run_scoped3A : memref<!tpu.dma_semaphore, #tpu.memory_space<semaphore_mem>>) {add = true}
        %dma_wait3A_191 = arith.constant 0 : i32
        %dma_wait3A_192 = tpu.memref_slice %arg7[%add3A_163, %dma_wait3A_191] : memref<80x128xi32, #tpu.memory_space<vmem>> -> memref<1x128xi32, #tpu.memory_space<vmem>>
        %dma_wait3A_193 = tpu.memref_squeeze %dma_wait3A_192 : memref<1x128xi32, #tpu.memory_space<vmem>> -> memref<128xi32, #tpu.memory_space<vmem>>
        %dma_wait3A_194 = arith.constant 0 : i32
        %dma_wait3A_195 = arith.constant 0 : i32
        %dma_wait3A_196 = tpu.memref_slice %arg10[%dma_wait3A_194, %dma_wait3A_195] : memref<10016x128xf32, #tpu.memory_space<vmem_shared>> -> memref<10016x128xf32, #tpu.memory_space<vmem_shared>>
        tpu.wait_indirect_dma semaphore(%run_scoped3A : memref<!tpu.dma_semaphore, #tpu.memory_space<semaphore_mem>>) src(%arg8 : memref<128x128xf32, #tpu.memory_space<vmem>>) dst(%dma_wait3A_196 : memref<10016x128xf32, #tpu.memory_space<vmem_shared>>)
        tpu.yield
      }) : () -> ()
      %lt3A = arith.constant 19 : i32
      %lt3A_164 = arith.cmpi slt, %scan3A_152, %lt3A : i32
      %convert_element_type3A_165 = arith.extui %lt3A_164 : i1 to i32
      %cond3A_166 = arith.constant 0 : i32
      %cond3A_167 = arith.cmpi ne, %convert_element_type3A_165, %cond3A_166 : i32
      scf.if %cond3A_167 {
        %add3A_185 = arith.constant 2 : i32
        %add3A_186 = arith.addi %add3A_156, %add3A_185 : i32
        %dma_start3A_187 = arith.constant 0 : i32
        %dma_start3A_188 = tpu.memref_slice %arg6[%add3A_186, %dma_start3A_187] : memref<40x128xi32, #tpu.memory_space<vmem>> -> memref<1x128xi32, #tpu.memory_space<vmem>>
        %dma_start3A_189 = tpu.memref_squeeze %dma_start3A_188 : memref<1x128xi32, #tpu.memory_space<vmem>> -> memref<128xi32, #tpu.memory_space<vmem>>
        %dma_start3A_190 = arith.constant 0 : i32
        %dma_start3A_191 = arith.constant 0 : i32
        %dma_start3A_192 = tpu.memref_slice %arg2[%dma_start3A_190, %dma_start3A_191] : memref<40000x128xf32, #tpu.memory_space<hbm>> -> memref<40000x128xf32, #tpu.memory_space<hbm>>
        tpu.enqueue_indirect_dma source(%dma_start3A_192 : memref<40000x128xf32, #tpu.memory_space<hbm>>) target(%arg8 : memref<128x128xf32, #tpu.memory_space<vmem>>) offsets(%dma_start3A_189 : memref<128xi32, #tpu.memory_space<vmem>>) semaphore(%arg11 : memref<!tpu.dma_semaphore, #tpu.memory_space<semaphore_mem>>)
      } else {
      }
      %mul3A_168 = arith.constant 2 : i32
      %mul3A_169 = arith.muli %scan3A_152, %mul3A_168 : i32
      %add3A_170 = arith.constant 1 : i32
      %add3A_171 = arith.addi %mul3A_169, %add3A_170 : i32
      %dma_wait3A_172 = arith.constant 0 : i32
      %dma_wait3A_173 = tpu.memref_slice %arg6[%add3A_171, %dma_wait3A_172] : memref<40x128xi32, #tpu.memory_space<vmem>> -> memref<1x128xi32, #tpu.memory_space<vmem>>
      %dma_wait3A_174 = tpu.memref_squeeze %dma_wait3A_173 : memref<1x128xi32, #tpu.memory_space<vmem>> -> memref<128xi32, #tpu.memory_space<vmem>>
      %dma_wait3A_175 = arith.constant 0 : i32
      %dma_wait3A_176 = arith.constant 0 : i32
      %dma_wait3A_177 = tpu.memref_slice %arg2[%dma_wait3A_175, %dma_wait3A_176] : memref<40000x128xf32, #tpu.memory_space<hbm>> -> memref<40000x128xf32, #tpu.memory_space<hbm>>
      tpu.wait_indirect_dma semaphore(%arg12 : memref<!tpu.dma_semaphore, #tpu.memory_space<semaphore_mem>>) src(%dma_wait3A_177 : memref<40000x128xf32, #tpu.memory_space<hbm>>) dst(%arg9 : memref<128x128xf32, #tpu.memory_space<vmem>>)
      %add3A_178 = arith.constant 40 : i32
      %add3A_179 = arith.addi %add3A_178, %add3A_171 : i32
      "tpu.region"() ({
        %run_scoped3A = tpu.sem_alloc : memref<!tpu.dma_semaphore, #tpu.memory_space<semaphore_mem>>
        %dma_start3A_185 = arith.constant 0 : i32
        %dma_start3A_186 = tpu.memref_slice %arg7[%add3A_179, %dma_start3A_185] : memref<80x128xi32, #tpu.memory_space<vmem>> -> memref<1x128xi32, #tpu.memory_space<vmem>>
        %dma_start3A_187 = tpu.memref_squeeze %dma_start3A_186 : memref<1x128xi32, #tpu.memory_space<vmem>> -> memref<128xi32, #tpu.memory_space<vmem>>
        %dma_start3A_188 = arith.constant 0 : i32
        %dma_start3A_189 = arith.constant 0 : i32
        %dma_start3A_190 = tpu.memref_slice %arg10[%dma_start3A_188, %dma_start3A_189] : memref<10016x128xf32, #tpu.memory_space<vmem_shared>> -> memref<10016x128xf32, #tpu.memory_space<vmem_shared>>
        tpu.enqueue_indirect_dma source(%arg9 : memref<128x128xf32, #tpu.memory_space<vmem>>) target(%dma_start3A_190 : memref<10016x128xf32, #tpu.memory_space<vmem_shared>>) offsets(%dma_start3A_187 : memref<128xi32, #tpu.memory_space<vmem>>) semaphore(%run_scoped3A : memref<!tpu.dma_semaphore, #tpu.memory_space<semaphore_mem>>) {add = true}
        %dma_wait3A_191 = arith.constant 0 : i32
        %dma_wait3A_192 = tpu.memref_slice %arg7[%add3A_179, %dma_wait3A_191] : memref<80x128xi32, #tpu.memory_space<vmem>> -> memref<1x128xi32, #tpu.memory_space<vmem>>
        %dma_wait3A_193 = tpu.memref_squeeze %dma_wait3A_192 : memref<1x128xi32, #tpu.memory_space<vmem>> -> memref<128xi32, #tpu.memory_space<vmem>>
        %dma_wait3A_194 = arith.constant 0 : i32
        %dma_wait3A_195 = arith.constant 0 : i32
        %dma_wait3A_196 = tpu.memref_slice %arg10[%dma_wait3A_194, %dma_wait3A_195] : memref<10016x128xf32, #tpu.memory_space<vmem_shared>> -> memref<10016x128xf32, #tpu.memory_space<vmem_shared>>
        tpu.wait_indirect_dma semaphore(%run_scoped3A : memref<!tpu.dma_semaphore, #tpu.memory_space<semaphore_mem>>) src(%arg9 : memref<128x128xf32, #tpu.memory_space<vmem>>) dst(%dma_wait3A_196 : memref<10016x128xf32, #tpu.memory_space<vmem_shared>>)
        tpu.yield
      }) : () -> ()
      %lt3A_180 = arith.constant 19 : i32
      %lt3A_181 = arith.cmpi slt, %scan3A_152, %lt3A_180 : i32
      %convert_element_type3A_182 = arith.extui %lt3A_181 : i1 to i32
      %cond3A_183 = arith.constant 0 : i32
      %cond3A_184 = arith.cmpi ne, %convert_element_type3A_182, %cond3A_183 : i32
      scf.if %cond3A_184 {
        %add3A_185 = arith.constant 2 : i32
        %add3A_186 = arith.addi %add3A_171, %add3A_185 : i32
        %dma_start3A_187 = arith.constant 0 : i32
        %dma_start3A_188 = tpu.memref_slice %arg6[%add3A_186, %dma_start3A_187] : memref<40x128xi32, #tpu.memory_space<vmem>> -> memref<1x128xi32, #tpu.memory_space<vmem>>
        %dma_start3A_189 = tpu.memref_squeeze %dma_start3A_188 : memref<1x128xi32, #tpu.memory_space<vmem>> -> memref<128xi32, #tpu.memory_space<vmem>>
        %dma_start3A_190 = arith.constant 0 : i32
        %dma_start3A_191 = arith.constant 0 : i32
        %dma_start3A_192 = tpu.memref_slice %arg2[%dma_start3A_190, %dma_start3A_191] : memref<40000x128xf32, #tpu.memory_space<hbm>> -> memref<40000x128xf32, #tpu.memory_space<hbm>>
        tpu.enqueue_indirect_dma source(%dma_start3A_192 : memref<40000x128xf32, #tpu.memory_space<hbm>>) target(%arg9 : memref<128x128xf32, #tpu.memory_space<vmem>>) offsets(%dma_start3A_189 : memref<128xi32, #tpu.memory_space<vmem>>) semaphore(%arg12 : memref<!tpu.dma_semaphore, #tpu.memory_space<semaphore_mem>>)
      } else {
      }
    }
    %scan3A_142 = arith.constant 20 : i32
    %barrier3A_143 = arith.constant 0 : index
    tpu.barrier barrier_id(%barrier3A_143)
    %mul3A_144 = arith.constant 624 : i32
    %mul3A_145 = arith.muli %arg1, %mul3A_144 : i32
    "tpu.region"() ({
      %run_scoped3A = tpu.sem_alloc : memref<!tpu.dma_semaphore, #tpu.memory_space<semaphore_mem>>
      %dma_start3A_152 = arith.constant 0 : i32
      %dma_start3A_153 = tpu.memref_slice %arg5[%add3A_78, %dma_start3A_152] : memref<40000x128xf32, #tpu.memory_space<hbm>> -> memref<624x128xf32, #tpu.memory_space<hbm>>
      %dma_start3A_154 = arith.constant 0 : i32
      %dma_start3A_155 = tpu.memref_slice %arg10[%mul3A_145, %dma_start3A_154] : memref<10016x128xf32, #tpu.memory_space<vmem_shared>> -> memref<624x128xf32, #tpu.memory_space<vmem_shared>>
      tpu.enqueue_dma source(%dma_start3A_155 : memref<624x128xf32, #tpu.memory_space<vmem_shared>>) target(%dma_start3A_153 : memref<624x128xf32, #tpu.memory_space<hbm>>) target_semaphore(%run_scoped3A : memref<!tpu.dma_semaphore, #tpu.memory_space<semaphore_mem>>)
      %dma_wait3A = arith.constant 0 : i32
      %dma_wait3A_156 = tpu.memref_slice %arg5[%add3A_78, %dma_wait3A] : memref<40000x128xf32, #tpu.memory_space<hbm>> -> memref<624x128xf32, #tpu.memory_space<hbm>>
      %dma_wait3A_157 = arith.constant 0 : i32
      %dma_wait3A_158 = tpu.memref_slice %arg10[%mul3A_145, %dma_wait3A_157] : memref<10016x128xf32, #tpu.memory_space<vmem_shared>> -> memref<624x128xf32, #tpu.memory_space<vmem_shared>>
      tpu.wait_dma2 semaphore(%run_scoped3A : memref<!tpu.dma_semaphore, #tpu.memory_space<semaphore_mem>>) src(%dma_wait3A_158 : memref<624x128xf32, #tpu.memory_space<vmem_shared>>) dst(%dma_wait3A_156 : memref<624x128xf32, #tpu.memory_space<hbm>>)
      tpu.yield
    }) : () -> ()
    %eq3A_146 = arith.constant 15 : i32
    %eq3A_147 = arith.cmpi eq, %arg1, %eq3A_146 : i32
    %convert_element_type3A_148 = arith.extui %eq3A_147 : i1 to i32
    %cond3A_149 = arith.constant 0 : i32
    %cond3A_150 = arith.cmpi ne, %convert_element_type3A_148, %cond3A_149 : i32
    scf.if %cond3A_150 {
      %mul3A_152 = arith.constant 10000 : i32
      %mul3A_153 = arith.muli %add3A_73, %mul3A_152 : i32
      %add3A_154 = arith.constant 9984 : i32
      %add3A_155 = arith.addi %mul3A_153, %add3A_154 : i32
      "tpu.region"() ({
        %run_scoped3A = tpu.sem_alloc : memref<!tpu.dma_semaphore, #tpu.memory_space<semaphore_mem>>
        %dma_start3A_156 = arith.constant 0 : i32
        %dma_start3A_157 = tpu.memref_slice %arg5[%add3A_155, %dma_start3A_156] : memref<40000x128xf32, #tpu.memory_space<hbm>> -> memref<16x128xf32, #tpu.memory_space<hbm>>
        %dma_start3A_158 = arith.constant 9984 : i32
        %dma_start3A_159 = arith.constant 0 : i32
        %dma_start3A_160 = tpu.memref_slice %arg10[%dma_start3A_158, %dma_start3A_159] : memref<10016x128xf32, #tpu.memory_space<vmem_shared>> -> memref<16x128xf32, #tpu.memory_space<vmem_shared>>
        tpu.enqueue_dma source(%dma_start3A_160 : memref<16x128xf32, #tpu.memory_space<vmem_shared>>) target(%dma_start3A_157 : memref<16x128xf32, #tpu.memory_space<hbm>>) target_semaphore(%run_scoped3A : memref<!tpu.dma_semaphore, #tpu.memory_space<semaphore_mem>>)
        %dma_wait3A = arith.constant 0 : i32
        %dma_wait3A_161 = tpu.memref_slice %arg5[%add3A_155, %dma_wait3A] : memref<40000x128xf32, #tpu.memory_space<hbm>> -> memref<16x128xf32, #tpu.memory_space<hbm>>
        %dma_wait3A_162 = arith.constant 9984 : i32
        %dma_wait3A_163 = arith.constant 0 : i32
        %dma_wait3A_164 = tpu.memref_slice %arg10[%dma_wait3A_162, %dma_wait3A_163] : memref<10016x128xf32, #tpu.memory_space<vmem_shared>> -> memref<16x128xf32, #tpu.memory_space<vmem_shared>>
        tpu.wait_dma2 semaphore(%run_scoped3A : memref<!tpu.dma_semaphore, #tpu.memory_space<semaphore_mem>>) src(%dma_wait3A_164 : memref<16x128xf32, #tpu.memory_space<vmem_shared>>) dst(%dma_wait3A_161 : memref<16x128xf32, #tpu.memory_space<hbm>>)
        tpu.yield
      }) : () -> ()
    } else {
    }
    %barrier3A_151 = arith.constant 0 : index
    tpu.barrier barrier_id(%barrier3A_151)
    return
  }
}

#map = affine_map<(d0, d1) -> (0, 0)>
module attributes {stable_mosaic.version = 14 : i64} {
  func.func @_sc_aggregate(%arg0: i32, %arg1: i32, %arg2: memref<40000x128xf32, #tpu.memory_space<hbm>>, %arg3: memref<5120x128xi32, #tpu.memory_space<hbm>>, %arg4: memref<1280x128xi32, #tpu.memory_space<hbm>>, %arg5: memref<40000x128xf32, #tpu.memory_space<hbm>>, %arg6: memref<40x128xi32, #tpu.memory_space<vmem>>, %arg7: memref<80x128xi32, #tpu.memory_space<vmem>>, %arg8: memref<128x128xf32, #tpu.memory_space<vmem>>, %arg9: memref<128x128xf32, #tpu.memory_space<vmem>>, %arg10: memref<10016x128xf32, #tpu.memory_space<vmem_shared>>, %arg11: memref<!tpu.dma_semaphore, #tpu.memory_space<semaphore_mem>>, %arg12: memref<!tpu.dma_semaphore, #tpu.memory_space<semaphore_mem>>) attributes {dimension_semantics = [#tpu.dimension_semantics<core_parallel>, #tpu.dimension_semantics<subcore_parallel>], iteration_bounds = array<i64: 2, 16>, scalar_prefetch = 0 : i64, scratch_operands = 7 : i64, tpu.core_type = #tpu.core_type<sc_vector_subcore>, window_params = [{transform_indices = #map}, {transform_indices = #map}, {transform_indices = #map}, {transform_indices = #map}]} {
    %add3A = arith.constant 0 : i32
    %add3A_0 = arith.addi %add3A, %arg0 : i32
    %mul3A = arith.constant 10000 : i32
    %mul3A_1 = arith.muli %add3A_0, %mul3A : i32
    %mul3A_2 = arith.constant 624 : i32
    %mul3A_3 = arith.muli %arg1, %mul3A_2 : i32
    %add3A_4 = arith.addi %mul3A_1, %mul3A_3 : i32
    %mul3A_5 = arith.constant 624 : i32
    %mul3A_6 = arith.muli %arg1, %mul3A_5 : i32
    "tpu.region"() ({
      %run_scoped3A = tpu.sem_alloc : memref<!tpu.dma_semaphore, #tpu.memory_space<semaphore_mem>>
      %dma_start3A_152 = arith.constant 0 : i32
      %dma_start3A_153 = tpu.memref_slice %arg10[%mul3A_6, %dma_start3A_152] : memref<10016x128xf32, #tpu.memory_space<vmem_shared>> -> memref<624x128xf32, #tpu.memory_space<vmem_shared>>
      %dma_start3A_154 = arith.constant 0 : i32
      %dma_start3A_155 = tpu.memref_slice %arg2[%add3A_4, %dma_start3A_154] : memref<40000x128xf32, #tpu.memory_space<hbm>> -> memref<624x128xf32, #tpu.memory_space<hbm>>
      tpu.enqueue_dma source(%dma_start3A_155 : memref<624x128xf32, #tpu.memory_space<hbm>>) target(%dma_start3A_153 : memref<624x128xf32, #tpu.memory_space<vmem_shared>>) target_semaphore(%run_scoped3A : memref<!tpu.dma_semaphore, #tpu.memory_space<semaphore_mem>>)
      %dma_wait3A = arith.constant 0 : i32
      %dma_wait3A_156 = tpu.memref_slice %arg10[%mul3A_6, %dma_wait3A] : memref<10016x128xf32, #tpu.memory_space<vmem_shared>> -> memref<624x128xf32, #tpu.memory_space<vmem_shared>>
      %dma_wait3A_157 = arith.constant 0 : i32
      %dma_wait3A_158 = tpu.memref_slice %arg2[%add3A_4, %dma_wait3A_157] : memref<40000x128xf32, #tpu.memory_space<hbm>> -> memref<624x128xf32, #tpu.memory_space<hbm>>
      tpu.wait_dma2 semaphore(%run_scoped3A : memref<!tpu.dma_semaphore, #tpu.memory_space<semaphore_mem>>) src(%dma_wait3A_158 : memref<624x128xf32, #tpu.memory_space<hbm>>) dst(%dma_wait3A_156 : memref<624x128xf32, #tpu.memory_space<vmem_shared>>)
      tpu.yield
    }) : () -> ()
    %eq3A = arith.constant 15 : i32
    %eq3A_7 = arith.cmpi eq, %arg1, %eq3A : i32
    %convert_element_type3A = arith.extui %eq3A_7 : i1 to i32
    %cond3A = arith.constant 0 : i32
    %cond3A_8 = arith.cmpi ne, %convert_element_type3A, %cond3A : i32
    scf.if %cond3A_8 {
      %mul3A_152 = arith.constant 10000 : i32
      %mul3A_153 = arith.muli %add3A_0, %mul3A_152 : i32
      %add3A_154 = arith.constant 9984 : i32
      %add3A_155 = arith.addi %mul3A_153, %add3A_154 : i32
      "tpu.region"() ({
        %run_scoped3A = tpu.sem_alloc : memref<!tpu.dma_semaphore, #tpu.memory_space<semaphore_mem>>
        %dma_start3A_156 = arith.constant 9984 : i32
        %dma_start3A_157 = arith.constant 0 : i32
        %dma_start3A_158 = tpu.memref_slice %arg10[%dma_start3A_156, %dma_start3A_157] : memref<10016x128xf32, #tpu.memory_space<vmem_shared>> -> memref<16x128xf32, #tpu.memory_space<vmem_shared>>
        %dma_start3A_159 = arith.constant 0 : i32
        %dma_start3A_160 = tpu.memref_slice %arg2[%add3A_155, %dma_start3A_159] : memref<40000x128xf32, #tpu.memory_space<hbm>> -> memref<16x128xf32, #tpu.memory_space<hbm>>
        tpu.enqueue_dma source(%dma_start3A_160 : memref<16x128xf32, #tpu.memory_space<hbm>>) target(%dma_start3A_158 : memref<16x128xf32, #tpu.memory_space<vmem_shared>>) target_semaphore(%run_scoped3A : memref<!tpu.dma_semaphore, #tpu.memory_space<semaphore_mem>>)
        %dma_wait3A = arith.constant 9984 : i32
        %dma_wait3A_161 = arith.constant 0 : i32
        %dma_wait3A_162 = tpu.memref_slice %arg10[%dma_wait3A, %dma_wait3A_161] : memref<10016x128xf32, #tpu.memory_space<vmem_shared>> -> memref<16x128xf32, #tpu.memory_space<vmem_shared>>
        %dma_wait3A_163 = arith.constant 0 : i32
        %dma_wait3A_164 = tpu.memref_slice %arg2[%add3A_155, %dma_wait3A_163] : memref<40000x128xf32, #tpu.memory_space<hbm>> -> memref<16x128xf32, #tpu.memory_space<hbm>>
        tpu.wait_dma2 semaphore(%run_scoped3A : memref<!tpu.dma_semaphore, #tpu.memory_space<semaphore_mem>>) src(%dma_wait3A_164 : memref<16x128xf32, #tpu.memory_space<hbm>>) dst(%dma_wait3A_162 : memref<16x128xf32, #tpu.memory_space<vmem_shared>>)
        tpu.yield
      }) : () -> ()
    } else {
    }
    %barrier3A = arith.constant 0 : index
    tpu.barrier barrier_id(%barrier3A)
    %mul3A_9 = arith.constant 80 : i32
    %mul3A_10 = arith.muli %arg1, %mul3A_9 : i32
    "tpu.region"() ({
      %run_scoped3A = tpu.sem_alloc : memref<!tpu.dma_semaphore, #tpu.memory_space<semaphore_mem>>
      %dma_start3A_152 = arith.constant 0 : i32
      %dma_start3A_153 = tpu.memref_slice %arg4[%mul3A_10, %dma_start3A_152] : memref<1280x128xi32, #tpu.memory_space<hbm>> -> memref<80x128xi32, #tpu.memory_space<hbm>>
      %dma_start3A_154 = arith.constant 0 : i32
      %dma_start3A_155 = tpu.memref_slice %arg4[%mul3A_10, %dma_start3A_154] : memref<1280x128xi32, #tpu.memory_space<hbm>> -> memref<80x128xi32, #tpu.memory_space<hbm>>
      tpu.enqueue_dma source(%dma_start3A_155 : memref<80x128xi32, #tpu.memory_space<hbm>>) target(%arg7 : memref<80x128xi32, #tpu.memory_space<vmem>>) target_semaphore(%run_scoped3A : memref<!tpu.dma_semaphore, #tpu.memory_space<semaphore_mem>>)
      %dma_wait3A = arith.constant 0 : i32
      %dma_wait3A_156 = tpu.memref_slice %arg4[%mul3A_10, %dma_wait3A] : memref<1280x128xi32, #tpu.memory_space<hbm>> -> memref<80x128xi32, #tpu.memory_space<hbm>>
      %dma_wait3A_157 = arith.constant 0 : i32
      %dma_wait3A_158 = tpu.memref_slice %arg4[%mul3A_10, %dma_wait3A_157] : memref<1280x128xi32, #tpu.memory_space<hbm>> -> memref<80x128xi32, #tpu.memory_space<hbm>>
      tpu.wait_dma2 semaphore(%run_scoped3A : memref<!tpu.dma_semaphore, #tpu.memory_space<semaphore_mem>>) src(%dma_wait3A_158 : memref<80x128xi32, #tpu.memory_space<hbm>>) dst(%arg7 : memref<80x128xi32, #tpu.memory_space<vmem>>)
      tpu.yield
    }) : () -> ()
    %mul3A_11 = arith.constant 16 : i32
    %mul3A_12 = arith.muli %add3A_0, %mul3A_11 : i32
    %add3A_13 = arith.addi %mul3A_12, %arg1 : i32
    %mul3A_14 = arith.constant 80 : i32
    %mul3A_15 = arith.muli %add3A_13, %mul3A_14 : i32
    %add3A_16 = arith.constant 0 : i32
    %add3A_17 = arith.addi %mul3A_15, %add3A_16 : i32
    "tpu.region"() ({
      %run_scoped3A = tpu.sem_alloc : memref<!tpu.dma_semaphore, #tpu.memory_space<semaphore_mem>>
      %dma_start3A_152 = arith.constant 0 : i32
      %dma_start3A_153 = tpu.memref_slice %arg3[%add3A_17, %dma_start3A_152] : memref<5120x128xi32, #tpu.memory_space<hbm>> -> memref<40x128xi32, #tpu.memory_space<hbm>>
      %dma_start3A_154 = arith.constant 0 : i32
      %dma_start3A_155 = tpu.memref_slice %arg3[%add3A_17, %dma_start3A_154] : memref<5120x128xi32, #tpu.memory_space<hbm>> -> memref<40x128xi32, #tpu.memory_space<hbm>>
      tpu.enqueue_dma source(%dma_start3A_155 : memref<40x128xi32, #tpu.memory_space<hbm>>) target(%arg6 : memref<40x128xi32, #tpu.memory_space<vmem>>) target_semaphore(%run_scoped3A : memref<!tpu.dma_semaphore, #tpu.memory_space<semaphore_mem>>)
      %dma_wait3A = arith.constant 0 : i32
      %dma_wait3A_156 = tpu.memref_slice %arg3[%add3A_17, %dma_wait3A] : memref<5120x128xi32, #tpu.memory_space<hbm>> -> memref<40x128xi32, #tpu.memory_space<hbm>>
      %dma_wait3A_157 = arith.constant 0 : i32
      %dma_wait3A_158 = tpu.memref_slice %arg3[%add3A_17, %dma_wait3A_157] : memref<5120x128xi32, #tpu.memory_space<hbm>> -> memref<40x128xi32, #tpu.memory_space<hbm>>
      tpu.wait_dma2 semaphore(%run_scoped3A : memref<!tpu.dma_semaphore, #tpu.memory_space<semaphore_mem>>) src(%dma_wait3A_158 : memref<40x128xi32, #tpu.memory_space<hbm>>) dst(%arg6 : memref<40x128xi32, #tpu.memory_space<vmem>>)
      tpu.yield
    }) : () -> ()
    %dma_start3A = arith.constant 0 : i32
    %dma_start3A_18 = arith.constant 0 : i32
    %dma_start3A_19 = tpu.memref_slice %arg6[%dma_start3A, %dma_start3A_18] : memref<40x128xi32, #tpu.memory_space<vmem>> -> memref<1x128xi32, #tpu.memory_space<vmem>>
    %dma_start3A_20 = tpu.memref_squeeze %dma_start3A_19 : memref<1x128xi32, #tpu.memory_space<vmem>> -> memref<128xi32, #tpu.memory_space<vmem>>
    %dma_start3A_21 = arith.constant 0 : i32
    %dma_start3A_22 = arith.constant 0 : i32
    %dma_start3A_23 = tpu.memref_slice %arg2[%dma_start3A_21, %dma_start3A_22] : memref<40000x128xf32, #tpu.memory_space<hbm>> -> memref<40000x128xf32, #tpu.memory_space<hbm>>
    tpu.enqueue_indirect_dma source(%dma_start3A_23 : memref<40000x128xf32, #tpu.memory_space<hbm>>) target(%arg8 : memref<128x128xf32, #tpu.memory_space<vmem>>) offsets(%dma_start3A_20 : memref<128xi32, #tpu.memory_space<vmem>>) semaphore(%arg11 : memref<!tpu.dma_semaphore, #tpu.memory_space<semaphore_mem>>)
    %dma_start3A_24 = arith.constant 1 : i32
    %dma_start3A_25 = arith.constant 0 : i32
    %dma_start3A_26 = tpu.memref_slice %arg6[%dma_start3A_24, %dma_start3A_25] : memref<40x128xi32, #tpu.memory_space<vmem>> -> memref<1x128xi32, #tpu.memory_space<vmem>>
    %dma_start3A_27 = tpu.memref_squeeze %dma_start3A_26 : memref<1x128xi32, #tpu.memory_space<vmem>> -> memref<128xi32, #tpu.memory_space<vmem>>
    %dma_start3A_28 = arith.constant 0 : i32
    %dma_start3A_29 = arith.constant 0 : i32
    %dma_start3A_30 = tpu.memref_slice %arg2[%dma_start3A_28, %dma_start3A_29] : memref<40000x128xf32, #tpu.memory_space<hbm>> -> memref<40000x128xf32, #tpu.memory_space<hbm>>
    tpu.enqueue_indirect_dma source(%dma_start3A_30 : memref<40000x128xf32, #tpu.memory_space<hbm>>) target(%arg9 : memref<128x128xf32, #tpu.memory_space<vmem>>) offsets(%dma_start3A_27 : memref<128xi32, #tpu.memory_space<vmem>>) semaphore(%arg12 : memref<!tpu.dma_semaphore, #tpu.memory_space<semaphore_mem>>)
    %scan3A = arith.constant 0 : i32
    %scan3A_31 = arith.constant 0 : i32
    %scan3A_32 = arith.constant 20 : i32
    %scan3A_33 = arith.addi %scan3A_31, %scan3A_32 : i32
    %scan3A_34 = arith.constant 1 : i32
    scf.for %scan3A_152 = %scan3A_31 to %scan3A_33 step %scan3A_34  : i32 {
      %mul3A_153 = arith.constant 2 : i32
      %mul3A_154 = arith.muli %scan3A_152, %mul3A_153 : i32
      %add3A_155 = arith.constant 0 : i32
      %add3A_156 = arith.addi %mul3A_154, %add3A_155 : i32
      %dma_wait3A = arith.constant 0 : i32
      %dma_wait3A_157 = tpu.memref_slice %arg6[%add3A_156, %dma_wait3A] : memref<40x128xi32, #tpu.memory_space<vmem>> -> memref<1x128xi32, #tpu.memory_space<vmem>>
      %dma_wait3A_158 = tpu.memref_squeeze %dma_wait3A_157 : memref<1x128xi32, #tpu.memory_space<vmem>> -> memref<128xi32, #tpu.memory_space<vmem>>
      %dma_wait3A_159 = arith.constant 0 : i32
      %dma_wait3A_160 = arith.constant 0 : i32
      %dma_wait3A_161 = tpu.memref_slice %arg2[%dma_wait3A_159, %dma_wait3A_160] : memref<40000x128xf32, #tpu.memory_space<hbm>> -> memref<40000x128xf32, #tpu.memory_space<hbm>>
      tpu.wait_indirect_dma semaphore(%arg11 : memref<!tpu.dma_semaphore, #tpu.memory_space<semaphore_mem>>) src(%dma_wait3A_161 : memref<40000x128xf32, #tpu.memory_space<hbm>>) dst(%arg8 : memref<128x128xf32, #tpu.memory_space<vmem>>)
      %add3A_162 = arith.constant 0 : i32
      %add3A_163 = arith.addi %add3A_162, %add3A_156 : i32
      "tpu.region"() ({
        %run_scoped3A = tpu.sem_alloc : memref<!tpu.dma_semaphore, #tpu.memory_space<semaphore_mem>>
        %dma_start3A_185 = arith.constant 0 : i32
        %dma_start3A_186 = tpu.memref_slice %arg7[%add3A_163, %dma_start3A_185] : memref<80x128xi32, #tpu.memory_space<vmem>> -> memref<1x128xi32, #tpu.memory_space<vmem>>
        %dma_start3A_187 = tpu.memref_squeeze %dma_start3A_186 : memref<1x128xi32, #tpu.memory_space<vmem>> -> memref<128xi32, #tpu.memory_space<vmem>>
        %dma_start3A_188 = arith.constant 0 : i32
        %dma_start3A_189 = arith.constant 0 : i32
        %dma_start3A_190 = tpu.memref_slice %arg10[%dma_start3A_188, %dma_start3A_189] : memref<10016x128xf32, #tpu.memory_space<vmem_shared>> -> memref<10016x128xf32, #tpu.memory_space<vmem_shared>>
        tpu.enqueue_indirect_dma source(%arg8 : memref<128x128xf32, #tpu.memory_space<vmem>>) target(%dma_start3A_190 : memref<10016x128xf32, #tpu.memory_space<vmem_shared>>) offsets(%dma_start3A_187 : memref<128xi32, #tpu.memory_space<vmem>>) semaphore(%run_scoped3A : memref<!tpu.dma_semaphore, #tpu.memory_space<semaphore_mem>>) {add = true}
        %dma_wait3A_191 = arith.constant 0 : i32
        %dma_wait3A_192 = tpu.memref_slice %arg7[%add3A_163, %dma_wait3A_191] : memref<80x128xi32, #tpu.memory_space<vmem>> -> memref<1x128xi32, #tpu.memory_space<vmem>>
        %dma_wait3A_193 = tpu.memref_squeeze %dma_wait3A_192 : memref<1x128xi32, #tpu.memory_space<vmem>> -> memref<128xi32, #tpu.memory_space<vmem>>
        %dma_wait3A_194 = arith.constant 0 : i32
        %dma_wait3A_195 = arith.constant 0 : i32
        %dma_wait3A_196 = tpu.memref_slice %arg10[%dma_wait3A_194, %dma_wait3A_195] : memref<10016x128xf32, #tpu.memory_space<vmem_shared>> -> memref<10016x128xf32, #tpu.memory_space<vmem_shared>>
        tpu.wait_indirect_dma semaphore(%run_scoped3A : memref<!tpu.dma_semaphore, #tpu.memory_space<semaphore_mem>>) src(%arg8 : memref<128x128xf32, #tpu.memory_space<vmem>>) dst(%dma_wait3A_196 : memref<10016x128xf32, #tpu.memory_space<vmem_shared>>)
        tpu.yield
      }) : () -> ()
      %lt3A = arith.constant 19 : i32
      %lt3A_164 = arith.cmpi slt, %scan3A_152, %lt3A : i32
      %convert_element_type3A_165 = arith.extui %lt3A_164 : i1 to i32
      %cond3A_166 = arith.constant 0 : i32
      %cond3A_167 = arith.cmpi ne, %convert_element_type3A_165, %cond3A_166 : i32
      scf.if %cond3A_167 {
        %add3A_185 = arith.constant 2 : i32
        %add3A_186 = arith.addi %add3A_156, %add3A_185 : i32
        %dma_start3A_187 = arith.constant 0 : i32
        %dma_start3A_188 = tpu.memref_slice %arg6[%add3A_186, %dma_start3A_187] : memref<40x128xi32, #tpu.memory_space<vmem>> -> memref<1x128xi32, #tpu.memory_space<vmem>>
        %dma_start3A_189 = tpu.memref_squeeze %dma_start3A_188 : memref<1x128xi32, #tpu.memory_space<vmem>> -> memref<128xi32, #tpu.memory_space<vmem>>
        %dma_start3A_190 = arith.constant 0 : i32
        %dma_start3A_191 = arith.constant 0 : i32
        %dma_start3A_192 = tpu.memref_slice %arg2[%dma_start3A_190, %dma_start3A_191] : memref<40000x128xf32, #tpu.memory_space<hbm>> -> memref<40000x128xf32, #tpu.memory_space<hbm>>
        tpu.enqueue_indirect_dma source(%dma_start3A_192 : memref<40000x128xf32, #tpu.memory_space<hbm>>) target(%arg8 : memref<128x128xf32, #tpu.memory_space<vmem>>) offsets(%dma_start3A_189 : memref<128xi32, #tpu.memory_space<vmem>>) semaphore(%arg11 : memref<!tpu.dma_semaphore, #tpu.memory_space<semaphore_mem>>)
      } else {
      }
      %mul3A_168 = arith.constant 2 : i32
      %mul3A_169 = arith.muli %scan3A_152, %mul3A_168 : i32
      %add3A_170 = arith.constant 1 : i32
      %add3A_171 = arith.addi %mul3A_169, %add3A_170 : i32
      %dma_wait3A_172 = arith.constant 0 : i32
      %dma_wait3A_173 = tpu.memref_slice %arg6[%add3A_171, %dma_wait3A_172] : memref<40x128xi32, #tpu.memory_space<vmem>> -> memref<1x128xi32, #tpu.memory_space<vmem>>
      %dma_wait3A_174 = tpu.memref_squeeze %dma_wait3A_173 : memref<1x128xi32, #tpu.memory_space<vmem>> -> memref<128xi32, #tpu.memory_space<vmem>>
      %dma_wait3A_175 = arith.constant 0 : i32
      %dma_wait3A_176 = arith.constant 0 : i32
      %dma_wait3A_177 = tpu.memref_slice %arg2[%dma_wait3A_175, %dma_wait3A_176] : memref<40000x128xf32, #tpu.memory_space<hbm>> -> memref<40000x128xf32, #tpu.memory_space<hbm>>
      tpu.wait_indirect_dma semaphore(%arg12 : memref<!tpu.dma_semaphore, #tpu.memory_space<semaphore_mem>>) src(%dma_wait3A_177 : memref<40000x128xf32, #tpu.memory_space<hbm>>) dst(%arg9 : memref<128x128xf32, #tpu.memory_space<vmem>>)
      %add3A_178 = arith.constant 0 : i32
      %add3A_179 = arith.addi %add3A_178, %add3A_171 : i32
      "tpu.region"() ({
        %run_scoped3A = tpu.sem_alloc : memref<!tpu.dma_semaphore, #tpu.memory_space<semaphore_mem>>
        %dma_start3A_185 = arith.constant 0 : i32
        %dma_start3A_186 = tpu.memref_slice %arg7[%add3A_179, %dma_start3A_185] : memref<80x128xi32, #tpu.memory_space<vmem>> -> memref<1x128xi32, #tpu.memory_space<vmem>>
        %dma_start3A_187 = tpu.memref_squeeze %dma_start3A_186 : memref<1x128xi32, #tpu.memory_space<vmem>> -> memref<128xi32, #tpu.memory_space<vmem>>
        %dma_start3A_188 = arith.constant 0 : i32
        %dma_start3A_189 = arith.constant 0 : i32
        %dma_start3A_190 = tpu.memref_slice %arg10[%dma_start3A_188, %dma_start3A_189] : memref<10016x128xf32, #tpu.memory_space<vmem_shared>> -> memref<10016x128xf32, #tpu.memory_space<vmem_shared>>
        tpu.enqueue_indirect_dma source(%arg9 : memref<128x128xf32, #tpu.memory_space<vmem>>) target(%dma_start3A_190 : memref<10016x128xf32, #tpu.memory_space<vmem_shared>>) offsets(%dma_start3A_187 : memref<128xi32, #tpu.memory_space<vmem>>) semaphore(%run_scoped3A : memref<!tpu.dma_semaphore, #tpu.memory_space<semaphore_mem>>) {add = true}
        %dma_wait3A_191 = arith.constant 0 : i32
        %dma_wait3A_192 = tpu.memref_slice %arg7[%add3A_179, %dma_wait3A_191] : memref<80x128xi32, #tpu.memory_space<vmem>> -> memref<1x128xi32, #tpu.memory_space<vmem>>
        %dma_wait3A_193 = tpu.memref_squeeze %dma_wait3A_192 : memref<1x128xi32, #tpu.memory_space<vmem>> -> memref<128xi32, #tpu.memory_space<vmem>>
        %dma_wait3A_194 = arith.constant 0 : i32
        %dma_wait3A_195 = arith.constant 0 : i32
        %dma_wait3A_196 = tpu.memref_slice %arg10[%dma_wait3A_194, %dma_wait3A_195] : memref<10016x128xf32, #tpu.memory_space<vmem_shared>> -> memref<10016x128xf32, #tpu.memory_space<vmem_shared>>
        tpu.wait_indirect_dma semaphore(%run_scoped3A : memref<!tpu.dma_semaphore, #tpu.memory_space<semaphore_mem>>) src(%arg9 : memref<128x128xf32, #tpu.memory_space<vmem>>) dst(%dma_wait3A_196 : memref<10016x128xf32, #tpu.memory_space<vmem_shared>>)
        tpu.yield
      }) : () -> ()
      %lt3A_180 = arith.constant 19 : i32
      %lt3A_181 = arith.cmpi slt, %scan3A_152, %lt3A_180 : i32
      %convert_element_type3A_182 = arith.extui %lt3A_181 : i1 to i32
      %cond3A_183 = arith.constant 0 : i32
      %cond3A_184 = arith.cmpi ne, %convert_element_type3A_182, %cond3A_183 : i32
      scf.if %cond3A_184 {
        %add3A_185 = arith.constant 2 : i32
        %add3A_186 = arith.addi %add3A_171, %add3A_185 : i32
        %dma_start3A_187 = arith.constant 0 : i32
        %dma_start3A_188 = tpu.memref_slice %arg6[%add3A_186, %dma_start3A_187] : memref<40x128xi32, #tpu.memory_space<vmem>> -> memref<1x128xi32, #tpu.memory_space<vmem>>
        %dma_start3A_189 = tpu.memref_squeeze %dma_start3A_188 : memref<1x128xi32, #tpu.memory_space<vmem>> -> memref<128xi32, #tpu.memory_space<vmem>>
        %dma_start3A_190 = arith.constant 0 : i32
        %dma_start3A_191 = arith.constant 0 : i32
        %dma_start3A_192 = tpu.memref_slice %arg2[%dma_start3A_190, %dma_start3A_191] : memref<40000x128xf32, #tpu.memory_space<hbm>> -> memref<40000x128xf32, #tpu.memory_space<hbm>>
        tpu.enqueue_indirect_dma source(%dma_start3A_192 : memref<40000x128xf32, #tpu.memory_space<hbm>>) target(%arg9 : memref<128x128xf32, #tpu.memory_space<vmem>>) offsets(%dma_start3A_189 : memref<128xi32, #tpu.memory_space<vmem>>) semaphore(%arg12 : memref<!tpu.dma_semaphore, #tpu.memory_space<semaphore_mem>>)
      } else {
      }
    }
    %scan3A_35 = arith.constant 20 : i32
    %mul3A_36 = arith.constant 16 : i32
    %mul3A_37 = arith.muli %add3A_0, %mul3A_36 : i32
    %add3A_38 = arith.addi %mul3A_37, %arg1 : i32
    %mul3A_39 = arith.constant 80 : i32
    %mul3A_40 = arith.muli %add3A_38, %mul3A_39 : i32
    %add3A_41 = arith.constant 40 : i32
    %add3A_42 = arith.addi %mul3A_40, %add3A_41 : i32
    "tpu.region"() ({
      %run_scoped3A = tpu.sem_alloc : memref<!tpu.dma_semaphore, #tpu.memory_space<semaphore_mem>>
      %dma_start3A_152 = arith.constant 0 : i32
      %dma_start3A_153 = tpu.memref_slice %arg3[%add3A_42, %dma_start3A_152] : memref<5120x128xi32, #tpu.memory_space<hbm>> -> memref<40x128xi32, #tpu.memory_space<hbm>>
      %dma_start3A_154 = arith.constant 0 : i32
      %dma_start3A_155 = tpu.memref_slice %arg3[%add3A_42, %dma_start3A_154] : memref<5120x128xi32, #tpu.memory_space<hbm>> -> memref<40x128xi32, #tpu.memory_space<hbm>>
      tpu.enqueue_dma source(%dma_start3A_155 : memref<40x128xi32, #tpu.memory_space<hbm>>) target(%arg6 : memref<40x128xi32, #tpu.memory_space<vmem>>) target_semaphore(%run_scoped3A : memref<!tpu.dma_semaphore, #tpu.memory_space<semaphore_mem>>)
      %dma_wait3A = arith.constant 0 : i32
      %dma_wait3A_156 = tpu.memref_slice %arg3[%add3A_42, %dma_wait3A] : memref<5120x128xi32, #tpu.memory_space<hbm>> -> memref<40x128xi32, #tpu.memory_space<hbm>>
      %dma_wait3A_157 = arith.constant 0 : i32
      %dma_wait3A_158 = tpu.memref_slice %arg3[%add3A_42, %dma_wait3A_157] : memref<5120x128xi32, #tpu.memory_space<hbm>> -> memref<40x128xi32, #tpu.memory_space<hbm>>
      tpu.wait_dma2 semaphore(%run_scoped3A : memref<!tpu.dma_semaphore, #tpu.memory_space<semaphore_mem>>) src(%dma_wait3A_158 : memref<40x128xi32, #tpu.memory_space<hbm>>) dst(%arg6 : memref<40x128xi32, #tpu.memory_space<vmem>>)
      tpu.yield
    }) : () -> ()
    %dma_start3A_43 = arith.constant 0 : i32
    %dma_start3A_44 = arith.constant 0 : i32
    %dma_start3A_45 = tpu.memref_slice %arg6[%dma_start3A_43, %dma_start3A_44] : memref<40x128xi32, #tpu.memory_space<vmem>> -> memref<1x128xi32, #tpu.memory_space<vmem>>
    %dma_start3A_46 = tpu.memref_squeeze %dma_start3A_45 : memref<1x128xi32, #tpu.memory_space<vmem>> -> memref<128xi32, #tpu.memory_space<vmem>>
    %dma_start3A_47 = arith.constant 0 : i32
    %dma_start3A_48 = arith.constant 0 : i32
    %dma_start3A_49 = tpu.memref_slice %arg2[%dma_start3A_47, %dma_start3A_48] : memref<40000x128xf32, #tpu.memory_space<hbm>> -> memref<40000x128xf32, #tpu.memory_space<hbm>>
    tpu.enqueue_indirect_dma source(%dma_start3A_49 : memref<40000x128xf32, #tpu.memory_space<hbm>>) target(%arg8 : memref<128x128xf32, #tpu.memory_space<vmem>>) offsets(%dma_start3A_46 : memref<128xi32, #tpu.memory_space<vmem>>) semaphore(%arg11 : memref<!tpu.dma_semaphore, #tpu.memory_space<semaphore_mem>>)
    %dma_start3A_50 = arith.constant 1 : i32
    %dma_start3A_51 = arith.constant 0 : i32
    %dma_start3A_52 = tpu.memref_slice %arg6[%dma_start3A_50, %dma_start3A_51] : memref<40x128xi32, #tpu.memory_space<vmem>> -> memref<1x128xi32, #tpu.memory_space<vmem>>
    %dma_start3A_53 = tpu.memref_squeeze %dma_start3A_52 : memref<1x128xi32, #tpu.memory_space<vmem>> -> memref<128xi32, #tpu.memory_space<vmem>>
    %dma_start3A_54 = arith.constant 0 : i32
    %dma_start3A_55 = arith.constant 0 : i32
    %dma_start3A_56 = tpu.memref_slice %arg2[%dma_start3A_54, %dma_start3A_55] : memref<40000x128xf32, #tpu.memory_space<hbm>> -> memref<40000x128xf32, #tpu.memory_space<hbm>>
    tpu.enqueue_indirect_dma source(%dma_start3A_56 : memref<40000x128xf32, #tpu.memory_space<hbm>>) target(%arg9 : memref<128x128xf32, #tpu.memory_space<vmem>>) offsets(%dma_start3A_53 : memref<128xi32, #tpu.memory_space<vmem>>) semaphore(%arg12 : memref<!tpu.dma_semaphore, #tpu.memory_space<semaphore_mem>>)
    %scan3A_57 = arith.constant 0 : i32
    %scan3A_58 = arith.constant 0 : i32
    %scan3A_59 = arith.constant 20 : i32
    %scan3A_60 = arith.addi %scan3A_58, %scan3A_59 : i32
    %scan3A_61 = arith.constant 1 : i32
    scf.for %scan3A_152 = %scan3A_58 to %scan3A_60 step %scan3A_61  : i32 {
      %mul3A_153 = arith.constant 2 : i32
      %mul3A_154 = arith.muli %scan3A_152, %mul3A_153 : i32
      %add3A_155 = arith.constant 0 : i32
      %add3A_156 = arith.addi %mul3A_154, %add3A_155 : i32
      %dma_wait3A = arith.constant 0 : i32
      %dma_wait3A_157 = tpu.memref_slice %arg6[%add3A_156, %dma_wait3A] : memref<40x128xi32, #tpu.memory_space<vmem>> -> memref<1x128xi32, #tpu.memory_space<vmem>>
      %dma_wait3A_158 = tpu.memref_squeeze %dma_wait3A_157 : memref<1x128xi32, #tpu.memory_space<vmem>> -> memref<128xi32, #tpu.memory_space<vmem>>
      %dma_wait3A_159 = arith.constant 0 : i32
      %dma_wait3A_160 = arith.constant 0 : i32
      %dma_wait3A_161 = tpu.memref_slice %arg2[%dma_wait3A_159, %dma_wait3A_160] : memref<40000x128xf32, #tpu.memory_space<hbm>> -> memref<40000x128xf32, #tpu.memory_space<hbm>>
      tpu.wait_indirect_dma semaphore(%arg11 : memref<!tpu.dma_semaphore, #tpu.memory_space<semaphore_mem>>) src(%dma_wait3A_161 : memref<40000x128xf32, #tpu.memory_space<hbm>>) dst(%arg8 : memref<128x128xf32, #tpu.memory_space<vmem>>)
      %add3A_162 = arith.constant 40 : i32
      %add3A_163 = arith.addi %add3A_162, %add3A_156 : i32
      "tpu.region"() ({
        %run_scoped3A = tpu.sem_alloc : memref<!tpu.dma_semaphore, #tpu.memory_space<semaphore_mem>>
        %dma_start3A_185 = arith.constant 0 : i32
        %dma_start3A_186 = tpu.memref_slice %arg7[%add3A_163, %dma_start3A_185] : memref<80x128xi32, #tpu.memory_space<vmem>> -> memref<1x128xi32, #tpu.memory_space<vmem>>
        %dma_start3A_187 = tpu.memref_squeeze %dma_start3A_186 : memref<1x128xi32, #tpu.memory_space<vmem>> -> memref<128xi32, #tpu.memory_space<vmem>>
        %dma_start3A_188 = arith.constant 0 : i32
        %dma_start3A_189 = arith.constant 0 : i32
        %dma_start3A_190 = tpu.memref_slice %arg10[%dma_start3A_188, %dma_start3A_189] : memref<10016x128xf32, #tpu.memory_space<vmem_shared>> -> memref<10016x128xf32, #tpu.memory_space<vmem_shared>>
        tpu.enqueue_indirect_dma source(%arg8 : memref<128x128xf32, #tpu.memory_space<vmem>>) target(%dma_start3A_190 : memref<10016x128xf32, #tpu.memory_space<vmem_shared>>) offsets(%dma_start3A_187 : memref<128xi32, #tpu.memory_space<vmem>>) semaphore(%run_scoped3A : memref<!tpu.dma_semaphore, #tpu.memory_space<semaphore_mem>>) {add = true}
        %dma_wait3A_191 = arith.constant 0 : i32
        %dma_wait3A_192 = tpu.memref_slice %arg7[%add3A_163, %dma_wait3A_191] : memref<80x128xi32, #tpu.memory_space<vmem>> -> memref<1x128xi32, #tpu.memory_space<vmem>>
        %dma_wait3A_193 = tpu.memref_squeeze %dma_wait3A_192 : memref<1x128xi32, #tpu.memory_space<vmem>> -> memref<128xi32, #tpu.memory_space<vmem>>
        %dma_wait3A_194 = arith.constant 0 : i32
        %dma_wait3A_195 = arith.constant 0 : i32
        %dma_wait3A_196 = tpu.memref_slice %arg10[%dma_wait3A_194, %dma_wait3A_195] : memref<10016x128xf32, #tpu.memory_space<vmem_shared>> -> memref<10016x128xf32, #tpu.memory_space<vmem_shared>>
        tpu.wait_indirect_dma semaphore(%run_scoped3A : memref<!tpu.dma_semaphore, #tpu.memory_space<semaphore_mem>>) src(%arg8 : memref<128x128xf32, #tpu.memory_space<vmem>>) dst(%dma_wait3A_196 : memref<10016x128xf32, #tpu.memory_space<vmem_shared>>)
        tpu.yield
      }) : () -> ()
      %lt3A = arith.constant 19 : i32
      %lt3A_164 = arith.cmpi slt, %scan3A_152, %lt3A : i32
      %convert_element_type3A_165 = arith.extui %lt3A_164 : i1 to i32
      %cond3A_166 = arith.constant 0 : i32
      %cond3A_167 = arith.cmpi ne, %convert_element_type3A_165, %cond3A_166 : i32
      scf.if %cond3A_167 {
        %add3A_185 = arith.constant 2 : i32
        %add3A_186 = arith.addi %add3A_156, %add3A_185 : i32
        %dma_start3A_187 = arith.constant 0 : i32
        %dma_start3A_188 = tpu.memref_slice %arg6[%add3A_186, %dma_start3A_187] : memref<40x128xi32, #tpu.memory_space<vmem>> -> memref<1x128xi32, #tpu.memory_space<vmem>>
        %dma_start3A_189 = tpu.memref_squeeze %dma_start3A_188 : memref<1x128xi32, #tpu.memory_space<vmem>> -> memref<128xi32, #tpu.memory_space<vmem>>
        %dma_start3A_190 = arith.constant 0 : i32
        %dma_start3A_191 = arith.constant 0 : i32
        %dma_start3A_192 = tpu.memref_slice %arg2[%dma_start3A_190, %dma_start3A_191] : memref<40000x128xf32, #tpu.memory_space<hbm>> -> memref<40000x128xf32, #tpu.memory_space<hbm>>
        tpu.enqueue_indirect_dma source(%dma_start3A_192 : memref<40000x128xf32, #tpu.memory_space<hbm>>) target(%arg8 : memref<128x128xf32, #tpu.memory_space<vmem>>) offsets(%dma_start3A_189 : memref<128xi32, #tpu.memory_space<vmem>>) semaphore(%arg11 : memref<!tpu.dma_semaphore, #tpu.memory_space<semaphore_mem>>)
      } else {
      }
      %mul3A_168 = arith.constant 2 : i32
      %mul3A_169 = arith.muli %scan3A_152, %mul3A_168 : i32
      %add3A_170 = arith.constant 1 : i32
      %add3A_171 = arith.addi %mul3A_169, %add3A_170 : i32
      %dma_wait3A_172 = arith.constant 0 : i32
      %dma_wait3A_173 = tpu.memref_slice %arg6[%add3A_171, %dma_wait3A_172] : memref<40x128xi32, #tpu.memory_space<vmem>> -> memref<1x128xi32, #tpu.memory_space<vmem>>
      %dma_wait3A_174 = tpu.memref_squeeze %dma_wait3A_173 : memref<1x128xi32, #tpu.memory_space<vmem>> -> memref<128xi32, #tpu.memory_space<vmem>>
      %dma_wait3A_175 = arith.constant 0 : i32
      %dma_wait3A_176 = arith.constant 0 : i32
      %dma_wait3A_177 = tpu.memref_slice %arg2[%dma_wait3A_175, %dma_wait3A_176] : memref<40000x128xf32, #tpu.memory_space<hbm>> -> memref<40000x128xf32, #tpu.memory_space<hbm>>
      tpu.wait_indirect_dma semaphore(%arg12 : memref<!tpu.dma_semaphore, #tpu.memory_space<semaphore_mem>>) src(%dma_wait3A_177 : memref<40000x128xf32, #tpu.memory_space<hbm>>) dst(%arg9 : memref<128x128xf32, #tpu.memory_space<vmem>>)
      %add3A_178 = arith.constant 40 : i32
      %add3A_179 = arith.addi %add3A_178, %add3A_171 : i32
      "tpu.region"() ({
        %run_scoped3A = tpu.sem_alloc : memref<!tpu.dma_semaphore, #tpu.memory_space<semaphore_mem>>
        %dma_start3A_185 = arith.constant 0 : i32
        %dma_start3A_186 = tpu.memref_slice %arg7[%add3A_179, %dma_start3A_185] : memref<80x128xi32, #tpu.memory_space<vmem>> -> memref<1x128xi32, #tpu.memory_space<vmem>>
        %dma_start3A_187 = tpu.memref_squeeze %dma_start3A_186 : memref<1x128xi32, #tpu.memory_space<vmem>> -> memref<128xi32, #tpu.memory_space<vmem>>
        %dma_start3A_188 = arith.constant 0 : i32
        %dma_start3A_189 = arith.constant 0 : i32
        %dma_start3A_190 = tpu.memref_slice %arg10[%dma_start3A_188, %dma_start3A_189] : memref<10016x128xf32, #tpu.memory_space<vmem_shared>> -> memref<10016x128xf32, #tpu.memory_space<vmem_shared>>
        tpu.enqueue_indirect_dma source(%arg9 : memref<128x128xf32, #tpu.memory_space<vmem>>) target(%dma_start3A_190 : memref<10016x128xf32, #tpu.memory_space<vmem_shared>>) offsets(%dma_start3A_187 : memref<128xi32, #tpu.memory_space<vmem>>) semaphore(%run_scoped3A : memref<!tpu.dma_semaphore, #tpu.memory_space<semaphore_mem>>) {add = true}
        %dma_wait3A_191 = arith.constant 0 : i32
        %dma_wait3A_192 = tpu.memref_slice %arg7[%add3A_179, %dma_wait3A_191] : memref<80x128xi32, #tpu.memory_space<vmem>> -> memref<1x128xi32, #tpu.memory_space<vmem>>
        %dma_wait3A_193 = tpu.memref_squeeze %dma_wait3A_192 : memref<1x128xi32, #tpu.memory_space<vmem>> -> memref<128xi32, #tpu.memory_space<vmem>>
        %dma_wait3A_194 = arith.constant 0 : i32
        %dma_wait3A_195 = arith.constant 0 : i32
        %dma_wait3A_196 = tpu.memref_slice %arg10[%dma_wait3A_194, %dma_wait3A_195] : memref<10016x128xf32, #tpu.memory_space<vmem_shared>> -> memref<10016x128xf32, #tpu.memory_space<vmem_shared>>
        tpu.wait_indirect_dma semaphore(%run_scoped3A : memref<!tpu.dma_semaphore, #tpu.memory_space<semaphore_mem>>) src(%arg9 : memref<128x128xf32, #tpu.memory_space<vmem>>) dst(%dma_wait3A_196 : memref<10016x128xf32, #tpu.memory_space<vmem_shared>>)
        tpu.yield
      }) : () -> ()
      %lt3A_180 = arith.constant 19 : i32
      %lt3A_181 = arith.cmpi slt, %scan3A_152, %lt3A_180 : i32
      %convert_element_type3A_182 = arith.extui %lt3A_181 : i1 to i32
      %cond3A_183 = arith.constant 0 : i32
      %cond3A_184 = arith.cmpi ne, %convert_element_type3A_182, %cond3A_183 : i32
      scf.if %cond3A_184 {
        %add3A_185 = arith.constant 2 : i32
        %add3A_186 = arith.addi %add3A_171, %add3A_185 : i32
        %dma_start3A_187 = arith.constant 0 : i32
        %dma_start3A_188 = tpu.memref_slice %arg6[%add3A_186, %dma_start3A_187] : memref<40x128xi32, #tpu.memory_space<vmem>> -> memref<1x128xi32, #tpu.memory_space<vmem>>
        %dma_start3A_189 = tpu.memref_squeeze %dma_start3A_188 : memref<1x128xi32, #tpu.memory_space<vmem>> -> memref<128xi32, #tpu.memory_space<vmem>>
        %dma_start3A_190 = arith.constant 0 : i32
        %dma_start3A_191 = arith.constant 0 : i32
        %dma_start3A_192 = tpu.memref_slice %arg2[%dma_start3A_190, %dma_start3A_191] : memref<40000x128xf32, #tpu.memory_space<hbm>> -> memref<40000x128xf32, #tpu.memory_space<hbm>>
        tpu.enqueue_indirect_dma source(%dma_start3A_192 : memref<40000x128xf32, #tpu.memory_space<hbm>>) target(%arg9 : memref<128x128xf32, #tpu.memory_space<vmem>>) offsets(%dma_start3A_189 : memref<128xi32, #tpu.memory_space<vmem>>) semaphore(%arg12 : memref<!tpu.dma_semaphore, #tpu.memory_space<semaphore_mem>>)
      } else {
      }
    }
    %scan3A_62 = arith.constant 20 : i32
    %barrier3A_63 = arith.constant 0 : index
    tpu.barrier barrier_id(%barrier3A_63)
    %mul3A_64 = arith.constant 624 : i32
    %mul3A_65 = arith.muli %arg1, %mul3A_64 : i32
    "tpu.region"() ({
      %run_scoped3A = tpu.sem_alloc : memref<!tpu.dma_semaphore, #tpu.memory_space<semaphore_mem>>
      %dma_start3A_152 = arith.constant 0 : i32
      %dma_start3A_153 = tpu.memref_slice %arg5[%add3A_4, %dma_start3A_152] : memref<40000x128xf32, #tpu.memory_space<hbm>> -> memref<624x128xf32, #tpu.memory_space<hbm>>
      %dma_start3A_154 = arith.constant 0 : i32
      %dma_start3A_155 = tpu.memref_slice %arg10[%mul3A_65, %dma_start3A_154] : memref<10016x128xf32, #tpu.memory_space<vmem_shared>> -> memref<624x128xf32, #tpu.memory_space<vmem_shared>>
      tpu.enqueue_dma source(%dma_start3A_155 : memref<624x128xf32, #tpu.memory_space<vmem_shared>>) target(%dma_start3A_153 : memref<624x128xf32, #tpu.memory_space<hbm>>) target_semaphore(%run_scoped3A : memref<!tpu.dma_semaphore, #tpu.memory_space<semaphore_mem>>)
      %dma_wait3A = arith.constant 0 : i32
      %dma_wait3A_156 = tpu.memref_slice %arg5[%add3A_4, %dma_wait3A] : memref<40000x128xf32, #tpu.memory_space<hbm>> -> memref<624x128xf32, #tpu.memory_space<hbm>>
      %dma_wait3A_157 = arith.constant 0 : i32
      %dma_wait3A_158 = tpu.memref_slice %arg10[%mul3A_65, %dma_wait3A_157] : memref<10016x128xf32, #tpu.memory_space<vmem_shared>> -> memref<624x128xf32, #tpu.memory_space<vmem_shared>>
      tpu.wait_dma2 semaphore(%run_scoped3A : memref<!tpu.dma_semaphore, #tpu.memory_space<semaphore_mem>>) src(%dma_wait3A_158 : memref<624x128xf32, #tpu.memory_space<vmem_shared>>) dst(%dma_wait3A_156 : memref<624x128xf32, #tpu.memory_space<hbm>>)
      tpu.yield
    }) : () -> ()
    %eq3A_66 = arith.constant 15 : i32
    %eq3A_67 = arith.cmpi eq, %arg1, %eq3A_66 : i32
    %convert_element_type3A_68 = arith.extui %eq3A_67 : i1 to i32
    %cond3A_69 = arith.constant 0 : i32
    %cond3A_70 = arith.cmpi ne, %convert_element_type3A_68, %cond3A_69 : i32
    scf.if %cond3A_70 {
      %mul3A_152 = arith.constant 10000 : i32
      %mul3A_153 = arith.muli %add3A_0, %mul3A_152 : i32
      %add3A_154 = arith.constant 9984 : i32
      %add3A_155 = arith.addi %mul3A_153, %add3A_154 : i32
      "tpu.region"() ({
        %run_scoped3A = tpu.sem_alloc : memref<!tpu.dma_semaphore, #tpu.memory_space<semaphore_mem>>
        %dma_start3A_156 = arith.constant 0 : i32
        %dma_start3A_157 = tpu.memref_slice %arg5[%add3A_155, %dma_start3A_156] : memref<40000x128xf32, #tpu.memory_space<hbm>> -> memref<16x128xf32, #tpu.memory_space<hbm>>
        %dma_start3A_158 = arith.constant 9984 : i32
        %dma_start3A_159 = arith.constant 0 : i32
        %dma_start3A_160 = tpu.memref_slice %arg10[%dma_start3A_158, %dma_start3A_159] : memref<10016x128xf32, #tpu.memory_space<vmem_shared>> -> memref<16x128xf32, #tpu.memory_space<vmem_shared>>
        tpu.enqueue_dma source(%dma_start3A_160 : memref<16x128xf32, #tpu.memory_space<vmem_shared>>) target(%dma_start3A_157 : memref<16x128xf32, #tpu.memory_space<hbm>>) target_semaphore(%run_scoped3A : memref<!tpu.dma_semaphore, #tpu.memory_space<semaphore_mem>>)
        %dma_wait3A = arith.constant 0 : i32
        %dma_wait3A_161 = tpu.memref_slice %arg5[%add3A_155, %dma_wait3A] : memref<40000x128xf32, #tpu.memory_space<hbm>> -> memref<16x128xf32, #tpu.memory_space<hbm>>
        %dma_wait3A_162 = arith.constant 9984 : i32
        %dma_wait3A_163 = arith.constant 0 : i32
        %dma_wait3A_164 = tpu.memref_slice %arg10[%dma_wait3A_162, %dma_wait3A_163] : memref<10016x128xf32, #tpu.memory_space<vmem_shared>> -> memref<16x128xf32, #tpu.memory_space<vmem_shared>>
        tpu.wait_dma2 semaphore(%run_scoped3A : memref<!tpu.dma_semaphore, #tpu.memory_space<semaphore_mem>>) src(%dma_wait3A_164 : memref<16x128xf32, #tpu.memory_space<vmem_shared>>) dst(%dma_wait3A_161 : memref<16x128xf32, #tpu.memory_space<hbm>>)
        tpu.yield
      }) : () -> ()
    } else {
    }
    %barrier3A_71 = arith.constant 0 : index
    tpu.barrier barrier_id(%barrier3A_71)
    %add3A_72 = arith.constant 2 : i32
    %add3A_73 = arith.addi %add3A_72, %arg0 : i32
    %mul3A_74 = arith.constant 10000 : i32
    %mul3A_75 = arith.muli %add3A_73, %mul3A_74 : i32
    %mul3A_76 = arith.constant 624 : i32
    %mul3A_77 = arith.muli %arg1, %mul3A_76 : i32
    %add3A_78 = arith.addi %mul3A_75, %mul3A_77 : i32
    %mul3A_79 = arith.constant 624 : i32
    %mul3A_80 = arith.muli %arg1, %mul3A_79 : i32
    "tpu.region"() ({
      %run_scoped3A = tpu.sem_alloc : memref<!tpu.dma_semaphore, #tpu.memory_space<semaphore_mem>>
      %dma_start3A_152 = arith.constant 0 : i32
      %dma_start3A_153 = tpu.memref_slice %arg10[%mul3A_80, %dma_start3A_152] : memref<10016x128xf32, #tpu.memory_space<vmem_shared>> -> memref<624x128xf32, #tpu.memory_space<vmem_shared>>
      %dma_start3A_154 = arith.constant 0 : i32
      %dma_start3A_155 = tpu.memref_slice %arg2[%add3A_78, %dma_start3A_154] : memref<40000x128xf32, #tpu.memory_space<hbm>> -> memref<624x128xf32, #tpu.memory_space<hbm>>
      tpu.enqueue_dma source(%dma_start3A_155 : memref<624x128xf32, #tpu.memory_space<hbm>>) target(%dma_start3A_153 : memref<624x128xf32, #tpu.memory_space<vmem_shared>>) target_semaphore(%run_scoped3A : memref<!tpu.dma_semaphore, #tpu.memory_space<semaphore_mem>>)
      %dma_wait3A = arith.constant 0 : i32
      %dma_wait3A_156 = tpu.memref_slice %arg10[%mul3A_80, %dma_wait3A] : memref<10016x128xf32, #tpu.memory_space<vmem_shared>> -> memref<624x128xf32, #tpu.memory_space<vmem_shared>>
      %dma_wait3A_157 = arith.constant 0 : i32
      %dma_wait3A_158 = tpu.memref_slice %arg2[%add3A_78, %dma_wait3A_157] : memref<40000x128xf32, #tpu.memory_space<hbm>> -> memref<624x128xf32, #tpu.memory_space<hbm>>
      tpu.wait_dma2 semaphore(%run_scoped3A : memref<!tpu.dma_semaphore, #tpu.memory_space<semaphore_mem>>) src(%dma_wait3A_158 : memref<624x128xf32, #tpu.memory_space<hbm>>) dst(%dma_wait3A_156 : memref<624x128xf32, #tpu.memory_space<vmem_shared>>)
      tpu.yield
    }) : () -> ()
    %eq3A_81 = arith.constant 15 : i32
    %eq3A_82 = arith.cmpi eq, %arg1, %eq3A_81 : i32
    %convert_element_type3A_83 = arith.extui %eq3A_82 : i1 to i32
    %cond3A_84 = arith.constant 0 : i32
    %cond3A_85 = arith.cmpi ne, %convert_element_type3A_83, %cond3A_84 : i32
    scf.if %cond3A_85 {
      %mul3A_152 = arith.constant 10000 : i32
      %mul3A_153 = arith.muli %add3A_73, %mul3A_152 : i32
      %add3A_154 = arith.constant 9984 : i32
      %add3A_155 = arith.addi %mul3A_153, %add3A_154 : i32
      "tpu.region"() ({
        %run_scoped3A = tpu.sem_alloc : memref<!tpu.dma_semaphore, #tpu.memory_space<semaphore_mem>>
        %dma_start3A_156 = arith.constant 9984 : i32
        %dma_start3A_157 = arith.constant 0 : i32
        %dma_start3A_158 = tpu.memref_slice %arg10[%dma_start3A_156, %dma_start3A_157] : memref<10016x128xf32, #tpu.memory_space<vmem_shared>> -> memref<16x128xf32, #tpu.memory_space<vmem_shared>>
        %dma_start3A_159 = arith.constant 0 : i32
        %dma_start3A_160 = tpu.memref_slice %arg2[%add3A_155, %dma_start3A_159] : memref<40000x128xf32, #tpu.memory_space<hbm>> -> memref<16x128xf32, #tpu.memory_space<hbm>>
        tpu.enqueue_dma source(%dma_start3A_160 : memref<16x128xf32, #tpu.memory_space<hbm>>) target(%dma_start3A_158 : memref<16x128xf32, #tpu.memory_space<vmem_shared>>) target_semaphore(%run_scoped3A : memref<!tpu.dma_semaphore, #tpu.memory_space<semaphore_mem>>)
        %dma_wait3A = arith.constant 9984 : i32
        %dma_wait3A_161 = arith.constant 0 : i32
        %dma_wait3A_162 = tpu.memref_slice %arg10[%dma_wait3A, %dma_wait3A_161] : memref<10016x128xf32, #tpu.memory_space<vmem_shared>> -> memref<16x128xf32, #tpu.memory_space<vmem_shared>>
        %dma_wait3A_163 = arith.constant 0 : i32
        %dma_wait3A_164 = tpu.memref_slice %arg2[%add3A_155, %dma_wait3A_163] : memref<40000x128xf32, #tpu.memory_space<hbm>> -> memref<16x128xf32, #tpu.memory_space<hbm>>
        tpu.wait_dma2 semaphore(%run_scoped3A : memref<!tpu.dma_semaphore, #tpu.memory_space<semaphore_mem>>) src(%dma_wait3A_164 : memref<16x128xf32, #tpu.memory_space<hbm>>) dst(%dma_wait3A_162 : memref<16x128xf32, #tpu.memory_space<vmem_shared>>)
        tpu.yield
      }) : () -> ()
    } else {
    }
    %barrier3A_86 = arith.constant 0 : index
    tpu.barrier barrier_id(%barrier3A_86)
    %mul3A_87 = arith.constant 80 : i32
    %mul3A_88 = arith.muli %arg1, %mul3A_87 : i32
    "tpu.region"() ({
      %run_scoped3A = tpu.sem_alloc : memref<!tpu.dma_semaphore, #tpu.memory_space<semaphore_mem>>
      %dma_start3A_152 = arith.constant 0 : i32
      %dma_start3A_153 = tpu.memref_slice %arg4[%mul3A_88, %dma_start3A_152] : memref<1280x128xi32, #tpu.memory_space<hbm>> -> memref<80x128xi32, #tpu.memory_space<hbm>>
      %dma_start3A_154 = arith.constant 0 : i32
      %dma_start3A_155 = tpu.memref_slice %arg4[%mul3A_88, %dma_start3A_154] : memref<1280x128xi32, #tpu.memory_space<hbm>> -> memref<80x128xi32, #tpu.memory_space<hbm>>
      tpu.enqueue_dma source(%dma_start3A_155 : memref<80x128xi32, #tpu.memory_space<hbm>>) target(%arg7 : memref<80x128xi32, #tpu.memory_space<vmem>>) target_semaphore(%run_scoped3A : memref<!tpu.dma_semaphore, #tpu.memory_space<semaphore_mem>>)
      %dma_wait3A = arith.constant 0 : i32
      %dma_wait3A_156 = tpu.memref_slice %arg4[%mul3A_88, %dma_wait3A] : memref<1280x128xi32, #tpu.memory_space<hbm>> -> memref<80x128xi32, #tpu.memory_space<hbm>>
      %dma_wait3A_157 = arith.constant 0 : i32
      %dma_wait3A_158 = tpu.memref_slice %arg4[%mul3A_88, %dma_wait3A_157] : memref<1280x128xi32, #tpu.memory_space<hbm>> -> memref<80x128xi32, #tpu.memory_space<hbm>>
      tpu.wait_dma2 semaphore(%run_scoped3A : memref<!tpu.dma_semaphore, #tpu.memory_space<semaphore_mem>>) src(%dma_wait3A_158 : memref<80x128xi32, #tpu.memory_space<hbm>>) dst(%arg7 : memref<80x128xi32, #tpu.memory_space<vmem>>)
      tpu.yield
    }) : () -> ()
    %mul3A_89 = arith.constant 16 : i32
    %mul3A_90 = arith.muli %add3A_73, %mul3A_89 : i32
    %add3A_91 = arith.addi %mul3A_90, %arg1 : i32
    %mul3A_92 = arith.constant 80 : i32
    %mul3A_93 = arith.muli %add3A_91, %mul3A_92 : i32
    %add3A_94 = arith.constant 0 : i32
    %add3A_95 = arith.addi %mul3A_93, %add3A_94 : i32
    "tpu.region"() ({
      %run_scoped3A = tpu.sem_alloc : memref<!tpu.dma_semaphore, #tpu.memory_space<semaphore_mem>>
      %dma_start3A_152 = arith.constant 0 : i32
      %dma_start3A_153 = tpu.memref_slice %arg3[%add3A_95, %dma_start3A_152] : memref<5120x128xi32, #tpu.memory_space<hbm>> -> memref<40x128xi32, #tpu.memory_space<hbm>>
      %dma_start3A_154 = arith.constant 0 : i32
      %dma_start3A_155 = tpu.memref_slice %arg3[%add3A_95, %dma_start3A_154] : memref<5120x128xi32, #tpu.memory_space<hbm>> -> memref<40x128xi32, #tpu.memory_space<hbm>>
      tpu.enqueue_dma source(%dma_start3A_155 : memref<40x128xi32, #tpu.memory_space<hbm>>) target(%arg6 : memref<40x128xi32, #tpu.memory_space<vmem>>) target_semaphore(%run_scoped3A : memref<!tpu.dma_semaphore, #tpu.memory_space<semaphore_mem>>)
      %dma_wait3A = arith.constant 0 : i32
      %dma_wait3A_156 = tpu.memref_slice %arg3[%add3A_95, %dma_wait3A] : memref<5120x128xi32, #tpu.memory_space<hbm>> -> memref<40x128xi32, #tpu.memory_space<hbm>>
      %dma_wait3A_157 = arith.constant 0 : i32
      %dma_wait3A_158 = tpu.memref_slice %arg3[%add3A_95, %dma_wait3A_157] : memref<5120x128xi32, #tpu.memory_space<hbm>> -> memref<40x128xi32, #tpu.memory_space<hbm>>
      tpu.wait_dma2 semaphore(%run_scoped3A : memref<!tpu.dma_semaphore, #tpu.memory_space<semaphore_mem>>) src(%dma_wait3A_158 : memref<40x128xi32, #tpu.memory_space<hbm>>) dst(%arg6 : memref<40x128xi32, #tpu.memory_space<vmem>>)
      tpu.yield
    }) : () -> ()
    %dma_start3A_96 = arith.constant 0 : i32
    %dma_start3A_97 = arith.constant 0 : i32
    %dma_start3A_98 = tpu.memref_slice %arg6[%dma_start3A_96, %dma_start3A_97] : memref<40x128xi32, #tpu.memory_space<vmem>> -> memref<1x128xi32, #tpu.memory_space<vmem>>
    %dma_start3A_99 = tpu.memref_squeeze %dma_start3A_98 : memref<1x128xi32, #tpu.memory_space<vmem>> -> memref<128xi32, #tpu.memory_space<vmem>>
    %dma_start3A_100 = arith.constant 0 : i32
    %dma_start3A_101 = arith.constant 0 : i32
    %dma_start3A_102 = tpu.memref_slice %arg2[%dma_start3A_100, %dma_start3A_101] : memref<40000x128xf32, #tpu.memory_space<hbm>> -> memref<40000x128xf32, #tpu.memory_space<hbm>>
    tpu.enqueue_indirect_dma source(%dma_start3A_102 : memref<40000x128xf32, #tpu.memory_space<hbm>>) target(%arg8 : memref<128x128xf32, #tpu.memory_space<vmem>>) offsets(%dma_start3A_99 : memref<128xi32, #tpu.memory_space<vmem>>) semaphore(%arg11 : memref<!tpu.dma_semaphore, #tpu.memory_space<semaphore_mem>>)
    %dma_start3A_103 = arith.constant 1 : i32
    %dma_start3A_104 = arith.constant 0 : i32
    %dma_start3A_105 = tpu.memref_slice %arg6[%dma_start3A_103, %dma_start3A_104] : memref<40x128xi32, #tpu.memory_space<vmem>> -> memref<1x128xi32, #tpu.memory_space<vmem>>
    %dma_start3A_106 = tpu.memref_squeeze %dma_start3A_105 : memref<1x128xi32, #tpu.memory_space<vmem>> -> memref<128xi32, #tpu.memory_space<vmem>>
    %dma_start3A_107 = arith.constant 0 : i32
    %dma_start3A_108 = arith.constant 0 : i32
    %dma_start3A_109 = tpu.memref_slice %arg2[%dma_start3A_107, %dma_start3A_108] : memref<40000x128xf32, #tpu.memory_space<hbm>> -> memref<40000x128xf32, #tpu.memory_space<hbm>>
    tpu.enqueue_indirect_dma source(%dma_start3A_109 : memref<40000x128xf32, #tpu.memory_space<hbm>>) target(%arg9 : memref<128x128xf32, #tpu.memory_space<vmem>>) offsets(%dma_start3A_106 : memref<128xi32, #tpu.memory_space<vmem>>) semaphore(%arg12 : memref<!tpu.dma_semaphore, #tpu.memory_space<semaphore_mem>>)
    %scan3A_110 = arith.constant 0 : i32
    %scan3A_111 = arith.constant 0 : i32
    %scan3A_112 = arith.constant 20 : i32
    %scan3A_113 = arith.addi %scan3A_111, %scan3A_112 : i32
    %scan3A_114 = arith.constant 1 : i32
    scf.for %scan3A_152 = %scan3A_111 to %scan3A_113 step %scan3A_114  : i32 {
      %mul3A_153 = arith.constant 2 : i32
      %mul3A_154 = arith.muli %scan3A_152, %mul3A_153 : i32
      %add3A_155 = arith.constant 0 : i32
      %add3A_156 = arith.addi %mul3A_154, %add3A_155 : i32
      %dma_wait3A = arith.constant 0 : i32
      %dma_wait3A_157 = tpu.memref_slice %arg6[%add3A_156, %dma_wait3A] : memref<40x128xi32, #tpu.memory_space<vmem>> -> memref<1x128xi32, #tpu.memory_space<vmem>>
      %dma_wait3A_158 = tpu.memref_squeeze %dma_wait3A_157 : memref<1x128xi32, #tpu.memory_space<vmem>> -> memref<128xi32, #tpu.memory_space<vmem>>
      %dma_wait3A_159 = arith.constant 0 : i32
      %dma_wait3A_160 = arith.constant 0 : i32
      %dma_wait3A_161 = tpu.memref_slice %arg2[%dma_wait3A_159, %dma_wait3A_160] : memref<40000x128xf32, #tpu.memory_space<hbm>> -> memref<40000x128xf32, #tpu.memory_space<hbm>>
      tpu.wait_indirect_dma semaphore(%arg11 : memref<!tpu.dma_semaphore, #tpu.memory_space<semaphore_mem>>) src(%dma_wait3A_161 : memref<40000x128xf32, #tpu.memory_space<hbm>>) dst(%arg8 : memref<128x128xf32, #tpu.memory_space<vmem>>)
      %add3A_162 = arith.constant 0 : i32
      %add3A_163 = arith.addi %add3A_162, %add3A_156 : i32
      "tpu.region"() ({
        %run_scoped3A = tpu.sem_alloc : memref<!tpu.dma_semaphore, #tpu.memory_space<semaphore_mem>>
        %dma_start3A_185 = arith.constant 0 : i32
        %dma_start3A_186 = tpu.memref_slice %arg7[%add3A_163, %dma_start3A_185] : memref<80x128xi32, #tpu.memory_space<vmem>> -> memref<1x128xi32, #tpu.memory_space<vmem>>
        %dma_start3A_187 = tpu.memref_squeeze %dma_start3A_186 : memref<1x128xi32, #tpu.memory_space<vmem>> -> memref<128xi32, #tpu.memory_space<vmem>>
        %dma_start3A_188 = arith.constant 0 : i32
        %dma_start3A_189 = arith.constant 0 : i32
        %dma_start3A_190 = tpu.memref_slice %arg10[%dma_start3A_188, %dma_start3A_189] : memref<10016x128xf32, #tpu.memory_space<vmem_shared>> -> memref<10016x128xf32, #tpu.memory_space<vmem_shared>>
        tpu.enqueue_indirect_dma source(%arg8 : memref<128x128xf32, #tpu.memory_space<vmem>>) target(%dma_start3A_190 : memref<10016x128xf32, #tpu.memory_space<vmem_shared>>) offsets(%dma_start3A_187 : memref<128xi32, #tpu.memory_space<vmem>>) semaphore(%run_scoped3A : memref<!tpu.dma_semaphore, #tpu.memory_space<semaphore_mem>>) {add = true}
        %dma_wait3A_191 = arith.constant 0 : i32
        %dma_wait3A_192 = tpu.memref_slice %arg7[%add3A_163, %dma_wait3A_191] : memref<80x128xi32, #tpu.memory_space<vmem>> -> memref<1x128xi32, #tpu.memory_space<vmem>>
        %dma_wait3A_193 = tpu.memref_squeeze %dma_wait3A_192 : memref<1x128xi32, #tpu.memory_space<vmem>> -> memref<128xi32, #tpu.memory_space<vmem>>
        %dma_wait3A_194 = arith.constant 0 : i32
        %dma_wait3A_195 = arith.constant 0 : i32
        %dma_wait3A_196 = tpu.memref_slice %arg10[%dma_wait3A_194, %dma_wait3A_195] : memref<10016x128xf32, #tpu.memory_space<vmem_shared>> -> memref<10016x128xf32, #tpu.memory_space<vmem_shared>>
        tpu.wait_indirect_dma semaphore(%run_scoped3A : memref<!tpu.dma_semaphore, #tpu.memory_space<semaphore_mem>>) src(%arg8 : memref<128x128xf32, #tpu.memory_space<vmem>>) dst(%dma_wait3A_196 : memref<10016x128xf32, #tpu.memory_space<vmem_shared>>)
        tpu.yield
      }) : () -> ()
      %lt3A = arith.constant 19 : i32
      %lt3A_164 = arith.cmpi slt, %scan3A_152, %lt3A : i32
      %convert_element_type3A_165 = arith.extui %lt3A_164 : i1 to i32
      %cond3A_166 = arith.constant 0 : i32
      %cond3A_167 = arith.cmpi ne, %convert_element_type3A_165, %cond3A_166 : i32
      scf.if %cond3A_167 {
        %add3A_185 = arith.constant 2 : i32
        %add3A_186 = arith.addi %add3A_156, %add3A_185 : i32
        %dma_start3A_187 = arith.constant 0 : i32
        %dma_start3A_188 = tpu.memref_slice %arg6[%add3A_186, %dma_start3A_187] : memref<40x128xi32, #tpu.memory_space<vmem>> -> memref<1x128xi32, #tpu.memory_space<vmem>>
        %dma_start3A_189 = tpu.memref_squeeze %dma_start3A_188 : memref<1x128xi32, #tpu.memory_space<vmem>> -> memref<128xi32, #tpu.memory_space<vmem>>
        %dma_start3A_190 = arith.constant 0 : i32
        %dma_start3A_191 = arith.constant 0 : i32
        %dma_start3A_192 = tpu.memref_slice %arg2[%dma_start3A_190, %dma_start3A_191] : memref<40000x128xf32, #tpu.memory_space<hbm>> -> memref<40000x128xf32, #tpu.memory_space<hbm>>
        tpu.enqueue_indirect_dma source(%dma_start3A_192 : memref<40000x128xf32, #tpu.memory_space<hbm>>) target(%arg8 : memref<128x128xf32, #tpu.memory_space<vmem>>) offsets(%dma_start3A_189 : memref<128xi32, #tpu.memory_space<vmem>>) semaphore(%arg11 : memref<!tpu.dma_semaphore, #tpu.memory_space<semaphore_mem>>)
      } else {
      }
      %mul3A_168 = arith.constant 2 : i32
      %mul3A_169 = arith.muli %scan3A_152, %mul3A_168 : i32
      %add3A_170 = arith.constant 1 : i32
      %add3A_171 = arith.addi %mul3A_169, %add3A_170 : i32
      %dma_wait3A_172 = arith.constant 0 : i32
      %dma_wait3A_173 = tpu.memref_slice %arg6[%add3A_171, %dma_wait3A_172] : memref<40x128xi32, #tpu.memory_space<vmem>> -> memref<1x128xi32, #tpu.memory_space<vmem>>
      %dma_wait3A_174 = tpu.memref_squeeze %dma_wait3A_173 : memref<1x128xi32, #tpu.memory_space<vmem>> -> memref<128xi32, #tpu.memory_space<vmem>>
      %dma_wait3A_175 = arith.constant 0 : i32
      %dma_wait3A_176 = arith.constant 0 : i32
      %dma_wait3A_177 = tpu.memref_slice %arg2[%dma_wait3A_175, %dma_wait3A_176] : memref<40000x128xf32, #tpu.memory_space<hbm>> -> memref<40000x128xf32, #tpu.memory_space<hbm>>
      tpu.wait_indirect_dma semaphore(%arg12 : memref<!tpu.dma_semaphore, #tpu.memory_space<semaphore_mem>>) src(%dma_wait3A_177 : memref<40000x128xf32, #tpu.memory_space<hbm>>) dst(%arg9 : memref<128x128xf32, #tpu.memory_space<vmem>>)
      %add3A_178 = arith.constant 0 : i32
      %add3A_179 = arith.addi %add3A_178, %add3A_171 : i32
      "tpu.region"() ({
        %run_scoped3A = tpu.sem_alloc : memref<!tpu.dma_semaphore, #tpu.memory_space<semaphore_mem>>
        %dma_start3A_185 = arith.constant 0 : i32
        %dma_start3A_186 = tpu.memref_slice %arg7[%add3A_179, %dma_start3A_185] : memref<80x128xi32, #tpu.memory_space<vmem>> -> memref<1x128xi32, #tpu.memory_space<vmem>>
        %dma_start3A_187 = tpu.memref_squeeze %dma_start3A_186 : memref<1x128xi32, #tpu.memory_space<vmem>> -> memref<128xi32, #tpu.memory_space<vmem>>
        %dma_start3A_188 = arith.constant 0 : i32
        %dma_start3A_189 = arith.constant 0 : i32
        %dma_start3A_190 = tpu.memref_slice %arg10[%dma_start3A_188, %dma_start3A_189] : memref<10016x128xf32, #tpu.memory_space<vmem_shared>> -> memref<10016x128xf32, #tpu.memory_space<vmem_shared>>
        tpu.enqueue_indirect_dma source(%arg9 : memref<128x128xf32, #tpu.memory_space<vmem>>) target(%dma_start3A_190 : memref<10016x128xf32, #tpu.memory_space<vmem_shared>>) offsets(%dma_start3A_187 : memref<128xi32, #tpu.memory_space<vmem>>) semaphore(%run_scoped3A : memref<!tpu.dma_semaphore, #tpu.memory_space<semaphore_mem>>) {add = true}
        %dma_wait3A_191 = arith.constant 0 : i32
        %dma_wait3A_192 = tpu.memref_slice %arg7[%add3A_179, %dma_wait3A_191] : memref<80x128xi32, #tpu.memory_space<vmem>> -> memref<1x128xi32, #tpu.memory_space<vmem>>
        %dma_wait3A_193 = tpu.memref_squeeze %dma_wait3A_192 : memref<1x128xi32, #tpu.memory_space<vmem>> -> memref<128xi32, #tpu.memory_space<vmem>>
        %dma_wait3A_194 = arith.constant 0 : i32
        %dma_wait3A_195 = arith.constant 0 : i32
        %dma_wait3A_196 = tpu.memref_slice %arg10[%dma_wait3A_194, %dma_wait3A_195] : memref<10016x128xf32, #tpu.memory_space<vmem_shared>> -> memref<10016x128xf32, #tpu.memory_space<vmem_shared>>
        tpu.wait_indirect_dma semaphore(%run_scoped3A : memref<!tpu.dma_semaphore, #tpu.memory_space<semaphore_mem>>) src(%arg9 : memref<128x128xf32, #tpu.memory_space<vmem>>) dst(%dma_wait3A_196 : memref<10016x128xf32, #tpu.memory_space<vmem_shared>>)
        tpu.yield
      }) : () -> ()
      %lt3A_180 = arith.constant 19 : i32
      %lt3A_181 = arith.cmpi slt, %scan3A_152, %lt3A_180 : i32
      %convert_element_type3A_182 = arith.extui %lt3A_181 : i1 to i32
      %cond3A_183 = arith.constant 0 : i32
      %cond3A_184 = arith.cmpi ne, %convert_element_type3A_182, %cond3A_183 : i32
      scf.if %cond3A_184 {
        %add3A_185 = arith.constant 2 : i32
        %add3A_186 = arith.addi %add3A_171, %add3A_185 : i32
        %dma_start3A_187 = arith.constant 0 : i32
        %dma_start3A_188 = tpu.memref_slice %arg6[%add3A_186, %dma_start3A_187] : memref<40x128xi32, #tpu.memory_space<vmem>> -> memref<1x128xi32, #tpu.memory_space<vmem>>
        %dma_start3A_189 = tpu.memref_squeeze %dma_start3A_188 : memref<1x128xi32, #tpu.memory_space<vmem>> -> memref<128xi32, #tpu.memory_space<vmem>>
        %dma_start3A_190 = arith.constant 0 : i32
        %dma_start3A_191 = arith.constant 0 : i32
        %dma_start3A_192 = tpu.memref_slice %arg2[%dma_start3A_190, %dma_start3A_191] : memref<40000x128xf32, #tpu.memory_space<hbm>> -> memref<40000x128xf32, #tpu.memory_space<hbm>>
        tpu.enqueue_indirect_dma source(%dma_start3A_192 : memref<40000x128xf32, #tpu.memory_space<hbm>>) target(%arg9 : memref<128x128xf32, #tpu.memory_space<vmem>>) offsets(%dma_start3A_189 : memref<128xi32, #tpu.memory_space<vmem>>) semaphore(%arg12 : memref<!tpu.dma_semaphore, #tpu.memory_space<semaphore_mem>>)
      } else {
      }
    }
    %scan3A_115 = arith.constant 20 : i32
    %mul3A_116 = arith.constant 16 : i32
    %mul3A_117 = arith.muli %add3A_73, %mul3A_116 : i32
    %add3A_118 = arith.addi %mul3A_117, %arg1 : i32
    %mul3A_119 = arith.constant 80 : i32
    %mul3A_120 = arith.muli %add3A_118, %mul3A_119 : i32
    %add3A_121 = arith.constant 40 : i32
    %add3A_122 = arith.addi %mul3A_120, %add3A_121 : i32
    "tpu.region"() ({
      %run_scoped3A = tpu.sem_alloc : memref<!tpu.dma_semaphore, #tpu.memory_space<semaphore_mem>>
      %dma_start3A_152 = arith.constant 0 : i32
      %dma_start3A_153 = tpu.memref_slice %arg3[%add3A_122, %dma_start3A_152] : memref<5120x128xi32, #tpu.memory_space<hbm>> -> memref<40x128xi32, #tpu.memory_space<hbm>>
      %dma_start3A_154 = arith.constant 0 : i32
      %dma_start3A_155 = tpu.memref_slice %arg3[%add3A_122, %dma_start3A_154] : memref<5120x128xi32, #tpu.memory_space<hbm>> -> memref<40x128xi32, #tpu.memory_space<hbm>>
      tpu.enqueue_dma source(%dma_start3A_155 : memref<40x128xi32, #tpu.memory_space<hbm>>) target(%arg6 : memref<40x128xi32, #tpu.memory_space<vmem>>) target_semaphore(%run_scoped3A : memref<!tpu.dma_semaphore, #tpu.memory_space<semaphore_mem>>)
      %dma_wait3A = arith.constant 0 : i32
      %dma_wait3A_156 = tpu.memref_slice %arg3[%add3A_122, %dma_wait3A] : memref<5120x128xi32, #tpu.memory_space<hbm>> -> memref<40x128xi32, #tpu.memory_space<hbm>>
      %dma_wait3A_157 = arith.constant 0 : i32
      %dma_wait3A_158 = tpu.memref_slice %arg3[%add3A_122, %dma_wait3A_157] : memref<5120x128xi32, #tpu.memory_space<hbm>> -> memref<40x128xi32, #tpu.memory_space<hbm>>
      tpu.wait_dma2 semaphore(%run_scoped3A : memref<!tpu.dma_semaphore, #tpu.memory_space<semaphore_mem>>) src(%dma_wait3A_158 : memref<40x128xi32, #tpu.memory_space<hbm>>) dst(%arg6 : memref<40x128xi32, #tpu.memory_space<vmem>>)
      tpu.yield
    }) : () -> ()
    %dma_start3A_123 = arith.constant 0 : i32
    %dma_start3A_124 = arith.constant 0 : i32
    %dma_start3A_125 = tpu.memref_slice %arg6[%dma_start3A_123, %dma_start3A_124] : memref<40x128xi32, #tpu.memory_space<vmem>> -> memref<1x128xi32, #tpu.memory_space<vmem>>
    %dma_start3A_126 = tpu.memref_squeeze %dma_start3A_125 : memref<1x128xi32, #tpu.memory_space<vmem>> -> memref<128xi32, #tpu.memory_space<vmem>>
    %dma_start3A_127 = arith.constant 0 : i32
    %dma_start3A_128 = arith.constant 0 : i32
    %dma_start3A_129 = tpu.memref_slice %arg2[%dma_start3A_127, %dma_start3A_128] : memref<40000x128xf32, #tpu.memory_space<hbm>> -> memref<40000x128xf32, #tpu.memory_space<hbm>>
    tpu.enqueue_indirect_dma source(%dma_start3A_129 : memref<40000x128xf32, #tpu.memory_space<hbm>>) target(%arg8 : memref<128x128xf32, #tpu.memory_space<vmem>>) offsets(%dma_start3A_126 : memref<128xi32, #tpu.memory_space<vmem>>) semaphore(%arg11 : memref<!tpu.dma_semaphore, #tpu.memory_space<semaphore_mem>>)
    %dma_start3A_130 = arith.constant 1 : i32
    %dma_start3A_131 = arith.constant 0 : i32
    %dma_start3A_132 = tpu.memref_slice %arg6[%dma_start3A_130, %dma_start3A_131] : memref<40x128xi32, #tpu.memory_space<vmem>> -> memref<1x128xi32, #tpu.memory_space<vmem>>
    %dma_start3A_133 = tpu.memref_squeeze %dma_start3A_132 : memref<1x128xi32, #tpu.memory_space<vmem>> -> memref<128xi32, #tpu.memory_space<vmem>>
    %dma_start3A_134 = arith.constant 0 : i32
    %dma_start3A_135 = arith.constant 0 : i32
    %dma_start3A_136 = tpu.memref_slice %arg2[%dma_start3A_134, %dma_start3A_135] : memref<40000x128xf32, #tpu.memory_space<hbm>> -> memref<40000x128xf32, #tpu.memory_space<hbm>>
    tpu.enqueue_indirect_dma source(%dma_start3A_136 : memref<40000x128xf32, #tpu.memory_space<hbm>>) target(%arg9 : memref<128x128xf32, #tpu.memory_space<vmem>>) offsets(%dma_start3A_133 : memref<128xi32, #tpu.memory_space<vmem>>) semaphore(%arg12 : memref<!tpu.dma_semaphore, #tpu.memory_space<semaphore_mem>>)
    %scan3A_137 = arith.constant 0 : i32
    %scan3A_138 = arith.constant 0 : i32
    %scan3A_139 = arith.constant 20 : i32
    %scan3A_140 = arith.addi %scan3A_138, %scan3A_139 : i32
    %scan3A_141 = arith.constant 1 : i32
    scf.for %scan3A_152 = %scan3A_138 to %scan3A_140 step %scan3A_141  : i32 {
      %mul3A_153 = arith.constant 2 : i32
      %mul3A_154 = arith.muli %scan3A_152, %mul3A_153 : i32
      %add3A_155 = arith.constant 0 : i32
      %add3A_156 = arith.addi %mul3A_154, %add3A_155 : i32
      %dma_wait3A = arith.constant 0 : i32
      %dma_wait3A_157 = tpu.memref_slice %arg6[%add3A_156, %dma_wait3A] : memref<40x128xi32, #tpu.memory_space<vmem>> -> memref<1x128xi32, #tpu.memory_space<vmem>>
      %dma_wait3A_158 = tpu.memref_squeeze %dma_wait3A_157 : memref<1x128xi32, #tpu.memory_space<vmem>> -> memref<128xi32, #tpu.memory_space<vmem>>
      %dma_wait3A_159 = arith.constant 0 : i32
      %dma_wait3A_160 = arith.constant 0 : i32
      %dma_wait3A_161 = tpu.memref_slice %arg2[%dma_wait3A_159, %dma_wait3A_160] : memref<40000x128xf32, #tpu.memory_space<hbm>> -> memref<40000x128xf32, #tpu.memory_space<hbm>>
      tpu.wait_indirect_dma semaphore(%arg11 : memref<!tpu.dma_semaphore, #tpu.memory_space<semaphore_mem>>) src(%dma_wait3A_161 : memref<40000x128xf32, #tpu.memory_space<hbm>>) dst(%arg8 : memref<128x128xf32, #tpu.memory_space<vmem>>)
      %add3A_162 = arith.constant 40 : i32
      %add3A_163 = arith.addi %add3A_162, %add3A_156 : i32
      "tpu.region"() ({
        %run_scoped3A = tpu.sem_alloc : memref<!tpu.dma_semaphore, #tpu.memory_space<semaphore_mem>>
        %dma_start3A_185 = arith.constant 0 : i32
        %dma_start3A_186 = tpu.memref_slice %arg7[%add3A_163, %dma_start3A_185] : memref<80x128xi32, #tpu.memory_space<vmem>> -> memref<1x128xi32, #tpu.memory_space<vmem>>
        %dma_start3A_187 = tpu.memref_squeeze %dma_start3A_186 : memref<1x128xi32, #tpu.memory_space<vmem>> -> memref<128xi32, #tpu.memory_space<vmem>>
        %dma_start3A_188 = arith.constant 0 : i32
        %dma_start3A_189 = arith.constant 0 : i32
        %dma_start3A_190 = tpu.memref_slice %arg10[%dma_start3A_188, %dma_start3A_189] : memref<10016x128xf32, #tpu.memory_space<vmem_shared>> -> memref<10016x128xf32, #tpu.memory_space<vmem_shared>>
        tpu.enqueue_indirect_dma source(%arg8 : memref<128x128xf32, #tpu.memory_space<vmem>>) target(%dma_start3A_190 : memref<10016x128xf32, #tpu.memory_space<vmem_shared>>) offsets(%dma_start3A_187 : memref<128xi32, #tpu.memory_space<vmem>>) semaphore(%run_scoped3A : memref<!tpu.dma_semaphore, #tpu.memory_space<semaphore_mem>>) {add = true}
        %dma_wait3A_191 = arith.constant 0 : i32
        %dma_wait3A_192 = tpu.memref_slice %arg7[%add3A_163, %dma_wait3A_191] : memref<80x128xi32, #tpu.memory_space<vmem>> -> memref<1x128xi32, #tpu.memory_space<vmem>>
        %dma_wait3A_193 = tpu.memref_squeeze %dma_wait3A_192 : memref<1x128xi32, #tpu.memory_space<vmem>> -> memref<128xi32, #tpu.memory_space<vmem>>
        %dma_wait3A_194 = arith.constant 0 : i32
        %dma_wait3A_195 = arith.constant 0 : i32
        %dma_wait3A_196 = tpu.memref_slice %arg10[%dma_wait3A_194, %dma_wait3A_195] : memref<10016x128xf32, #tpu.memory_space<vmem_shared>> -> memref<10016x128xf32, #tpu.memory_space<vmem_shared>>
        tpu.wait_indirect_dma semaphore(%run_scoped3A : memref<!tpu.dma_semaphore, #tpu.memory_space<semaphore_mem>>) src(%arg8 : memref<128x128xf32, #tpu.memory_space<vmem>>) dst(%dma_wait3A_196 : memref<10016x128xf32, #tpu.memory_space<vmem_shared>>)
        tpu.yield
      }) : () -> ()
      %lt3A = arith.constant 19 : i32
      %lt3A_164 = arith.cmpi slt, %scan3A_152, %lt3A : i32
      %convert_element_type3A_165 = arith.extui %lt3A_164 : i1 to i32
      %cond3A_166 = arith.constant 0 : i32
      %cond3A_167 = arith.cmpi ne, %convert_element_type3A_165, %cond3A_166 : i32
      scf.if %cond3A_167 {
        %add3A_185 = arith.constant 2 : i32
        %add3A_186 = arith.addi %add3A_156, %add3A_185 : i32
        %dma_start3A_187 = arith.constant 0 : i32
        %dma_start3A_188 = tpu.memref_slice %arg6[%add3A_186, %dma_start3A_187] : memref<40x128xi32, #tpu.memory_space<vmem>> -> memref<1x128xi32, #tpu.memory_space<vmem>>
        %dma_start3A_189 = tpu.memref_squeeze %dma_start3A_188 : memref<1x128xi32, #tpu.memory_space<vmem>> -> memref<128xi32, #tpu.memory_space<vmem>>
        %dma_start3A_190 = arith.constant 0 : i32
        %dma_start3A_191 = arith.constant 0 : i32
        %dma_start3A_192 = tpu.memref_slice %arg2[%dma_start3A_190, %dma_start3A_191] : memref<40000x128xf32, #tpu.memory_space<hbm>> -> memref<40000x128xf32, #tpu.memory_space<hbm>>
        tpu.enqueue_indirect_dma source(%dma_start3A_192 : memref<40000x128xf32, #tpu.memory_space<hbm>>) target(%arg8 : memref<128x128xf32, #tpu.memory_space<vmem>>) offsets(%dma_start3A_189 : memref<128xi32, #tpu.memory_space<vmem>>) semaphore(%arg11 : memref<!tpu.dma_semaphore, #tpu.memory_space<semaphore_mem>>)
      } else {
      }
      %mul3A_168 = arith.constant 2 : i32
      %mul3A_169 = arith.muli %scan3A_152, %mul3A_168 : i32
      %add3A_170 = arith.constant 1 : i32
      %add3A_171 = arith.addi %mul3A_169, %add3A_170 : i32
      %dma_wait3A_172 = arith.constant 0 : i32
      %dma_wait3A_173 = tpu.memref_slice %arg6[%add3A_171, %dma_wait3A_172] : memref<40x128xi32, #tpu.memory_space<vmem>> -> memref<1x128xi32, #tpu.memory_space<vmem>>
      %dma_wait3A_174 = tpu.memref_squeeze %dma_wait3A_173 : memref<1x128xi32, #tpu.memory_space<vmem>> -> memref<128xi32, #tpu.memory_space<vmem>>
      %dma_wait3A_175 = arith.constant 0 : i32
      %dma_wait3A_176 = arith.constant 0 : i32
      %dma_wait3A_177 = tpu.memref_slice %arg2[%dma_wait3A_175, %dma_wait3A_176] : memref<40000x128xf32, #tpu.memory_space<hbm>> -> memref<40000x128xf32, #tpu.memory_space<hbm>>
      tpu.wait_indirect_dma semaphore(%arg12 : memref<!tpu.dma_semaphore, #tpu.memory_space<semaphore_mem>>) src(%dma_wait3A_177 : memref<40000x128xf32, #tpu.memory_space<hbm>>) dst(%arg9 : memref<128x128xf32, #tpu.memory_space<vmem>>)
      %add3A_178 = arith.constant 40 : i32
      %add3A_179 = arith.addi %add3A_178, %add3A_171 : i32
      "tpu.region"() ({
        %run_scoped3A = tpu.sem_alloc : memref<!tpu.dma_semaphore, #tpu.memory_space<semaphore_mem>>
        %dma_start3A_185 = arith.constant 0 : i32
        %dma_start3A_186 = tpu.memref_slice %arg7[%add3A_179, %dma_start3A_185] : memref<80x128xi32, #tpu.memory_space<vmem>> -> memref<1x128xi32, #tpu.memory_space<vmem>>
        %dma_start3A_187 = tpu.memref_squeeze %dma_start3A_186 : memref<1x128xi32, #tpu.memory_space<vmem>> -> memref<128xi32, #tpu.memory_space<vmem>>
        %dma_start3A_188 = arith.constant 0 : i32
        %dma_start3A_189 = arith.constant 0 : i32
        %dma_start3A_190 = tpu.memref_slice %arg10[%dma_start3A_188, %dma_start3A_189] : memref<10016x128xf32, #tpu.memory_space<vmem_shared>> -> memref<10016x128xf32, #tpu.memory_space<vmem_shared>>
        tpu.enqueue_indirect_dma source(%arg9 : memref<128x128xf32, #tpu.memory_space<vmem>>) target(%dma_start3A_190 : memref<10016x128xf32, #tpu.memory_space<vmem_shared>>) offsets(%dma_start3A_187 : memref<128xi32, #tpu.memory_space<vmem>>) semaphore(%run_scoped3A : memref<!tpu.dma_semaphore, #tpu.memory_space<semaphore_mem>>) {add = true}
        %dma_wait3A_191 = arith.constant 0 : i32
        %dma_wait3A_192 = tpu.memref_slice %arg7[%add3A_179, %dma_wait3A_191] : memref<80x128xi32, #tpu.memory_space<vmem>> -> memref<1x128xi32, #tpu.memory_space<vmem>>
        %dma_wait3A_193 = tpu.memref_squeeze %dma_wait3A_192 : memref<1x128xi32, #tpu.memory_space<vmem>> -> memref<128xi32, #tpu.memory_space<vmem>>
        %dma_wait3A_194 = arith.constant 0 : i32
        %dma_wait3A_195 = arith.constant 0 : i32
        %dma_wait3A_196 = tpu.memref_slice %arg10[%dma_wait3A_194, %dma_wait3A_195] : memref<10016x128xf32, #tpu.memory_space<vmem_shared>> -> memref<10016x128xf32, #tpu.memory_space<vmem_shared>>
        tpu.wait_indirect_dma semaphore(%run_scoped3A : memref<!tpu.dma_semaphore, #tpu.memory_space<semaphore_mem>>) src(%arg9 : memref<128x128xf32, #tpu.memory_space<vmem>>) dst(%dma_wait3A_196 : memref<10016x128xf32, #tpu.memory_space<vmem_shared>>)
        tpu.yield
      }) : () -> ()
      %lt3A_180 = arith.constant 19 : i32
      %lt3A_181 = arith.cmpi slt, %scan3A_152, %lt3A_180 : i32
      %convert_element_type3A_182 = arith.extui %lt3A_181 : i1 to i32
      %cond3A_183 = arith.constant 0 : i32
      %cond3A_184 = arith.cmpi ne, %convert_element_type3A_182, %cond3A_183 : i32
      scf.if %cond3A_184 {
        %add3A_185 = arith.constant 2 : i32
        %add3A_186 = arith.addi %add3A_171, %add3A_185 : i32
        %dma_start3A_187 = arith.constant 0 : i32
        %dma_start3A_188 = tpu.memref_slice %arg6[%add3A_186, %dma_start3A_187] : memref<40x128xi32, #tpu.memory_space<vmem>> -> memref<1x128xi32, #tpu.memory_space<vmem>>
        %dma_start3A_189 = tpu.memref_squeeze %dma_start3A_188 : memref<1x128xi32, #tpu.memory_space<vmem>> -> memref<128xi32, #tpu.memory_space<vmem>>
        %dma_start3A_190 = arith.constant 0 : i32
        %dma_start3A_191 = arith.constant 0 : i32
        %dma_start3A_192 = tpu.memref_slice %arg2[%dma_start3A_190, %dma_start3A_191] : memref<40000x128xf32, #tpu.memory_space<hbm>> -> memref<40000x128xf32, #tpu.memory_space<hbm>>
        tpu.enqueue_indirect_dma source(%dma_start3A_192 : memref<40000x128xf32, #tpu.memory_space<hbm>>) target(%arg9 : memref<128x128xf32, #tpu.memory_space<vmem>>) offsets(%dma_start3A_189 : memref<128xi32, #tpu.memory_space<vmem>>) semaphore(%arg12 : memref<!tpu.dma_semaphore, #tpu.memory_space<semaphore_mem>>)
      } else {
      }
    }
    %scan3A_142 = arith.constant 20 : i32
    %barrier3A_143 = arith.constant 0 : index
    tpu.barrier barrier_id(%barrier3A_143)
    %mul3A_144 = arith.constant 624 : i32
    %mul3A_145 = arith.muli %arg1, %mul3A_144 : i32
    "tpu.region"() ({
      %run_scoped3A = tpu.sem_alloc : memref<!tpu.dma_semaphore, #tpu.memory_space<semaphore_mem>>
      %dma_start3A_152 = arith.constant 0 : i32
      %dma_start3A_153 = tpu.memref_slice %arg5[%add3A_78, %dma_start3A_152] : memref<40000x128xf32, #tpu.memory_space<hbm>> -> memref<624x128xf32, #tpu.memory_space<hbm>>
      %dma_start3A_154 = arith.constant 0 : i32
      %dma_start3A_155 = tpu.memref_slice %arg10[%mul3A_145, %dma_start3A_154] : memref<10016x128xf32, #tpu.memory_space<vmem_shared>> -> memref<624x128xf32, #tpu.memory_space<vmem_shared>>
      tpu.enqueue_dma source(%dma_start3A_155 : memref<624x128xf32, #tpu.memory_space<vmem_shared>>) target(%dma_start3A_153 : memref<624x128xf32, #tpu.memory_space<hbm>>) target_semaphore(%run_scoped3A : memref<!tpu.dma_semaphore, #tpu.memory_space<semaphore_mem>>)
      %dma_wait3A = arith.constant 0 : i32
      %dma_wait3A_156 = tpu.memref_slice %arg5[%add3A_78, %dma_wait3A] : memref<40000x128xf32, #tpu.memory_space<hbm>> -> memref<624x128xf32, #tpu.memory_space<hbm>>
      %dma_wait3A_157 = arith.constant 0 : i32
      %dma_wait3A_158 = tpu.memref_slice %arg10[%mul3A_145, %dma_wait3A_157] : memref<10016x128xf32, #tpu.memory_space<vmem_shared>> -> memref<624x128xf32, #tpu.memory_space<vmem_shared>>
      tpu.wait_dma2 semaphore(%run_scoped3A : memref<!tpu.dma_semaphore, #tpu.memory_space<semaphore_mem>>) src(%dma_wait3A_158 : memref<624x128xf32, #tpu.memory_space<vmem_shared>>) dst(%dma_wait3A_156 : memref<624x128xf32, #tpu.memory_space<hbm>>)
      tpu.yield
    }) : () -> ()
    %eq3A_146 = arith.constant 15 : i32
    %eq3A_147 = arith.cmpi eq, %arg1, %eq3A_146 : i32
    %convert_element_type3A_148 = arith.extui %eq3A_147 : i1 to i32
    %cond3A_149 = arith.constant 0 : i32
    %cond3A_150 = arith.cmpi ne, %convert_element_type3A_148, %cond3A_149 : i32
    scf.if %cond3A_150 {
      %mul3A_152 = arith.constant 10000 : i32
      %mul3A_153 = arith.muli %add3A_73, %mul3A_152 : i32
      %add3A_154 = arith.constant 9984 : i32
      %add3A_155 = arith.addi %mul3A_153, %add3A_154 : i32
      "tpu.region"() ({
        %run_scoped3A = tpu.sem_alloc : memref<!tpu.dma_semaphore, #tpu.memory_space<semaphore_mem>>
        %dma_start3A_156 = arith.constant 0 : i32
        %dma_start3A_157 = tpu.memref_slice %arg5[%add3A_155, %dma_start3A_156] : memref<40000x128xf32, #tpu.memory_space<hbm>> -> memref<16x128xf32, #tpu.memory_space<hbm>>
        %dma_start3A_158 = arith.constant 9984 : i32
        %dma_start3A_159 = arith.constant 0 : i32
        %dma_start3A_160 = tpu.memref_slice %arg10[%dma_start3A_158, %dma_start3A_159] : memref<10016x128xf32, #tpu.memory_space<vmem_shared>> -> memref<16x128xf32, #tpu.memory_space<vmem_shared>>
        tpu.enqueue_dma source(%dma_start3A_160 : memref<16x128xf32, #tpu.memory_space<vmem_shared>>) target(%dma_start3A_157 : memref<16x128xf32, #tpu.memory_space<hbm>>) target_semaphore(%run_scoped3A : memref<!tpu.dma_semaphore, #tpu.memory_space<semaphore_mem>>)
        %dma_wait3A = arith.constant 0 : i32
        %dma_wait3A_161 = tpu.memref_slice %arg5[%add3A_155, %dma_wait3A] : memref<40000x128xf32, #tpu.memory_space<hbm>> -> memref<16x128xf32, #tpu.memory_space<hbm>>
        %dma_wait3A_162 = arith.constant 9984 : i32
        %dma_wait3A_163 = arith.constant 0 : i32
        %dma_wait3A_164 = tpu.memref_slice %arg10[%dma_wait3A_162, %dma_wait3A_163] : memref<10016x128xf32, #tpu.memory_space<vmem_shared>> -> memref<16x128xf32, #tpu.memory_space<vmem_shared>>
        tpu.wait_dma2 semaphore(%run_scoped3A : memref<!tpu.dma_semaphore, #tpu.memory_space<semaphore_mem>>) src(%dma_wait3A_164 : memref<16x128xf32, #tpu.memory_space<vmem_shared>>) dst(%dma_wait3A_161 : memref<16x128xf32, #tpu.memory_space<hbm>>)
        tpu.yield
      }) : () -> ()
    } else {
    }
    %barrier3A_151 = arith.constant 0 : index
    tpu.barrier barrier_id(%barrier3A_151)
    return
  }
}

module attributes {stable_mosaic.version = 14 : i64} {
  func.func @_pre_body(%arg0: i32, %arg1: memref<1000x256xf32, #tpu.memory_space<vmem>>, %arg2: memref<256x512xf32, #tpu.memory_space<vmem>>, %arg3: memref<1x512xf32, #tpu.memory_space<vmem>>, %arg4: memref<4x1000x128xf32, #tpu.memory_space<vmem>>) attributes {dimension_semantics = [#tpu.dimension_semantics<arbitrary>], iteration_bounds = array<i64: 10>, scalar_prefetch = 0 : i64, scratch_operands = 0 : i64, tpu.core_type = #tpu.core_type<tc>, window_params = [{transform_indices = @transform_0, window_bounds = array<i64: 1000, 256>}, {pipeline_mode = #tpu.pipeline_mode<synchronous>, transform_indices = @transform_1, window_bounds = array<i64: 256, 512>}, {pipeline_mode = #tpu.pipeline_mode<synchronous>, transform_indices = @transform_2, window_bounds = array<i64: 1, 512>}, {transform_indices = @transform_3, window_bounds = array<i64: 4, 1000, 128>}]} {
    %get3A = arith.constant 0 : index
    %get3A_0 = arith.constant 0 : index
    %get3A_1 = vector.load %arg1[%get3A, %get3A_0] : memref<1000x256xf32, #tpu.memory_space<vmem>>, vector<1000x256xf32>
    %get3A_2 = arith.constant 0 : index
    %get3A_3 = arith.constant 0 : index
    %get3A_4 = vector.load %arg2[%get3A_2, %get3A_3] : memref<256x512xf32, #tpu.memory_space<vmem>>, vector<256x512xf32>
    %dot_general3A = arith.constant dense<0.000000e+00> : vector<1000x512xf32>
    %dot_general3A_5 = tpu.matmul %get3A_1, %get3A_4, %dot_general3A {dimension_numbers = #tpu.dot_dimension_numbers<[1], [0], [0], [1], [0, 0, 1, 1], [], []>, transpose_lhs_hint = false} : vector<1000x256xf32>, vector<256x512xf32>, vector<1000x512xf32> -> vector<1000x512xf32>
    %get3A_6 = arith.constant 0 : index
    %get3A_7 = arith.constant 0 : index
    %get3A_8 = vector.load %arg3[%get3A_6, %get3A_7] : memref<1x512xf32, #tpu.memory_space<vmem>>, vector<1x512xf32>
    %add3A = vector.broadcast %get3A_8 : vector<1x512xf32> to vector<1000x512xf32>
    %add3A_9 = arith.addf %dot_general3A_5, %add3A : vector<1000x512xf32>
    %slice3A = vector.extract_strided_slice %add3A_9 {offsets = [0, 0], sizes = [1000, 128], strides = [1, 1]} : vector<1000x512xf32> to vector<1000x128xf32>
    %swap3A = arith.constant 0 : index
    %swap3A_10 = arith.constant 0 : index
    %swap3A_11 = arith.constant 0 : index
    %swap3A_12 = vector.load %arg4[%swap3A, %swap3A_10, %swap3A_11] : memref<4x1000x128xf32, #tpu.memory_space<vmem>>, vector<1x1000x128xf32>
    %swap3A_13 = vector.shape_cast %swap3A_12 : vector<1x1000x128xf32> to vector<1000x128xf32>
    %swap3A_14 = vector.shape_cast %slice3A : vector<1000x128xf32> to vector<1x1000x128xf32>
    tpu.vector_store %arg4[%swap3A, %swap3A_10, %swap3A_11], %swap3A_14 {strides = array<i32>} : memref<4x1000x128xf32, #tpu.memory_space<vmem>>, vector<1x1000x128xf32>,
    %slice3A_15 = vector.extract_strided_slice %add3A_9 {offsets = [0, 128], sizes = [1000, 128], strides = [1, 1]} : vector<1000x512xf32> to vector<1000x128xf32>
    %swap3A_16 = arith.constant 1 : index
    %swap3A_17 = arith.constant 0 : index
    %swap3A_18 = arith.constant 0 : index
    %swap3A_19 = vector.load %arg4[%swap3A_16, %swap3A_17, %swap3A_18] : memref<4x1000x128xf32, #tpu.memory_space<vmem>>, vector<1x1000x128xf32>
    %swap3A_20 = vector.shape_cast %swap3A_19 : vector<1x1000x128xf32> to vector<1000x128xf32>
    %swap3A_21 = vector.shape_cast %slice3A_15 : vector<1000x128xf32> to vector<1x1000x128xf32>
    tpu.vector_store %arg4[%swap3A_16, %swap3A_17, %swap3A_18], %swap3A_21 {strides = array<i32>} : memref<4x1000x128xf32, #tpu.memory_space<vmem>>, vector<1x1000x128xf32>,
    %slice3A_22 = vector.extract_strided_slice %add3A_9 {offsets = [0, 256], sizes = [1000, 128], strides = [1, 1]} : vector<1000x512xf32> to vector<1000x128xf32>
    %swap3A_23 = arith.constant 2 : index
    %swap3A_24 = arith.constant 0 : index
    %swap3A_25 = arith.constant 0 : index
    %swap3A_26 = vector.load %arg4[%swap3A_23, %swap3A_24, %swap3A_25] : memref<4x1000x128xf32, #tpu.memory_space<vmem>>, vector<1x1000x128xf32>
    %swap3A_27 = vector.shape_cast %swap3A_26 : vector<1x1000x128xf32> to vector<1000x128xf32>
    %swap3A_28 = vector.shape_cast %slice3A_22 : vector<1000x128xf32> to vector<1x1000x128xf32>
    tpu.vector_store %arg4[%swap3A_23, %swap3A_24, %swap3A_25], %swap3A_28 {strides = array<i32>} : memref<4x1000x128xf32, #tpu.memory_space<vmem>>, vector<1x1000x128xf32>,
    %slice3A_29 = vector.extract_strided_slice %add3A_9 {offsets = [0, 384], sizes = [1000, 128], strides = [1, 1]} : vector<1000x512xf32> to vector<1000x128xf32>
    %swap3A_30 = arith.constant 3 : index
    %swap3A_31 = arith.constant 0 : index
    %swap3A_32 = arith.constant 0 : index
    %swap3A_33 = vector.load %arg4[%swap3A_30, %swap3A_31, %swap3A_32] : memref<4x1000x128xf32, #tpu.memory_space<vmem>>, vector<1x1000x128xf32>
    %swap3A_34 = vector.shape_cast %swap3A_33 : vector<1x1000x128xf32> to vector<1000x128xf32>
    %swap3A_35 = vector.shape_cast %slice3A_29 : vector<1000x128xf32> to vector<1x1000x128xf32>
    tpu.vector_store %arg4[%swap3A_30, %swap3A_31, %swap3A_32], %swap3A_35 {strides = array<i32>} : memref<4x1000x128xf32, #tpu.memory_space<vmem>>, vector<1x1000x128xf32>,
    return
  }
  func.func @transform_0(%arg0: i32) -> (i32, i32) {
    %c0_i32 = arith.constant 0 : i32
    %c0_i32_0 = arith.constant 0 : i32
    return %arg0, %c0_i32 : i32, i32
  }
  func.func @transform_1(%arg0: i32) -> (i32, i32) {
    %c0_i32 = arith.constant 0 : i32
    %c0_i32_0 = arith.constant 0 : i32
    %c0_i32_1 = arith.constant 0 : i32
    return %c0_i32, %c0_i32_0 : i32, i32
  }
  func.func @transform_2(%arg0: i32) -> (i32, i32) {
    %c0_i32 = arith.constant 0 : i32
    %c0_i32_0 = arith.constant 0 : i32
    %c0_i32_1 = arith.constant 0 : i32
    return %c0_i32, %c0_i32_0 : i32, i32
  }
  func.func @transform_3(%arg0: i32) -> (i32, i32, i32) {
    %c0_i32 = arith.constant 0 : i32
    %c0_i32_0 = arith.constant 0 : i32
    %c0_i32_1 = arith.constant 0 : i32
    return %c0_i32, %arg0, %c0_i32_0 : i32, i32, i32
  }
}

module attributes {stable_mosaic.version = 14 : i64} {
  func.func @_mlp_body(%arg0: i32, %arg1: memref<4x1000x128xf32, #tpu.memory_space<vmem>>, %arg2: memref<512x512xf32, #tpu.memory_space<vmem>>, %arg3: memref<1x512xf32, #tpu.memory_space<vmem>>, %arg4: memref<512x512xf32, #tpu.memory_space<vmem>>, %arg5: memref<1x512xf32, #tpu.memory_space<vmem>>, %arg6: memref<4x1000x128xf32, #tpu.memory_space<vmem>>) attributes {dimension_semantics = [#tpu.dimension_semantics<arbitrary>], iteration_bounds = array<i64: 10>, scalar_prefetch = 0 : i64, scratch_operands = 0 : i64, tpu.core_type = #tpu.core_type<tc>, window_params = [{transform_indices = @transform_0, window_bounds = array<i64: 4, 1000, 128>}, {pipeline_mode = #tpu.pipeline_mode<synchronous>, transform_indices = @transform_1, window_bounds = array<i64: 512, 512>}, {pipeline_mode = #tpu.pipeline_mode<synchronous>, transform_indices = @transform_2, window_bounds = array<i64: 1, 512>}, {pipeline_mode = #tpu.pipeline_mode<synchronous>, transform_indices = @transform_3, window_bounds = array<i64: 512, 512>}, {pipeline_mode = #tpu.pipeline_mode<synchronous>, transform_indices = @transform_4, window_bounds = array<i64: 1, 512>}, {transform_indices = @transform_5, window_bounds = array<i64: 4, 1000, 128>}]} {
    %get3A = arith.constant 0 : index
    %get3A_0 = arith.constant 0 : index
    %get3A_1 = arith.constant 0 : index
    %get3A_2 = vector.load %arg1[%get3A, %get3A_0, %get3A_1] : memref<4x1000x128xf32, #tpu.memory_space<vmem>>, vector<1x1000x128xf32>
    %get3A_3 = vector.shape_cast %get3A_2 : vector<1x1000x128xf32> to vector<1000x128xf32>
    %get3A_4 = arith.constant 1 : index
    %get3A_5 = arith.constant 0 : index
    %get3A_6 = arith.constant 0 : index
    %get3A_7 = vector.load %arg1[%get3A_4, %get3A_5, %get3A_6] : memref<4x1000x128xf32, #tpu.memory_space<vmem>>, vector<1x1000x128xf32>
    %get3A_8 = vector.shape_cast %get3A_7 : vector<1x1000x128xf32> to vector<1000x128xf32>
    %get3A_9 = arith.constant 2 : index
    %get3A_10 = arith.constant 0 : index
    %get3A_11 = arith.constant 0 : index
    %get3A_12 = vector.load %arg1[%get3A_9, %get3A_10, %get3A_11] : memref<4x1000x128xf32, #tpu.memory_space<vmem>>, vector<1x1000x128xf32>
    %get3A_13 = vector.shape_cast %get3A_12 : vector<1x1000x128xf32> to vector<1000x128xf32>
    %get3A_14 = arith.constant 3 : index
    %get3A_15 = arith.constant 0 : index
    %get3A_16 = arith.constant 0 : index
    %get3A_17 = vector.load %arg1[%get3A_14, %get3A_15, %get3A_16] : memref<4x1000x128xf32, #tpu.memory_space<vmem>>, vector<1x1000x128xf32>
    %get3A_18 = vector.shape_cast %get3A_17 : vector<1x1000x128xf32> to vector<1000x128xf32>
    %concatenate3A = tpu.concatenate %get3A_3, %get3A_8, %get3A_13, %get3A_18 in 1 : vector<1000x128xf32>, vector<1000x128xf32>, vector<1000x128xf32>, vector<1000x128xf32> -> vector<1000x512xf32>
    %get3A_19 = arith.constant 0 : index
    %get3A_20 = arith.constant 0 : index
    %get3A_21 = vector.load %arg2[%get3A_19, %get3A_20] : memref<512x512xf32, #tpu.memory_space<vmem>>, vector<512x512xf32>
    %dot_general3A = arith.constant dense<0.000000e+00> : vector<1000x512xf32>
    %dot_general3A_22 = tpu.matmul %concatenate3A, %get3A_21, %dot_general3A {dimension_numbers = #tpu.dot_dimension_numbers<[1], [0], [0], [1], [0, 0, 1, 1], [], []>, transpose_lhs_hint = false} : vector<1000x512xf32>, vector<512x512xf32>, vector<1000x512xf32> -> vector<1000x512xf32>
    %get3A_23 = arith.constant 0 : index
    %get3A_24 = arith.constant 0 : index
    %get3A_25 = vector.load %arg3[%get3A_23, %get3A_24] : memref<1x512xf32, #tpu.memory_space<vmem>>, vector<1x512xf32>
    %add3A = vector.broadcast %get3A_25 : vector<1x512xf32> to vector<1000x512xf32>
    %add3A_26 = arith.addf %dot_general3A_22, %add3A : vector<1000x512xf32>
    %max3A = arith.constant 0.000000e+00 : f32
    %max3A_27 = vector.broadcast %max3A : f32 to vector<1000x512xf32>
    %max3A_28 = arith.maximumf %add3A_26, %max3A_27 : vector<1000x512xf32>
    %get3A_29 = arith.constant 0 : index
    %get3A_30 = arith.constant 0 : index
    %get3A_31 = vector.load %arg4[%get3A_29, %get3A_30] : memref<512x512xf32, #tpu.memory_space<vmem>>, vector<512x512xf32>
    %dot_general3A_32 = arith.constant dense<0.000000e+00> : vector<1000x512xf32>
    %dot_general3A_33 = tpu.matmul %max3A_28, %get3A_31, %dot_general3A_32 {dimension_numbers = #tpu.dot_dimension_numbers<[1], [0], [0], [1], [0, 0, 1, 1], [], []>, transpose_lhs_hint = false} : vector<1000x512xf32>, vector<512x512xf32>, vector<1000x512xf32> -> vector<1000x512xf32>
    %get3A_34 = arith.constant 0 : index
    %get3A_35 = arith.constant 0 : index
    %get3A_36 = vector.load %arg5[%get3A_34, %get3A_35] : memref<1x512xf32, #tpu.memory_space<vmem>>, vector<1x512xf32>
    %add3A_37 = vector.broadcast %get3A_36 : vector<1x512xf32> to vector<1000x512xf32>
    %add3A_38 = arith.addf %dot_general3A_33, %add3A_37 : vector<1000x512xf32>
    %max3A_39 = arith.constant 0.000000e+00 : f32
    %max3A_40 = vector.broadcast %max3A_39 : f32 to vector<1000x512xf32>
    %max3A_41 = arith.maximumf %add3A_38, %max3A_40 : vector<1000x512xf32>
    %slice3A = vector.extract_strided_slice %max3A_41 {offsets = [0, 0], sizes = [1000, 128], strides = [1, 1]} : vector<1000x512xf32> to vector<1000x128xf32>
    %swap3A = arith.constant 0 : index
    %swap3A_42 = arith.constant 0 : index
    %swap3A_43 = arith.constant 0 : index
    %swap3A_44 = vector.load %arg6[%swap3A, %swap3A_42, %swap3A_43] : memref<4x1000x128xf32, #tpu.memory_space<vmem>>, vector<1x1000x128xf32>
    %swap3A_45 = vector.shape_cast %swap3A_44 : vector<1x1000x128xf32> to vector<1000x128xf32>
    %swap3A_46 = vector.shape_cast %slice3A : vector<1000x128xf32> to vector<1x1000x128xf32>
    tpu.vector_store %arg6[%swap3A, %swap3A_42, %swap3A_43], %swap3A_46 {strides = array<i32>} : memref<4x1000x128xf32, #tpu.memory_space<vmem>>, vector<1x1000x128xf32>,
    %slice3A_47 = vector.extract_strided_slice %max3A_41 {offsets = [0, 128], sizes = [1000, 128], strides = [1, 1]} : vector<1000x512xf32> to vector<1000x128xf32>
    %swap3A_48 = arith.constant 1 : index
    %swap3A_49 = arith.constant 0 : index
    %swap3A_50 = arith.constant 0 : index
    %swap3A_51 = vector.load %arg6[%swap3A_48, %swap3A_49, %swap3A_50] : memref<4x1000x128xf32, #tpu.memory_space<vmem>>, vector<1x1000x128xf32>
    %swap3A_52 = vector.shape_cast %swap3A_51 : vector<1x1000x128xf32> to vector<1000x128xf32>
    %swap3A_53 = vector.shape_cast %slice3A_47 : vector<1000x128xf32> to vector<1x1000x128xf32>
    tpu.vector_store %arg6[%swap3A_48, %swap3A_49, %swap3A_50], %swap3A_53 {strides = array<i32>} : memref<4x1000x128xf32, #tpu.memory_space<vmem>>, vector<1x1000x128xf32>,
    %slice3A_54 = vector.extract_strided_slice %max3A_41 {offsets = [0, 256], sizes = [1000, 128], strides = [1, 1]} : vector<1000x512xf32> to vector<1000x128xf32>
    %swap3A_55 = arith.constant 2 : index
    %swap3A_56 = arith.constant 0 : index
    %swap3A_57 = arith.constant 0 : index
    %swap3A_58 = vector.load %arg6[%swap3A_55, %swap3A_56, %swap3A_57] : memref<4x1000x128xf32, #tpu.memory_space<vmem>>, vector<1x1000x128xf32>
    %swap3A_59 = vector.shape_cast %swap3A_58 : vector<1x1000x128xf32> to vector<1000x128xf32>
    %swap3A_60 = vector.shape_cast %slice3A_54 : vector<1000x128xf32> to vector<1x1000x128xf32>
    tpu.vector_store %arg6[%swap3A_55, %swap3A_56, %swap3A_57], %swap3A_60 {strides = array<i32>} : memref<4x1000x128xf32, #tpu.memory_space<vmem>>, vector<1x1000x128xf32>,
    %slice3A_61 = vector.extract_strided_slice %max3A_41 {offsets = [0, 384], sizes = [1000, 128], strides = [1, 1]} : vector<1000x512xf32> to vector<1000x128xf32>
    %swap3A_62 = arith.constant 3 : index
    %swap3A_63 = arith.constant 0 : index
    %swap3A_64 = arith.constant 0 : index
    %swap3A_65 = vector.load %arg6[%swap3A_62, %swap3A_63, %swap3A_64] : memref<4x1000x128xf32, #tpu.memory_space<vmem>>, vector<1x1000x128xf32>
    %swap3A_66 = vector.shape_cast %swap3A_65 : vector<1x1000x128xf32> to vector<1000x128xf32>
    %swap3A_67 = vector.shape_cast %slice3A_61 : vector<1000x128xf32> to vector<1x1000x128xf32>
    tpu.vector_store %arg6[%swap3A_62, %swap3A_63, %swap3A_64], %swap3A_67 {strides = array<i32>} : memref<4x1000x128xf32, #tpu.memory_space<vmem>>, vector<1x1000x128xf32>,
    return
  }
  func.func @transform_0(%arg0: i32) -> (i32, i32, i32) {
    %c0_i32 = arith.constant 0 : i32
    %c0_i32_0 = arith.constant 0 : i32
    %c0_i32_1 = arith.constant 0 : i32
    return %c0_i32, %arg0, %c0_i32_0 : i32, i32, i32
  }
  func.func @transform_1(%arg0: i32) -> (i32, i32) {
    %c0_i32 = arith.constant 0 : i32
    %c0_i32_0 = arith.constant 0 : i32
    %c0_i32_1 = arith.constant 0 : i32
    return %c0_i32, %c0_i32_0 : i32, i32
  }
  func.func @transform_2(%arg0: i32) -> (i32, i32) {
    %c0_i32 = arith.constant 0 : i32
    %c0_i32_0 = arith.constant 0 : i32
    %c0_i32_1 = arith.constant 0 : i32
    return %c0_i32, %c0_i32_0 : i32, i32
  }
  func.func @transform_3(%arg0: i32) -> (i32, i32) {
    %c0_i32 = arith.constant 0 : i32
    %c0_i32_0 = arith.constant 0 : i32
    %c0_i32_1 = arith.constant 0 : i32
    return %c0_i32, %c0_i32_0 : i32, i32
  }
  func.func @transform_4(%arg0: i32) -> (i32, i32) {
    %c0_i32 = arith.constant 0 : i32
    %c0_i32_0 = arith.constant 0 : i32
    %c0_i32_1 = arith.constant 0 : i32
    return %c0_i32, %c0_i32_0 : i32, i32
  }
  func.func @transform_5(%arg0: i32) -> (i32, i32, i32) {
    %c0_i32 = arith.constant 0 : i32
    %c0_i32_0 = arith.constant 0 : i32
    %c0_i32_1 = arith.constant 0 : i32
    return %c0_i32, %arg0, %c0_i32_0 : i32, i32, i32
  }
}

module attributes {stable_mosaic.version = 14 : i64} {
  func.func @_final_body(%arg0: i32, %arg1: memref<4x1000x128xf32, #tpu.memory_space<vmem>>, %arg2: memref<1x1x1000xi32, #tpu.memory_space<vmem>>, %arg3: memref<512x512xf32, #tpu.memory_space<vmem>>, %arg4: memref<1x512xf32, #tpu.memory_space<vmem>>, %arg5: memref<512x128xf32, #tpu.memory_space<vmem>>, %arg6: memref<1x128xf32, #tpu.memory_space<vmem>>, %arg7: memref<64x128xf32, #tpu.memory_space<vmem>>, %arg8: memref<64x512xf32, #tpu.memory_space<vmem>>) attributes {dimension_semantics = [#tpu.dimension_semantics<arbitrary>], iteration_bounds = array<i64: 10>, scalar_prefetch = 0 : i64, scratch_operands = 1 : i64, tpu.core_type = #tpu.core_type<tc>, window_params = [{transform_indices = @transform_0, window_bounds = array<i64: 4, 1000, 128>}, {transform_indices = @transform_1, window_bounds = array<i64: 1, 1, 1000>}, {pipeline_mode = #tpu.pipeline_mode<synchronous>, transform_indices = @transform_2, window_bounds = array<i64: 512, 512>}, {pipeline_mode = #tpu.pipeline_mode<synchronous>, transform_indices = @transform_3, window_bounds = array<i64: 1, 512>}, {pipeline_mode = #tpu.pipeline_mode<synchronous>, transform_indices = @transform_4, window_bounds = array<i64: 512, 128>}, {pipeline_mode = #tpu.pipeline_mode<synchronous>, transform_indices = @transform_5, window_bounds = array<i64: 1, 128>}, {pipeline_mode = #tpu.pipeline_mode<synchronous>, transform_indices = @transform_6, window_bounds = array<i64: 64, 128>}]} {
    %eq3A = arith.constant 0 : i32
    %eq3A_0 = arith.cmpi eq, %arg0, %eq3A : i32
    %convert_element_type3A = arith.extui %eq3A_0 : i1 to i32
    %cond3A = arith.constant 0 : i32
    %cond3A_1 = arith.cmpi ne, %convert_element_type3A, %cond3A : i32
    scf.if %cond3A_1 {
      %broadcast_in_dim3A_41 = arith.constant 0.000000e+00 : f32
      %broadcast_in_dim3A_42 = vector.broadcast %broadcast_in_dim3A_41 : f32 to vector<64x512xf32>
      %swap3A_43 = arith.constant 0 : index
      %swap3A_44 = arith.constant 0 : index
      %swap3A_45 = vector.load %arg8[%swap3A_43, %swap3A_44] : memref<64x512xf32, #tpu.memory_space<vmem>>, vector<64x512xf32>
      tpu.vector_store %arg8[%swap3A_43, %swap3A_44], %broadcast_in_dim3A_42 {strides = array<i32>} : memref<64x512xf32, #tpu.memory_space<vmem>>, vector<64x512xf32>,
    } else {
    }
    %get3A = arith.constant 0 : index
    %get3A_2 = arith.constant 0 : index
    %get3A_3 = arith.constant 0 : index
    %get3A_4 = vector.load %arg2[%get3A, %get3A_2, %get3A_3] : memref<1x1x1000xi32, #tpu.memory_space<vmem>>, vector<1x1x1000xi32>
    %get3A_5 = vector.shape_cast %get3A_4 : vector<1x1x1000xi32> to vector<1000xi32>
    %broadcast_in_dim3A = vector.shape_cast %get3A_5 : vector<1000xi32> to vector<1000x1xi32>
    %iota3A = tpu.iota {dimensions = array<i32: 1>} : vector<1000x64xi32>
    %eq3A_6 = vector.broadcast %broadcast_in_dim3A : vector<1000x1xi32> to vector<1000x64xi32>
    %eq3A_7 = arith.cmpi eq, %eq3A_6, %iota3A : vector<1000x64xi32>
    %convert_element_type3A_8 = arith.extui %eq3A_7 : vector<1000x64xi1> to vector<1000x64xi32>
    %convert_element_type3A_9 = arith.sitofp %convert_element_type3A_8 : vector<1000x64xi32> to vector<1000x64xf32>
    %get3A_10 = arith.constant 0 : index
    %get3A_11 = arith.constant 0 : index
    %get3A_12 = arith.constant 0 : index
    %get3A_13 = vector.load %arg1[%get3A_10, %get3A_11, %get3A_12] : memref<4x1000x128xf32, #tpu.memory_space<vmem>>, vector<1x1000x128xf32>
    %get3A_14 = vector.shape_cast %get3A_13 : vector<1x1000x128xf32> to vector<1000x128xf32>
    %get3A_15 = arith.constant 1 : index
    %get3A_16 = arith.constant 0 : index
    %get3A_17 = arith.constant 0 : index
    %get3A_18 = vector.load %arg1[%get3A_15, %get3A_16, %get3A_17] : memref<4x1000x128xf32, #tpu.memory_space<vmem>>, vector<1x1000x128xf32>
    %get3A_19 = vector.shape_cast %get3A_18 : vector<1x1000x128xf32> to vector<1000x128xf32>
    %get3A_20 = arith.constant 2 : index
    %get3A_21 = arith.constant 0 : index
    %get3A_22 = arith.constant 0 : index
    %get3A_23 = vector.load %arg1[%get3A_20, %get3A_21, %get3A_22] : memref<4x1000x128xf32, #tpu.memory_space<vmem>>, vector<1x1000x128xf32>
    %get3A_24 = vector.shape_cast %get3A_23 : vector<1x1000x128xf32> to vector<1000x128xf32>
    %get3A_25 = arith.constant 3 : index
    %get3A_26 = arith.constant 0 : index
    %get3A_27 = arith.constant 0 : index
    %get3A_28 = vector.load %arg1[%get3A_25, %get3A_26, %get3A_27] : memref<4x1000x128xf32, #tpu.memory_space<vmem>>, vector<1x1000x128xf32>
    %get3A_29 = vector.shape_cast %get3A_28 : vector<1x1000x128xf32> to vector<1000x128xf32>
    %concatenate3A = tpu.concatenate %get3A_14, %get3A_19, %get3A_24, %get3A_29 in 1 : vector<1000x128xf32>, vector<1000x128xf32>, vector<1000x128xf32>, vector<1000x128xf32> -> vector<1000x512xf32>
    %get3A_30 = arith.constant 0 : index
    %get3A_31 = arith.constant 0 : index
    %get3A_32 = vector.load %arg8[%get3A_30, %get3A_31] : memref<64x512xf32, #tpu.memory_space<vmem>>, vector<64x512xf32>
    %dot_general3A = arith.constant dense<0.000000e+00> : vector<64x512xf32>
    %dot_general3A_33 = tpu.matmul %convert_element_type3A_9, %concatenate3A, %dot_general3A {dimension_numbers = #tpu.dot_dimension_numbers<[0], [0], [1], [1], [0, 1, 1, 1], [], []>, transpose_lhs_hint = false} : vector<1000x64xf32>, vector<1000x512xf32>, vector<64x512xf32> -> vector<64x512xf32>
    %add3A = arith.addf %get3A_32, %dot_general3A_33 : vector<64x512xf32>
    %swap3A = arith.constant 0 : index
    %swap3A_34 = arith.constant 0 : index
    %swap3A_35 = vector.load %arg8[%swap3A, %swap3A_34] : memref<64x512xf32, #tpu.memory_space<vmem>>, vector<64x512xf32>
    tpu.vector_store %arg8[%swap3A, %swap3A_34], %add3A {strides = array<i32>} : memref<64x512xf32, #tpu.memory_space<vmem>>, vector<64x512xf32>,
    %eq3A_36 = arith.constant 9 : i32
    %eq3A_37 = arith.cmpi eq, %arg0, %eq3A_36 : i32
    %convert_element_type3A_38 = arith.extui %eq3A_37 : i1 to i32
    %cond3A_39 = arith.constant 0 : i32
    %cond3A_40 = arith.cmpi ne, %convert_element_type3A_38, %cond3A_39 : i32
    scf.if %cond3A_40 {
      %get3A_41 = arith.constant 0 : index
      %get3A_42 = arith.constant 0 : index
      %get3A_43 = vector.load %arg8[%get3A_41, %get3A_42] : memref<64x512xf32, #tpu.memory_space<vmem>>, vector<64x512xf32>
      %get3A_44 = arith.constant 0 : index
      %get3A_45 = arith.constant 0 : index
      %get3A_46 = vector.load %arg3[%get3A_44, %get3A_45] : memref<512x512xf32, #tpu.memory_space<vmem>>, vector<512x512xf32>
      %dot_general3A_47 = arith.constant dense<0.000000e+00> : vector<64x512xf32>
      %dot_general3A_48 = tpu.matmul %get3A_43, %get3A_46, %dot_general3A_47 {dimension_numbers = #tpu.dot_dimension_numbers<[1], [0], [0], [1], [0, 0, 1, 1], [], []>, transpose_lhs_hint = false} : vector<64x512xf32>, vector<512x512xf32>, vector<64x512xf32> -> vector<64x512xf32>
      %get3A_49 = arith.constant 0 : index
      %get3A_50 = arith.constant 0 : index
      %get3A_51 = vector.load %arg4[%get3A_49, %get3A_50] : memref<1x512xf32, #tpu.memory_space<vmem>>, vector<1x512xf32>
      %add3A_52 = vector.broadcast %get3A_51 : vector<1x512xf32> to vector<64x512xf32>
      %add3A_53 = arith.addf %dot_general3A_48, %add3A_52 : vector<64x512xf32>
      %max3A = arith.constant 0.000000e+00 : f32
      %max3A_54 = vector.broadcast %max3A : f32 to vector<64x512xf32>
      %max3A_55 = arith.maximumf %add3A_53, %max3A_54 : vector<64x512xf32>
      %get3A_56 = arith.constant 0 : index
      %get3A_57 = arith.constant 0 : index
      %get3A_58 = vector.load %arg5[%get3A_56, %get3A_57] : memref<512x128xf32, #tpu.memory_space<vmem>>, vector<512x128xf32>
      %dot_general3A_59 = arith.constant dense<0.000000e+00> : vector<64x128xf32>
      %dot_general3A_60 = tpu.matmul %max3A_55, %get3A_58, %dot_general3A_59 {dimension_numbers = #tpu.dot_dimension_numbers<[1], [0], [0], [1], [0, 0, 1, 1], [], []>, transpose_lhs_hint = false} : vector<64x512xf32>, vector<512x128xf32>, vector<64x128xf32> -> vector<64x128xf32>
      %get3A_61 = arith.constant 0 : index
      %get3A_62 = arith.constant 0 : index
      %get3A_63 = vector.load %arg6[%get3A_61, %get3A_62] : memref<1x128xf32, #tpu.memory_space<vmem>>, vector<1x128xf32>
      %add3A_64 = vector.broadcast %get3A_63 : vector<1x128xf32> to vector<64x128xf32>
      %add3A_65 = arith.addf %dot_general3A_60, %add3A_64 : vector<64x128xf32>
      %reduce_max3A = arith.constant dense<0xFF800000> : vector<64xf32>
      %reduce_max3A_66 = vector.multi_reduction <maximumf>, %add3A_65, %reduce_max3A [1] : vector<64x128xf32> to vector<64xf32>
      %broadcast_in_dim3A_67 = vector.shape_cast %reduce_max3A_66 : vector<64xf32> to vector<64x1xf32>
      %sub3A = vector.broadcast %broadcast_in_dim3A_67 : vector<64x1xf32> to vector<64x128xf32>
      %sub3A_68 = arith.subf %add3A_65, %sub3A : vector<64x128xf32>
      %exp3A = math.exp %sub3A_68 : vector<64x128xf32>
      %reduce_sum3A = arith.constant dense<0.000000e+00> : vector<64xf32>
      %reduce_sum3A_69 = vector.multi_reduction <add>, %exp3A, %reduce_sum3A [1] : vector<64x128xf32> to vector<64xf32>
      %broadcast_in_dim3A_70 = vector.shape_cast %reduce_sum3A_69 : vector<64xf32> to vector<64x1xf32>
      %log3A = math.log %broadcast_in_dim3A_70 : vector<64x1xf32>
      %add3A_71 = arith.addf %broadcast_in_dim3A_67, %log3A : vector<64x1xf32>
      %sub3A_72 = vector.broadcast %add3A_71 : vector<64x1xf32> to vector<64x128xf32>
      %sub3A_73 = arith.subf %add3A_65, %sub3A_72 : vector<64x128xf32>
      %swap3A_74 = arith.constant 0 : index
      %swap3A_75 = arith.constant 0 : index
      %swap3A_76 = vector.load %arg7[%swap3A_74, %swap3A_75] : memref<64x128xf32, #tpu.memory_space<vmem>>, vector<64x128xf32>
      tpu.vector_store %arg7[%swap3A_74, %swap3A_75], %sub3A_73 {strides = array<i32>} : memref<64x128xf32, #tpu.memory_space<vmem>>, vector<64x128xf32>,
    } else {
    }
    return
  }
  func.func @transform_0(%arg0: i32) -> (i32, i32, i32) {
    %c0_i32 = arith.constant 0 : i32
    %c0_i32_0 = arith.constant 0 : i32
    %c0_i32_1 = arith.constant 0 : i32
    return %c0_i32, %arg0, %c0_i32_0 : i32, i32, i32
  }
  func.func @transform_1(%arg0: i32) -> (i32, i32, i32) {
    %c0_i32 = arith.constant 0 : i32
    %c0_i32_0 = arith.constant 0 : i32
    %c0_i32_1 = arith.constant 0 : i32
    return %arg0, %c0_i32, %c0_i32_0 : i32, i32, i32
  }
  func.func @transform_2(%arg0: i32) -> (i32, i32) {
    %c0_i32 = arith.constant 0 : i32
    %c0_i32_0 = arith.constant 0 : i32
    %c0_i32_1 = arith.constant 0 : i32
    return %c0_i32, %c0_i32_0 : i32, i32
  }
  func.func @transform_3(%arg0: i32) -> (i32, i32) {
    %c0_i32 = arith.constant 0 : i32
    %c0_i32_0 = arith.constant 0 : i32
    %c0_i32_1 = arith.constant 0 : i32
    return %c0_i32, %c0_i32_0 : i32, i32
  }
  func.func @transform_4(%arg0: i32) -> (i32, i32) {
    %c0_i32 = arith.constant 0 : i32
    %c0_i32_0 = arith.constant 0 : i32
    %c0_i32_1 = arith.constant 0 : i32
    return %c0_i32, %c0_i32_0 : i32, i32
  }
  func.func @transform_5(%arg0: i32) -> (i32, i32) {
    %c0_i32 = arith.constant 0 : i32
    %c0_i32_0 = arith.constant 0 : i32
    %c0_i32_1 = arith.constant 0 : i32
    return %c0_i32, %c0_i32_0 : i32, i32
  }
  func.func @transform_6(%arg0: i32) -> (i32, i32) {
    %c0_i32 = arith.constant 0 : i32
    %c0_i32_0 = arith.constant 0 : i32
    %c0_i32_1 = arith.constant 0 : i32
    return %c0_i32, %c0_i32_0 : i32, i32
  }
}

</mosaic_0001>

<sc_bundles>
// kernel: kernel.10.cloned.1.call-start
scs
__scs_entry_jumppad:
0x0: {  	(pc) =	sbr.rel $0x88, $3  }
0x1: {  	(tag) =	ssettag $0x0;
	lr =	simm.s32 $0x1  }
0x2: {  	[smem:$0x3F8C] =	sst lr;
	_ =	strace $0xD0000000  }
0x3: {  	_ = 	snop  }
0x4: {  	_ = 	snop  }
0x5: {  	_ = 	snop  }
0x6: {  	_ = 	snop  }
0x7: {  	_ = 	snop  }
__scs_overlays_trampoline_lowered:
0x8: {  	[smem:$0x3F9B] =	sst s0  }
0x9: {  	[smem:$0x3F9C] =	sst s1  }
0xa: {  	[smem:$0x3F9D] =	sst s2  }
0xb: {  	[smem:$0x3F9E] =	sst s3  }
0xc: {  	[smem:$0x3F9F] =	sst s4  }
0xd: {  	[smem:$0x3FA0] =	sst s5  }
0xe: {  	[smem:$0x3FA1] =	sst s6  }
0xf: {  	[smem:$0x3FA2] =	sst s7  }
0x10: {  	[smem:$0x3FA3] =	sst s8  }
0x11: {  	[smem:$0x3FA4] =	sst s9;
	s0 =	simm.s32 @!p0 $0x0  }
0x12: {  	s1 =	sld [smem:$0x3F8A];
	s0 =	simm.s32 @p0 $0x1  }
0x13: {  	[smem:$0x3FA5] =	sst s0;
	s0 =	simm.s32 @!p1 $0x0  }
0x14: {  	s2 =	sld [smem:$0x3F89];
	s0 =	simm.s32 @p1 $0x1  }
0x15: {  	[smem:$0x3FA6] =	sst s0;
	s0 =	simm.s32 @!p2 $0x0  }
0x16: {  	s3 =	sld [smem:$0x3FDB];
	s0 =	simm.s32 @p2 $0x1  }
0x17: {  	s4 =	simm.s32 $0x1BF5;
	[smem:$0x3FA8] =	sst s0  }
0x18: {  	s0 =	sld [smem:$0x3F8B];
	_ =	swait.ge [sflag:s4], $0x0  }
0x19: {  	s7 =	sld [smem:$0x3F8C]  }
0x1a: {  	s8 =	sadd.s32 $0xFFFFE003, lr  }
0x1b: {  	s9 =	sadd.s32 $0xFFFFFEF7, lr;
	s5 =	simm.s32 $0xFFFFFFFF;
	p2 =	slt.u32 s8, $0xFFFFF086  }
0x1c: {  	p1 =	slt.u32 s9, $0xF7A;
	s5 =	simm.s32 @!p2 $0x0  }
0x1d: {  	s5 =	simm.s32 @p1 $0x1;
	p0 =	seq.s32 s7, s2  }
0x1e: {  	s7 =	smul.u32 @!p0 $0xF7A, s2;
	p2 =	seq.s32 @!p0 s5, $0x0  }
0x1f: {  	s9 =	smul.u32 $0xF7A, s1;
	s8 =	simm.s32 @!p0 $0x1BF5;
	p2 =	por !p2, p0  }
0x20: {  	[sflag:s8] =	ssyncset.s32 @!p0 $0xFFFFF086;
	s6 =	sadd.s32 @!p0 s3, s7;
	s7 =	simm.s32 @!p0 $0x108  }
0x21: {  	s3 =	sadd.s32 s3, s9;
	s6 =	sadd.s32 @!p0 $0x88, s6;
	s7 =	simm.s32 @p2 $0x1082  }
0x22: {  	[simem:s7], [sflag:s8] =	dma.local @!p0 [hbm:s6], $0xF7A  }
0x23: {  	s9 =	sor.u32 $0xD0000000, s2;
	s6 =	simm.s32 $0x108;
	_ =	swait.ge @!p0 [sflag:s8], $0x0  }
0x24: {  	s3 =	sadd.s32 $0x88, s3;
	s6 =	simm.s32 @!p1 $0x1082;
	[sflag:s4] =	ssyncset.s32 $0xFFFFF086  }
0x25: {  	[simem:s6], [sflag:s4] =	dma.local [hbm:s3], $0xF7A  }
0x26: {  	[smem:$0x3F8C] =	sst s1;
	(tag) =	ssettag s2;
	_ =	strace s9  }
0x27: {  	s1 =	sld [smem:$0x3F9C]  }
0x28: {  	s2 =	sld [smem:$0x3F9D]  }
0x29: {  	s4 =	sld [smem:$0x3F9F]  }
0x2a: {  	p0 =	seq.s32 s5, $0x0;
	s5 =	sld [smem:$0x3FA0]  }
0x2b: {  	s6 =	sld [smem:$0x3FA1]  }
0x2c: {  	s7 =	sld [smem:$0x3FA2]  }
0x2d: {  	s3 =	simm.s32 $0x108;
	s8 =	sld [smem:$0x3FA3]  }
0x2e: {  	s3 =	simm.s32 @!p0 $0x1082;
	s9 =	sld [smem:$0x3FA4]  }
0x2f: {  	lr =	sadd.s32 s0, s3;
	s0 =	sld [smem:$0x3F9B]  }
0x30: {  	s3 =	sld [smem:$0x3F9E]  }
0x31: {  	[smem:$0x3FA7] =	sst s10  }
0x32: {  	s10 =	sld [smem:$0x3FA5];
	_ =	sdelay $0x3  }
0x33: {  	p0 =	seq.s32 s10, $0x1;
	s10 =	sld [smem:$0x3FA7];
	_ =	sdelay $0x3  }
0x34: {  	[smem:$0x3FA7] =	sst s10  }
0x35: {  	s10 =	sld [smem:$0x3FA6];
	_ =	sdelay $0x3  }
0x36: {  	p1 =	seq.s32 s10, $0x1;
	s10 =	sld [smem:$0x3FA7];
	_ =	sdelay $0x3  }
0x37: {  	[smem:$0x3FA7] =	sst s10  }
0x38: {  	s10 =	sld [smem:$0x3FA8]  }
0x39: {  	_ = 	snop;
	(pc) =	sbr.ind lr, $3  }
0x3a: {  	_ = 	snop  }
0x3b: {  	_ = 	snop  }
0x3c: {  	p2 =	seq.s32 s10, $0x1;
	s10 =	sld [smem:$0x3FA7]  }
0x3d: {  	_ =	shalt  }
0x3e: {  	_ =	shalt  }
0x3f: {  	_ =	shalt  }
0x40: {  	_ =	shalt  }
0x41: {  	_ =	shalt  }
0x42: {  	_ =	shalt  }
0x43: {  	_ =	shalt  }
0x44: {  	_ =	shalt  }
0x45: {  	_ =	shalt  }
0x46: {  	_ =	shalt  }
0x47: {  	_ =	shalt  }
0x48: {  	_ =	shalt  }
0x49: {  	_ =	shalt  }
0x4a: {  	_ =	shalt  }
0x4b: {  	_ =	shalt  }
0x4c: {  	_ =	shalt  }
0x4d: {  	_ =	shalt  }
0x4e: {  	_ =	shalt  }
0x4f: {  	_ =	shalt  }
0x50: {  	_ =	shalt  }
0x51: {  	_ =	shalt  }
0x52: {  	_ =	shalt  }
0x53: {  	_ =	shalt  }
0x54: {  	_ =	shalt  }
0x55: {  	_ =	shalt  }
0x56: {  	_ =	shalt  }
0x57: {  	_ =	shalt  }
0x58: {  	_ =	shalt  }
0x59: {  	_ =	shalt  }
0x5a: {  	_ =	shalt  }
0x5b: {  	_ =	shalt  }
0x5c: {  	_ =	shalt  }
0x5d: {  	_ =	shalt  }
0x5e: {  	_ =	shalt  }
0x5f: {  	_ =	shalt  }
0x60: {  	_ =	shalt  }
0x61: {  	_ =	shalt  }
0x62: {  	_ =	shalt  }
0x63: {  	_ =	shalt  }
0x64: {  	_ =	shalt  }
0x65: {  	_ =	shalt  }
0x66: {  	_ =	shalt  }
0x67: {  	_ =	shalt  }
0x68: {  	_ =	shalt  }
0x69: {  	_ =	shalt  }
0x6a: {  	_ =	shalt  }
0x6b: {  	_ =	shalt  }
0x6c: {  	_ =	shalt  }
0x6d: {  	_ =	shalt  }
0x6e: {  	_ =	shalt  }
0x6f: {  	_ =	shalt  }
0x70: {  	_ =	shalt  }
0x71: {  	_ =	shalt  }
0x72: {  	_ =	shalt  }
0x73: {  	_ =	shalt  }
0x74: {  	_ =	shalt  }
0x75: {  	_ =	shalt  }
0x76: {  	_ =	shalt  }
0x77: {  	_ =	shalt  }
0x78: {  	_ =	shalt  }
0x79: {  	_ =	shalt  }
0x7a: {  	_ =	shalt  }
0x7b: {  	_ =	shalt  }
0x7c: {  	_ =	shalt  }
0x7d: {  	_ =	shalt  }
0x7e: {  	_ =	shalt  }
0x7f: {  	_ =	shalt  }
0x80: {  	_ =	shalt  }
0x81: {  	_ =	shalt  }
0x82: {  	_ =	shalt  }
0x83: {  	_ =	shalt  }
0x84: {  	_ =	shalt  }
0x85: {  	_ =	shalt  }
0x86: {  	_ =	shalt  }
0x87: {  	_ =	shalt  }
.Lfunc_end0:
.L_simem_size_0:
called_computation_lowered:
.L_overlay_start_0:
0x88: {  	s2 =	sld [smem:$0x3FD9]  }
0x89: {  	s3 =	sld [smem:$0x3FFE];
	_ =	sdelay $0x1  }
0x8a: {  	s1 =	srdreg.scid  }
0x8b: {  	s0 =	sand.u32 $0x1, s1  }
0x8c: {  	s16 =	sshll.u32 s0, $0xA;
	s2 =	sadd.s32 s3, s2  }
0x8d: {  	s2 =	sadd.s32 s2, s16  }
0x8e: {  	[smem:$0x3FB3] =	sst s2  }
0x8f: {  	_ = 	snop  }
0x90: {  	(tm) =	ssettm $0x1  }
0x91: {  	s17 =	sld [smem:$0x3FFB];
	_ =	sdelay $0x3  }
0x92: {  	_ =	strace s17  }
0x93: {  	s2 =	sld [smem:$0x3FFC];
	_ =	sdelay $0x3  }
0x94: {  	_ =	strace s2  }
0x95: {  	s2 =	sld [smem:$0x3FFD];
	_ =	sdelay $0x3  }
0x96: {  	_ =	strace s2  }
0x97: {  	_ =	strace $0x8FFFFFFF  }
0x98: {  	s18 =	sld [smem:$0x3FDB];
	_ =	sdelay $0x1  }
0x99: {  	s19 =	simm.s32 $_scs_section_size  }
0x9a: {  	s4 =	simm.s32 $_size__tile_overlayer_lowered;
	s5 =	simm.s32 $_tile_overlayer_lowered  }
0x9b: {  	s22 =	simm.s32 $0x1BFF;
	s21 =	sshll.u32 s5, $0x1;
	s2 =	sadd.s32 s19, s18  }
0x9c: {  	s6 =	simm.s32 $0x0;
	s20 =	sshll.u32 s4, $0x1;
	s4 =	sadd.s32 s21, s2  }
0x9d: {  	[timem:s6], [sflag:s22] =	dma.local [hbm:s4], s20  }
0x9e: {  	_ =	swait.ge [sflag:s22], s20  }
0x9f: {  	s3 =	ssub.s32 $0x0, s20;
	[sflag:s22] =	ssyncset.done $0x0  }
0xa0: {  	[sflag:s22] =	ssyncadd.s32 s3;
	_ =	sdelay $0x1  }
0xa1: {  	s23 =	simm.s32 $0x1B8B  }
0xa2: {  	_ =	swait.ge [sflag:s23], $0x1  }
0xa3: {  	[sflag:s23] =	ssyncset.done $0x0  }
0xa4: {  	s25 =	simm.s32 $0x1B8E;
	s24 =	sld [smem:$0x3FFE];
	[sflag:s23] =	ssyncadd.s32 $0xFFFFFFFF  }
0xa5: {  	s26 =	simm.s32 $execute0_lowered;
	[smem:$0x3FD2] =	sst s25  }
0xa6: {  	s4 =	sshll.u32 s26, $0x1;
	_ =	strace $0x80000046;
	[dreg:$0x1] =	wrdreg $0xFFFFFFFF  }
0xa7: {  	s28 =	simm.s32 $_size_execute0_lowered;
	s2 =	sadd.s32 s2, s4;
	[dreg:$0x0] =	wrdreg $0x0  }
0xa8: {  	s4 =	sshll.u32 s28, $0x1;
	[dreg:$0x2] =	wrdreg s2  }
0xa9: {  	[dreg:$0x3] =	wrdreg s4  }
0xaa: {  	[dreg:$0x4] =	wrdreg $0xC0  }
0xab: {  	_ =	task [dreg:s6], $0x5FFFF  }
0xac: {  	[dreg:$0x1] =	wrdreg $0xFFFFFFFF  }
0xad: {  	[dreg:$0x0] =	wrdreg $0x60  }
0xae: {  	[dreg:$0x2] =	wrdreg s24  }
0xaf: {  	[dreg:$0x3] =	wrdreg $0xBC000  }
0xb0: {  	[dreg:$0x4] =	wrdreg $0x9  }
0xb1: {  	_ =	task.clear_ibuf [dreg:s6], $0x5FFFF;
	_ =	strace $0x90000046  }
0xb2: {  	s29 =	simm.s32 $0x9;
	_ =	strace $0x80000048  }
0xb3: {  	_ =	swait.ge [sflag:s29], $0x1  }
0xb4: {  	[sflag:s29] =	ssyncadd.s32 $0xFFFFFFFF  }
0xb5: {  	_ =	strace $0x90000048  }
0xb6: {  	_ =	sfence  }
0xb7: {  	s30 =	sld [smem:$0x0];
	_ =	sdelay $0x2  }
0xb8: {  	s31 =	sshll.u32 s1, $0xD;
	s1 =	sshrl.u32 s1, $0x2  }
0xb9: {  	s3 =	sand.u32 $0x4000, s31;
	s1 =	sadd.s32 s1, s30  }
0xba: {  	s0 =	sor.u32 s3, s0;
	s1 =	sshll.u32 s1, $0x11  }
0xbb: {  	s0 =	sor.u32 s1, s0  }
0xbc: {  	s0 =	sadd.s32 $0x8F2B, s0  }
0xbd: {  	[sflag:s0] =	ssyncadd.remote.s32 $0x1  }
0xbe: {  	_ =	sfence.sel $0xFFFF  }
0xbf: {  	[dreg:$0x0] =	wrdreg $0xFFFFFFFF;
	(pc) =	sbr.abs _section_cstart, $3  }
0xc0: {  	[dreg:$0x1] =	wrdreg $0xFFFFFFFF  }
0xc1: {  	_ =	task.clear_ibuf [dreg:s6], $0x2FFFF;
	_ =	strace $0x9FFFFFFF  }
0xc2: {  	(tm) =	ssettm $0x7FFFFFFF  }
0xc3: {  	_ =	shalt  }
tec
execute0_lowered:
.L_overlay_start_1:
0x0: {  	(tag) =	ssettag $0x1  }
0x1: {  	s0 =	rddreg [dreg:$0x0]  }
0x2: {  	s2 =	rddreg [dreg:$0x1];
	s3 =	simm.s32 $0x0  }
0x3: {  	s22 =	stileid.u32;
	s5 =	srdreg.scid;
	s28 =	simm.s32 $0x1  }
0x4: {  	s29 =	simm.s32 $0x2;
	s30 =	simm.s32 $0x2700;
	s1 =	smul.u32 $0x500, s22  }
0x5: {  	s31 =	simm.s32 $0x2780;
	[smem:$0x7FF] =	sst s3;
	s6 =	smul.u32 $0x270, s22  }
0x6: {  	s4 =	sadd.s32 $0x1C400, s0;
	s8 =	sand.u32 $0x1, s5;
	s21 =	smul.u32 $0x4E000, s22  }
0x7: {  	s9 =	sadd.s32 $0x3400, s0;
	s26 =	sshll.u32 s22, $0x6;
	s17 =	sadd.s32 $0x138000, s2  }
0x8: {  	p0 =	sne.s32 s22, $0xF;
	_ =	strace $0x80000047;
	s10 =	smul.u32 $0x2710, s8  }
0x9: {  	s7 =	ssub.s32 $0x2, s8;
	s24 =	smul.u32 $0x138800, s8;
	s25 =	sshll.u32 s8, $0x4  }
0xa: {  	[dreg:$0x4] =	wrdreg s17;
	s8 =	sor.u32 $0x2, s8;
	s1 =	sadd.s32 s1, s0  }
0xb: {  	s0 =	sadd.s32 $0xB8800, s0;
	s11 =	sshrl.u32 s7, $0x1;
	s5 =	sshrl.u32 s21, $0x2  }
0xc: {  	s21 =	smul.u32 $0x2710, s8;
	s11 =	ssub.s32 s7, s11;
	s23 =	sadd.s32 s6, s10  }
0xd: {  	s10 =	sor.u32 s22, s25;
	s14 =	sshrl.u32 s24, $0x3;
	s24 =	smul.u32 $0x138800, s8  }
0xe: {  	s5 =	sadd.s32 s5, s2;
	s7 =	sor.u32 $0x1C03, s26;
	s15 =	smul.u32 $0x500, s10  }
0xf: {  	s12 =	sshll.u32 s23, $0x4;
	s14 =	sadd.s32 $0x27000, s14;
	s16 =	smul.u32 $0x2800, s10  }
0x10: {  	s10 =	sadd.s32 $0x17400, s1;
	s23 =	sshll.u32 s8, $0x4;
	s6 =	sadd.s32 s6, s21  }
0x11: {  	s21 =	smax.u32 s11, $0x1;
	s13 =	sadd.s32 s4, s12;
	s18 =	sadd.s32 s4, s14  }
0x12: {  	s25 =	sor.u32 s22, s23;
	s12 =	sadd.s32 s0, s12;
	s14 =	sadd.s32 s0, s14  }
0x13: {  	s6 =	sshll.u32 s6, $0x4;
	s22 =	simm.s32 $0x3;
	[dreg:$0x3] =	wrdreg s13  }
0x14: {  	s23 =	simm.s32 $0x1400;
	[dreg:$0x5] =	wrdreg s18;
	s19 =	sadd.s32 s9, s15  }
0x15: {  	s20 =	sshrl.u32 s16, $0x3;
	[dreg:$0x8] =	wrdreg s12;
	s26 =	smul.u32 $0x2800, s25  }
0x16: {  	s8 =	smul.u32 $0x500, s25;
	s15 =	sadd.s32 s4, s6;
	s25 =	simm.s32 $0x3C00  }
0x17: {  	[dreg:$0x6] =	wrdreg s19;
	s1 =	sadd.s32 s9, s20;
	s19 =	sadd.s32 s0, s6  }
0x18: {  	s6 =	simm.s32 $0x0;
	s1 =	sadd.s32 $0x280, s1;
	s12 =	sshrl.u32 s26, $0x3  }
0x19: {  	s17 =	sadd.s32 s9, s8;
	[dreg:$0x7] =	wrdreg s1;
	s1 =	sshrl.u32 s24, $0x3  }
0x1a: {  	s26 =	simm.s32 $0x7C00;
	s12 =	sadd.s32 s9, s12;
	s1 =	sadd.s32 $0x27000, s1  }
0x1b: {  	s24 =	simm.s32 $0x80;
	s18 =	sadd.s32 $0x280, s12;
	s16 =	sadd.s32 s4, s1  }
0x1c: {  	s20 =	sadd.s32 s0, s1;
	s0 =	simm.s32 $0x3B00;
	s1 =	simm.s32 $0x3B80  }
.LBB2_1:
0x1d: {  	s8 =	sshrl.u32 s5, $0x3;
	s9 =	rddreg [dreg:$0x3]  }
0x1e: {  	[spmem:s8], [sflag:s7] =	dma.local [hbm:s9], $0x2700  }
0x1f: {  	_ =	swait.ge [sflag:s22], $0x2700  }
0x20: {  	[sflag:s22] =	ssyncset.done $0x0;
	s9 =	rddreg [dreg:$0x4]  }
0x21: {  	s11 =	rddreg [dreg:$0x5];
	[sflag:s22] =	ssyncadd.s32 $0xFFFFD900;
	s9 =	sshrl.u32 @!p0 s9, $0x3  }
0x22: {  	[spmem:s9], [sflag:s7] =	dma.local @!p0 [hbm:s11], $0x100  }
0x23: {  	s11 =	simm.s32 @!p0 $0x3  }
0x24: {  	_ =	swait.ge @!p0 [sflag:s11], $0x100  }
0x25: {  	[sflag:s11] =	ssyncset.done @!p0 $0x0  }
0x26: {  	[sflag:s11] =	ssyncadd.s32 @!p0 $0xFFFFFF00  }
0x27: {  	[bflag:$0x0] =	sbarrier.arrive $0xFFFF  }
0x28: {  	[tilespmem:s23], [sflag:$0x3] =	stream.linear.gather [hbm4b:s10+s3], $0x2800, $0x38;
	[tilespmem:$0x1F500] =	vst v63  }
0x29: {  	_ =	swait.ge [sflag:s22], $0x2800  }
0x2a: {  	[sflag:s22] =	ssyncset.done $0x0  }
0x2b: {  	s12 =	rddreg [dreg:$0x6];
	[sflag:s22] =	ssyncadd.s32 $0xFFFFD800  }
0x2c: {  	[tilespmem:s3], [sflag:$0x3] =	stream.linear.gather [hbm4b:s12+s3], $0x1400, $0x38;
	[tilespmem:$0x1F500] =	vst v63  }
0x2d: {  	_ =	swait.ge [sflag:s22], $0x1400  }
0x2e: {  	[sflag:s22] =	ssyncset.done $0x0  }
0x2f: {  	[sflag:s22] =	ssyncadd.s32 $0xFFFFEC00  }
0x30: {  	[tilespmem:s25], [sflag:$0x1] =	stream.indirect.gather [hbm4b:s4+s24], $0x80, s3, s24, $0xb8;
	[tilespmem:$0x1F500] =	vst v63  }
0x31: {  	_ = 	snop  }
0x32: {  	[tilespmem:s26], [sflag:$0x2] =	stream.indirect.gather [hbm4b:s4+s24], $0x80, s24, s24, $0xb8;
	[tilespmem:$0x1F500] =	vst v63  }
0x33: {  	_ =	swait.ge [sflag:s28], $0x4000  }
0x34: {  	[sflag:s28] =	ssyncset.done $0x0  }
0x35: {  	s13 =	simm.s32 $0x1400;
	[sflag:s28] =	ssyncadd.s32 $0xFFFFC000  }
0x36: {  	[spmem:s2] =	stream.indirect.scatter.add.f32 [tilespmem:s25], [sflag:$0x3], $0x80, s13, s24, $0xb8;
	[tilespmem:$0x1F500] =	vst v63  }
0x37: {  	_ =	swait.ge [sflag:s22], $0x4000  }
0x38: {  	[sflag:s22] =	ssyncset.done $0x0  }
0x39: {  	s12 =	simm.s32 $0x100;
	[sflag:s22] =	ssyncadd.s32 $0xFFFFC000  }
0x3a: {  	[tilespmem:s25], [sflag:$0x1] =	stream.indirect.gather [hbm4b:s4+s24], $0x80, s12, s24, $0xb8;
	[tilespmem:$0x1F500] =	vst v63  }
0x3b: {  	_ =	swait.ge [sflag:s29], $0x4000  }
0x3c: {  	[sflag:s29] =	ssyncset.done $0x0  }
0x3d: {  	s13 =	simm.s32 $0x1480;
	[sflag:s29] =	ssyncadd.s32 $0xFFFFC000  }
0x3e: {  	[spmem:s2] =	stream.indirect.scatter.add.f32 [tilespmem:s26], [sflag:$0x3], $0x80, s13, s24, $0xb8;
	[tilespmem:$0x1F500] =	vst v63  }
0x3f: {  	_ =	swait.ge [sflag:s22], $0x4000  }
0x40: {  	[sflag:s22] =	ssyncset.done $0x0  }
0x41: {  	s11 =	simm.s32 $0x400;
	s12 =	simm.s32 $0x180;
	[sflag:s22] =	ssyncadd.s32 $0xFFFFC000  }
.LBB2_2:
0x42: {  	[tilespmem:s26], [sflag:$0x2] =	stream.indirect.gather [hbm4b:s4+s24], $0x80, s12, s24, $0xb8;
	[tilespmem:$0x1F500] =	vst v63  }
0x43: {  	s12 =	smov.u32 s11  }
0x44: {  	p1 =	sne.s32 s11, $0x4800;
	s11 =	sadd.s32 $0x400, s11;
	_ =	swait.ge [sflag:s28], $0x4000  }
0x45: {  	s12 =	sshra.s32 s12, $0x2;
	[sflag:s28] =	ssyncset.done $0x0  }
0x46: {  	s13 =	sadd.s32 $0x1400, s12;
	[sflag:s28] =	ssyncadd.s32 $0xFFFFC000  }
0x47: {  	[spmem:s2] =	stream.indirect.scatter.add.f32 [tilespmem:s25], [sflag:$0x3], $0x80, s13, s24, $0xb8;
	[tilespmem:$0x1F500] =	vst v63  }
0x48: {  	_ =	swait.ge [sflag:s22], $0x4000  }
0x49: {  	[sflag:s22] =	ssyncset.done $0x0  }
0x4a: {  	s13 =	sadd.s32 $0x100, s12;
	[sflag:s22] =	ssyncadd.s32 $0xFFFFC000  }
0x4b: {  	[tilespmem:s25], [sflag:$0x1] =	stream.indirect.gather [hbm4b:s4+s24], $0x80, s13, s24, $0xb8;
	[tilespmem:$0x1F500] =	vst v63  }
0x4c: {  	_ =	swait.ge [sflag:s29], $0x4000  }
0x4d: {  	[sflag:s29] =	ssyncset.done $0x0  }
.Ltmp0:
0x4e: {  	s13 =	sadd.s32 $0x1480, s12;
	[sflag:s29] =	ssyncadd.s32 $0xFFFFC000;
	(pc) =	sbr.rel @p1 .LBB2_2-.Ltmp0, $4  }
0x4f: {  	[spmem:s2] =	stream.indirect.scatter.add.f32 [tilespmem:s26], [sflag:$0x3], $0x80, s13, s24, $0xb8;
	[tilespmem:$0x1F500] =	vst v63  }
0x50: {  	_ =	swait.ge [sflag:s22], $0x4000  }
0x51: {  	[sflag:s22] =	ssyncset.done $0x0  }
0x52: {  	s12 =	sadd.s32 $0x180, s12;
	[sflag:s22] =	ssyncadd.s32 $0xFFFFC000  }
0x53: {  	[tilespmem:s26], [sflag:$0x2] =	stream.indirect.gather [hbm4b:s4+s24], $0x80, s12, s24, $0xb8;
	[tilespmem:$0x1F500] =	vst v63  }
0x54: {  	_ =	swait.ge [sflag:s28], $0x4000  }
0x55: {  	[sflag:s28] =	ssyncset.done $0x0  }
0x56: {  	[sflag:s28] =	ssyncadd.s32 $0xFFFFC000  }
0x57: {  	[spmem:s2] =	stream.indirect.scatter.add.f32 [tilespmem:s25], [sflag:$0x3], $0x80, s30, s24, $0xb8;
	[tilespmem:$0x1F500] =	vst v63  }
0x58: {  	_ =	swait.ge [sflag:s22], $0x4000  }
0x59: {  	[sflag:s22] =	ssyncset.done $0x0  }
0x5a: {  	[sflag:s22] =	ssyncadd.s32 $0xFFFFC000  }
0x5b: {  	_ =	swait.ge [sflag:s29], $0x4000  }
0x5c: {  	[sflag:s29] =	ssyncset.done $0x0  }
0x5d: {  	[sflag:s29] =	ssyncadd.s32 $0xFFFFC000  }
0x5e: {  	[spmem:s2] =	stream.indirect.scatter.add.f32 [tilespmem:s26], [sflag:$0x3], $0x80, s31, s24, $0xb8;
	[tilespmem:$0x1F500] =	vst v63  }
0x5f: {  	_ =	swait.ge [sflag:s22], $0x4000  }
0x60: {  	[sflag:s22] =	ssyncset.done $0x0  }
0x61: {  	s11 =	rddreg [dreg:$0x7];
	[sflag:s22] =	ssyncadd.s32 $0xFFFFC000  }
0x62: {  	[tilespmem:s3], [sflag:$0x3] =	stream.linear.gather [hbm4b:s11+s3], $0x1400, $0x38;
	[tilespmem:$0x1F500] =	vst v63  }
0x63: {  	_ =	swait.ge [sflag:s22], $0x1400  }
0x64: {  	[sflag:s22] =	ssyncset.done $0x0  }
0x65: {  	[sflag:s22] =	ssyncadd.s32 $0xFFFFEC00  }
0x66: {  	[tilespmem:s25], [sflag:$0x1] =	stream.indirect.gather [hbm4b:s4+s24], $0x80, s3, s24, $0xb8;
	[tilespmem:$0x1F500] =	vst v63  }
0x67: {  	_ = 	snop  }
0x68: {  	[tilespmem:s26], [sflag:$0x2] =	stream.indirect.gather [hbm4b:s4+s24], $0x80, s24, s24, $0xb8;
	[tilespmem:$0x1F500] =	vst v63  }
0x69: {  	_ =	swait.ge [sflag:s28], $0x4000  }
0x6a: {  	[sflag:s28] =	ssyncset.done $0x0  }
0x6b: {  	s13 =	simm.s32 $0x2800;
	[sflag:s28] =	ssyncadd.s32 $0xFFFFC000  }
0x6c: {  	[spmem:s2] =	stream.indirect.scatter.add.f32 [tilespmem:s25], [sflag:$0x3], $0x80, s13, s24, $0xb8;
	[tilespmem:$0x1F500] =	vst v63  }
0x6d: {  	_ =	swait.ge [sflag:s22], $0x4000  }
0x6e: {  	[sflag:s22] =	ssyncset.done $0x0  }
0x6f: {  	s12 =	simm.s32 $0x100;
	[sflag:s22] =	ssyncadd.s32 $0xFFFFC000  }
0x70: {  	[tilespmem:s25], [sflag:$0x1] =	stream.indirect.gather [hbm4b:s4+s24], $0x80, s12, s24, $0xb8;
	[tilespmem:$0x1F500] =	vst v63  }
0x71: {  	_ =	swait.ge [sflag:s29], $0x4000  }
0x72: {  	[sflag:s29] =	ssyncset.done $0x0  }
0x73: {  	s13 =	simm.s32 $0x2880;
	[sflag:s29] =	ssyncadd.s32 $0xFFFFC000  }
0x74: {  	[spmem:s2] =	stream.indirect.scatter.add.f32 [tilespmem:s26], [sflag:$0x3], $0x80, s13, s24, $0xb8;
	[tilespmem:$0x1F500] =	vst v63  }
0x75: {  	_ =	swait.ge [sflag:s22], $0x4000  }
0x76: {  	[sflag:s22] =	ssyncset.done $0x0  }
0x77: {  	s11 =	simm.s32 $0xFFFFB800;
	s12 =	simm.s32 $0x180;
	[sflag:s22] =	ssyncadd.s32 $0xFFFFC000  }
.LBB2_4:
0x78: {  	[tilespmem:s26], [sflag:$0x2] =	stream.indirect.gather [hbm4b:s4+s24], $0x80, s12, s24, $0xb8;
	[tilespmem:$0x1F500] =	vst v63  }
0x79: {  	s12 =	smov.u32 s11  }
0x7a: {  	p1 =	sne.s32 s11, $0xFFFFFC00;
	s11 =	sadd.s32 $0x400, s11;
	_ =	swait.ge [sflag:s28], $0x4000  }
0x7b: {  	s12 =	sshra.s32 s12, $0x2;
	[sflag:s28] =	ssyncset.done $0x0  }
0x7c: {  	s13 =	sadd.s32 $0x3B00, s12;
	[sflag:s28] =	ssyncadd.s32 $0xFFFFC000  }
0x7d: {  	[spmem:s2] =	stream.indirect.scatter.add.f32 [tilespmem:s25], [sflag:$0x3], $0x80, s13, s24, $0xb8;
	[tilespmem:$0x1F500] =	vst v63  }
0x7e: {  	_ =	swait.ge [sflag:s22], $0x4000  }
0x7f: {  	[sflag:s22] =	ssyncset.done $0x0  }
0x80: {  	s13 =	sadd.s32 $0x1400, s12;
	[sflag:s22] =	ssyncadd.s32 $0xFFFFC000  }
0x81: {  	[tilespmem:s25], [sflag:$0x1] =	stream.indirect.gather [hbm4b:s4+s24], $0x80, s13, s24, $0xb8;
	[tilespmem:$0x1F500] =	vst v63  }
0x82: {  	_ =	swait.ge [sflag:s29], $0x4000  }
0x83: {  	[sflag:s29] =	ssyncset.done $0x0  }
.Ltmp1:
0x84: {  	s13 =	sadd.s32 $0x3B80, s12;
	[sflag:s29] =	ssyncadd.s32 $0xFFFFC000;
	(pc) =	sbr.rel @p1 .LBB2_4-.Ltmp1, $4  }
0x85: {  	[spmem:s2] =	stream.indirect.scatter.add.f32 [tilespmem:s26], [sflag:$0x3], $0x80, s13, s24, $0xb8;
	[tilespmem:$0x1F500] =	vst v63  }
0x86: {  	_ =	swait.ge [sflag:s22], $0x4000  }
0x87: {  	[sflag:s22] =	ssyncset.done $0x0  }
0x88: {  	s12 =	sadd.s32 $0x1480, s12;
	[sflag:s22] =	ssyncadd.s32 $0xFFFFC000  }
0x89: {  	[tilespmem:s26], [sflag:$0x2] =	stream.indirect.gather [hbm4b:s4+s24], $0x80, s12, s24, $0xb8;
	[tilespmem:$0x1F500] =	vst v63  }
0x8a: {  	_ =	swait.ge [sflag:s28], $0x4000  }
0x8b: {  	[sflag:s28] =	ssyncset.done $0x0  }
0x8c: {  	[sflag:s28] =	ssyncadd.s32 $0xFFFFC000  }
0x8d: {  	[spmem:s2] =	stream.indirect.scatter.add.f32 [tilespmem:s25], [sflag:$0x3], $0x80, s0, s24, $0xb8;
	[tilespmem:$0x1F500] =	vst v63  }
0x8e: {  	_ =	swait.ge [sflag:s22], $0x4000  }
0x8f: {  	[sflag:s22] =	ssyncset.done $0x0  }
0x90: {  	[sflag:s22] =	ssyncadd.s32 $0xFFFFC000  }
0x91: {  	_ =	swait.ge [sflag:s29], $0x4000  }
0x92: {  	[sflag:s29] =	ssyncset.done $0x0  }
0x93: {  	[sflag:s29] =	ssyncadd.s32 $0xFFFFC000  }
0x94: {  	[spmem:s2] =	stream.indirect.scatter.add.f32 [tilespmem:s26], [sflag:$0x3], $0x80, s1, s24, $0xb8;
	[tilespmem:$0x1F500] =	vst v63  }
0x95: {  	_ =	swait.ge [sflag:s22], $0x4000  }
0x96: {  	[sflag:s22] =	ssyncset.done $0x0  }
0x97: {  	[sflag:s22] =	ssyncadd.s32 $0xFFFFC000  }
0x98: {  	[bflag:$0x0] =	sbarrier.arrive $0xFFFF  }
0x99: {  	s11 =	rddreg [dreg:$0x8]  }
0x9a: {  	[hbm:s11], [sflag:s7] =	dma.local [spmem:s8], $0x2700  }
0x9b: {  	_ =	swait.ge [sflag:s22], $0x2700  }
0x9c: {  	[sflag:s22] =	ssyncset.done $0x0  }
0x9d: {  	[sflag:s22] =	ssyncadd.s32 $0xFFFFD900  }
0x9e: {  	s11 =	sshrl.u32 @p0 s5, $0x3;
	[bflag:$0x0] =	sbarrier.arrive @p0 $0xFFFF  }
0x9f: {  	[spmem:s11], [sflag:s7] =	dma.local @p0 [hbm:s15], $0x2700  }
0xa0: {  	s11 =	simm.s32 @p0 $0x3  }
0xa1: {  	_ =	swait.ge @p0 [sflag:s11], $0x2700  }
0xa2: {  	[sflag:s11] =	ssyncset.done @p0 $0x0  }
0xa3: {  	[sflag:s11] =	ssyncadd.s32 @p0 $0xFFFFD900;
	s11 =	simm.s32 @!p0 $0x3  }
0xa4: {  	[hbm:s14], [sflag:s7] =	dma.local @!p0 [spmem:s9], $0x100  }
0xa5: {  	_ =	swait.ge @!p0 [sflag:s11], $0x100  }
0xa6: {  	[sflag:s11] =	ssyncset.done @!p0 $0x0  }
0xa7: {  	[sflag:s11] =	ssyncadd.s32 @!p0 $0xFFFFFF00  }
0xa8: {  	s12 =	sshrl.u32 @!p0 s5, $0x3;
	[bflag:$0x0] =	sbarrier.arrive @!p0 $0xFFFF  }
0xa9: {  	[spmem:s12], [sflag:s7] =	dma.local @!p0 [hbm:s15], $0x2700  }
0xaa: {  	_ =	swait.ge @!p0 [sflag:s11], $0x2700  }
0xab: {  	[sflag:s11] =	ssyncset.done @!p0 $0x0  }
0xac: {  	[sflag:s11] =	ssyncadd.s32 @!p0 $0xFFFFD900  }
0xad: {  	[spmem:s9], [sflag:s7] =	dma.local @!p0 [hbm:s16], $0x100  }
0xae: {  	_ =	swait.ge @!p0 [sflag:s11], $0x100  }
0xaf: {  	[sflag:s11] =	ssyncset.done @!p0 $0x0  }
0xb0: {  	[sflag:s11] =	ssyncadd.s32 @!p0 $0xFFFFFF00  }
0xb1: {  	s12 =	simm.s32 $0x0;
	[bflag:$0x0] =	sbarrier.arrive $0xFFFF  }
0xb2: {  	[tilespmem:s23], [sflag:$0x3] =	stream.linear.gather [hbm4b:s10+s12], $0x2800, $0x38;
	[tilespmem:$0x1F500] =	vst v63  }
0xb3: {  	_ =	swait.ge [sflag:s22], $0x2800  }
0xb4: {  	[sflag:s22] =	ssyncset.done $0x0  }
0xb5: {  	[sflag:s22] =	ssyncadd.s32 $0xFFFFD800  }
0xb6: {  	[tilespmem:s12], [sflag:$0x3] =	stream.linear.gather [hbm4b:s17+s12], $0x1400, $0x38;
	[tilespmem:$0x1F500] =	vst v63  }
0xb7: {  	_ =	swait.ge [sflag:s22], $0x1400  }
0xb8: {  	[sflag:s22] =	ssyncset.done $0x0  }
0xb9: {  	[sflag:s22] =	ssyncadd.s32 $0xFFFFEC00  }
0xba: {  	[tilespmem:s25], [sflag:$0x1] =	stream.indirect.gather [hbm4b:s4+s24], $0x80, s12, s24, $0xb8;
	[tilespmem:$0x1F500] =	vst v63  }
0xbb: {  	_ = 	snop  }
0xbc: {  	[tilespmem:s26], [sflag:$0x2] =	stream.indirect.gather [hbm4b:s4+s24], $0x80, s24, s24, $0xb8;
	[tilespmem:$0x1F500] =	vst v63  }
0xbd: {  	_ =	swait.ge [sflag:s28], $0x4000  }
0xbe: {  	[sflag:s28] =	ssyncset.done $0x0  }
0xbf: {  	s13 =	simm.s32 $0x1400;
	[sflag:s28] =	ssyncadd.s32 $0xFFFFC000  }
0xc0: {  	[spmem:s2] =	stream.indirect.scatter.add.f32 [tilespmem:s25], [sflag:$0x3], $0x80, s13, s24, $0xb8;
	[tilespmem:$0x1F500] =	vst v63  }
0xc1: {  	_ =	swait.ge [sflag:s22], $0x4000  }
0xc2: {  	[sflag:s22] =	ssyncset.done $0x0  }
0xc3: {  	s12 =	simm.s32 $0x100;
	[sflag:s22] =	ssyncadd.s32 $0xFFFFC000  }
0xc4: {  	[tilespmem:s25], [sflag:$0x1] =	stream.indirect.gather [hbm4b:s4+s24], $0x80, s12, s24, $0xb8;
	[tilespmem:$0x1F500] =	vst v63  }
0xc5: {  	_ =	swait.ge [sflag:s29], $0x4000  }
0xc6: {  	[sflag:s29] =	ssyncset.done $0x0  }
0xc7: {  	s13 =	simm.s32 $0x1480;
	[sflag:s29] =	ssyncadd.s32 $0xFFFFC000  }
0xc8: {  	[spmem:s2] =	stream.indirect.scatter.add.f32 [tilespmem:s26], [sflag:$0x3], $0x80, s13, s24, $0xb8;
	[tilespmem:$0x1F500] =	vst v63  }
0xc9: {  	_ =	swait.ge [sflag:s22], $0x4000  }
0xca: {  	[sflag:s22] =	ssyncset.done $0x0  }
0xcb: {  	s11 =	simm.s32 $0x400;
	s12 =	simm.s32 $0x180;
	[sflag:s22] =	ssyncadd.s32 $0xFFFFC000  }
.LBB2_6:
0xcc: {  	[tilespmem:s26], [sflag:$0x2] =	stream.indirect.gather [hbm4b:s4+s24], $0x80, s12, s24, $0xb8;
	[tilespmem:$0x1F500] =	vst v63  }
0xcd: {  	s12 =	smov.u32 s11  }
0xce: {  	p1 =	sne.s32 s11, $0x4800;
	s11 =	sadd.s32 $0x400, s11;
	_ =	swait.ge [sflag:s28], $0x4000  }
0xcf: {  	s12 =	sshra.s32 s12, $0x2;
	[sflag:s28] =	ssyncset.done $0x0  }
0xd0: {  	s13 =	sadd.s32 $0x1400, s12;
	[sflag:s28] =	ssyncadd.s32 $0xFFFFC000  }
0xd1: {  	[spmem:s2] =	stream.indirect.scatter.add.f32 [tilespmem:s25], [sflag:$0x3], $0x80, s13, s24, $0xb8;
	[tilespmem:$0x1F500] =	vst v63  }
0xd2: {  	_ =	swait.ge [sflag:s22], $0x4000  }
0xd3: {  	[sflag:s22] =	ssyncset.done $0x0  }
0xd4: {  	s13 =	sadd.s32 $0x100, s12;
	[sflag:s22] =	ssyncadd.s32 $0xFFFFC000  }
0xd5: {  	[tilespmem:s25], [sflag:$0x1] =	stream.indirect.gather [hbm4b:s4+s24], $0x80, s13, s24, $0xb8;
	[tilespmem:$0x1F500] =	vst v63  }
0xd6: {  	_ =	swait.ge [sflag:s29], $0x4000  }
0xd7: {  	[sflag:s29] =	ssyncset.done $0x0  }
.Ltmp2:
0xd8: {  	s13 =	sadd.s32 $0x1480, s12;
	[sflag:s29] =	ssyncadd.s32 $0xFFFFC000;
	(pc) =	sbr.rel @p1 .LBB2_6-.Ltmp2, $4  }
0xd9: {  	[spmem:s2] =	stream.indirect.scatter.add.f32 [tilespmem:s26], [sflag:$0x3], $0x80, s13, s24, $0xb8;
	[tilespmem:$0x1F500] =	vst v63  }
0xda: {  	_ =	swait.ge [sflag:s22], $0x4000  }
0xdb: {  	[sflag:s22] =	ssyncset.done $0x0  }
0xdc: {  	s12 =	sadd.s32 $0x180, s12;
	[sflag:s22] =	ssyncadd.s32 $0xFFFFC000  }
0xdd: {  	[tilespmem:s26], [sflag:$0x2] =	stream.indirect.gather [hbm4b:s4+s24], $0x80, s12, s24, $0xb8;
	[tilespmem:$0x1F500] =	vst v63  }
0xde: {  	_ =	swait.ge [sflag:s28], $0x4000  }
0xdf: {  	[sflag:s28] =	ssyncset.done $0x0  }
0xe0: {  	[sflag:s28] =	ssyncadd.s32 $0xFFFFC000  }
0xe1: {  	[spmem:s2] =	stream.indirect.scatter.add.f32 [tilespmem:s25], [sflag:$0x3], $0x80, s30, s24, $0xb8;
	[tilespmem:$0x1F500] =	vst v63  }
0xe2: {  	_ =	swait.ge [sflag:s22], $0x4000  }
0xe3: {  	[sflag:s22] =	ssyncset.done $0x0  }
0xe4: {  	[sflag:s22] =	ssyncadd.s32 $0xFFFFC000  }
0xe5: {  	_ =	swait.ge [sflag:s29], $0x4000  }
0xe6: {  	[sflag:s29] =	ssyncset.done $0x0  }
0xe7: {  	[sflag:s29] =	ssyncadd.s32 $0xFFFFC000  }
0xe8: {  	[spmem:s2] =	stream.indirect.scatter.add.f32 [tilespmem:s26], [sflag:$0x3], $0x80, s31, s24, $0xb8;
	[tilespmem:$0x1F500] =	vst v63  }
0xe9: {  	_ =	swait.ge [sflag:s22], $0x4000  }
0xea: {  	[sflag:s22] =	ssyncset.done $0x0  }
0xeb: {  	[sflag:s22] =	ssyncadd.s32 $0xFFFFC000  }
0xec: {  	[tilespmem:s3], [sflag:$0x3] =	stream.linear.gather [hbm4b:s18+s3], $0x1400, $0x38;
	[tilespmem:$0x1F500] =	vst v63  }
0xed: {  	_ =	swait.ge [sflag:s22], $0x1400  }
0xee: {  	[sflag:s22] =	ssyncset.done $0x0  }
0xef: {  	[sflag:s22] =	ssyncadd.s32 $0xFFFFEC00  }
0xf0: {  	[tilespmem:s25], [sflag:$0x1] =	stream.indirect.gather [hbm4b:s4+s24], $0x80, s3, s24, $0xb8;
	[tilespmem:$0x1F500] =	vst v63  }
0xf1: {  	_ = 	snop  }
0xf2: {  	[tilespmem:s26], [sflag:$0x2] =	stream.indirect.gather [hbm4b:s4+s24], $0x80, s24, s24, $0xb8;
	[tilespmem:$0x1F500] =	vst v63  }
0xf3: {  	_ =	swait.ge [sflag:s28], $0x4000  }
0xf4: {  	[sflag:s28] =	ssyncset.done $0x0  }
0xf5: {  	s11 =	simm.s32 $0x2800;
	[sflag:s28] =	ssyncadd.s32 $0xFFFFC000  }
0xf6: {  	[spmem:s2] =	stream.indirect.scatter.add.f32 [tilespmem:s25], [sflag:$0x3], $0x80, s11, s24, $0xb8;
	[tilespmem:$0x1F500] =	vst v63  }
0xf7: {  	_ =	swait.ge [sflag:s22], $0x4000  }
0xf8: {  	[sflag:s22] =	ssyncset.done $0x0  }
0xf9: {  	s12 =	simm.s32 $0x100;
	[sflag:s22] =	ssyncadd.s32 $0xFFFFC000  }
0xfa: {  	[tilespmem:s25], [sflag:$0x1] =	stream.indirect.gather [hbm4b:s4+s24], $0x80, s12, s24, $0xb8;
	[tilespmem:$0x1F500] =	vst v63  }
0xfb: {  	_ =	swait.ge [sflag:s29], $0x4000  }
0xfc: {  	[sflag:s29] =	ssyncset.done $0x0  }
0xfd: {  	s13 =	simm.s32 $0x2880;
	[sflag:s29] =	ssyncadd.s32 $0xFFFFC000  }
0xfe: {  	[spmem:s2] =	stream.indirect.scatter.add.f32 [tilespmem:s26], [sflag:$0x3], $0x80, s13, s24, $0xb8;
	[tilespmem:$0x1F500] =	vst v63  }
0xff: {  	_ =	swait.ge [sflag:s22], $0x4000  }
0x100: {  	[sflag:s22] =	ssyncset.done $0x0  }
0x101: {  	s11 =	simm.s32 $0xFFFFB800;
	s12 =	simm.s32 $0x180;
	[sflag:s22] =	ssyncadd.s32 $0xFFFFC000  }
.LBB2_8:
0x102: {  	[tilespmem:s26], [sflag:$0x2] =	stream.indirect.gather [hbm4b:s4+s24], $0x80, s12, s24, $0xb8;
	[tilespmem:$0x1F500] =	vst v63  }
0x103: {  	s12 =	smov.u32 s11  }
0x104: {  	p1 =	sne.s32 s11, $0xFFFFFC00;
	s11 =	sadd.s32 $0x400, s11;
	_ =	swait.ge [sflag:s28], $0x4000  }
0x105: {  	s12 =	sshra.s32 s12, $0x2;
	[sflag:s28] =	ssyncset.done $0x0  }
0x106: {  	s13 =	sadd.s32 $0x3B00, s12;
	[sflag:s28] =	ssyncadd.s32 $0xFFFFC000  }
0x107: {  	[spmem:s2] =	stream.indirect.scatter.add.f32 [tilespmem:s25], [sflag:$0x3], $0x80, s13, s24, $0xb8;
	[tilespmem:$0x1F500] =	vst v63  }
0x108: {  	_ =	swait.ge [sflag:s22], $0x4000  }
0x109: {  	[sflag:s22] =	ssyncset.done $0x0  }
0x10a: {  	s13 =	sadd.s32 $0x1400, s12;
	[sflag:s22] =	ssyncadd.s32 $0xFFFFC000  }
0x10b: {  	[tilespmem:s25], [sflag:$0x1] =	stream.indirect.gather [hbm4b:s4+s24], $0x80, s13, s24, $0xb8;
	[tilespmem:$0x1F500] =	vst v63  }
0x10c: {  	_ =	swait.ge [sflag:s29], $0x4000  }
0x10d: {  	[sflag:s29] =	ssyncset.done $0x0  }
.Ltmp3:
0x10e: {  	s13 =	sadd.s32 $0x3B80, s12;
	[sflag:s29] =	ssyncadd.s32 $0xFFFFC000;
	(pc) =	sbr.rel @p1 .LBB2_8-.Ltmp3, $4  }
0x10f: {  	[spmem:s2] =	stream.indirect.scatter.add.f32 [tilespmem:s26], [sflag:$0x3], $0x80, s13, s24, $0xb8;
	[tilespmem:$0x1F500] =	vst v63  }
0x110: {  	_ =	swait.ge [sflag:s22], $0x4000  }
0x111: {  	[sflag:s22] =	ssyncset.done $0x0  }
0x112: {  	s12 =	sadd.s32 $0x1480, s12;
	[sflag:s22] =	ssyncadd.s32 $0xFFFFC000  }
0x113: {  	[tilespmem:s26], [sflag:$0x2] =	stream.indirect.gather [hbm4b:s4+s24], $0x80, s12, s24, $0xb8;
	[tilespmem:$0x1F500] =	vst v63  }
0x114: {  	_ =	swait.ge [sflag:s28], $0x4000  }
0x115: {  	[sflag:s28] =	ssyncset.done $0x0  }
0x116: {  	[sflag:s28] =	ssyncadd.s32 $0xFFFFC000  }
0x117: {  	[spmem:s2] =	stream.indirect.scatter.add.f32 [tilespmem:s25], [sflag:$0x3], $0x80, s0, s24, $0xb8;
	[tilespmem:$0x1F500] =	vst v63  }
0x118: {  	_ =	swait.ge [sflag:s22], $0x4000  }
0x119: {  	[sflag:s22] =	ssyncset.done $0x0  }
0x11a: {  	[sflag:s22] =	ssyncadd.s32 $0xFFFFC000  }
0x11b: {  	_ =	swait.ge [sflag:s29], $0x4000  }
0x11c: {  	[sflag:s29] =	ssyncset.done $0x0  }
0x11d: {  	[sflag:s29] =	ssyncadd.s32 $0xFFFFC000  }
0x11e: {  	[spmem:s2] =	stream.indirect.scatter.add.f32 [tilespmem:s26], [sflag:$0x3], $0x80, s1, s24, $0xb8;
	[tilespmem:$0x1F500] =	vst v63  }
0x11f: {  	_ =	swait.ge [sflag:s22], $0x4000  }
0x120: {  	[sflag:s22] =	ssyncset.done $0x0  }
0x121: {  	[sflag:s22] =	ssyncadd.s32 $0xFFFFC000  }
0x122: {  	[bflag:$0x0] =	sbarrier.arrive $0xFFFF  }
0x123: {  	[hbm:s19], [sflag:s7] =	dma.local [spmem:s8], $0x2700  }
0x124: {  	_ =	swait.ge [sflag:s22], $0x2700  }
0x125: {  	s6 =	sadd.s32 $0x1, s6;
	[sflag:s22] =	ssyncset.done $0x0  }
0x126: {  	p1 =	sne.s32 s6, s21;
	s8 =	simm.s32 @!p0 $0x3;
	[sflag:s22] =	ssyncadd.s32 $0xFFFFD900  }
0x127: {  	[hbm:s20], [sflag:s7] =	dma.local @!p0 [spmem:s9], $0x100  }
.Ltmp4:
0x128: {  	_ =	swait.ge @!p0 [sflag:s8], $0x100;
	(pc) =	sbr.rel @p1 .LBB2_1-.Ltmp4, $3  }
0x129: {  	[sflag:s8] =	ssyncset.done @!p0 $0x0  }
0x12a: {  	[sflag:s8] =	ssyncadd.s32 @!p0 $0xFFFFFF00  }
0x12b: {  	[bflag:$0x0] =	sbarrier.arrive $0xFFFF;
	_ =	sdelay $0x1  }
0x12c: {  	_ =	sfence.sel $0x180000  }
0x12d: {  	[bflag:$0x0] =	sbarrier.arrive $0xFFFF  }
0x12e: {  	_ =	strace $0x90000047  }
0x12f: {  	s0 =	stileid.u32;
	[bflag:$0x2] =	sbarrier.arrive $0xFFFF  }
0x130: {  	p0 =	sne.s32 s0, $0x0;
	s0 =	rddreg [dreg:$0x2]  }
0x131: {  	s0 =	sadd.s32 @!p0 $0x100000, s0  }
0x132: {  	[sflag:s0] =	ssyncadd.tile.s32 @!p0 $0x1;
	_ =	shalt  }
.Lfunc_end2:
_tile_overlayer_lowered:
.L_overlay_start_2:
0x133: {  	(tag) =	ssettag $0x2  }
0x134: {  	s0 =	rddreg [dreg:$0x0];
	s2 =	stileid.u32  }
0x135: {  	s1 =	rddreg [dreg:$0x1];
	p0 =	sne.s32 s2, $0x0  }
0x136: {  	s3 =	rddreg [dreg:$0x2];
	[bflag:$0x3] =	sbarrier.arrive $0xFFFF;
	s2 =	simm.s32 @!p0 $0x1C03  }
0x137: {  	[timem:s3], [sflag:s2] =	dma.local @!p0 [hbm:s0], s1  }
0x138: {  	s0 =	simm.s32 @!p0 $0x3  }
0x139: {  	_ =	swait.ge @!p0 [sflag:s0], s1  }
0x13a: {  	s1 =	ssub.s32 @!p0 $0x0, s1;
	[sflag:s0] =	ssyncset.done @!p0 $0x0  }
0x13b: {  	[sflag:s0] =	ssyncadd.s32 @!p0 s1  }
0x13c: {  	[bflag:$0x3] =	sbarrier.arrive $0xFFFF  }
0x13d: {  	_ =	shalt  }

// kernel: kernel.13.cloned.1.call-start
scs
__scs_entry_jumppad:
0x0: {  	(pc) =	sbr.rel $0x88, $3  }
0x1: {  	(tag) =	ssettag $0x0;
	lr =	simm.s32 $0x1  }
0x2: {  	[smem:$0x3F8C] =	sst lr;
	_ =	strace $0xD0000000  }
0x3: {  	_ = 	snop  }
0x4: {  	_ = 	snop  }
0x5: {  	_ = 	snop  }
0x6: {  	_ = 	snop  }
0x7: {  	_ = 	snop  }
__scs_overlays_trampoline_lowered:
0x8: {  	[smem:$0x3F9B] =	sst s0  }
0x9: {  	[smem:$0x3F9C] =	sst s1  }
0xa: {  	[smem:$0x3F9D] =	sst s2  }
0xb: {  	[smem:$0x3F9E] =	sst s3  }
0xc: {  	[smem:$0x3F9F] =	sst s4  }
0xd: {  	[smem:$0x3FA0] =	sst s5  }
0xe: {  	[smem:$0x3FA1] =	sst s6  }
0xf: {  	[smem:$0x3FA2] =	sst s7  }
0x10: {  	[smem:$0x3FA3] =	sst s8  }
0x11: {  	[smem:$0x3FA4] =	sst s9;
	s0 =	simm.s32 @!p0 $0x0  }
0x12: {  	s1 =	sld [smem:$0x3F8A];
	s0 =	simm.s32 @p0 $0x1  }
0x13: {  	[smem:$0x3FA5] =	sst s0;
	s0 =	simm.s32 @!p1 $0x0  }
0x14: {  	s2 =	sld [smem:$0x3F89];
	s0 =	simm.s32 @p1 $0x1  }
0x15: {  	[smem:$0x3FA6] =	sst s0;
	s0 =	simm.s32 @!p2 $0x0  }
0x16: {  	s3 =	sld [smem:$0x3FDB];
	s0 =	simm.s32 @p2 $0x1  }
0x17: {  	s4 =	simm.s32 $0x1BF5;
	[smem:$0x3FA8] =	sst s0  }
0x18: {  	s0 =	sld [smem:$0x3F8B];
	_ =	swait.ge [sflag:s4], $0x0  }
0x19: {  	s7 =	sld [smem:$0x3F8C]  }
0x1a: {  	s8 =	sadd.s32 $0xFFFFE003, lr  }
0x1b: {  	s9 =	sadd.s32 $0xFFFFFEF7, lr;
	s5 =	simm.s32 $0xFFFFFFFF;
	p2 =	slt.u32 s8, $0xFFFFF086  }
0x1c: {  	p1 =	slt.u32 s9, $0xF7A;
	s5 =	simm.s32 @!p2 $0x0  }
0x1d: {  	s5 =	simm.s32 @p1 $0x1;
	p0 =	seq.s32 s7, s2  }
0x1e: {  	s7 =	smul.u32 @!p0 $0xF7A, s2;
	p2 =	seq.s32 @!p0 s5, $0x0  }
0x1f: {  	s9 =	smul.u32 $0xF7A, s1;
	s8 =	simm.s32 @!p0 $0x1BF5;
	p2 =	por !p2, p0  }
0x20: {  	[sflag:s8] =	ssyncset.s32 @!p0 $0xFFFFF086;
	s6 =	sadd.s32 @!p0 s3, s7;
	s7 =	simm.s32 @!p0 $0x108  }
0x21: {  	s3 =	sadd.s32 s3, s9;
	s6 =	sadd.s32 @!p0 $0x88, s6;
	s7 =	simm.s32 @p2 $0x1082  }
0x22: {  	[simem:s7], [sflag:s8] =	dma.local @!p0 [hbm:s6], $0xF7A  }
0x23: {  	s9 =	sor.u32 $0xD0000000, s2;
	s6 =	simm.s32 $0x108;
	_ =	swait.ge @!p0 [sflag:s8], $0x0  }
0x24: {  	s3 =	sadd.s32 $0x88, s3;
	s6 =	simm.s32 @!p1 $0x1082;
	[sflag:s4] =	ssyncset.s32 $0xFFFFF086  }
0x25: {  	[simem:s6], [sflag:s4] =	dma.local [hbm:s3], $0xF7A  }
0x26: {  	[smem:$0x3F8C] =	sst s1;
	(tag) =	ssettag s2;
	_ =	strace s9  }
0x27: {  	s1 =	sld [smem:$0x3F9C]  }
0x28: {  	s2 =	sld [smem:$0x3F9D]  }
0x29: {  	s4 =	sld [smem:$0x3F9F]  }
0x2a: {  	p0 =	seq.s32 s5, $0x0;
	s5 =	sld [smem:$0x3FA0]  }
0x2b: {  	s6 =	sld [smem:$0x3FA1]  }
0x2c: {  	s7 =	sld [smem:$0x3FA2]  }
0x2d: {  	s3 =	simm.s32 $0x108;
	s8 =	sld [smem:$0x3FA3]  }
0x2e: {  	s3 =	simm.s32 @!p0 $0x1082;
	s9 =	sld [smem:$0x3FA4]  }
0x2f: {  	lr =	sadd.s32 s0, s3;
	s0 =	sld [smem:$0x3F9B]  }
0x30: {  	s3 =	sld [smem:$0x3F9E]  }
0x31: {  	[smem:$0x3FA7] =	sst s10  }
0x32: {  	s10 =	sld [smem:$0x3FA5];
	_ =	sdelay $0x3  }
0x33: {  	p0 =	seq.s32 s10, $0x1;
	s10 =	sld [smem:$0x3FA7];
	_ =	sdelay $0x3  }
0x34: {  	[smem:$0x3FA7] =	sst s10  }
0x35: {  	s10 =	sld [smem:$0x3FA6];
	_ =	sdelay $0x3  }
0x36: {  	p1 =	seq.s32 s10, $0x1;
	s10 =	sld [smem:$0x3FA7];
	_ =	sdelay $0x3  }
0x37: {  	[smem:$0x3FA7] =	sst s10  }
0x38: {  	s10 =	sld [smem:$0x3FA8]  }
0x39: {  	_ = 	snop;
	(pc) =	sbr.ind lr, $3  }
0x3a: {  	_ = 	snop  }
0x3b: {  	_ = 	snop  }
0x3c: {  	p2 =	seq.s32 s10, $0x1;
	s10 =	sld [smem:$0x3FA7]  }
0x3d: {  	_ =	shalt  }
0x3e: {  	_ =	shalt  }
0x3f: {  	_ =	shalt  }
0x40: {  	_ =	shalt  }
0x41: {  	_ =	shalt  }
0x42: {  	_ =	shalt  }
0x43: {  	_ =	shalt  }
0x44: {  	_ =	shalt  }
0x45: {  	_ =	shalt  }
0x46: {  	_ =	shalt  }
0x47: {  	_ =	shalt  }
0x48: {  	_ =	shalt  }
0x49: {  	_ =	shalt  }
0x4a: {  	_ =	shalt  }
0x4b: {  	_ =	shalt  }
0x4c: {  	_ =	shalt  }
0x4d: {  	_ =	shalt  }
0x4e: {  	_ =	shalt  }
0x4f: {  	_ =	shalt  }
0x50: {  	_ =	shalt  }
0x51: {  	_ =	shalt  }
0x52: {  	_ =	shalt  }
0x53: {  	_ =	shalt  }
0x54: {  	_ =	shalt  }
0x55: {  	_ =	shalt  }
0x56: {  	_ =	shalt  }
0x57: {  	_ =	shalt  }
0x58: {  	_ =	shalt  }
0x59: {  	_ =	shalt  }
0x5a: {  	_ =	shalt  }
0x5b: {  	_ =	shalt  }
0x5c: {  	_ =	shalt  }
0x5d: {  	_ =	shalt  }
0x5e: {  	_ =	shalt  }
0x5f: {  	_ =	shalt  }
0x60: {  	_ =	shalt  }
0x61: {  	_ =	shalt  }
0x62: {  	_ =	shalt  }
0x63: {  	_ =	shalt  }
0x64: {  	_ =	shalt  }
0x65: {  	_ =	shalt  }
0x66: {  	_ =	shalt  }
0x67: {  	_ =	shalt  }
0x68: {  	_ =	shalt  }
0x69: {  	_ =	shalt  }
0x6a: {  	_ =	shalt  }
0x6b: {  	_ =	shalt  }
0x6c: {  	_ =	shalt  }
0x6d: {  	_ =	shalt  }
0x6e: {  	_ =	shalt  }
0x6f: {  	_ =	shalt  }
0x70: {  	_ =	shalt  }
0x71: {  	_ =	shalt  }
0x72: {  	_ =	shalt  }
0x73: {  	_ =	shalt  }
0x74: {  	_ =	shalt  }
0x75: {  	_ =	shalt  }
0x76: {  	_ =	shalt  }
0x77: {  	_ =	shalt  }
0x78: {  	_ =	shalt  }
0x79: {  	_ =	shalt  }
0x7a: {  	_ =	shalt  }
0x7b: {  	_ =	shalt  }
0x7c: {  	_ =	shalt  }
0x7d: {  	_ =	shalt  }
0x7e: {  	_ =	shalt  }
0x7f: {  	_ =	shalt  }
0x80: {  	_ =	shalt  }
0x81: {  	_ =	shalt  }
0x82: {  	_ =	shalt  }
0x83: {  	_ =	shalt  }
0x84: {  	_ =	shalt  }
0x85: {  	_ =	shalt  }
0x86: {  	_ =	shalt  }
0x87: {  	_ =	shalt  }
.Lfunc_end0:
.L_simem_size_0:
called_computation.1_lowered:
.L_overlay_start_0:
0x88: {  	s2 =	sld [smem:$0x3FD9]  }
0x89: {  	s3 =	sld [smem:$0x3FFE];
	_ =	sdelay $0x1  }
0x8a: {  	s1 =	srdreg.scid  }
0x8b: {  	s0 =	sand.u32 $0x1, s1  }
0x8c: {  	s16 =	sshll.u32 s0, $0xA;
	s2 =	sadd.s32 s3, s2  }
0x8d: {  	s2 =	sadd.s32 s2, s16  }
0x8e: {  	[smem:$0x3FB3] =	sst s2  }
0x8f: {  	_ = 	snop  }
0x90: {  	(tm) =	ssettm $0x1  }
0x91: {  	s17 =	sld [smem:$0x3FFB];
	_ =	sdelay $0x3  }
0x92: {  	_ =	strace s17  }
0x93: {  	s2 =	sld [smem:$0x3FFC];
	_ =	sdelay $0x3  }
0x94: {  	_ =	strace s2  }
0x95: {  	s2 =	sld [smem:$0x3FFD];
	_ =	sdelay $0x3  }
0x96: {  	_ =	strace s2  }
0x97: {  	_ =	strace $0x8FFFFFFF  }
0x98: {  	s18 =	sld [smem:$0x3FDB];
	_ =	sdelay $0x1  }
0x99: {  	s19 =	simm.s32 $_scs_section_size  }
0x9a: {  	s4 =	simm.s32 $_size__tile_overlayer_lowered;
	s5 =	simm.s32 $_tile_overlayer_lowered  }
0x9b: {  	s22 =	simm.s32 $0x1BFF;
	s21 =	sshll.u32 s5, $0x1;
	s2 =	sadd.s32 s19, s18  }
0x9c: {  	s6 =	simm.s32 $0x0;
	s20 =	sshll.u32 s4, $0x1;
	s4 =	sadd.s32 s21, s2  }
0x9d: {  	[timem:s6], [sflag:s22] =	dma.local [hbm:s4], s20  }
0x9e: {  	_ =	swait.ge [sflag:s22], s20  }
0x9f: {  	s3 =	ssub.s32 $0x0, s20;
	[sflag:s22] =	ssyncset.done $0x0  }
0xa0: {  	[sflag:s22] =	ssyncadd.s32 s3;
	_ =	sdelay $0x1  }
0xa1: {  	s23 =	simm.s32 $0x1B8B  }
0xa2: {  	_ =	swait.ge [sflag:s23], $0x1  }
0xa3: {  	[sflag:s23] =	ssyncset.done $0x0  }
0xa4: {  	s25 =	simm.s32 $0x1B8E;
	s24 =	sld [smem:$0x3FFE];
	[sflag:s23] =	ssyncadd.s32 $0xFFFFFFFF  }
0xa5: {  	s26 =	simm.s32 $execute0_lowered;
	[smem:$0x3FD2] =	sst s25  }
0xa6: {  	s4 =	sshll.u32 s26, $0x1;
	_ =	strace $0x80000049;
	[dreg:$0x1] =	wrdreg $0xFFFFFFFF  }
0xa7: {  	s28 =	simm.s32 $_size_execute0_lowered;
	s2 =	sadd.s32 s2, s4;
	[dreg:$0x0] =	wrdreg $0x0  }
0xa8: {  	s4 =	sshll.u32 s28, $0x1;
	[dreg:$0x2] =	wrdreg s2  }
0xa9: {  	[dreg:$0x3] =	wrdreg s4  }
0xaa: {  	[dreg:$0x4] =	wrdreg $0xC0  }
0xab: {  	_ =	task [dreg:s6], $0x5FFFF  }
0xac: {  	[dreg:$0x1] =	wrdreg $0xFFFFFFFF  }
0xad: {  	[dreg:$0x0] =	wrdreg $0x60  }
0xae: {  	[dreg:$0x2] =	wrdreg s24  }
0xaf: {  	[dreg:$0x3] =	wrdreg $0xBC000  }
0xb0: {  	[dreg:$0x4] =	wrdreg $0x9  }
0xb1: {  	_ =	task.clear_ibuf [dreg:s6], $0x5FFFF;
	_ =	strace $0x90000049  }
0xb2: {  	s29 =	simm.s32 $0x9;
	_ =	strace $0x8000004B  }
0xb3: {  	_ =	swait.ge [sflag:s29], $0x1  }
0xb4: {  	[sflag:s29] =	ssyncadd.s32 $0xFFFFFFFF  }
0xb5: {  	_ =	strace $0x9000004B  }
0xb6: {  	_ =	sfence  }
0xb7: {  	s30 =	sld [smem:$0x0];
	_ =	sdelay $0x2  }
0xb8: {  	s31 =	sshll.u32 s1, $0xD;
	s1 =	sshrl.u32 s1, $0x2  }
0xb9: {  	s3 =	sand.u32 $0x4000, s31;
	s1 =	sadd.s32 s1, s30  }
0xba: {  	s0 =	sor.u32 s3, s0;
	s1 =	sshll.u32 s1, $0x11  }
0xbb: {  	s0 =	sor.u32 s1, s0  }
0xbc: {  	s0 =	sadd.s32 $0x8F2B, s0  }
0xbd: {  	[sflag:s0] =	ssyncadd.remote.s32 $0x1  }
0xbe: {  	_ =	sfence.sel $0xFFFF  }
0xbf: {  	[dreg:$0x0] =	wrdreg $0xFFFFFFFF;
	(pc) =	sbr.abs _section_cstart, $3  }
0xc0: {  	[dreg:$0x1] =	wrdreg $0xFFFFFFFF  }
0xc1: {  	_ =	task.clear_ibuf [dreg:s6], $0x2FFFF;
	_ =	strace $0x9FFFFFFF  }
0xc2: {  	(tm) =	ssettm $0x7FFFFFFF  }
0xc3: {  	_ =	shalt  }
tec
execute0_lowered:
.L_overlay_start_1:
0x0: {  	(tag) =	ssettag $0x1  }
0x1: {  	s0 =	rddreg [dreg:$0x0]  }
0x2: {  	s2 =	rddreg [dreg:$0x1];
	s3 =	simm.s32 $0x0  }
0x3: {  	s22 =	stileid.u32;
	s5 =	srdreg.scid;
	s28 =	simm.s32 $0x1  }
0x4: {  	s29 =	simm.s32 $0x2;
	s30 =	simm.s32 $0x2700;
	s1 =	smul.u32 $0x500, s22  }
0x5: {  	s31 =	simm.s32 $0x2780;
	[smem:$0x7FF] =	sst s3;
	s6 =	smul.u32 $0x270, s22  }
0x6: {  	s4 =	sadd.s32 $0x1C400, s0;
	s8 =	sand.u32 $0x1, s5;
	s21 =	smul.u32 $0x4E000, s22  }
0x7: {  	s9 =	sadd.s32 $0x3400, s0;
	s26 =	sshll.u32 s22, $0x6;
	s17 =	sadd.s32 $0x138000, s2  }
0x8: {  	p0 =	sne.s32 s22, $0xF;
	_ =	strace $0x8000004A;
	s10 =	smul.u32 $0x2710, s8  }
0x9: {  	s7 =	ssub.s32 $0x2, s8;
	s24 =	smul.u32 $0x138800, s8;
	s25 =	sshll.u32 s8, $0x4  }
0xa: {  	[dreg:$0x4] =	wrdreg s17;
	s8 =	sor.u32 $0x2, s8;
	s1 =	sadd.s32 s1, s0  }
0xb: {  	s0 =	sadd.s32 $0xB8800, s0;
	s11 =	sshrl.u32 s7, $0x1;
	s5 =	sshrl.u32 s21, $0x2  }
0xc: {  	s21 =	smul.u32 $0x2710, s8;
	s11 =	ssub.s32 s7, s11;
	s23 =	sadd.s32 s6, s10  }
0xd: {  	s10 =	sor.u32 s22, s25;
	s14 =	sshrl.u32 s24, $0x3;
	s24 =	smul.u32 $0x138800, s8  }
0xe: {  	s5 =	sadd.s32 s5, s2;
	s7 =	sor.u32 $0x1C03, s26;
	s15 =	smul.u32 $0x500, s10  }
0xf: {  	s12 =	sshll.u32 s23, $0x4;
	s14 =	sadd.s32 $0x27000, s14;
	s16 =	smul.u32 $0x2800, s10  }
0x10: {  	s10 =	sadd.s32 $0x17400, s1;
	s23 =	sshll.u32 s8, $0x4;
	s6 =	sadd.s32 s6, s21  }
0x11: {  	s21 =	smax.u32 s11, $0x1;
	s13 =	sadd.s32 s4, s12;
	s18 =	sadd.s32 s4, s14  }
0x12: {  	s25 =	sor.u32 s22, s23;
	s12 =	sadd.s32 s0, s12;
	s14 =	sadd.s32 s0, s14  }
0x13: {  	s6 =	sshll.u32 s6, $0x4;
	s22 =	simm.s32 $0x3;
	[dreg:$0x3] =	wrdreg s13  }
0x14: {  	s23 =	simm.s32 $0x1400;
	[dreg:$0x5] =	wrdreg s18;
	s19 =	sadd.s32 s9, s15  }
0x15: {  	s20 =	sshrl.u32 s16, $0x3;
	[dreg:$0x8] =	wrdreg s12;
	s26 =	smul.u32 $0x2800, s25  }
0x16: {  	s8 =	smul.u32 $0x500, s25;
	s15 =	sadd.s32 s4, s6;
	s25 =	simm.s32 $0x3C00  }
0x17: {  	[dreg:$0x6] =	wrdreg s19;
	s1 =	sadd.s32 s9, s20;
	s19 =	sadd.s32 s0, s6  }
0x18: {  	s6 =	simm.s32 $0x0;
	s1 =	sadd.s32 $0x280, s1;
	s12 =	sshrl.u32 s26, $0x3  }
0x19: {  	s17 =	sadd.s32 s9, s8;
	[dreg:$0x7] =	wrdreg s1;
	s1 =	sshrl.u32 s24, $0x3  }
0x1a: {  	s26 =	simm.s32 $0x7C00;
	s12 =	sadd.s32 s9, s12;
	s1 =	sadd.s32 $0x27000, s1  }
0x1b: {  	s24 =	simm.s32 $0x80;
	s18 =	sadd.s32 $0x280, s12;
	s16 =	sadd.s32 s4, s1  }
0x1c: {  	s20 =	sadd.s32 s0, s1;
	s0 =	simm.s32 $0x3B00;
	s1 =	simm.s32 $0x3B80  }
.LBB2_1:
0x1d: {  	s8 =	sshrl.u32 s5, $0x3;
	s9 =	rddreg [dreg:$0x3]  }
0x1e: {  	[spmem:s8], [sflag:s7] =	dma.local [hbm:s9], $0x2700  }
0x1f: {  	_ =	swait.ge [sflag:s22], $0x2700  }
0x20: {  	[sflag:s22] =	ssyncset.done $0x0;
	s9 =	rddreg [dreg:$0x4]  }
0x21: {  	s11 =	rddreg [dreg:$0x5];
	[sflag:s22] =	ssyncadd.s32 $0xFFFFD900;
	s9 =	sshrl.u32 @!p0 s9, $0x3  }
0x22: {  	[spmem:s9], [sflag:s7] =	dma.local @!p0 [hbm:s11], $0x100  }
0x23: {  	s11 =	simm.s32 @!p0 $0x3  }
0x24: {  	_ =	swait.ge @!p0 [sflag:s11], $0x100  }
0x25: {  	[sflag:s11] =	ssyncset.done @!p0 $0x0  }
0x26: {  	[sflag:s11] =	ssyncadd.s32 @!p0 $0xFFFFFF00  }
0x27: {  	[bflag:$0x0] =	sbarrier.arrive $0xFFFF  }
0x28: {  	[tilespmem:s23], [sflag:$0x3] =	stream.linear.gather [hbm4b:s10+s3], $0x2800, $0x38;
	[tilespmem:$0x1F500] =	vst v63  }
0x29: {  	_ =	swait.ge [sflag:s22], $0x2800  }
0x2a: {  	[sflag:s22] =	ssyncset.done $0x0  }
0x2b: {  	s12 =	rddreg [dreg:$0x6];
	[sflag:s22] =	ssyncadd.s32 $0xFFFFD800  }
0x2c: {  	[tilespmem:s3], [sflag:$0x3] =	stream.linear.gather [hbm4b:s12+s3], $0x1400, $0x38;
	[tilespmem:$0x1F500] =	vst v63  }
0x2d: {  	_ =	swait.ge [sflag:s22], $0x1400  }
0x2e: {  	[sflag:s22] =	ssyncset.done $0x0  }
0x2f: {  	[sflag:s22] =	ssyncadd.s32 $0xFFFFEC00  }
0x30: {  	[tilespmem:s25], [sflag:$0x1] =	stream.indirect.gather [hbm4b:s4+s24], $0x80, s3, s24, $0xb8;
	[tilespmem:$0x1F500] =	vst v63  }
0x31: {  	_ = 	snop  }
0x32: {  	[tilespmem:s26], [sflag:$0x2] =	stream.indirect.gather [hbm4b:s4+s24], $0x80, s24, s24, $0xb8;
	[tilespmem:$0x1F500] =	vst v63  }
0x33: {  	_ =	swait.ge [sflag:s28], $0x4000  }
0x34: {  	[sflag:s28] =	ssyncset.done $0x0  }
0x35: {  	s13 =	simm.s32 $0x1400;
	[sflag:s28] =	ssyncadd.s32 $0xFFFFC000  }
0x36: {  	[spmem:s2] =	stream.indirect.scatter.add.f32 [tilespmem:s25], [sflag:$0x3], $0x80, s13, s24, $0xb8;
	[tilespmem:$0x1F500] =	vst v63  }
0x37: {  	_ =	swait.ge [sflag:s22], $0x4000  }
0x38: {  	[sflag:s22] =	ssyncset.done $0x0  }
0x39: {  	s12 =	simm.s32 $0x100;
	[sflag:s22] =	ssyncadd.s32 $0xFFFFC000  }
0x3a: {  	[tilespmem:s25], [sflag:$0x1] =	stream.indirect.gather [hbm4b:s4+s24], $0x80, s12, s24, $0xb8;
	[tilespmem:$0x1F500] =	vst v63  }
0x3b: {  	_ =	swait.ge [sflag:s29], $0x4000  }
0x3c: {  	[sflag:s29] =	ssyncset.done $0x0  }
0x3d: {  	s13 =	simm.s32 $0x1480;
	[sflag:s29] =	ssyncadd.s32 $0xFFFFC000  }
0x3e: {  	[spmem:s2] =	stream.indirect.scatter.add.f32 [tilespmem:s26], [sflag:$0x3], $0x80, s13, s24, $0xb8;
	[tilespmem:$0x1F500] =	vst v63  }
0x3f: {  	_ =	swait.ge [sflag:s22], $0x4000  }
0x40: {  	[sflag:s22] =	ssyncset.done $0x0  }
0x41: {  	s11 =	simm.s32 $0x400;
	s12 =	simm.s32 $0x180;
	[sflag:s22] =	ssyncadd.s32 $0xFFFFC000  }
.LBB2_2:
0x42: {  	[tilespmem:s26], [sflag:$0x2] =	stream.indirect.gather [hbm4b:s4+s24], $0x80, s12, s24, $0xb8;
	[tilespmem:$0x1F500] =	vst v63  }
0x43: {  	s12 =	smov.u32 s11  }
0x44: {  	p1 =	sne.s32 s11, $0x4800;
	s11 =	sadd.s32 $0x400, s11;
	_ =	swait.ge [sflag:s28], $0x4000  }
0x45: {  	s12 =	sshra.s32 s12, $0x2;
	[sflag:s28] =	ssyncset.done $0x0  }
0x46: {  	s13 =	sadd.s32 $0x1400, s12;
	[sflag:s28] =	ssyncadd.s32 $0xFFFFC000  }
0x47: {  	[spmem:s2] =	stream.indirect.scatter.add.f32 [tilespmem:s25], [sflag:$0x3], $0x80, s13, s24, $0xb8;
	[tilespmem:$0x1F500] =	vst v63  }
0x48: {  	_ =	swait.ge [sflag:s22], $0x4000  }
0x49: {  	[sflag:s22] =	ssyncset.done $0x0  }
0x4a: {  	s13 =	sadd.s32 $0x100, s12;
	[sflag:s22] =	ssyncadd.s32 $0xFFFFC000  }
0x4b: {  	[tilespmem:s25], [sflag:$0x1] =	stream.indirect.gather [hbm4b:s4+s24], $0x80, s13, s24, $0xb8;
	[tilespmem:$0x1F500] =	vst v63  }
0x4c: {  	_ =	swait.ge [sflag:s29], $0x4000  }
0x4d: {  	[sflag:s29] =	ssyncset.done $0x0  }
.Ltmp0:
0x4e: {  	s13 =	sadd.s32 $0x1480, s12;
	[sflag:s29] =	ssyncadd.s32 $0xFFFFC000;
	(pc) =	sbr.rel @p1 .LBB2_2-.Ltmp0, $4  }
0x4f: {  	[spmem:s2] =	stream.indirect.scatter.add.f32 [tilespmem:s26], [sflag:$0x3], $0x80, s13, s24, $0xb8;
	[tilespmem:$0x1F500] =	vst v63  }
0x50: {  	_ =	swait.ge [sflag:s22], $0x4000  }
0x51: {  	[sflag:s22] =	ssyncset.done $0x0  }
0x52: {  	s12 =	sadd.s32 $0x180, s12;
	[sflag:s22] =	ssyncadd.s32 $0xFFFFC000  }
0x53: {  	[tilespmem:s26], [sflag:$0x2] =	stream.indirect.gather [hbm4b:s4+s24], $0x80, s12, s24, $0xb8;
	[tilespmem:$0x1F500] =	vst v63  }
0x54: {  	_ =	swait.ge [sflag:s28], $0x4000  }
0x55: {  	[sflag:s28] =	ssyncset.done $0x0  }
0x56: {  	[sflag:s28] =	ssyncadd.s32 $0xFFFFC000  }
0x57: {  	[spmem:s2] =	stream.indirect.scatter.add.f32 [tilespmem:s25], [sflag:$0x3], $0x80, s30, s24, $0xb8;
	[tilespmem:$0x1F500] =	vst v63  }
0x58: {  	_ =	swait.ge [sflag:s22], $0x4000  }
0x59: {  	[sflag:s22] =	ssyncset.done $0x0  }
0x5a: {  	[sflag:s22] =	ssyncadd.s32 $0xFFFFC000  }
0x5b: {  	_ =	swait.ge [sflag:s29], $0x4000  }
0x5c: {  	[sflag:s29] =	ssyncset.done $0x0  }
0x5d: {  	[sflag:s29] =	ssyncadd.s32 $0xFFFFC000  }
0x5e: {  	[spmem:s2] =	stream.indirect.scatter.add.f32 [tilespmem:s26], [sflag:$0x3], $0x80, s31, s24, $0xb8;
	[tilespmem:$0x1F500] =	vst v63  }
0x5f: {  	_ =	swait.ge [sflag:s22], $0x4000  }
0x60: {  	[sflag:s22] =	ssyncset.done $0x0  }
0x61: {  	s11 =	rddreg [dreg:$0x7];
	[sflag:s22] =	ssyncadd.s32 $0xFFFFC000  }
0x62: {  	[tilespmem:s3], [sflag:$0x3] =	stream.linear.gather [hbm4b:s11+s3], $0x1400, $0x38;
	[tilespmem:$0x1F500] =	vst v63  }
0x63: {  	_ =	swait.ge [sflag:s22], $0x1400  }
0x64: {  	[sflag:s22] =	ssyncset.done $0x0  }
0x65: {  	[sflag:s22] =	ssyncadd.s32 $0xFFFFEC00  }
0x66: {  	[tilespmem:s25], [sflag:$0x1] =	stream.indirect.gather [hbm4b:s4+s24], $0x80, s3, s24, $0xb8;
	[tilespmem:$0x1F500] =	vst v63  }
0x67: {  	_ = 	snop  }
0x68: {  	[tilespmem:s26], [sflag:$0x2] =	stream.indirect.gather [hbm4b:s4+s24], $0x80, s24, s24, $0xb8;
	[tilespmem:$0x1F500] =	vst v63  }
0x69: {  	_ =	swait.ge [sflag:s28], $0x4000  }
0x6a: {  	[sflag:s28] =	ssyncset.done $0x0  }
0x6b: {  	s13 =	simm.s32 $0x2800;
	[sflag:s28] =	ssyncadd.s32 $0xFFFFC000  }
0x6c: {  	[spmem:s2] =	stream.indirect.scatter.add.f32 [tilespmem:s25], [sflag:$0x3], $0x80, s13, s24, $0xb8;
	[tilespmem:$0x1F500] =	vst v63  }
0x6d: {  	_ =	swait.ge [sflag:s22], $0x4000  }
0x6e: {  	[sflag:s22] =	ssyncset.done $0x0  }
0x6f: {  	s12 =	simm.s32 $0x100;
	[sflag:s22] =	ssyncadd.s32 $0xFFFFC000  }
0x70: {  	[tilespmem:s25], [sflag:$0x1] =	stream.indirect.gather [hbm4b:s4+s24], $0x80, s12, s24, $0xb8;
	[tilespmem:$0x1F500] =	vst v63  }
0x71: {  	_ =	swait.ge [sflag:s29], $0x4000  }
0x72: {  	[sflag:s29] =	ssyncset.done $0x0  }
0x73: {  	s13 =	simm.s32 $0x2880;
	[sflag:s29] =	ssyncadd.s32 $0xFFFFC000  }
0x74: {  	[spmem:s2] =	stream.indirect.scatter.add.f32 [tilespmem:s26], [sflag:$0x3], $0x80, s13, s24, $0xb8;
	[tilespmem:$0x1F500] =	vst v63  }
0x75: {  	_ =	swait.ge [sflag:s22], $0x4000  }
0x76: {  	[sflag:s22] =	ssyncset.done $0x0  }
0x77: {  	s11 =	simm.s32 $0xFFFFB800;
	s12 =	simm.s32 $0x180;
	[sflag:s22] =	ssyncadd.s32 $0xFFFFC000  }
.LBB2_4:
0x78: {  	[tilespmem:s26], [sflag:$0x2] =	stream.indirect.gather [hbm4b:s4+s24], $0x80, s12, s24, $0xb8;
	[tilespmem:$0x1F500] =	vst v63  }
0x79: {  	s12 =	smov.u32 s11  }
0x7a: {  	p1 =	sne.s32 s11, $0xFFFFFC00;
	s11 =	sadd.s32 $0x400, s11;
	_ =	swait.ge [sflag:s28], $0x4000  }
0x7b: {  	s12 =	sshra.s32 s12, $0x2;
	[sflag:s28] =	ssyncset.done $0x0  }
0x7c: {  	s13 =	sadd.s32 $0x3B00, s12;
	[sflag:s28] =	ssyncadd.s32 $0xFFFFC000  }
0x7d: {  	[spmem:s2] =	stream.indirect.scatter.add.f32 [tilespmem:s25], [sflag:$0x3], $0x80, s13, s24, $0xb8;
	[tilespmem:$0x1F500] =	vst v63  }
0x7e: {  	_ =	swait.ge [sflag:s22], $0x4000  }
0x7f: {  	[sflag:s22] =	ssyncset.done $0x0  }
0x80: {  	s13 =	sadd.s32 $0x1400, s12;
	[sflag:s22] =	ssyncadd.s32 $0xFFFFC000  }
0x81: {  	[tilespmem:s25], [sflag:$0x1] =	stream.indirect.gather [hbm4b:s4+s24], $0x80, s13, s24, $0xb8;
	[tilespmem:$0x1F500] =	vst v63  }
0x82: {  	_ =	swait.ge [sflag:s29], $0x4000  }
0x83: {  	[sflag:s29] =	ssyncset.done $0x0  }
.Ltmp1:
0x84: {  	s13 =	sadd.s32 $0x3B80, s12;
	[sflag:s29] =	ssyncadd.s32 $0xFFFFC000;
	(pc) =	sbr.rel @p1 .LBB2_4-.Ltmp1, $4  }
0x85: {  	[spmem:s2] =	stream.indirect.scatter.add.f32 [tilespmem:s26], [sflag:$0x3], $0x80, s13, s24, $0xb8;
	[tilespmem:$0x1F500] =	vst v63  }
0x86: {  	_ =	swait.ge [sflag:s22], $0x4000  }
0x87: {  	[sflag:s22] =	ssyncset.done $0x0  }
0x88: {  	s12 =	sadd.s32 $0x1480, s12;
	[sflag:s22] =	ssyncadd.s32 $0xFFFFC000  }
0x89: {  	[tilespmem:s26], [sflag:$0x2] =	stream.indirect.gather [hbm4b:s4+s24], $0x80, s12, s24, $0xb8;
	[tilespmem:$0x1F500] =	vst v63  }
0x8a: {  	_ =	swait.ge [sflag:s28], $0x4000  }
0x8b: {  	[sflag:s28] =	ssyncset.done $0x0  }
0x8c: {  	[sflag:s28] =	ssyncadd.s32 $0xFFFFC000  }
0x8d: {  	[spmem:s2] =	stream.indirect.scatter.add.f32 [tilespmem:s25], [sflag:$0x3], $0x80, s0, s24, $0xb8;
	[tilespmem:$0x1F500] =	vst v63  }
0x8e: {  	_ =	swait.ge [sflag:s22], $0x4000  }
0x8f: {  	[sflag:s22] =	ssyncset.done $0x0  }
0x90: {  	[sflag:s22] =	ssyncadd.s32 $0xFFFFC000  }
0x91: {  	_ =	swait.ge [sflag:s29], $0x4000  }
0x92: {  	[sflag:s29] =	ssyncset.done $0x0  }
0x93: {  	[sflag:s29] =	ssyncadd.s32 $0xFFFFC000  }
0x94: {  	[spmem:s2] =	stream.indirect.scatter.add.f32 [tilespmem:s26], [sflag:$0x3], $0x80, s1, s24, $0xb8;
	[tilespmem:$0x1F500] =	vst v63  }
0x95: {  	_ =	swait.ge [sflag:s22], $0x4000  }
0x96: {  	[sflag:s22] =	ssyncset.done $0x0  }
0x97: {  	[sflag:s22] =	ssyncadd.s32 $0xFFFFC000  }
0x98: {  	[bflag:$0x0] =	sbarrier.arrive $0xFFFF  }
0x99: {  	s11 =	rddreg [dreg:$0x8]  }
0x9a: {  	[hbm:s11], [sflag:s7] =	dma.local [spmem:s8], $0x2700  }
0x9b: {  	_ =	swait.ge [sflag:s22], $0x2700  }
0x9c: {  	[sflag:s22] =	ssyncset.done $0x0  }
0x9d: {  	[sflag:s22] =	ssyncadd.s32 $0xFFFFD900  }
0x9e: {  	s11 =	sshrl.u32 @p0 s5, $0x3;
	[bflag:$0x0] =	sbarrier.arrive @p0 $0xFFFF  }
0x9f: {  	[spmem:s11], [sflag:s7] =	dma.local @p0 [hbm:s15], $0x2700  }
0xa0: {  	s11 =	simm.s32 @p0 $0x3  }
0xa1: {  	_ =	swait.ge @p0 [sflag:s11], $0x2700  }
0xa2: {  	[sflag:s11] =	ssyncset.done @p0 $0x0  }
0xa3: {  	[sflag:s11] =	ssyncadd.s32 @p0 $0xFFFFD900;
	s11 =	simm.s32 @!p0 $0x3  }
0xa4: {  	[hbm:s14], [sflag:s7] =	dma.local @!p0 [spmem:s9], $0x100  }
0xa5: {  	_ =	swait.ge @!p0 [sflag:s11], $0x100  }
0xa6: {  	[sflag:s11] =	ssyncset.done @!p0 $0x0  }
0xa7: {  	[sflag:s11] =	ssyncadd.s32 @!p0 $0xFFFFFF00  }
0xa8: {  	s12 =	sshrl.u32 @!p0 s5, $0x3;
	[bflag:$0x0] =	sbarrier.arrive @!p0 $0xFFFF  }
0xa9: {  	[spmem:s12], [sflag:s7] =	dma.local @!p0 [hbm:s15], $0x2700  }
0xaa: {  	_ =	swait.ge @!p0 [sflag:s11], $0x2700  }
0xab: {  	[sflag:s11] =	ssyncset.done @!p0 $0x0  }
0xac: {  	[sflag:s11] =	ssyncadd.s32 @!p0 $0xFFFFD900  }
0xad: {  	[spmem:s9], [sflag:s7] =	dma.local @!p0 [hbm:s16], $0x100  }
0xae: {  	_ =	swait.ge @!p0 [sflag:s11], $0x100  }
0xaf: {  	[sflag:s11] =	ssyncset.done @!p0 $0x0  }
0xb0: {  	[sflag:s11] =	ssyncadd.s32 @!p0 $0xFFFFFF00  }
0xb1: {  	s12 =	simm.s32 $0x0;
	[bflag:$0x0] =	sbarrier.arrive $0xFFFF  }
0xb2: {  	[tilespmem:s23], [sflag:$0x3] =	stream.linear.gather [hbm4b:s10+s12], $0x2800, $0x38;
	[tilespmem:$0x1F500] =	vst v63  }
0xb3: {  	_ =	swait.ge [sflag:s22], $0x2800  }
0xb4: {  	[sflag:s22] =	ssyncset.done $0x0  }
0xb5: {  	[sflag:s22] =	ssyncadd.s32 $0xFFFFD800  }
0xb6: {  	[tilespmem:s12], [sflag:$0x3] =	stream.linear.gather [hbm4b:s17+s12], $0x1400, $0x38;
	[tilespmem:$0x1F500] =	vst v63  }
0xb7: {  	_ =	swait.ge [sflag:s22], $0x1400  }
0xb8: {  	[sflag:s22] =	ssyncset.done $0x0  }
0xb9: {  	[sflag:s22] =	ssyncadd.s32 $0xFFFFEC00  }
0xba: {  	[tilespmem:s25], [sflag:$0x1] =	stream.indirect.gather [hbm4b:s4+s24], $0x80, s12, s24, $0xb8;
	[tilespmem:$0x1F500] =	vst v63  }
0xbb: {  	_ = 	snop  }
0xbc: {  	[tilespmem:s26], [sflag:$0x2] =	stream.indirect.gather [hbm4b:s4+s24], $0x80, s24, s24, $0xb8;
	[tilespmem:$0x1F500] =	vst v63  }
0xbd: {  	_ =	swait.ge [sflag:s28], $0x4000  }
0xbe: {  	[sflag:s28] =	ssyncset.done $0x0  }
0xbf: {  	s13 =	simm.s32 $0x1400;
	[sflag:s28] =	ssyncadd.s32 $0xFFFFC000  }
0xc0: {  	[spmem:s2] =	stream.indirect.scatter.add.f32 [tilespmem:s25], [sflag:$0x3], $0x80, s13, s24, $0xb8;
	[tilespmem:$0x1F500] =	vst v63  }
0xc1: {  	_ =	swait.ge [sflag:s22], $0x4000  }
0xc2: {  	[sflag:s22] =	ssyncset.done $0x0  }
0xc3: {  	s12 =	simm.s32 $0x100;
	[sflag:s22] =	ssyncadd.s32 $0xFFFFC000  }
0xc4: {  	[tilespmem:s25], [sflag:$0x1] =	stream.indirect.gather [hbm4b:s4+s24], $0x80, s12, s24, $0xb8;
	[tilespmem:$0x1F500] =	vst v63  }
0xc5: {  	_ =	swait.ge [sflag:s29], $0x4000  }
0xc6: {  	[sflag:s29] =	ssyncset.done $0x0  }
0xc7: {  	s13 =	simm.s32 $0x1480;
	[sflag:s29] =	ssyncadd.s32 $0xFFFFC000  }
0xc8: {  	[spmem:s2] =	stream.indirect.scatter.add.f32 [tilespmem:s26], [sflag:$0x3], $0x80, s13, s24, $0xb8;
	[tilespmem:$0x1F500] =	vst v63  }
0xc9: {  	_ =	swait.ge [sflag:s22], $0x4000  }
0xca: {  	[sflag:s22] =	ssyncset.done $0x0  }
0xcb: {  	s11 =	simm.s32 $0x400;
	s12 =	simm.s32 $0x180;
	[sflag:s22] =	ssyncadd.s32 $0xFFFFC000  }
.LBB2_6:
0xcc: {  	[tilespmem:s26], [sflag:$0x2] =	stream.indirect.gather [hbm4b:s4+s24], $0x80, s12, s24, $0xb8;
	[tilespmem:$0x1F500] =	vst v63  }
0xcd: {  	s12 =	smov.u32 s11  }
0xce: {  	p1 =	sne.s32 s11, $0x4800;
	s11 =	sadd.s32 $0x400, s11;
	_ =	swait.ge [sflag:s28], $0x4000  }
0xcf: {  	s12 =	sshra.s32 s12, $0x2;
	[sflag:s28] =	ssyncset.done $0x0  }
0xd0: {  	s13 =	sadd.s32 $0x1400, s12;
	[sflag:s28] =	ssyncadd.s32 $0xFFFFC000  }
0xd1: {  	[spmem:s2] =	stream.indirect.scatter.add.f32 [tilespmem:s25], [sflag:$0x3], $0x80, s13, s24, $0xb8;
	[tilespmem:$0x1F500] =	vst v63  }
0xd2: {  	_ =	swait.ge [sflag:s22], $0x4000  }
0xd3: {  	[sflag:s22] =	ssyncset.done $0x0  }
0xd4: {  	s13 =	sadd.s32 $0x100, s12;
	[sflag:s22] =	ssyncadd.s32 $0xFFFFC000  }
0xd5: {  	[tilespmem:s25], [sflag:$0x1] =	stream.indirect.gather [hbm4b:s4+s24], $0x80, s13, s24, $0xb8;
	[tilespmem:$0x1F500] =	vst v63  }
0xd6: {  	_ =	swait.ge [sflag:s29], $0x4000  }
0xd7: {  	[sflag:s29] =	ssyncset.done $0x0  }
.Ltmp2:
0xd8: {  	s13 =	sadd.s32 $0x1480, s12;
	[sflag:s29] =	ssyncadd.s32 $0xFFFFC000;
	(pc) =	sbr.rel @p1 .LBB2_6-.Ltmp2, $4  }
0xd9: {  	[spmem:s2] =	stream.indirect.scatter.add.f32 [tilespmem:s26], [sflag:$0x3], $0x80, s13, s24, $0xb8;
	[tilespmem:$0x1F500] =	vst v63  }
0xda: {  	_ =	swait.ge [sflag:s22], $0x4000  }
0xdb: {  	[sflag:s22] =	ssyncset.done $0x0  }
0xdc: {  	s12 =	sadd.s32 $0x180, s12;
	[sflag:s22] =	ssyncadd.s32 $0xFFFFC000  }
0xdd: {  	[tilespmem:s26], [sflag:$0x2] =	stream.indirect.gather [hbm4b:s4+s24], $0x80, s12, s24, $0xb8;
	[tilespmem:$0x1F500] =	vst v63  }
0xde: {  	_ =	swait.ge [sflag:s28], $0x4000  }
0xdf: {  	[sflag:s28] =	ssyncset.done $0x0  }
0xe0: {  	[sflag:s28] =	ssyncadd.s32 $0xFFFFC000  }
0xe1: {  	[spmem:s2] =	stream.indirect.scatter.add.f32 [tilespmem:s25], [sflag:$0x3], $0x80, s30, s24, $0xb8;
	[tilespmem:$0x1F500] =	vst v63  }
0xe2: {  	_ =	swait.ge [sflag:s22], $0x4000  }
0xe3: {  	[sflag:s22] =	ssyncset.done $0x0  }
0xe4: {  	[sflag:s22] =	ssyncadd.s32 $0xFFFFC000  }
0xe5: {  	_ =	swait.ge [sflag:s29], $0x4000  }
0xe6: {  	[sflag:s29] =	ssyncset.done $0x0  }
0xe7: {  	[sflag:s29] =	ssyncadd.s32 $0xFFFFC000  }
0xe8: {  	[spmem:s2] =	stream.indirect.scatter.add.f32 [tilespmem:s26], [sflag:$0x3], $0x80, s31, s24, $0xb8;
	[tilespmem:$0x1F500] =	vst v63  }
0xe9: {  	_ =	swait.ge [sflag:s22], $0x4000  }
0xea: {  	[sflag:s22] =	ssyncset.done $0x0  }
0xeb: {  	[sflag:s22] =	ssyncadd.s32 $0xFFFFC000  }
0xec: {  	[tilespmem:s3], [sflag:$0x3] =	stream.linear.gather [hbm4b:s18+s3], $0x1400, $0x38;
	[tilespmem:$0x1F500] =	vst v63  }
0xed: {  	_ =	swait.ge [sflag:s22], $0x1400  }
0xee: {  	[sflag:s22] =	ssyncset.done $0x0  }
0xef: {  	[sflag:s22] =	ssyncadd.s32 $0xFFFFEC00  }
0xf0: {  	[tilespmem:s25], [sflag:$0x1] =	stream.indirect.gather [hbm4b:s4+s24], $0x80, s3, s24, $0xb8;
	[tilespmem:$0x1F500] =	vst v63  }
0xf1: {  	_ = 	snop  }
0xf2: {  	[tilespmem:s26], [sflag:$0x2] =	stream.indirect.gather [hbm4b:s4+s24], $0x80, s24, s24, $0xb8;
	[tilespmem:$0x1F500] =	vst v63  }
0xf3: {  	_ =	swait.ge [sflag:s28], $0x4000  }
0xf4: {  	[sflag:s28] =	ssyncset.done $0x0  }
0xf5: {  	s11 =	simm.s32 $0x2800;
	[sflag:s28] =	ssyncadd.s32 $0xFFFFC000  }
0xf6: {  	[spmem:s2] =	stream.indirect.scatter.add.f32 [tilespmem:s25], [sflag:$0x3], $0x80, s11, s24, $0xb8;
	[tilespmem:$0x1F500] =	vst v63  }
0xf7: {  	_ =	swait.ge [sflag:s22], $0x4000  }
0xf8: {  	[sflag:s22] =	ssyncset.done $0x0  }
0xf9: {  	s12 =	simm.s32 $0x100;
	[sflag:s22] =	ssyncadd.s32 $0xFFFFC000  }
0xfa: {  	[tilespmem:s25], [sflag:$0x1] =	stream.indirect.gather [hbm4b:s4+s24], $0x80, s12, s24, $0xb8;
	[tilespmem:$0x1F500] =	vst v63  }
0xfb: {  	_ =	swait.ge [sflag:s29], $0x4000  }
0xfc: {  	[sflag:s29] =	ssyncset.done $0x0  }
0xfd: {  	s13 =	simm.s32 $0x2880;
	[sflag:s29] =	ssyncadd.s32 $0xFFFFC000  }
0xfe: {  	[spmem:s2] =	stream.indirect.scatter.add.f32 [tilespmem:s26], [sflag:$0x3], $0x80, s13, s24, $0xb8;
	[tilespmem:$0x1F500] =	vst v63  }
0xff: {  	_ =	swait.ge [sflag:s22], $0x4000  }
0x100: {  	[sflag:s22] =	ssyncset.done $0x0  }
0x101: {  	s11 =	simm.s32 $0xFFFFB800;
	s12 =	simm.s32 $0x180;
	[sflag:s22] =	ssyncadd.s32 $0xFFFFC000  }
.LBB2_8:
0x102: {  	[tilespmem:s26], [sflag:$0x2] =	stream.indirect.gather [hbm4b:s4+s24], $0x80, s12, s24, $0xb8;
	[tilespmem:$0x1F500] =	vst v63  }
0x103: {  	s12 =	smov.u32 s11  }
0x104: {  	p1 =	sne.s32 s11, $0xFFFFFC00;
	s11 =	sadd.s32 $0x400, s11;
	_ =	swait.ge [sflag:s28], $0x4000  }
0x105: {  	s12 =	sshra.s32 s12, $0x2;
	[sflag:s28] =	ssyncset.done $0x0  }
0x106: {  	s13 =	sadd.s32 $0x3B00, s12;
	[sflag:s28] =	ssyncadd.s32 $0xFFFFC000  }
0x107: {  	[spmem:s2] =	stream.indirect.scatter.add.f32 [tilespmem:s25], [sflag:$0x3], $0x80, s13, s24, $0xb8;
	[tilespmem:$0x1F500] =	vst v63  }
0x108: {  	_ =	swait.ge [sflag:s22], $0x4000  }
0x109: {  	[sflag:s22] =	ssyncset.done $0x0  }
0x10a: {  	s13 =	sadd.s32 $0x1400, s12;
	[sflag:s22] =	ssyncadd.s32 $0xFFFFC000  }
0x10b: {  	[tilespmem:s25], [sflag:$0x1] =	stream.indirect.gather [hbm4b:s4+s24], $0x80, s13, s24, $0xb8;
	[tilespmem:$0x1F500] =	vst v63  }
0x10c: {  	_ =	swait.ge [sflag:s29], $0x4000  }
0x10d: {  	[sflag:s29] =	ssyncset.done $0x0  }
.Ltmp3:
0x10e: {  	s13 =	sadd.s32 $0x3B80, s12;
	[sflag:s29] =	ssyncadd.s32 $0xFFFFC000;
	(pc) =	sbr.rel @p1 .LBB2_8-.Ltmp3, $4  }
0x10f: {  	[spmem:s2] =	stream.indirect.scatter.add.f32 [tilespmem:s26], [sflag:$0x3], $0x80, s13, s24, $0xb8;
	[tilespmem:$0x1F500] =	vst v63  }
0x110: {  	_ =	swait.ge [sflag:s22], $0x4000  }
0x111: {  	[sflag:s22] =	ssyncset.done $0x0  }
0x112: {  	s12 =	sadd.s32 $0x1480, s12;
	[sflag:s22] =	ssyncadd.s32 $0xFFFFC000  }
0x113: {  	[tilespmem:s26], [sflag:$0x2] =	stream.indirect.gather [hbm4b:s4+s24], $0x80, s12, s24, $0xb8;
	[tilespmem:$0x1F500] =	vst v63  }
0x114: {  	_ =	swait.ge [sflag:s28], $0x4000  }
0x115: {  	[sflag:s28] =	ssyncset.done $0x0  }
0x116: {  	[sflag:s28] =	ssyncadd.s32 $0xFFFFC000  }
0x117: {  	[spmem:s2] =	stream.indirect.scatter.add.f32 [tilespmem:s25], [sflag:$0x3], $0x80, s0, s24, $0xb8;
	[tilespmem:$0x1F500] =	vst v63  }
0x118: {  	_ =	swait.ge [sflag:s22], $0x4000  }
0x119: {  	[sflag:s22] =	ssyncset.done $0x0  }
0x11a: {  	[sflag:s22] =	ssyncadd.s32 $0xFFFFC000  }
0x11b: {  	_ =	swait.ge [sflag:s29], $0x4000  }
0x11c: {  	[sflag:s29] =	ssyncset.done $0x0  }
0x11d: {  	[sflag:s29] =	ssyncadd.s32 $0xFFFFC000  }
0x11e: {  	[spmem:s2] =	stream.indirect.scatter.add.f32 [tilespmem:s26], [sflag:$0x3], $0x80, s1, s24, $0xb8;
	[tilespmem:$0x1F500] =	vst v63  }
0x11f: {  	_ =	swait.ge [sflag:s22], $0x4000  }
0x120: {  	[sflag:s22] =	ssyncset.done $0x0  }
0x121: {  	[sflag:s22] =	ssyncadd.s32 $0xFFFFC000  }
0x122: {  	[bflag:$0x0] =	sbarrier.arrive $0xFFFF  }
0x123: {  	[hbm:s19], [sflag:s7] =	dma.local [spmem:s8], $0x2700  }
0x124: {  	_ =	swait.ge [sflag:s22], $0x2700  }
0x125: {  	s6 =	sadd.s32 $0x1, s6;
	[sflag:s22] =	ssyncset.done $0x0  }
0x126: {  	p1 =	sne.s32 s6, s21;
	s8 =	simm.s32 @!p0 $0x3;
	[sflag:s22] =	ssyncadd.s32 $0xFFFFD900  }
0x127: {  	[hbm:s20], [sflag:s7] =	dma.local @!p0 [spmem:s9], $0x100  }
.Ltmp4:
0x128: {  	_ =	swait.ge @!p0 [sflag:s8], $0x100;
	(pc) =	sbr.rel @p1 .LBB2_1-.Ltmp4, $3  }
0x129: {  	[sflag:s8] =	ssyncset.done @!p0 $0x0  }
0x12a: {  	[sflag:s8] =	ssyncadd.s32 @!p0 $0xFFFFFF00  }
0x12b: {  	[bflag:$0x0] =	sbarrier.arrive $0xFFFF;
	_ =	sdelay $0x1  }
0x12c: {  	_ =	sfence.sel $0x180000  }
0x12d: {  	[bflag:$0x0] =	sbarrier.arrive $0xFFFF  }
0x12e: {  	_ =	strace $0x9000004A  }
0x12f: {  	s0 =	stileid.u32;
	[bflag:$0x2] =	sbarrier.arrive $0xFFFF  }
0x130: {  	p0 =	sne.s32 s0, $0x0;
	s0 =	rddreg [dreg:$0x2]  }
0x131: {  	s0 =	sadd.s32 @!p0 $0x100000, s0  }
0x132: {  	[sflag:s0] =	ssyncadd.tile.s32 @!p0 $0x1;
	_ =	shalt  }
.Lfunc_end2:
_tile_overlayer_lowered:
.L_overlay_start_2:
0x133: {  	(tag) =	ssettag $0x2  }
0x134: {  	s0 =	rddreg [dreg:$0x0];
	s2 =	stileid.u32  }
0x135: {  	s1 =	rddreg [dreg:$0x1];
	p0 =	sne.s32 s2, $0x0  }
0x136: {  	s3 =	rddreg [dreg:$0x2];
	[bflag:$0x3] =	sbarrier.arrive $0xFFFF;
	s2 =	simm.s32 @!p0 $0x1C03  }
0x137: {  	[timem:s3], [sflag:s2] =	dma.local @!p0 [hbm:s0], s1  }
0x138: {  	s0 =	simm.s32 @!p0 $0x3  }
0x139: {  	_ =	swait.ge @!p0 [sflag:s0], s1  }
0x13a: {  	s1 =	ssub.s32 @!p0 $0x0, s1;
	[sflag:s0] =	ssyncset.done @!p0 $0x0  }
0x13b: {  	[sflag:s0] =	ssyncadd.s32 @!p0 s1  }
0x13c: {  	[bflag:$0x3] =	sbarrier.arrive $0xFFFF  }
0x13d: {  	_ =	shalt  }

// kernel: kernel.16.cloned.1.call-start
scs
__scs_entry_jumppad:
0x0: {  	(pc) =	sbr.rel $0x88, $3  }
0x1: {  	(tag) =	ssettag $0x0;
	lr =	simm.s32 $0x1  }
0x2: {  	[smem:$0x3F8C] =	sst lr;
	_ =	strace $0xD0000000  }
0x3: {  	_ = 	snop  }
0x4: {  	_ = 	snop  }
0x5: {  	_ = 	snop  }
0x6: {  	_ = 	snop  }
0x7: {  	_ = 	snop  }
__scs_overlays_trampoline_lowered:
0x8: {  	[smem:$0x3F9B] =	sst s0  }
0x9: {  	[smem:$0x3F9C] =	sst s1  }
0xa: {  	[smem:$0x3F9D] =	sst s2  }
0xb: {  	[smem:$0x3F9E] =	sst s3  }
0xc: {  	[smem:$0x3F9F] =	sst s4  }
0xd: {  	[smem:$0x3FA0] =	sst s5  }
0xe: {  	[smem:$0x3FA1] =	sst s6  }
0xf: {  	[smem:$0x3FA2] =	sst s7  }
0x10: {  	[smem:$0x3FA3] =	sst s8  }
0x11: {  	[smem:$0x3FA4] =	sst s9;
	s0 =	simm.s32 @!p0 $0x0  }
0x12: {  	s1 =	sld [smem:$0x3F8A];
	s0 =	simm.s32 @p0 $0x1  }
0x13: {  	[smem:$0x3FA5] =	sst s0;
	s0 =	simm.s32 @!p1 $0x0  }
0x14: {  	s2 =	sld [smem:$0x3F89];
	s0 =	simm.s32 @p1 $0x1  }
0x15: {  	[smem:$0x3FA6] =	sst s0;
	s0 =	simm.s32 @!p2 $0x0  }
0x16: {  	s3 =	sld [smem:$0x3FDB];
	s0 =	simm.s32 @p2 $0x1  }
0x17: {  	s4 =	simm.s32 $0x1BF5;
	[smem:$0x3FA8] =	sst s0  }
0x18: {  	s0 =	sld [smem:$0x3F8B];
	_ =	swait.ge [sflag:s4], $0x0  }
0x19: {  	s7 =	sld [smem:$0x3F8C]  }
0x1a: {  	s8 =	sadd.s32 $0xFFFFE003, lr  }
0x1b: {  	s9 =	sadd.s32 $0xFFFFFEF7, lr;
	s5 =	simm.s32 $0xFFFFFFFF;
	p2 =	slt.u32 s8, $0xFFFFF086  }
0x1c: {  	p1 =	slt.u32 s9, $0xF7A;
	s5 =	simm.s32 @!p2 $0x0  }
0x1d: {  	s5 =	simm.s32 @p1 $0x1;
	p0 =	seq.s32 s7, s2  }
0x1e: {  	s7 =	smul.u32 @!p0 $0xF7A, s2;
	p2 =	seq.s32 @!p0 s5, $0x0  }
0x1f: {  	s9 =	smul.u32 $0xF7A, s1;
	s8 =	simm.s32 @!p0 $0x1BF5;
	p2 =	por !p2, p0  }
0x20: {  	[sflag:s8] =	ssyncset.s32 @!p0 $0xFFFFF086;
	s6 =	sadd.s32 @!p0 s3, s7;
	s7 =	simm.s32 @!p0 $0x108  }
0x21: {  	s3 =	sadd.s32 s3, s9;
	s6 =	sadd.s32 @!p0 $0x88, s6;
	s7 =	simm.s32 @p2 $0x1082  }
0x22: {  	[simem:s7], [sflag:s8] =	dma.local @!p0 [hbm:s6], $0xF7A  }
0x23: {  	s9 =	sor.u32 $0xD0000000, s2;
	s6 =	simm.s32 $0x108;
	_ =	swait.ge @!p0 [sflag:s8], $0x0  }
0x24: {  	s3 =	sadd.s32 $0x88, s3;
	s6 =	simm.s32 @!p1 $0x1082;
	[sflag:s4] =	ssyncset.s32 $0xFFFFF086  }
0x25: {  	[simem:s6], [sflag:s4] =	dma.local [hbm:s3], $0xF7A  }
0x26: {  	[smem:$0x3F8C] =	sst s1;
	(tag) =	ssettag s2;
	_ =	strace s9  }
0x27: {  	s1 =	sld [smem:$0x3F9C]  }
0x28: {  	s2 =	sld [smem:$0x3F9D]  }
0x29: {  	s4 =	sld [smem:$0x3F9F]  }
0x2a: {  	p0 =	seq.s32 s5, $0x0;
	s5 =	sld [smem:$0x3FA0]  }
0x2b: {  	s6 =	sld [smem:$0x3FA1]  }
0x2c: {  	s7 =	sld [smem:$0x3FA2]  }
0x2d: {  	s3 =	simm.s32 $0x108;
	s8 =	sld [smem:$0x3FA3]  }
0x2e: {  	s3 =	simm.s32 @!p0 $0x1082;
	s9 =	sld [smem:$0x3FA4]  }
0x2f: {  	lr =	sadd.s32 s0, s3;
	s0 =	sld [smem:$0x3F9B]  }
0x30: {  	s3 =	sld [smem:$0x3F9E]  }
0x31: {  	[smem:$0x3FA7] =	sst s10  }
0x32: {  	s10 =	sld [smem:$0x3FA5];
	_ =	sdelay $0x3  }
0x33: {  	p0 =	seq.s32 s10, $0x1;
	s10 =	sld [smem:$0x3FA7];
	_ =	sdelay $0x3  }
0x34: {  	[smem:$0x3FA7] =	sst s10  }
0x35: {  	s10 =	sld [smem:$0x3FA6];
	_ =	sdelay $0x3  }
0x36: {  	p1 =	seq.s32 s10, $0x1;
	s10 =	sld [smem:$0x3FA7];
	_ =	sdelay $0x3  }
0x37: {  	[smem:$0x3FA7] =	sst s10  }
0x38: {  	s10 =	sld [smem:$0x3FA8]  }
0x39: {  	_ = 	snop;
	(pc) =	sbr.ind lr, $3  }
0x3a: {  	_ = 	snop  }
0x3b: {  	_ = 	snop  }
0x3c: {  	p2 =	seq.s32 s10, $0x1;
	s10 =	sld [smem:$0x3FA7]  }
0x3d: {  	_ =	shalt  }
0x3e: {  	_ =	shalt  }
0x3f: {  	_ =	shalt  }
0x40: {  	_ =	shalt  }
0x41: {  	_ =	shalt  }
0x42: {  	_ =	shalt  }
0x43: {  	_ =	shalt  }
0x44: {  	_ =	shalt  }
0x45: {  	_ =	shalt  }
0x46: {  	_ =	shalt  }
0x47: {  	_ =	shalt  }
0x48: {  	_ =	shalt  }
0x49: {  	_ =	shalt  }
0x4a: {  	_ =	shalt  }
0x4b: {  	_ =	shalt  }
0x4c: {  	_ =	shalt  }
0x4d: {  	_ =	shalt  }
0x4e: {  	_ =	shalt  }
0x4f: {  	_ =	shalt  }
0x50: {  	_ =	shalt  }
0x51: {  	_ =	shalt  }
0x52: {  	_ =	shalt  }
0x53: {  	_ =	shalt  }
0x54: {  	_ =	shalt  }
0x55: {  	_ =	shalt  }
0x56: {  	_ =	shalt  }
0x57: {  	_ =	shalt  }
0x58: {  	_ =	shalt  }
0x59: {  	_ =	shalt  }
0x5a: {  	_ =	shalt  }
0x5b: {  	_ =	shalt  }
0x5c: {  	_ =	shalt  }
0x5d: {  	_ =	shalt  }
0x5e: {  	_ =	shalt  }
0x5f: {  	_ =	shalt  }
0x60: {  	_ =	shalt  }
0x61: {  	_ =	shalt  }
0x62: {  	_ =	shalt  }
0x63: {  	_ =	shalt  }
0x64: {  	_ =	shalt  }
0x65: {  	_ =	shalt  }
0x66: {  	_ =	shalt  }
0x67: {  	_ =	shalt  }
0x68: {  	_ =	shalt  }
0x69: {  	_ =	shalt  }
0x6a: {  	_ =	shalt  }
0x6b: {  	_ =	shalt  }
0x6c: {  	_ =	shalt  }
0x6d: {  	_ =	shalt  }
0x6e: {  	_ =	shalt  }
0x6f: {  	_ =	shalt  }
0x70: {  	_ =	shalt  }
0x71: {  	_ =	shalt  }
0x72: {  	_ =	shalt  }
0x73: {  	_ =	shalt  }
0x74: {  	_ =	shalt  }
0x75: {  	_ =	shalt  }
0x76: {  	_ =	shalt  }
0x77: {  	_ =	shalt  }
0x78: {  	_ =	shalt  }
0x79: {  	_ =	shalt  }
0x7a: {  	_ =	shalt  }
0x7b: {  	_ =	shalt  }
0x7c: {  	_ =	shalt  }
0x7d: {  	_ =	shalt  }
0x7e: {  	_ =	shalt  }
0x7f: {  	_ =	shalt  }
0x80: {  	_ =	shalt  }
0x81: {  	_ =	shalt  }
0x82: {  	_ =	shalt  }
0x83: {  	_ =	shalt  }
0x84: {  	_ =	shalt  }
0x85: {  	_ =	shalt  }
0x86: {  	_ =	shalt  }
0x87: {  	_ =	shalt  }
.Lfunc_end0:
.L_simem_size_0:
called_computation.2_lowered:
.L_overlay_start_0:
0x88: {  	s2 =	sld [smem:$0x3FD9]  }
0x89: {  	s3 =	sld [smem:$0x3FFE];
	_ =	sdelay $0x1  }
0x8a: {  	s1 =	srdreg.scid  }
0x8b: {  	s0 =	sand.u32 $0x1, s1  }
0x8c: {  	s16 =	sshll.u32 s0, $0xA;
	s2 =	sadd.s32 s3, s2  }
0x8d: {  	s2 =	sadd.s32 s2, s16  }
0x8e: {  	[smem:$0x3FB3] =	sst s2  }
0x8f: {  	_ = 	snop  }
0x90: {  	(tm) =	ssettm $0x1  }
0x91: {  	s17 =	sld [smem:$0x3FFB];
	_ =	sdelay $0x3  }
0x92: {  	_ =	strace s17  }
0x93: {  	s2 =	sld [smem:$0x3FFC];
	_ =	sdelay $0x3  }
0x94: {  	_ =	strace s2  }
0x95: {  	s2 =	sld [smem:$0x3FFD];
	_ =	sdelay $0x3  }
0x96: {  	_ =	strace s2  }
0x97: {  	_ =	strace $0x8FFFFFFF  }
0x98: {  	s18 =	sld [smem:$0x3FDB];
	_ =	sdelay $0x1  }
0x99: {  	s19 =	simm.s32 $_scs_section_size  }
0x9a: {  	s4 =	simm.s32 $_size__tile_overlayer_lowered;
	s5 =	simm.s32 $_tile_overlayer_lowered  }
0x9b: {  	s22 =	simm.s32 $0x1BFF;
	s21 =	sshll.u32 s5, $0x1;
	s2 =	sadd.s32 s19, s18  }
0x9c: {  	s6 =	simm.s32 $0x0;
	s20 =	sshll.u32 s4, $0x1;
	s4 =	sadd.s32 s21, s2  }
0x9d: {  	[timem:s6], [sflag:s22] =	dma.local [hbm:s4], s20  }
0x9e: {  	_ =	swait.ge [sflag:s22], s20  }
0x9f: {  	s3 =	ssub.s32 $0x0, s20;
	[sflag:s22] =	ssyncset.done $0x0  }
0xa0: {  	[sflag:s22] =	ssyncadd.s32 s3;
	_ =	sdelay $0x1  }
0xa1: {  	s23 =	simm.s32 $0x1B8B  }
0xa2: {  	_ =	swait.ge [sflag:s23], $0x1  }
0xa3: {  	[sflag:s23] =	ssyncset.done $0x0  }
0xa4: {  	s25 =	simm.s32 $0x1B8E;
	s24 =	sld [smem:$0x3FFE];
	[sflag:s23] =	ssyncadd.s32 $0xFFFFFFFF  }
0xa5: {  	s26 =	simm.s32 $execute0_lowered;
	[smem:$0x3FD2] =	sst s25  }
0xa6: {  	s4 =	sshll.u32 s26, $0x1;
	_ =	strace $0x8000004C;
	[dreg:$0x1] =	wrdreg $0xFFFFFFFF  }
0xa7: {  	s28 =	simm.s32 $_size_execute0_lowered;
	s2 =	sadd.s32 s2, s4;
	[dreg:$0x0] =	wrdreg $0x0  }
0xa8: {  	s4 =	sshll.u32 s28, $0x1;
	[dreg:$0x2] =	wrdreg s2  }
0xa9: {  	[dreg:$0x3] =	wrdreg s4  }
0xaa: {  	[dreg:$0x4] =	wrdreg $0xC0  }
0xab: {  	_ =	task [dreg:s6], $0x5FFFF  }
0xac: {  	[dreg:$0x1] =	wrdreg $0xFFFFFFFF  }
0xad: {  	[dreg:$0x0] =	wrdreg $0x60  }
0xae: {  	[dreg:$0x2] =	wrdreg s24  }
0xaf: {  	[dreg:$0x3] =	wrdreg $0xBC000  }
0xb0: {  	[dreg:$0x4] =	wrdreg $0x9  }
0xb1: {  	_ =	task.clear_ibuf [dreg:s6], $0x5FFFF;
	_ =	strace $0x9000004C  }
0xb2: {  	s29 =	simm.s32 $0x9;
	_ =	strace $0x8000004E  }
0xb3: {  	_ =	swait.ge [sflag:s29], $0x1  }
0xb4: {  	[sflag:s29] =	ssyncadd.s32 $0xFFFFFFFF  }
0xb5: {  	_ =	strace $0x9000004E  }
0xb6: {  	_ =	sfence  }
0xb7: {  	s30 =	sld [smem:$0x0];
	_ =	sdelay $0x2  }
0xb8: {  	s31 =	sshll.u32 s1, $0xD;
	s1 =	sshrl.u32 s1, $0x2  }
0xb9: {  	s3 =	sand.u32 $0x4000, s31;
	s1 =	sadd.s32 s1, s30  }
0xba: {  	s0 =	sor.u32 s3, s0;
	s1 =	sshll.u32 s1, $0x11  }
0xbb: {  	s0 =	sor.u32 s1, s0  }
0xbc: {  	s0 =	sadd.s32 $0x8F2B, s0  }
0xbd: {  	[sflag:s0] =	ssyncadd.remote.s32 $0x1  }
0xbe: {  	_ =	sfence.sel $0xFFFF  }
0xbf: {  	[dreg:$0x0] =	wrdreg $0xFFFFFFFF;
	(pc) =	sbr.abs _section_cstart, $3  }
0xc0: {  	[dreg:$0x1] =	wrdreg $0xFFFFFFFF  }
0xc1: {  	_ =	task.clear_ibuf [dreg:s6], $0x2FFFF;
	_ =	strace $0x9FFFFFFF  }
0xc2: {  	(tm) =	ssettm $0x7FFFFFFF  }
0xc3: {  	_ =	shalt  }
tec
execute0_lowered:
.L_overlay_start_1:
0x0: {  	(tag) =	ssettag $0x1  }
0x1: {  	s0 =	rddreg [dreg:$0x0]  }
0x2: {  	s2 =	rddreg [dreg:$0x1];
	s3 =	simm.s32 $0x0  }
0x3: {  	s22 =	stileid.u32;
	s5 =	srdreg.scid;
	s28 =	simm.s32 $0x1  }
0x4: {  	s29 =	simm.s32 $0x2;
	s30 =	simm.s32 $0x2700;
	s1 =	smul.u32 $0x500, s22  }
0x5: {  	s31 =	simm.s32 $0x2780;
	[smem:$0x7FF] =	sst s3;
	s6 =	smul.u32 $0x270, s22  }
0x6: {  	s4 =	sadd.s32 $0x1C400, s0;
	s8 =	sand.u32 $0x1, s5;
	s21 =	smul.u32 $0x4E000, s22  }
0x7: {  	s9 =	sadd.s32 $0x3400, s0;
	s26 =	sshll.u32 s22, $0x6;
	s17 =	sadd.s32 $0x138000, s2  }
0x8: {  	p0 =	sne.s32 s22, $0xF;
	_ =	strace $0x8000004D;
	s10 =	smul.u32 $0x2710, s8  }
0x9: {  	s7 =	ssub.s32 $0x2, s8;
	s24 =	smul.u32 $0x138800, s8;
	s25 =	sshll.u32 s8, $0x4  }
0xa: {  	[dreg:$0x4] =	wrdreg s17;
	s8 =	sor.u32 $0x2, s8;
	s1 =	sadd.s32 s1, s0  }
0xb: {  	s0 =	sadd.s32 $0xB8800, s0;
	s11 =	sshrl.u32 s7, $0x1;
	s5 =	sshrl.u32 s21, $0x2  }
0xc: {  	s21 =	smul.u32 $0x2710, s8;
	s11 =	ssub.s32 s7, s11;
	s23 =	sadd.s32 s6, s10  }
0xd: {  	s10 =	sor.u32 s22, s25;
	s14 =	sshrl.u32 s24, $0x3;
	s24 =	smul.u32 $0x138800, s8  }
0xe: {  	s5 =	sadd.s32 s5, s2;
	s7 =	sor.u32 $0x1C03, s26;
	s15 =	smul.u32 $0x500, s10  }
0xf: {  	s12 =	sshll.u32 s23, $0x4;
	s14 =	sadd.s32 $0x27000, s14;
	s16 =	smul.u32 $0x2800, s10  }
0x10: {  	s10 =	sadd.s32 $0x17400, s1;
	s23 =	sshll.u32 s8, $0x4;
	s6 =	sadd.s32 s6, s21  }
0x11: {  	s21 =	smax.u32 s11, $0x1;
	s13 =	sadd.s32 s4, s12;
	s18 =	sadd.s32 s4, s14  }
0x12: {  	s25 =	sor.u32 s22, s23;
	s12 =	sadd.s32 s0, s12;
	s14 =	sadd.s32 s0, s14  }
0x13: {  	s6 =	sshll.u32 s6, $0x4;
	s22 =	simm.s32 $0x3;
	[dreg:$0x3] =	wrdreg s13  }
0x14: {  	s23 =	simm.s32 $0x1400;
	[dreg:$0x5] =	wrdreg s18;
	s19 =	sadd.s32 s9, s15  }
0x15: {  	s20 =	sshrl.u32 s16, $0x3;
	[dreg:$0x8] =	wrdreg s12;
	s26 =	smul.u32 $0x2800, s25  }
0x16: {  	s8 =	smul.u32 $0x500, s25;
	s15 =	sadd.s32 s4, s6;
	s25 =	simm.s32 $0x3C00  }
0x17: {  	[dreg:$0x6] =	wrdreg s19;
	s1 =	sadd.s32 s9, s20;
	s19 =	sadd.s32 s0, s6  }
0x18: {  	s6 =	simm.s32 $0x0;
	s1 =	sadd.s32 $0x280, s1;
	s12 =	sshrl.u32 s26, $0x3  }
0x19: {  	s17 =	sadd.s32 s9, s8;
	[dreg:$0x7] =	wrdreg s1;
	s1 =	sshrl.u32 s24, $0x3  }
0x1a: {  	s26 =	simm.s32 $0x7C00;
	s12 =	sadd.s32 s9, s12;
	s1 =	sadd.s32 $0x27000, s1  }
0x1b: {  	s24 =	simm.s32 $0x80;
	s18 =	sadd.s32 $0x280, s12;
	s16 =	sadd.s32 s4, s1  }
0x1c: {  	s20 =	sadd.s32 s0, s1;
	s0 =	simm.s32 $0x3B00;
	s1 =	simm.s32 $0x3B80  }
.LBB2_1:
0x1d: {  	s8 =	sshrl.u32 s5, $0x3;
	s9 =	rddreg [dreg:$0x3]  }
0x1e: {  	[spmem:s8], [sflag:s7] =	dma.local [hbm:s9], $0x2700  }
0x1f: {  	_ =	swait.ge [sflag:s22], $0x2700  }
0x20: {  	[sflag:s22] =	ssyncset.done $0x0;
	s9 =	rddreg [dreg:$0x4]  }
0x21: {  	s11 =	rddreg [dreg:$0x5];
	[sflag:s22] =	ssyncadd.s32 $0xFFFFD900;
	s9 =	sshrl.u32 @!p0 s9, $0x3  }
0x22: {  	[spmem:s9], [sflag:s7] =	dma.local @!p0 [hbm:s11], $0x100  }
0x23: {  	s11 =	simm.s32 @!p0 $0x3  }
0x24: {  	_ =	swait.ge @!p0 [sflag:s11], $0x100  }
0x25: {  	[sflag:s11] =	ssyncset.done @!p0 $0x0  }
0x26: {  	[sflag:s11] =	ssyncadd.s32 @!p0 $0xFFFFFF00  }
0x27: {  	[bflag:$0x0] =	sbarrier.arrive $0xFFFF  }
0x28: {  	[tilespmem:s23], [sflag:$0x3] =	stream.linear.gather [hbm4b:s10+s3], $0x2800, $0x38;
	[tilespmem:$0x1F500] =	vst v63  }
0x29: {  	_ =	swait.ge [sflag:s22], $0x2800  }
0x2a: {  	[sflag:s22] =	ssyncset.done $0x0  }
0x2b: {  	s12 =	rddreg [dreg:$0x6];
	[sflag:s22] =	ssyncadd.s32 $0xFFFFD800  }
0x2c: {  	[tilespmem:s3], [sflag:$0x3] =	stream.linear.gather [hbm4b:s12+s3], $0x1400, $0x38;
	[tilespmem:$0x1F500] =	vst v63  }
0x2d: {  	_ =	swait.ge [sflag:s22], $0x1400  }
0x2e: {  	[sflag:s22] =	ssyncset.done $0x0  }
0x2f: {  	[sflag:s22] =	ssyncadd.s32 $0xFFFFEC00  }
0x30: {  	[tilespmem:s25], [sflag:$0x1] =	stream.indirect.gather [hbm4b:s4+s24], $0x80, s3, s24, $0xb8;
	[tilespmem:$0x1F500] =	vst v63  }
0x31: {  	_ = 	snop  }
0x32: {  	[tilespmem:s26], [sflag:$0x2] =	stream.indirect.gather [hbm4b:s4+s24], $0x80, s24, s24, $0xb8;
	[tilespmem:$0x1F500] =	vst v63  }
0x33: {  	_ =	swait.ge [sflag:s28], $0x4000  }
0x34: {  	[sflag:s28] =	ssyncset.done $0x0  }
0x35: {  	s13 =	simm.s32 $0x1400;
	[sflag:s28] =	ssyncadd.s32 $0xFFFFC000  }
0x36: {  	[spmem:s2] =	stream.indirect.scatter.add.f32 [tilespmem:s25], [sflag:$0x3], $0x80, s13, s24, $0xb8;
	[tilespmem:$0x1F500] =	vst v63  }
0x37: {  	_ =	swait.ge [sflag:s22], $0x4000  }
0x38: {  	[sflag:s22] =	ssyncset.done $0x0  }
0x39: {  	s12 =	simm.s32 $0x100;
	[sflag:s22] =	ssyncadd.s32 $0xFFFFC000  }
0x3a: {  	[tilespmem:s25], [sflag:$0x1] =	stream.indirect.gather [hbm4b:s4+s24], $0x80, s12, s24, $0xb8;
	[tilespmem:$0x1F500] =	vst v63  }
0x3b: {  	_ =	swait.ge [sflag:s29], $0x4000  }
0x3c: {  	[sflag:s29] =	ssyncset.done $0x0  }
0x3d: {  	s13 =	simm.s32 $0x1480;
	[sflag:s29] =	ssyncadd.s32 $0xFFFFC000  }
0x3e: {  	[spmem:s2] =	stream.indirect.scatter.add.f32 [tilespmem:s26], [sflag:$0x3], $0x80, s13, s24, $0xb8;
	[tilespmem:$0x1F500] =	vst v63  }
0x3f: {  	_ =	swait.ge [sflag:s22], $0x4000  }
0x40: {  	[sflag:s22] =	ssyncset.done $0x0  }
0x41: {  	s11 =	simm.s32 $0x400;
	s12 =	simm.s32 $0x180;
	[sflag:s22] =	ssyncadd.s32 $0xFFFFC000  }
.LBB2_2:
0x42: {  	[tilespmem:s26], [sflag:$0x2] =	stream.indirect.gather [hbm4b:s4+s24], $0x80, s12, s24, $0xb8;
	[tilespmem:$0x1F500] =	vst v63  }
0x43: {  	s12 =	smov.u32 s11  }
0x44: {  	p1 =	sne.s32 s11, $0x4800;
	s11 =	sadd.s32 $0x400, s11;
	_ =	swait.ge [sflag:s28], $0x4000  }
0x45: {  	s12 =	sshra.s32 s12, $0x2;
	[sflag:s28] =	ssyncset.done $0x0  }
0x46: {  	s13 =	sadd.s32 $0x1400, s12;
	[sflag:s28] =	ssyncadd.s32 $0xFFFFC000  }
0x47: {  	[spmem:s2] =	stream.indirect.scatter.add.f32 [tilespmem:s25], [sflag:$0x3], $0x80, s13, s24, $0xb8;
	[tilespmem:$0x1F500] =	vst v63  }
0x48: {  	_ =	swait.ge [sflag:s22], $0x4000  }
0x49: {  	[sflag:s22] =	ssyncset.done $0x0  }
0x4a: {  	s13 =	sadd.s32 $0x100, s12;
	[sflag:s22] =	ssyncadd.s32 $0xFFFFC000  }
0x4b: {  	[tilespmem:s25], [sflag:$0x1] =	stream.indirect.gather [hbm4b:s4+s24], $0x80, s13, s24, $0xb8;
	[tilespmem:$0x1F500] =	vst v63  }
0x4c: {  	_ =	swait.ge [sflag:s29], $0x4000  }
0x4d: {  	[sflag:s29] =	ssyncset.done $0x0  }
.Ltmp0:
0x4e: {  	s13 =	sadd.s32 $0x1480, s12;
	[sflag:s29] =	ssyncadd.s32 $0xFFFFC000;
	(pc) =	sbr.rel @p1 .LBB2_2-.Ltmp0, $4  }
0x4f: {  	[spmem:s2] =	stream.indirect.scatter.add.f32 [tilespmem:s26], [sflag:$0x3], $0x80, s13, s24, $0xb8;
	[tilespmem:$0x1F500] =	vst v63  }
0x50: {  	_ =	swait.ge [sflag:s22], $0x4000  }
0x51: {  	[sflag:s22] =	ssyncset.done $0x0  }
0x52: {  	s12 =	sadd.s32 $0x180, s12;
	[sflag:s22] =	ssyncadd.s32 $0xFFFFC000  }
0x53: {  	[tilespmem:s26], [sflag:$0x2] =	stream.indirect.gather [hbm4b:s4+s24], $0x80, s12, s24, $0xb8;
	[tilespmem:$0x1F500] =	vst v63  }
0x54: {  	_ =	swait.ge [sflag:s28], $0x4000  }
0x55: {  	[sflag:s28] =	ssyncset.done $0x0  }
0x56: {  	[sflag:s28] =	ssyncadd.s32 $0xFFFFC000  }
0x57: {  	[spmem:s2] =	stream.indirect.scatter.add.f32 [tilespmem:s25], [sflag:$0x3], $0x80, s30, s24, $0xb8;
	[tilespmem:$0x1F500] =	vst v63  }
0x58: {  	_ =	swait.ge [sflag:s22], $0x4000  }
0x59: {  	[sflag:s22] =	ssyncset.done $0x0  }
0x5a: {  	[sflag:s22] =	ssyncadd.s32 $0xFFFFC000  }
0x5b: {  	_ =	swait.ge [sflag:s29], $0x4000  }
0x5c: {  	[sflag:s29] =	ssyncset.done $0x0  }
0x5d: {  	[sflag:s29] =	ssyncadd.s32 $0xFFFFC000  }
0x5e: {  	[spmem:s2] =	stream.indirect.scatter.add.f32 [tilespmem:s26], [sflag:$0x3], $0x80, s31, s24, $0xb8;
	[tilespmem:$0x1F500] =	vst v63  }
0x5f: {  	_ =	swait.ge [sflag:s22], $0x4000  }
0x60: {  	[sflag:s22] =	ssyncset.done $0x0  }
0x61: {  	s11 =	rddreg [dreg:$0x7];
	[sflag:s22] =	ssyncadd.s32 $0xFFFFC000  }
0x62: {  	[tilespmem:s3], [sflag:$0x3] =	stream.linear.gather [hbm4b:s11+s3], $0x1400, $0x38;
	[tilespmem:$0x1F500] =	vst v63  }
0x63: {  	_ =	swait.ge [sflag:s22], $0x1400  }
0x64: {  	[sflag:s22] =	ssyncset.done $0x0  }
0x65: {  	[sflag:s22] =	ssyncadd.s32 $0xFFFFEC00  }
0x66: {  	[tilespmem:s25], [sflag:$0x1] =	stream.indirect.gather [hbm4b:s4+s24], $0x80, s3, s24, $0xb8;
	[tilespmem:$0x1F500] =	vst v63  }
0x67: {  	_ = 	snop  }
0x68: {  	[tilespmem:s26], [sflag:$0x2] =	stream.indirect.gather [hbm4b:s4+s24], $0x80, s24, s24, $0xb8;
	[tilespmem:$0x1F500] =	vst v63  }
0x69: {  	_ =	swait.ge [sflag:s28], $0x4000  }
0x6a: {  	[sflag:s28] =	ssyncset.done $0x0  }
0x6b: {  	s13 =	simm.s32 $0x2800;
	[sflag:s28] =	ssyncadd.s32 $0xFFFFC000  }
0x6c: {  	[spmem:s2] =	stream.indirect.scatter.add.f32 [tilespmem:s25], [sflag:$0x3], $0x80, s13, s24, $0xb8;
	[tilespmem:$0x1F500] =	vst v63  }
0x6d: {  	_ =	swait.ge [sflag:s22], $0x4000  }
0x6e: {  	[sflag:s22] =	ssyncset.done $0x0  }
0x6f: {  	s12 =	simm.s32 $0x100;
	[sflag:s22] =	ssyncadd.s32 $0xFFFFC000  }
0x70: {  	[tilespmem:s25], [sflag:$0x1] =	stream.indirect.gather [hbm4b:s4+s24], $0x80, s12, s24, $0xb8;
	[tilespmem:$0x1F500] =	vst v63  }
0x71: {  	_ =	swait.ge [sflag:s29], $0x4000  }
0x72: {  	[sflag:s29] =	ssyncset.done $0x0  }
0x73: {  	s13 =	simm.s32 $0x2880;
	[sflag:s29] =	ssyncadd.s32 $0xFFFFC000  }
0x74: {  	[spmem:s2] =	stream.indirect.scatter.add.f32 [tilespmem:s26], [sflag:$0x3], $0x80, s13, s24, $0xb8;
	[tilespmem:$0x1F500] =	vst v63  }
0x75: {  	_ =	swait.ge [sflag:s22], $0x4000  }
0x76: {  	[sflag:s22] =	ssyncset.done $0x0  }
0x77: {  	s11 =	simm.s32 $0xFFFFB800;
	s12 =	simm.s32 $0x180;
	[sflag:s22] =	ssyncadd.s32 $0xFFFFC000  }
.LBB2_4:
0x78: {  	[tilespmem:s26], [sflag:$0x2] =	stream.indirect.gather [hbm4b:s4+s24], $0x80, s12, s24, $0xb8;
	[tilespmem:$0x1F500] =	vst v63  }
0x79: {  	s12 =	smov.u32 s11  }
0x7a: {  	p1 =	sne.s32 s11, $0xFFFFFC00;
	s11 =	sadd.s32 $0x400, s11;
	_ =	swait.ge [sflag:s28], $0x4000  }
0x7b: {  	s12 =	sshra.s32 s12, $0x2;
	[sflag:s28] =	ssyncset.done $0x0  }
0x7c: {  	s13 =	sadd.s32 $0x3B00, s12;
	[sflag:s28] =	ssyncadd.s32 $0xFFFFC000  }
0x7d: {  	[spmem:s2] =	stream.indirect.scatter.add.f32 [tilespmem:s25], [sflag:$0x3], $0x80, s13, s24, $0xb8;
	[tilespmem:$0x1F500] =	vst v63  }
0x7e: {  	_ =	swait.ge [sflag:s22], $0x4000  }
0x7f: {  	[sflag:s22] =	ssyncset.done $0x0  }
0x80: {  	s13 =	sadd.s32 $0x1400, s12;
	[sflag:s22] =	ssyncadd.s32 $0xFFFFC000  }
0x81: {  	[tilespmem:s25], [sflag:$0x1] =	stream.indirect.gather [hbm4b:s4+s24], $0x80, s13, s24, $0xb8;
	[tilespmem:$0x1F500] =	vst v63  }
0x82: {  	_ =	swait.ge [sflag:s29], $0x4000  }
0x83: {  	[sflag:s29] =	ssyncset.done $0x0  }
.Ltmp1:
0x84: {  	s13 =	sadd.s32 $0x3B80, s12;
	[sflag:s29] =	ssyncadd.s32 $0xFFFFC000;
	(pc) =	sbr.rel @p1 .LBB2_4-.Ltmp1, $4  }
0x85: {  	[spmem:s2] =	stream.indirect.scatter.add.f32 [tilespmem:s26], [sflag:$0x3], $0x80, s13, s24, $0xb8;
	[tilespmem:$0x1F500] =	vst v63  }
0x86: {  	_ =	swait.ge [sflag:s22], $0x4000  }
0x87: {  	[sflag:s22] =	ssyncset.done $0x0  }
0x88: {  	s12 =	sadd.s32 $0x1480, s12;
	[sflag:s22] =	ssyncadd.s32 $0xFFFFC000  }
0x89: {  	[tilespmem:s26], [sflag:$0x2] =	stream.indirect.gather [hbm4b:s4+s24], $0x80, s12, s24, $0xb8;
	[tilespmem:$0x1F500] =	vst v63  }
0x8a: {  	_ =	swait.ge [sflag:s28], $0x4000  }
0x8b: {  	[sflag:s28] =	ssyncset.done $0x0  }
0x8c: {  	[sflag:s28] =	ssyncadd.s32 $0xFFFFC000  }
0x8d: {  	[spmem:s2] =	stream.indirect.scatter.add.f32 [tilespmem:s25], [sflag:$0x3], $0x80, s0, s24, $0xb8;
	[tilespmem:$0x1F500] =	vst v63  }
0x8e: {  	_ =	swait.ge [sflag:s22], $0x4000  }
0x8f: {  	[sflag:s22] =	ssyncset.done $0x0  }
0x90: {  	[sflag:s22] =	ssyncadd.s32 $0xFFFFC000  }
0x91: {  	_ =	swait.ge [sflag:s29], $0x4000  }
0x92: {  	[sflag:s29] =	ssyncset.done $0x0  }
0x93: {  	[sflag:s29] =	ssyncadd.s32 $0xFFFFC000  }
0x94: {  	[spmem:s2] =	stream.indirect.scatter.add.f32 [tilespmem:s26], [sflag:$0x3], $0x80, s1, s24, $0xb8;
	[tilespmem:$0x1F500] =	vst v63  }
0x95: {  	_ =	swait.ge [sflag:s22], $0x4000  }
0x96: {  	[sflag:s22] =	ssyncset.done $0x0  }
0x97: {  	[sflag:s22] =	ssyncadd.s32 $0xFFFFC000  }
0x98: {  	[bflag:$0x0] =	sbarrier.arrive $0xFFFF  }
0x99: {  	s11 =	rddreg [dreg:$0x8]  }
0x9a: {  	[hbm:s11], [sflag:s7] =	dma.local [spmem:s8], $0x2700  }
0x9b: {  	_ =	swait.ge [sflag:s22], $0x2700  }
0x9c: {  	[sflag:s22] =	ssyncset.done $0x0  }
0x9d: {  	[sflag:s22] =	ssyncadd.s32 $0xFFFFD900  }
0x9e: {  	s11 =	sshrl.u32 @p0 s5, $0x3;
	[bflag:$0x0] =	sbarrier.arrive @p0 $0xFFFF  }
0x9f: {  	[spmem:s11], [sflag:s7] =	dma.local @p0 [hbm:s15], $0x2700  }
0xa0: {  	s11 =	simm.s32 @p0 $0x3  }
0xa1: {  	_ =	swait.ge @p0 [sflag:s11], $0x2700  }
0xa2: {  	[sflag:s11] =	ssyncset.done @p0 $0x0  }
0xa3: {  	[sflag:s11] =	ssyncadd.s32 @p0 $0xFFFFD900;
	s11 =	simm.s32 @!p0 $0x3  }
0xa4: {  	[hbm:s14], [sflag:s7] =	dma.local @!p0 [spmem:s9], $0x100  }
0xa5: {  	_ =	swait.ge @!p0 [sflag:s11], $0x100  }
0xa6: {  	[sflag:s11] =	ssyncset.done @!p0 $0x0  }
0xa7: {  	[sflag:s11] =	ssyncadd.s32 @!p0 $0xFFFFFF00  }
0xa8: {  	s12 =	sshrl.u32 @!p0 s5, $0x3;
	[bflag:$0x0] =	sbarrier.arrive @!p0 $0xFFFF  }
0xa9: {  	[spmem:s12], [sflag:s7] =	dma.local @!p0 [hbm:s15], $0x2700  }
0xaa: {  	_ =	swait.ge @!p0 [sflag:s11], $0x2700  }
0xab: {  	[sflag:s11] =	ssyncset.done @!p0 $0x0  }
0xac: {  	[sflag:s11] =	ssyncadd.s32 @!p0 $0xFFFFD900  }
0xad: {  	[spmem:s9], [sflag:s7] =	dma.local @!p0 [hbm:s16], $0x100  }
0xae: {  	_ =	swait.ge @!p0 [sflag:s11], $0x100  }
0xaf: {  	[sflag:s11] =	ssyncset.done @!p0 $0x0  }
0xb0: {  	[sflag:s11] =	ssyncadd.s32 @!p0 $0xFFFFFF00  }
0xb1: {  	s12 =	simm.s32 $0x0;
	[bflag:$0x0] =	sbarrier.arrive $0xFFFF  }
0xb2: {  	[tilespmem:s23], [sflag:$0x3] =	stream.linear.gather [hbm4b:s10+s12], $0x2800, $0x38;
	[tilespmem:$0x1F500] =	vst v63  }
0xb3: {  	_ =	swait.ge [sflag:s22], $0x2800  }
0xb4: {  	[sflag:s22] =	ssyncset.done $0x0  }
0xb5: {  	[sflag:s22] =	ssyncadd.s32 $0xFFFFD800  }
0xb6: {  	[tilespmem:s12], [sflag:$0x3] =	stream.linear.gather [hbm4b:s17+s12], $0x1400, $0x38;
	[tilespmem:$0x1F500] =	vst v63  }
0xb7: {  	_ =	swait.ge [sflag:s22], $0x1400  }
0xb8: {  	[sflag:s22] =	ssyncset.done $0x0  }
0xb9: {  	[sflag:s22] =	ssyncadd.s32 $0xFFFFEC00  }
0xba: {  	[tilespmem:s25], [sflag:$0x1] =	stream.indirect.gather [hbm4b:s4+s24], $0x80, s12, s24, $0xb8;
	[tilespmem:$0x1F500] =	vst v63  }
0xbb: {  	_ = 	snop  }
0xbc: {  	[tilespmem:s26], [sflag:$0x2] =	stream.indirect.gather [hbm4b:s4+s24], $0x80, s24, s24, $0xb8;
	[tilespmem:$0x1F500] =	vst v63  }
0xbd: {  	_ =	swait.ge [sflag:s28], $0x4000  }
0xbe: {  	[sflag:s28] =	ssyncset.done $0x0  }
0xbf: {  	s13 =	simm.s32 $0x1400;
	[sflag:s28] =	ssyncadd.s32 $0xFFFFC000  }
0xc0: {  	[spmem:s2] =	stream.indirect.scatter.add.f32 [tilespmem:s25], [sflag:$0x3], $0x80, s13, s24, $0xb8;
	[tilespmem:$0x1F500] =	vst v63  }
0xc1: {  	_ =	swait.ge [sflag:s22], $0x4000  }
0xc2: {  	[sflag:s22] =	ssyncset.done $0x0  }
0xc3: {  	s12 =	simm.s32 $0x100;
	[sflag:s22] =	ssyncadd.s32 $0xFFFFC000  }
0xc4: {  	[tilespmem:s25], [sflag:$0x1] =	stream.indirect.gather [hbm4b:s4+s24], $0x80, s12, s24, $0xb8;
	[tilespmem:$0x1F500] =	vst v63  }
0xc5: {  	_ =	swait.ge [sflag:s29], $0x4000  }
0xc6: {  	[sflag:s29] =	ssyncset.done $0x0  }
0xc7: {  	s13 =	simm.s32 $0x1480;
	[sflag:s29] =	ssyncadd.s32 $0xFFFFC000  }
0xc8: {  	[spmem:s2] =	stream.indirect.scatter.add.f32 [tilespmem:s26], [sflag:$0x3], $0x80, s13, s24, $0xb8;
	[tilespmem:$0x1F500] =	vst v63  }
0xc9: {  	_ =	swait.ge [sflag:s22], $0x4000  }
0xca: {  	[sflag:s22] =	ssyncset.done $0x0  }
0xcb: {  	s11 =	simm.s32 $0x400;
	s12 =	simm.s32 $0x180;
	[sflag:s22] =	ssyncadd.s32 $0xFFFFC000  }
.LBB2_6:
0xcc: {  	[tilespmem:s26], [sflag:$0x2] =	stream.indirect.gather [hbm4b:s4+s24], $0x80, s12, s24, $0xb8;
	[tilespmem:$0x1F500] =	vst v63  }
0xcd: {  	s12 =	smov.u32 s11  }
0xce: {  	p1 =	sne.s32 s11, $0x4800;
	s11 =	sadd.s32 $0x400, s11;
	_ =	swait.ge [sflag:s28], $0x4000  }
0xcf: {  	s12 =	sshra.s32 s12, $0x2;
	[sflag:s28] =	ssyncset.done $0x0  }
0xd0: {  	s13 =	sadd.s32 $0x1400, s12;
	[sflag:s28] =	ssyncadd.s32 $0xFFFFC000  }
0xd1: {  	[spmem:s2] =	stream.indirect.scatter.add.f32 [tilespmem:s25], [sflag:$0x3], $0x80, s13, s24, $0xb8;
	[tilespmem:$0x1F500] =	vst v63  }
0xd2: {  	_ =	swait.ge [sflag:s22], $0x4000  }
0xd3: {  	[sflag:s22] =	ssyncset.done $0x0  }
0xd4: {  	s13 =	sadd.s32 $0x100, s12;
	[sflag:s22] =	ssyncadd.s32 $0xFFFFC000  }
0xd5: {  	[tilespmem:s25], [sflag:$0x1] =	stream.indirect.gather [hbm4b:s4+s24], $0x80, s13, s24, $0xb8;
	[tilespmem:$0x1F500] =	vst v63  }
0xd6: {  	_ =	swait.ge [sflag:s29], $0x4000  }
0xd7: {  	[sflag:s29] =	ssyncset.done $0x0  }
.Ltmp2:
0xd8: {  	s13 =	sadd.s32 $0x1480, s12;
	[sflag:s29] =	ssyncadd.s32 $0xFFFFC000;
	(pc) =	sbr.rel @p1 .LBB2_6-.Ltmp2, $4  }
0xd9: {  	[spmem:s2] =	stream.indirect.scatter.add.f32 [tilespmem:s26], [sflag:$0x3], $0x80, s13, s24, $0xb8;
	[tilespmem:$0x1F500] =	vst v63  }
0xda: {  	_ =	swait.ge [sflag:s22], $0x4000  }
0xdb: {  	[sflag:s22] =	ssyncset.done $0x0  }
0xdc: {  	s12 =	sadd.s32 $0x180, s12;
	[sflag:s22] =	ssyncadd.s32 $0xFFFFC000  }
0xdd: {  	[tilespmem:s26], [sflag:$0x2] =	stream.indirect.gather [hbm4b:s4+s24], $0x80, s12, s24, $0xb8;
	[tilespmem:$0x1F500] =	vst v63  }
0xde: {  	_ =	swait.ge [sflag:s28], $0x4000  }
0xdf: {  	[sflag:s28] =	ssyncset.done $0x0  }
0xe0: {  	[sflag:s28] =	ssyncadd.s32 $0xFFFFC000  }
0xe1: {  	[spmem:s2] =	stream.indirect.scatter.add.f32 [tilespmem:s25], [sflag:$0x3], $0x80, s30, s24, $0xb8;
	[tilespmem:$0x1F500] =	vst v63  }
0xe2: {  	_ =	swait.ge [sflag:s22], $0x4000  }
0xe3: {  	[sflag:s22] =	ssyncset.done $0x0  }
0xe4: {  	[sflag:s22] =	ssyncadd.s32 $0xFFFFC000  }
0xe5: {  	_ =	swait.ge [sflag:s29], $0x4000  }
0xe6: {  	[sflag:s29] =	ssyncset.done $0x0  }
0xe7: {  	[sflag:s29] =	ssyncadd.s32 $0xFFFFC000  }
0xe8: {  	[spmem:s2] =	stream.indirect.scatter.add.f32 [tilespmem:s26], [sflag:$0x3], $0x80, s31, s24, $0xb8;
	[tilespmem:$0x1F500] =	vst v63  }
0xe9: {  	_ =	swait.ge [sflag:s22], $0x4000  }
0xea: {  	[sflag:s22] =	ssyncset.done $0x0  }
0xeb: {  	[sflag:s22] =	ssyncadd.s32 $0xFFFFC000  }
0xec: {  	[tilespmem:s3], [sflag:$0x3] =	stream.linear.gather [hbm4b:s18+s3], $0x1400, $0x38;
	[tilespmem:$0x1F500] =	vst v63  }
0xed: {  	_ =	swait.ge [sflag:s22], $0x1400  }
0xee: {  	[sflag:s22] =	ssyncset.done $0x0  }
0xef: {  	[sflag:s22] =	ssyncadd.s32 $0xFFFFEC00  }
0xf0: {  	[tilespmem:s25], [sflag:$0x1] =	stream.indirect.gather [hbm4b:s4+s24], $0x80, s3, s24, $0xb8;
	[tilespmem:$0x1F500] =	vst v63  }
0xf1: {  	_ = 	snop  }
0xf2: {  	[tilespmem:s26], [sflag:$0x2] =	stream.indirect.gather [hbm4b:s4+s24], $0x80, s24, s24, $0xb8;
	[tilespmem:$0x1F500] =	vst v63  }
0xf3: {  	_ =	swait.ge [sflag:s28], $0x4000  }
0xf4: {  	[sflag:s28] =	ssyncset.done $0x0  }
0xf5: {  	s11 =	simm.s32 $0x2800;
	[sflag:s28] =	ssyncadd.s32 $0xFFFFC000  }
0xf6: {  	[spmem:s2] =	stream.indirect.scatter.add.f32 [tilespmem:s25], [sflag:$0x3], $0x80, s11, s24, $0xb8;
	[tilespmem:$0x1F500] =	vst v63  }
0xf7: {  	_ =	swait.ge [sflag:s22], $0x4000  }
0xf8: {  	[sflag:s22] =	ssyncset.done $0x0  }
0xf9: {  	s12 =	simm.s32 $0x100;
	[sflag:s22] =	ssyncadd.s32 $0xFFFFC000  }
0xfa: {  	[tilespmem:s25], [sflag:$0x1] =	stream.indirect.gather [hbm4b:s4+s24], $0x80, s12, s24, $0xb8;
	[tilespmem:$0x1F500] =	vst v63  }
0xfb: {  	_ =	swait.ge [sflag:s29], $0x4000  }
0xfc: {  	[sflag:s29] =	ssyncset.done $0x0  }
0xfd: {  	s13 =	simm.s32 $0x2880;
	[sflag:s29] =	ssyncadd.s32 $0xFFFFC000  }
0xfe: {  	[spmem:s2] =	stream.indirect.scatter.add.f32 [tilespmem:s26], [sflag:$0x3], $0x80, s13, s24, $0xb8;
	[tilespmem:$0x1F500] =	vst v63  }
0xff: {  	_ =	swait.ge [sflag:s22], $0x4000  }
0x100: {  	[sflag:s22] =	ssyncset.done $0x0  }
0x101: {  	s11 =	simm.s32 $0xFFFFB800;
	s12 =	simm.s32 $0x180;
	[sflag:s22] =	ssyncadd.s32 $0xFFFFC000  }
.LBB2_8:
0x102: {  	[tilespmem:s26], [sflag:$0x2] =	stream.indirect.gather [hbm4b:s4+s24], $0x80, s12, s24, $0xb8;
	[tilespmem:$0x1F500] =	vst v63  }
0x103: {  	s12 =	smov.u32 s11  }
0x104: {  	p1 =	sne.s32 s11, $0xFFFFFC00;
	s11 =	sadd.s32 $0x400, s11;
	_ =	swait.ge [sflag:s28], $0x4000  }
0x105: {  	s12 =	sshra.s32 s12, $0x2;
	[sflag:s28] =	ssyncset.done $0x0  }
0x106: {  	s13 =	sadd.s32 $0x3B00, s12;
	[sflag:s28] =	ssyncadd.s32 $0xFFFFC000  }
0x107: {  	[spmem:s2] =	stream.indirect.scatter.add.f32 [tilespmem:s25], [sflag:$0x3], $0x80, s13, s24, $0xb8;
	[tilespmem:$0x1F500] =	vst v63  }
0x108: {  	_ =	swait.ge [sflag:s22], $0x4000  }
0x109: {  	[sflag:s22] =	ssyncset.done $0x0  }
0x10a: {  	s13 =	sadd.s32 $0x1400, s12;
	[sflag:s22] =	ssyncadd.s32 $0xFFFFC000  }
0x10b: {  	[tilespmem:s25], [sflag:$0x1] =	stream.indirect.gather [hbm4b:s4+s24], $0x80, s13, s24, $0xb8;
	[tilespmem:$0x1F500] =	vst v63  }
0x10c: {  	_ =	swait.ge [sflag:s29], $0x4000  }
0x10d: {  	[sflag:s29] =	ssyncset.done $0x0  }
.Ltmp3:
0x10e: {  	s13 =	sadd.s32 $0x3B80, s12;
	[sflag:s29] =	ssyncadd.s32 $0xFFFFC000;
	(pc) =	sbr.rel @p1 .LBB2_8-.Ltmp3, $4  }
0x10f: {  	[spmem:s2] =	stream.indirect.scatter.add.f32 [tilespmem:s26], [sflag:$0x3], $0x80, s13, s24, $0xb8;
	[tilespmem:$0x1F500] =	vst v63  }
0x110: {  	_ =	swait.ge [sflag:s22], $0x4000  }
0x111: {  	[sflag:s22] =	ssyncset.done $0x0  }
0x112: {  	s12 =	sadd.s32 $0x1480, s12;
	[sflag:s22] =	ssyncadd.s32 $0xFFFFC000  }
0x113: {  	[tilespmem:s26], [sflag:$0x2] =	stream.indirect.gather [hbm4b:s4+s24], $0x80, s12, s24, $0xb8;
	[tilespmem:$0x1F500] =	vst v63  }
0x114: {  	_ =	swait.ge [sflag:s28], $0x4000  }
0x115: {  	[sflag:s28] =	ssyncset.done $0x0  }
0x116: {  	[sflag:s28] =	ssyncadd.s32 $0xFFFFC000  }
0x117: {  	[spmem:s2] =	stream.indirect.scatter.add.f32 [tilespmem:s25], [sflag:$0x3], $0x80, s0, s24, $0xb8;
	[tilespmem:$0x1F500] =	vst v63  }
0x118: {  	_ =	swait.ge [sflag:s22], $0x4000  }
0x119: {  	[sflag:s22] =	ssyncset.done $0x0  }
0x11a: {  	[sflag:s22] =	ssyncadd.s32 $0xFFFFC000  }
0x11b: {  	_ =	swait.ge [sflag:s29], $0x4000  }
0x11c: {  	[sflag:s29] =	ssyncset.done $0x0  }
0x11d: {  	[sflag:s29] =	ssyncadd.s32 $0xFFFFC000  }
0x11e: {  	[spmem:s2] =	stream.indirect.scatter.add.f32 [tilespmem:s26], [sflag:$0x3], $0x80, s1, s24, $0xb8;
	[tilespmem:$0x1F500] =	vst v63  }
0x11f: {  	_ =	swait.ge [sflag:s22], $0x4000  }
0x120: {  	[sflag:s22] =	ssyncset.done $0x0  }
0x121: {  	[sflag:s22] =	ssyncadd.s32 $0xFFFFC000  }
0x122: {  	[bflag:$0x0] =	sbarrier.arrive $0xFFFF  }
0x123: {  	[hbm:s19], [sflag:s7] =	dma.local [spmem:s8], $0x2700  }
0x124: {  	_ =	swait.ge [sflag:s22], $0x2700  }
0x125: {  	s6 =	sadd.s32 $0x1, s6;
	[sflag:s22] =	ssyncset.done $0x0  }
0x126: {  	p1 =	sne.s32 s6, s21;
	s8 =	simm.s32 @!p0 $0x3;
	[sflag:s22] =	ssyncadd.s32 $0xFFFFD900  }
0x127: {  	[hbm:s20], [sflag:s7] =	dma.local @!p0 [spmem:s9], $0x100  }
.Ltmp4:
0x128: {  	_ =	swait.ge @!p0 [sflag:s8], $0x100;
	(pc) =	sbr.rel @p1 .LBB2_1-.Ltmp4, $3  }
0x129: {  	[sflag:s8] =	ssyncset.done @!p0 $0x0  }
0x12a: {  	[sflag:s8] =	ssyncadd.s32 @!p0 $0xFFFFFF00  }
0x12b: {  	[bflag:$0x0] =	sbarrier.arrive $0xFFFF;
	_ =	sdelay $0x1  }
0x12c: {  	_ =	sfence.sel $0x180000  }
0x12d: {  	[bflag:$0x0] =	sbarrier.arrive $0xFFFF  }
0x12e: {  	_ =	strace $0x9000004D  }
0x12f: {  	s0 =	stileid.u32;
	[bflag:$0x2] =	sbarrier.arrive $0xFFFF  }
0x130: {  	p0 =	sne.s32 s0, $0x0;
	s0 =	rddreg [dreg:$0x2]  }
0x131: {  	s0 =	sadd.s32 @!p0 $0x100000, s0  }
0x132: {  	[sflag:s0] =	ssyncadd.tile.s32 @!p0 $0x1;
	_ =	shalt  }
.Lfunc_end2:
_tile_overlayer_lowered:
.L_overlay_start_2:
0x133: {  	(tag) =	ssettag $0x2  }
0x134: {  	s0 =	rddreg [dreg:$0x0];
	s2 =	stileid.u32  }
0x135: {  	s1 =	rddreg [dreg:$0x1];
	p0 =	sne.s32 s2, $0x0  }
0x136: {  	s3 =	rddreg [dreg:$0x2];
	[bflag:$0x3] =	sbarrier.arrive $0xFFFF;
	s2 =	simm.s32 @!p0 $0x1C03  }
0x137: {  	[timem:s3], [sflag:s2] =	dma.local @!p0 [hbm:s0], s1  }
0x138: {  	s0 =	simm.s32 @!p0 $0x3  }
0x139: {  	_ =	swait.ge @!p0 [sflag:s0], s1  }
0x13a: {  	s1 =	ssub.s32 @!p0 $0x0, s1;
	[sflag:s0] =	ssyncset.done @!p0 $0x0  }
0x13b: {  	[sflag:s0] =	ssyncadd.s32 @!p0 s1  }
0x13c: {  	[bflag:$0x3] =	sbarrier.arrive $0xFFFF  }
0x13d: {  	_ =	shalt  }

</sc_bundles>
